<compile_context>
chip_gen: v7x
topology: tpu7x:2x2x1
jax: 0.10.2.dev20260603
libtpu: 0.0.44.dev20260713+nightly
codegen_flags: <defaults>
</compile_context>

<pallas_src>
import functools

import jax
import jax.numpy as jnp
from jax import lax
from jax.experimental import pallas as pl
from jax.experimental.pallas import tpu as pltpu
from jax.experimental.pallas import tpu_sc as plsc

_D = 32
_K = 8192
_N = 32768
_MB = 1024
_EPS = 1e-5

_NC = 2
_NS = 16
_NW = _NC * _NS
_BPW = _N // _NW


def _argmin_body(x_ref, emb_ref, cs_ref, ind_ref, ppl_ref, ee_ref):
    i = pl.program_id(0)

    @pl.when(i == 0)
    def _init():
        e = emb_ref[...]
        ee_ref[...] = lax.dot_general(
            jnp.ones((1, _D), jnp.float32), e * e,
            (((1,), (1,)), ((), ())), preferred_element_type=jnp.float32,
            precision=lax.Precision.HIGHEST)
        p = cs_ref[...]
        ppl_ref[0, 0] = jnp.exp(-jnp.sum(p * jnp.log(p + _EPS)))

    xb = x_ref[...]
    xx = jnp.sum(xb * xb, axis=1, keepdims=True)
    lhs = jnp.concatenate([xb + xb, xx], axis=1).astype(jnp.bfloat16)
    rhs = jnp.concatenate([-emb_ref[...], jnp.ones((_K, 1), jnp.float32)],
                          axis=1).astype(jnp.bfloat16)
    s_halves = [
        lax.dot_general(lhs, rhs[hb:hb + _K // 2, :],
                        (((1,), (1,)), ((), ())),
                        preferred_element_type=jnp.float32)
        for hb in (0, _K // 2)
    ]
    dxx = (xx - xx.astype(jnp.bfloat16).astype(jnp.float32))[:, 0]
    ee = ee_ref[...]
    h = _K // 2
    nch = h // 128
    _RB = 128
    lane = lax.broadcasted_iota(jnp.int32, (_RB, 128), 1)

    def scan_half(rbase, hbase):
        sh = s_halves[hbase // (_K // 2)]

        def chunk_t(base):
            return (sh[rbase:rbase + _RB, base - hbase:base - hbase + 128]
                    + ee[:, base:base + 128])
        acc_v = chunk_t(hbase)
        acc_c = jnp.zeros_like(lane)
        for c in range(1, nch):
            v = chunk_t(hbase + c * 128)
            lt = v < acc_v
            acc_c = jnp.where(lt, c, acc_c)
            acc_v = jnp.where(lt, v, acc_v)
        m = jnp.min(acc_v, axis=1, keepdims=True)
        idx = acc_c * 128 + lane
        i = jnp.min(jnp.where(acc_v == m, idx, _K), axis=1)
        return m[:, 0], i

    for rb in range(0, _MB, _RB):
        tm0, i0 = scan_half(rb, 0)
        tm1, i1 = scan_half(rb, h)
        d = dxx[rb:rb + _RB]
        tm0b = (tm0 + d).astype(jnp.bfloat16).astype(jnp.float32)
        ind_ref[0, 0, rb:rb + _RB] = jnp.where(tm1 + d < tm0b, i1 + h, i0)


_argmin_call = pl.pallas_call(
    _argmin_body,
    grid=(_N // _MB,),
    in_specs=[
        pl.BlockSpec((_MB, _D), lambda i: (i, 0)),
        pl.BlockSpec((_K, _D), lambda i: (0, 0)),
        pl.BlockSpec((8, _K // 8), lambda i: (0, 0)),
    ],
    out_specs=[
        pl.BlockSpec((1, 1, _MB), lambda i: (i, 0, 0)),
        pl.BlockSpec(memory_space=pltpu.SMEM),
    ],
    out_shape=[
        jax.ShapeDtypeStruct((_N // _MB, 1, _MB), jnp.int32),
        jax.ShapeDtypeStruct((1, 1), jnp.float32),
    ],
    scratch_shapes=[pltpu.VMEM((1, _K), jnp.float32)],
    compiler_params=pltpu.CompilerParams(
        dimension_semantics=("arbitrary",)),
)


@functools.cache
def _gather_rows_call():
    mesh = plsc.VectorSubcoreMesh(
        core_axis_name="c", subcore_axis_name="s",
        num_cores=_NC, num_subcores=_NS)

    @functools.partial(
        pl.kernel,
        mesh=mesh,
        out_type=jax.ShapeDtypeStruct((_N, _D), jnp.float32),
        scratch_types=[
            pltpu.VMEM((_BPW,), jnp.int32),
            pltpu.VMEM((_BPW, _D), jnp.float32),
            pltpu.SemaphoreType.DMA,
        ],
        compiler_params=pltpu.CompilerParams(use_tc_tiling_on_sc=False),
    )
    def _gather_rows(idx_hbm, table_hbm, out_hbm, idx_v, rows_v, sem):
        wid = lax.axis_index("s") * _NC + lax.axis_index("c")
        base = wid * _BPW
        pltpu.sync_copy(idx_hbm.at[pl.ds(base, _BPW)], idx_v)
        pltpu.async_copy(table_hbm.at[idx_v], rows_v, sem).wait()
        pltpu.sync_copy(rows_v, out_hbm.at[pl.ds(base, _BPW)])

    return _gather_rows


def kernel(x, embed, cluster_size):
    shape = x.shape
    flat = x.astype(jnp.float32).reshape(-1, shape[-1])
    ind3, ppl = _argmin_call(flat, embed, cluster_size.reshape(8, _K // 8))
    ind_flat = ind3.reshape(-1)
    quantize = _gather_rows_call()(ind_flat, embed)
    return (quantize.reshape(shape), ind_flat.reshape(shape[:-1]), ppl[0, 0])

# --- scband reference (transcript-rebuilt; emitter-appended) ---
"""Pipeline reference for scband-euclidean-codebook-618475291340 (READ-ONLY COPY).

The authoritative reference and input builder live on the scoring server;
editing this copy changes nothing except your own understanding.
"""

import jax, jax.numpy as jnp
import numpy as np


def setup_inputs(seed: int = 0) -> dict:
    key = jax.random.key(seed)
    k1, k2, k3 = jax.random.split(key, 3)
    x = jax.random.normal(k1, (32, 1024, 32), dtype=jnp.float32)
    embed = jax.random.normal(k2, (8192, 32), dtype=jnp.float32)
    cluster_size = jax.random.uniform(k3, (8192,), dtype=jnp.float32)
    return {"x": x, "embed": embed, "cluster_size": cluster_size}


def reference(x, embed, cluster_size):
    # EuclideanCodebook.forward in eval mode (training=False), temperature=0 -> argmax
    eps = 1e-05
    x = x.astype(jnp.float32)
    shape = x.shape
    flatten = x.reshape(-1, shape[-1])  # (B*N, d)
    embed_t = embed.T  # (d, K)
    dist = -(jnp.sum(flatten ** 2, axis=1, keepdims=True)
             - 2.0 * (flatten @ embed_t)
             + jnp.sum(embed_t ** 2, axis=0, keepdims=True))  # (B*N, K)
    embed_ind = jnp.argmax(dist, axis=-1)  # gumbel_sample with temperature=0
    embed_ind = embed_ind.reshape(shape[:-1])
    quantize = jnp.take(embed, embed_ind, axis=0)  # F.embedding
    probs = cluster_size
    perplexity = jnp.exp(-jnp.sum(probs * jnp.log(probs + eps)))
    return (quantize, embed_ind, perplexity)

if __name__ == "__main__":
    import jax
    _d = setup_inputs()
    print(jax.jit(kernel)(*tuple(_d.values())))

</pallas_src>

<mosaic_0001>
#map = affine_map<(d0, d1) -> (0)>
#map1 = affine_map<(d0, d1) -> (0, 0)>
module attributes {stable_mosaic.version = 14 : i64} {
  func.func @_gather_rows(%arg0: i32, %arg1: i32, %arg2: memref<32768xi32, #tpu.memory_space<hbm>>, %arg3: memref<8192x32xf32, #tpu.memory_space<hbm>>, %arg4: memref<32768x32xf32, #tpu.memory_space<hbm>>, %arg5: memref<1024xi32, #tpu.memory_space<vmem>>, %arg6: memref<1024x32xf32, #tpu.memory_space<vmem>>, %arg7: memref<!tpu.dma_semaphore, #tpu.memory_space<semaphore_mem>>) attributes {dimension_semantics = [#tpu.dimension_semantics<core_parallel>, #tpu.dimension_semantics<subcore_parallel>], iteration_bounds = array<i64: 2, 16>, scalar_prefetch = 0 : i64, scratch_operands = 3 : i64, tpu.core_type = #tpu.core_type<sc_vector_subcore>, window_params = [{transform_indices = #map}, {transform_indices = #map1}, {transform_indices = #map1}]} {
    %mul3A = arith.constant 2 : i32
    %mul3A_0 = arith.muli %arg1, %mul3A : i32
    %add3A = arith.addi %mul3A_0, %arg0 : i32
    %mul3A_1 = arith.constant 1024 : i32
    %mul3A_2 = arith.muli %add3A, %mul3A_1 : i32
    "tpu.region"() ({
      %run_scoped3A = tpu.sem_alloc : memref<!tpu.dma_semaphore, #tpu.memory_space<semaphore_mem>>
      %dma_start3A_7 = tpu.memref_slice %arg2[%mul3A_2] : memref<32768xi32, #tpu.memory_space<hbm>> -> memref<1024xi32, #tpu.memory_space<hbm>>
      %dma_start3A_8 = tpu.memref_slice %arg2[%mul3A_2] : memref<32768xi32, #tpu.memory_space<hbm>> -> memref<1024xi32, #tpu.memory_space<hbm>>
      tpu.enqueue_dma source(%dma_start3A_8 : memref<1024xi32, #tpu.memory_space<hbm>>) target(%arg5 : memref<1024xi32, #tpu.memory_space<vmem>>) target_semaphore(%run_scoped3A : memref<!tpu.dma_semaphore, #tpu.memory_space<semaphore_mem>>)
      %dma_wait3A_9 = tpu.memref_slice %arg2[%mul3A_2] : memref<32768xi32, #tpu.memory_space<hbm>> -> memref<1024xi32, #tpu.memory_space<hbm>>
      %dma_wait3A_10 = tpu.memref_slice %arg2[%mul3A_2] : memref<32768xi32, #tpu.memory_space<hbm>> -> memref<1024xi32, #tpu.memory_space<hbm>>
      tpu.wait_dma2 semaphore(%run_scoped3A : memref<!tpu.dma_semaphore, #tpu.memory_space<semaphore_mem>>) src(%dma_wait3A_10 : memref<1024xi32, #tpu.memory_space<hbm>>) dst(%arg5 : memref<1024xi32, #tpu.memory_space<vmem>>)
      tpu.yield
    }) : () -> ()
    %dma_start3A = arith.constant 0 : i32
    %dma_start3A_3 = arith.constant 0 : i32
    %dma_start3A_4 = tpu.memref_slice %arg3[%dma_start3A, %dma_start3A_3] : memref<8192x32xf32, #tpu.memory_space<hbm>> -> memref<8192x32xf32, #tpu.memory_space<hbm>>
    tpu.enqueue_indirect_dma source(%dma_start3A_4 : memref<8192x32xf32, #tpu.memory_space<hbm>>) target(%arg6 : memref<1024x32xf32, #tpu.memory_space<vmem>>) offsets(%arg5 : memref<1024xi32, #tpu.memory_space<vmem>>) semaphore(%arg7 : memref<!tpu.dma_semaphore, #tpu.memory_space<semaphore_mem>>)
    %dma_wait3A = arith.constant 0 : i32
    %dma_wait3A_5 = arith.constant 0 : i32
    %dma_wait3A_6 = tpu.memref_slice %arg3[%dma_wait3A, %dma_wait3A_5] : memref<8192x32xf32, #tpu.memory_space<hbm>> -> memref<8192x32xf32, #tpu.memory_space<hbm>>
    tpu.wait_indirect_dma semaphore(%arg7 : memref<!tpu.dma_semaphore, #tpu.memory_space<semaphore_mem>>) src(%dma_wait3A_6 : memref<8192x32xf32, #tpu.memory_space<hbm>>) dst(%arg6 : memref<1024x32xf32, #tpu.memory_space<vmem>>)
    "tpu.region"() ({
      %run_scoped3A = tpu.sem_alloc : memref<!tpu.dma_semaphore, #tpu.memory_space<semaphore_mem>>
      %dma_start3A_7 = arith.constant 0 : i32
      %dma_start3A_8 = tpu.memref_slice %arg4[%mul3A_2, %dma_start3A_7] : memref<32768x32xf32, #tpu.memory_space<hbm>> -> memref<1024x32xf32, #tpu.memory_space<hbm>>
      %dma_start3A_9 = arith.constant 0 : i32
      %dma_start3A_10 = tpu.memref_slice %arg4[%mul3A_2, %dma_start3A_9] : memref<32768x32xf32, #tpu.memory_space<hbm>> -> memref<1024x32xf32, #tpu.memory_space<hbm>>
      tpu.enqueue_dma source(%arg6 : memref<1024x32xf32, #tpu.memory_space<vmem>>) target(%dma_start3A_10 : memref<1024x32xf32, #tpu.memory_space<hbm>>) target_semaphore(%run_scoped3A : memref<!tpu.dma_semaphore, #tpu.memory_space<semaphore_mem>>)
      %dma_wait3A_11 = arith.constant 0 : i32
      %dma_wait3A_12 = tpu.memref_slice %arg4[%mul3A_2, %dma_wait3A_11] : memref<32768x32xf32, #tpu.memory_space<hbm>> -> memref<1024x32xf32, #tpu.memory_space<hbm>>
      %dma_wait3A_13 = arith.constant 0 : i32
      %dma_wait3A_14 = tpu.memref_slice %arg4[%mul3A_2, %dma_wait3A_13] : memref<32768x32xf32, #tpu.memory_space<hbm>> -> memref<1024x32xf32, #tpu.memory_space<hbm>>
      tpu.wait_dma2 semaphore(%run_scoped3A : memref<!tpu.dma_semaphore, #tpu.memory_space<semaphore_mem>>) src(%arg6 : memref<1024x32xf32, #tpu.memory_space<vmem>>) dst(%dma_wait3A_14 : memref<1024x32xf32, #tpu.memory_space<hbm>>)
      tpu.yield
    }) : () -> ()
    return
  }
}

module attributes {stable_mosaic.version = 14 : i64} {
  func.func @_argmin_body(%arg0: i32, %arg1: memref<1024x32xf32, #tpu.memory_space<vmem>>, %arg2: memref<8192x32xf32, #tpu.memory_space<vmem>>, %arg3: memref<8x1024xf32, #tpu.memory_space<vmem>>, %arg4: memref<1x1x1024xi32, #tpu.memory_space<vmem>>, %arg5: memref<1x1xf32, #tpu.memory_space<smem>>, %arg6: memref<1x8192xf32, #tpu.memory_space<vmem>>) attributes {dimension_semantics = [#tpu.dimension_semantics<arbitrary>], iteration_bounds = array<i64: 32>, scalar_prefetch = 0 : i64, scratch_operands = 1 : i64, tpu.core_type = #tpu.core_type<tc>, window_params = [{transform_indices = @transform_0, window_bounds = array<i64: 1024, 32>}, {pipeline_mode = #tpu.pipeline_mode<synchronous>, transform_indices = @transform_1, window_bounds = array<i64: 8192, 32>}, {pipeline_mode = #tpu.pipeline_mode<synchronous>, transform_indices = @transform_2, window_bounds = array<i64: 8, 1024>}, {transform_indices = @transform_3, window_bounds = array<i64: 1, 1, 1024>}, {transform_indices = @transform_4, window_bounds = array<i64: 1, 1>}]} {
    %eq3A = arith.constant 0 : i32
    %eq3A_0 = arith.cmpi eq, %arg0, %eq3A : i32
    %convert_element_type3A = arith.extui %eq3A_0 : i1 to i32
    %cond3A = arith.constant 0 : i32
    %cond3A_1 = arith.cmpi ne, %convert_element_type3A, %cond3A : i32
    scf.if %cond3A_1 {
      %get3A_4947 = arith.constant 0 : index
      %get3A_4948 = arith.constant 0 : index
      %get3A_4949 = vector.load %arg2[%get3A_4947, %get3A_4948] : memref<8192x32xf32, #tpu.memory_space<vmem>>, vector<8192x32xf32>
      %broadcast_in_dim3A_4950 = arith.constant 1.000000e+00 : f32
      %broadcast_in_dim3A_4951 = vector.broadcast %broadcast_in_dim3A_4950 : f32 to vector<1x32xf32>
      %mul3A_4952 = arith.mulf %get3A_4949, %get3A_4949 : vector<8192x32xf32>
      %dot_general3A_4953 = arith.constant dense<0.000000e+00> : vector<1x8192xf32>
      %dot_general3A_4954 = tpu.matmul %broadcast_in_dim3A_4951, %mul3A_4952, %dot_general3A_4953 {dimension_numbers = #tpu.dot_dimension_numbers<[1], [1], [0], [0], [0, 0, 1, 0], [], []>, precision = #tpu.contract_precision<fp32>, transpose_lhs_hint = false} : vector<1x32xf32>, vector<8192x32xf32>, vector<1x8192xf32> -> vector<1x8192xf32>
      %swap3A_4955 = arith.constant 0 : index
      %swap3A_4956 = arith.constant 0 : index
      %swap3A_4957 = vector.load %arg6[%swap3A_4955, %swap3A_4956] : memref<1x8192xf32, #tpu.memory_space<vmem>>, vector<1x8192xf32>
      tpu.vector_store %arg6[%swap3A_4955, %swap3A_4956], %dot_general3A_4954 {strides = array<i32>} : memref<1x8192xf32, #tpu.memory_space<vmem>>, vector<1x8192xf32>,
      %get3A_4958 = arith.constant 0 : index
      %get3A_4959 = arith.constant 0 : index
      %get3A_4960 = vector.load %arg3[%get3A_4958, %get3A_4959] : memref<8x1024xf32, #tpu.memory_space<vmem>>, vector<8x1024xf32>
      %add3A_4961 = arith.constant 9.99999974E-6 : f32
      %add3A_4962 = vector.broadcast %add3A_4961 : f32 to vector<8x1024xf32>
      %add3A_4963 = arith.addf %get3A_4960, %add3A_4962 : vector<8x1024xf32>
      %log3A = math.log %add3A_4963 : vector<8x1024xf32>
      %mul3A_4964 = arith.mulf %get3A_4960, %log3A : vector<8x1024xf32>
      %reduce_sum3A_4965 = vector.shape_cast %mul3A_4964 : vector<8x1024xf32> to vector<1x8x1024xf32>
      %reduce_sum3A_4966 = arith.constant dense<0.000000e+00> : vector<1xf32>
      %reduce_sum3A_4967 = vector.multi_reduction <add>, %reduce_sum3A_4965, %reduce_sum3A_4966 [1, 2] : vector<1x8x1024xf32> to vector<1xf32>
      %reduce_sum3A_4968 = vector.shape_cast %reduce_sum3A_4967 : vector<1xf32> to vector<1x1x1xf32>
      %reduce_sum3A_4969 = vector.extract %reduce_sum3A_4968[0, 0, 0] : f32 from vector<1x1x1xf32>
      %neg3A_4970 = arith.constant 0.000000e+00 : f32
      %neg3A_4971 = arith.subf %neg3A_4970, %reduce_sum3A_4969 : f32
      %exp3A = math.exp %neg3A_4971 : f32
      %swap3A_4972 = arith.constant 0 : index
      %swap3A_4973 = arith.constant 0 : index
      %swap3A_4974 = memref.load %arg5[%swap3A_4972, %swap3A_4973] : memref<1x1xf32, #tpu.memory_space<smem>>
      memref.store %exp3A, %arg5[%swap3A_4972, %swap3A_4973] : memref<1x1xf32, #tpu.memory_space<smem>>
    } else {
    }
    %get3A = arith.constant 0 : index
    %get3A_2 = arith.constant 0 : index
    %get3A_3 = vector.load %arg1[%get3A, %get3A_2] : memref<1024x32xf32, #tpu.memory_space<vmem>>, vector<1024x32xf32>
    %mul3A = arith.mulf %get3A_3, %get3A_3 : vector<1024x32xf32>
    %reduce_sum3A = arith.constant dense<0.000000e+00> : vector<1024xf32>
    %reduce_sum3A_4 = vector.multi_reduction <add>, %mul3A, %reduce_sum3A [1] : vector<1024x32xf32> to vector<1024xf32>
    %broadcast_in_dim3A = vector.shape_cast %reduce_sum3A_4 : vector<1024xf32> to vector<1024x1xf32>
    %add3A = arith.addf %get3A_3, %get3A_3 : vector<1024x32xf32>
    %concatenate3A = tpu.concatenate %add3A, %broadcast_in_dim3A in 1 : vector<1024x32xf32>, vector<1024x1xf32> -> vector<1024x33xf32>
    %convert_element_type3A_5 = arith.truncf %concatenate3A : vector<1024x33xf32> to vector<1024x33xbf16>
    %get3A_6 = arith.constant 0 : index
    %get3A_7 = arith.constant 0 : index
    %get3A_8 = vector.load %arg2[%get3A_6, %get3A_7] : memref<8192x32xf32, #tpu.memory_space<vmem>>, vector<8192x32xf32>
    %neg3A = arith.constant 0.000000e+00 : f32
    %neg3A_9 = vector.broadcast %neg3A : f32 to vector<8192x32xf32>
    %neg3A_10 = arith.subf %neg3A_9, %get3A_8 : vector<8192x32xf32>
    %broadcast_in_dim3A_11 = arith.constant 1.000000e+00 : f32
    %broadcast_in_dim3A_12 = vector.broadcast %broadcast_in_dim3A_11 : f32 to vector<8192x1xf32>
    %concatenate3A_13 = tpu.concatenate %neg3A_10, %broadcast_in_dim3A_12 in 1 : vector<8192x32xf32>, vector<8192x1xf32> -> vector<8192x33xf32>
    %convert_element_type3A_14 = arith.truncf %concatenate3A_13 : vector<8192x33xf32> to vector<8192x33xbf16>
    %slice3A = vector.extract_strided_slice %convert_element_type3A_14 {offsets = [0, 0], sizes = [4096, 33], strides = [1, 1]} : vector<8192x33xbf16> to vector<4096x33xbf16>
    %dot_general3A = arith.constant dense<0.000000e+00> : vector<1024x4096xf32>
    %dot_general3A_15 = tpu.matmul %convert_element_type3A_5, %slice3A, %dot_general3A {dimension_numbers = #tpu.dot_dimension_numbers<[1], [1], [0], [0], [0, 0, 1, 0], [], []>, transpose_lhs_hint = false} : vector<1024x33xbf16>, vector<4096x33xbf16>, vector<1024x4096xf32> -> vector<1024x4096xf32>
    %slice3A_16 = vector.extract_strided_slice %convert_element_type3A_14 {offsets = [4096, 0], sizes = [4096, 33], strides = [1, 1]} : vector<8192x33xbf16> to vector<4096x33xbf16>
    %dot_general3A_17 = arith.constant dense<0.000000e+00> : vector<1024x4096xf32>
    %dot_general3A_18 = tpu.matmul %convert_element_type3A_5, %slice3A_16, %dot_general3A_17 {dimension_numbers = #tpu.dot_dimension_numbers<[1], [1], [0], [0], [0, 0, 1, 0], [], []>, transpose_lhs_hint = false} : vector<1024x33xbf16>, vector<4096x33xbf16>, vector<1024x4096xf32> -> vector<1024x4096xf32>
    %convert_element_type3A_19 = arith.truncf %broadcast_in_dim3A : vector<1024x1xf32> to vector<1024x1xbf16>
    %convert_element_type3A_20 = arith.extf %convert_element_type3A_19 : vector<1024x1xbf16> to vector<1024x1xf32>
    %sub3A = arith.subf %broadcast_in_dim3A, %convert_element_type3A_20 : vector<1024x1xf32>
    %squeeze3A = vector.shape_cast %sub3A : vector<1024x1xf32> to vector<1024xf32>
    %get3A_21 = arith.constant 0 : index
    %get3A_22 = arith.constant 0 : index
    %get3A_23 = vector.load %arg6[%get3A_21, %get3A_22] : memref<1x8192xf32, #tpu.memory_space<vmem>>, vector<1x8192xf32>
    %iota3A = tpu.iota {dimensions = array<i32: 1>} : vector<128x128xi32>
    %slice3A_24 = vector.extract_strided_slice %dot_general3A_15 {offsets = [0, 0], sizes = [128, 128], strides = [1, 1]} : vector<1024x4096xf32> to vector<128x128xf32>
    %slice3A_25 = vector.extract_strided_slice %get3A_23 {offsets = [0, 0], sizes = [1, 128], strides = [1, 1]} : vector<1x8192xf32> to vector<1x128xf32>
    %add3A_26 = vector.broadcast %slice3A_25 : vector<1x128xf32> to vector<128x128xf32>
    %add3A_27 = arith.addf %slice3A_24, %add3A_26 : vector<128x128xf32>
    %broadcast_in_dim3A_28 = arith.constant 0 : i32
    %broadcast_in_dim3A_29 = vector.broadcast %broadcast_in_dim3A_28 : i32 to vector<128x128xi32>
    %slice3A_30 = vector.extract_strided_slice %dot_general3A_15 {offsets = [0, 128], sizes = [128, 128], strides = [1, 1]} : vector<1024x4096xf32> to vector<128x128xf32>
    %slice3A_31 = vector.extract_strided_slice %get3A_23 {offsets = [0, 128], sizes = [1, 128], strides = [1, 1]} : vector<1x8192xf32> to vector<1x128xf32>
    %add3A_32 = vector.broadcast %slice3A_31 : vector<1x128xf32> to vector<128x128xf32>
    %add3A_33 = arith.addf %slice3A_30, %add3A_32 : vector<128x128xf32>
    %lt3A = arith.cmpf olt, %add3A_33, %add3A_27 : vector<128x128xf32>
    %jit3A = arith.constant 1 : i32
    %broadcast_in_dim3A_34 = vector.broadcast %jit3A : i32 to vector<128x128xi32>
    %select_n3A = arith.select %lt3A, %broadcast_in_dim3A_34, %broadcast_in_dim3A_29 : vector<128x128xi1>, vector<128x128xi32>
    %select_n3A_35 = arith.select %lt3A, %add3A_33, %add3A_27 : vector<128x128xi1>, vector<128x128xf32>
    %slice3A_36 = vector.extract_strided_slice %dot_general3A_15 {offsets = [0, 256], sizes = [128, 128], strides = [1, 1]} : vector<1024x4096xf32> to vector<128x128xf32>
    %slice3A_37 = vector.extract_strided_slice %get3A_23 {offsets = [0, 256], sizes = [1, 128], strides = [1, 1]} : vector<1x8192xf32> to vector<1x128xf32>
    %add3A_38 = vector.broadcast %slice3A_37 : vector<1x128xf32> to vector<128x128xf32>
    %add3A_39 = arith.addf %slice3A_36, %add3A_38 : vector<128x128xf32>
    %lt3A_40 = arith.cmpf olt, %add3A_39, %select_n3A_35 : vector<128x128xf32>
    %jit3A_41 = arith.constant 2 : i32
    %broadcast_in_dim3A_42 = vector.broadcast %jit3A_41 : i32 to vector<128x128xi32>
    %select_n3A_43 = arith.select %lt3A_40, %broadcast_in_dim3A_42, %select_n3A : vector<128x128xi1>, vector<128x128xi32>
    %select_n3A_44 = arith.select %lt3A_40, %add3A_39, %select_n3A_35 : vector<128x128xi1>, vector<128x128xf32>
    %slice3A_45 = vector.extract_strided_slice %dot_general3A_15 {offsets = [0, 384], sizes = [128, 128], strides = [1, 1]} : vector<1024x4096xf32> to vector<128x128xf32>
    %slice3A_46 = vector.extract_strided_slice %get3A_23 {offsets = [0, 384], sizes = [1, 128], strides = [1, 1]} : vector<1x8192xf32> to vector<1x128xf32>
    %add3A_47 = vector.broadcast %slice3A_46 : vector<1x128xf32> to vector<128x128xf32>
    %add3A_48 = arith.addf %slice3A_45, %add3A_47 : vector<128x128xf32>
    %lt3A_49 = arith.cmpf olt, %add3A_48, %select_n3A_44 : vector<128x128xf32>
    %jit3A_50 = arith.constant 3 : i32
    %broadcast_in_dim3A_51 = vector.broadcast %jit3A_50 : i32 to vector<128x128xi32>
    %select_n3A_52 = arith.select %lt3A_49, %broadcast_in_dim3A_51, %select_n3A_43 : vector<128x128xi1>, vector<128x128xi32>
    %select_n3A_53 = arith.select %lt3A_49, %add3A_48, %select_n3A_44 : vector<128x128xi1>, vector<128x128xf32>
    %slice3A_54 = vector.extract_strided_slice %dot_general3A_15 {offsets = [0, 512], sizes = [128, 128], strides = [1, 1]} : vector<1024x4096xf32> to vector<128x128xf32>
    %slice3A_55 = vector.extract_strided_slice %get3A_23 {offsets = [0, 512], sizes = [1, 128], strides = [1, 1]} : vector<1x8192xf32> to vector<1x128xf32>
    %add3A_56 = vector.broadcast %slice3A_55 : vector<1x128xf32> to vector<128x128xf32>
    %add3A_57 = arith.addf %slice3A_54, %add3A_56 : vector<128x128xf32>
    %lt3A_58 = arith.cmpf olt, %add3A_57, %select_n3A_53 : vector<128x128xf32>
    %jit3A_59 = arith.constant 4 : i32
    %broadcast_in_dim3A_60 = vector.broadcast %jit3A_59 : i32 to vector<128x128xi32>
    %select_n3A_61 = arith.select %lt3A_58, %broadcast_in_dim3A_60, %select_n3A_52 : vector<128x128xi1>, vector<128x128xi32>
    %select_n3A_62 = arith.select %lt3A_58, %add3A_57, %select_n3A_53 : vector<128x128xi1>, vector<128x128xf32>
    %slice3A_63 = vector.extract_strided_slice %dot_general3A_15 {offsets = [0, 640], sizes = [128, 128], strides = [1, 1]} : vector<1024x4096xf32> to vector<128x128xf32>
    %slice3A_64 = vector.extract_strided_slice %get3A_23 {offsets = [0, 640], sizes = [1, 128], strides = [1, 1]} : vector<1x8192xf32> to vector<1x128xf32>
    %add3A_65 = vector.broadcast %slice3A_64 : vector<1x128xf32> to vector<128x128xf32>
    %add3A_66 = arith.addf %slice3A_63, %add3A_65 : vector<128x128xf32>
    %lt3A_67 = arith.cmpf olt, %add3A_66, %select_n3A_62 : vector<128x128xf32>
    %jit3A_68 = arith.constant 5 : i32
    %broadcast_in_dim3A_69 = vector.broadcast %jit3A_68 : i32 to vector<128x128xi32>
    %select_n3A_70 = arith.select %lt3A_67, %broadcast_in_dim3A_69, %select_n3A_61 : vector<128x128xi1>, vector<128x128xi32>
    %select_n3A_71 = arith.select %lt3A_67, %add3A_66, %select_n3A_62 : vector<128x128xi1>, vector<128x128xf32>
    %slice3A_72 = vector.extract_strided_slice %dot_general3A_15 {offsets = [0, 768], sizes = [128, 128], strides = [1, 1]} : vector<1024x4096xf32> to vector<128x128xf32>
    %slice3A_73 = vector.extract_strided_slice %get3A_23 {offsets = [0, 768], sizes = [1, 128], strides = [1, 1]} : vector<1x8192xf32> to vector<1x128xf32>
    %add3A_74 = vector.broadcast %slice3A_73 : vector<1x128xf32> to vector<128x128xf32>
    %add3A_75 = arith.addf %slice3A_72, %add3A_74 : vector<128x128xf32>
    %lt3A_76 = arith.cmpf olt, %add3A_75, %select_n3A_71 : vector<128x128xf32>
    %jit3A_77 = arith.constant 6 : i32
    %broadcast_in_dim3A_78 = vector.broadcast %jit3A_77 : i32 to vector<128x128xi32>
    %select_n3A_79 = arith.select %lt3A_76, %broadcast_in_dim3A_78, %select_n3A_70 : vector<128x128xi1>, vector<128x128xi32>
    %select_n3A_80 = arith.select %lt3A_76, %add3A_75, %select_n3A_71 : vector<128x128xi1>, vector<128x128xf32>
    %slice3A_81 = vector.extract_strided_slice %dot_general3A_15 {offsets = [0, 896], sizes = [128, 128], strides = [1, 1]} : vector<1024x4096xf32> to vector<128x128xf32>
    %slice3A_82 = vector.extract_strided_slice %get3A_23 {offsets = [0, 896], sizes = [1, 128], strides = [1, 1]} : vector<1x8192xf32> to vector<1x128xf32>
    %add3A_83 = vector.broadcast %slice3A_82 : vector<1x128xf32> to vector<128x128xf32>
    %add3A_84 = arith.addf %slice3A_81, %add3A_83 : vector<128x128xf32>
    %lt3A_85 = arith.cmpf olt, %add3A_84, %select_n3A_80 : vector<128x128xf32>
    %jit3A_86 = arith.constant 7 : i32
    %broadcast_in_dim3A_87 = vector.broadcast %jit3A_86 : i32 to vector<128x128xi32>
    %select_n3A_88 = arith.select %lt3A_85, %broadcast_in_dim3A_87, %select_n3A_79 : vector<128x128xi1>, vector<128x128xi32>
    %select_n3A_89 = arith.select %lt3A_85, %add3A_84, %select_n3A_80 : vector<128x128xi1>, vector<128x128xf32>
    %slice3A_90 = vector.extract_strided_slice %dot_general3A_15 {offsets = [0, 1024], sizes = [128, 128], strides = [1, 1]} : vector<1024x4096xf32> to vector<128x128xf32>
    %slice3A_91 = vector.extract_strided_slice %get3A_23 {offsets = [0, 1024], sizes = [1, 128], strides = [1, 1]} : vector<1x8192xf32> to vector<1x128xf32>
    %add3A_92 = vector.broadcast %slice3A_91 : vector<1x128xf32> to vector<128x128xf32>
    %add3A_93 = arith.addf %slice3A_90, %add3A_92 : vector<128x128xf32>
    %lt3A_94 = arith.cmpf olt, %add3A_93, %select_n3A_89 : vector<128x128xf32>
    %jit3A_95 = arith.constant 8 : i32
    %broadcast_in_dim3A_96 = vector.broadcast %jit3A_95 : i32 to vector<128x128xi32>
    %select_n3A_97 = arith.select %lt3A_94, %broadcast_in_dim3A_96, %select_n3A_88 : vector<128x128xi1>, vector<128x128xi32>
    %select_n3A_98 = arith.select %lt3A_94, %add3A_93, %select_n3A_89 : vector<128x128xi1>, vector<128x128xf32>
    %slice3A_99 = vector.extract_strided_slice %dot_general3A_15 {offsets = [0, 1152], sizes = [128, 128], strides = [1, 1]} : vector<1024x4096xf32> to vector<128x128xf32>
    %slice3A_100 = vector.extract_strided_slice %get3A_23 {offsets = [0, 1152], sizes = [1, 128], strides = [1, 1]} : vector<1x8192xf32> to vector<1x128xf32>
    %add3A_101 = vector.broadcast %slice3A_100 : vector<1x128xf32> to vector<128x128xf32>
    %add3A_102 = arith.addf %slice3A_99, %add3A_101 : vector<128x128xf32>
    %lt3A_103 = arith.cmpf olt, %add3A_102, %select_n3A_98 : vector<128x128xf32>
    %jit3A_104 = arith.constant 9 : i32
    %broadcast_in_dim3A_105 = vector.broadcast %jit3A_104 : i32 to vector<128x128xi32>
    %select_n3A_106 = arith.select %lt3A_103, %broadcast_in_dim3A_105, %select_n3A_97 : vector<128x128xi1>, vector<128x128xi32>
    %select_n3A_107 = arith.select %lt3A_103, %add3A_102, %select_n3A_98 : vector<128x128xi1>, vector<128x128xf32>
    %slice3A_108 = vector.extract_strided_slice %dot_general3A_15 {offsets = [0, 1280], sizes = [128, 128], strides = [1, 1]} : vector<1024x4096xf32> to vector<128x128xf32>
    %slice3A_109 = vector.extract_strided_slice %get3A_23 {offsets = [0, 1280], sizes = [1, 128], strides = [1, 1]} : vector<1x8192xf32> to vector<1x128xf32>
    %add3A_110 = vector.broadcast %slice3A_109 : vector<1x128xf32> to vector<128x128xf32>
    %add3A_111 = arith.addf %slice3A_108, %add3A_110 : vector<128x128xf32>
    %lt3A_112 = arith.cmpf olt, %add3A_111, %select_n3A_107 : vector<128x128xf32>
    %jit3A_113 = arith.constant 10 : i32
    %broadcast_in_dim3A_114 = vector.broadcast %jit3A_113 : i32 to vector<128x128xi32>
    %select_n3A_115 = arith.select %lt3A_112, %broadcast_in_dim3A_114, %select_n3A_106 : vector<128x128xi1>, vector<128x128xi32>
    %select_n3A_116 = arith.select %lt3A_112, %add3A_111, %select_n3A_107 : vector<128x128xi1>, vector<128x128xf32>
    %slice3A_117 = vector.extract_strided_slice %dot_general3A_15 {offsets = [0, 1408], sizes = [128, 128], strides = [1, 1]} : vector<1024x4096xf32> to vector<128x128xf32>
    %slice3A_118 = vector.extract_strided_slice %get3A_23 {offsets = [0, 1408], sizes = [1, 128], strides = [1, 1]} : vector<1x8192xf32> to vector<1x128xf32>
    %add3A_119 = vector.broadcast %slice3A_118 : vector<1x128xf32> to vector<128x128xf32>
    %add3A_120 = arith.addf %slice3A_117, %add3A_119 : vector<128x128xf32>
    %lt3A_121 = arith.cmpf olt, %add3A_120, %select_n3A_116 : vector<128x128xf32>
    %jit3A_122 = arith.constant 11 : i32
    %broadcast_in_dim3A_123 = vector.broadcast %jit3A_122 : i32 to vector<128x128xi32>
    %select_n3A_124 = arith.select %lt3A_121, %broadcast_in_dim3A_123, %select_n3A_115 : vector<128x128xi1>, vector<128x128xi32>
    %select_n3A_125 = arith.select %lt3A_121, %add3A_120, %select_n3A_116 : vector<128x128xi1>, vector<128x128xf32>
    %slice3A_126 = vector.extract_strided_slice %dot_general3A_15 {offsets = [0, 1536], sizes = [128, 128], strides = [1, 1]} : vector<1024x4096xf32> to vector<128x128xf32>
    %slice3A_127 = vector.extract_strided_slice %get3A_23 {offsets = [0, 1536], sizes = [1, 128], strides = [1, 1]} : vector<1x8192xf32> to vector<1x128xf32>
    %add3A_128 = vector.broadcast %slice3A_127 : vector<1x128xf32> to vector<128x128xf32>
    %add3A_129 = arith.addf %slice3A_126, %add3A_128 : vector<128x128xf32>
    %lt3A_130 = arith.cmpf olt, %add3A_129, %select_n3A_125 : vector<128x128xf32>
    %jit3A_131 = arith.constant 12 : i32
    %broadcast_in_dim3A_132 = vector.broadcast %jit3A_131 : i32 to vector<128x128xi32>
    %select_n3A_133 = arith.select %lt3A_130, %broadcast_in_dim3A_132, %select_n3A_124 : vector<128x128xi1>, vector<128x128xi32>
    %select_n3A_134 = arith.select %lt3A_130, %add3A_129, %select_n3A_125 : vector<128x128xi1>, vector<128x128xf32>
    %slice3A_135 = vector.extract_strided_slice %dot_general3A_15 {offsets = [0, 1664], sizes = [128, 128], strides = [1, 1]} : vector<1024x4096xf32> to vector<128x128xf32>
    %slice3A_136 = vector.extract_strided_slice %get3A_23 {offsets = [0, 1664], sizes = [1, 128], strides = [1, 1]} : vector<1x8192xf32> to vector<1x128xf32>
    %add3A_137 = vector.broadcast %slice3A_136 : vector<1x128xf32> to vector<128x128xf32>
    %add3A_138 = arith.addf %slice3A_135, %add3A_137 : vector<128x128xf32>
    %lt3A_139 = arith.cmpf olt, %add3A_138, %select_n3A_134 : vector<128x128xf32>
    %jit3A_140 = arith.constant 13 : i32
    %broadcast_in_dim3A_141 = vector.broadcast %jit3A_140 : i32 to vector<128x128xi32>
    %select_n3A_142 = arith.select %lt3A_139, %broadcast_in_dim3A_141, %select_n3A_133 : vector<128x128xi1>, vector<128x128xi32>
    %select_n3A_143 = arith.select %lt3A_139, %add3A_138, %select_n3A_134 : vector<128x128xi1>, vector<128x128xf32>
    %slice3A_144 = vector.extract_strided_slice %dot_general3A_15 {offsets = [0, 1792], sizes = [128, 128], strides = [1, 1]} : vector<1024x4096xf32> to vector<128x128xf32>
    %slice3A_145 = vector.extract_strided_slice %get3A_23 {offsets = [0, 1792], sizes = [1, 128], strides = [1, 1]} : vector<1x8192xf32> to vector<1x128xf32>
    %add3A_146 = vector.broadcast %slice3A_145 : vector<1x128xf32> to vector<128x128xf32>
    %add3A_147 = arith.addf %slice3A_144, %add3A_146 : vector<128x128xf32>
    %lt3A_148 = arith.cmpf olt, %add3A_147, %select_n3A_143 : vector<128x128xf32>
    %jit3A_149 = arith.constant 14 : i32
    %broadcast_in_dim3A_150 = vector.broadcast %jit3A_149 : i32 to vector<128x128xi32>
    %select_n3A_151 = arith.select %lt3A_148, %broadcast_in_dim3A_150, %select_n3A_142 : vector<128x128xi1>, vector<128x128xi32>
    %select_n3A_152 = arith.select %lt3A_148, %add3A_147, %select_n3A_143 : vector<128x128xi1>, vector<128x128xf32>
    %slice3A_153 = vector.extract_strided_slice %dot_general3A_15 {offsets = [0, 1920], sizes = [128, 128], strides = [1, 1]} : vector<1024x4096xf32> to vector<128x128xf32>
    %slice3A_154 = vector.extract_strided_slice %get3A_23 {offsets = [0, 1920], sizes = [1, 128], strides = [1, 1]} : vector<1x8192xf32> to vector<1x128xf32>
    %add3A_155 = vector.broadcast %slice3A_154 : vector<1x128xf32> to vector<128x128xf32>
    %add3A_156 = arith.addf %slice3A_153, %add3A_155 : vector<128x128xf32>
    %lt3A_157 = arith.cmpf olt, %add3A_156, %select_n3A_152 : vector<128x128xf32>
    %jit3A_158 = arith.constant 15 : i32
    %broadcast_in_dim3A_159 = vector.broadcast %jit3A_158 : i32 to vector<128x128xi32>
    %select_n3A_160 = arith.select %lt3A_157, %broadcast_in_dim3A_159, %select_n3A_151 : vector<128x128xi1>, vector<128x128xi32>
    %select_n3A_161 = arith.select %lt3A_157, %add3A_156, %select_n3A_152 : vector<128x128xi1>, vector<128x128xf32>
    %slice3A_162 = vector.extract_strided_slice %dot_general3A_15 {offsets = [0, 2048], sizes = [128, 128], strides = [1, 1]} : vector<1024x4096xf32> to vector<128x128xf32>
    %slice3A_163 = vector.extract_strided_slice %get3A_23 {offsets = [0, 2048], sizes = [1, 128], strides = [1, 1]} : vector<1x8192xf32> to vector<1x128xf32>
    %add3A_164 = vector.broadcast %slice3A_163 : vector<1x128xf32> to vector<128x128xf32>
    %add3A_165 = arith.addf %slice3A_162, %add3A_164 : vector<128x128xf32>
    %lt3A_166 = arith.cmpf olt, %add3A_165, %select_n3A_161 : vector<128x128xf32>
    %jit3A_167 = arith.constant 16 : i32
    %broadcast_in_dim3A_168 = vector.broadcast %jit3A_167 : i32 to vector<128x128xi32>
    %select_n3A_169 = arith.select %lt3A_166, %broadcast_in_dim3A_168, %select_n3A_160 : vector<128x128xi1>, vector<128x128xi32>
    %select_n3A_170 = arith.select %lt3A_166, %add3A_165, %select_n3A_161 : vector<128x128xi1>, vector<128x128xf32>
    %slice3A_171 = vector.extract_strided_slice %dot_general3A_15 {offsets = [0, 2176], sizes = [128, 128], strides = [1, 1]} : vector<1024x4096xf32> to vector<128x128xf32>
    %slice3A_172 = vector.extract_strided_slice %get3A_23 {offsets = [0, 2176], sizes = [1, 128], strides = [1, 1]} : vector<1x8192xf32> to vector<1x128xf32>
    %add3A_173 = vector.broadcast %slice3A_172 : vector<1x128xf32> to vector<128x128xf32>
    %add3A_174 = arith.addf %slice3A_171, %add3A_173 : vector<128x128xf32>
    %lt3A_175 = arith.cmpf olt, %add3A_174, %select_n3A_170 : vector<128x128xf32>
    %jit3A_176 = arith.constant 17 : i32
    %broadcast_in_dim3A_177 = vector.broadcast %jit3A_176 : i32 to vector<128x128xi32>
    %select_n3A_178 = arith.select %lt3A_175, %broadcast_in_dim3A_177, %select_n3A_169 : vector<128x128xi1>, vector<128x128xi32>
    %select_n3A_179 = arith.select %lt3A_175, %add3A_174, %select_n3A_170 : vector<128x128xi1>, vector<128x128xf32>
    %slice3A_180 = vector.extract_strided_slice %dot_general3A_15 {offsets = [0, 2304], sizes = [128, 128], strides = [1, 1]} : vector<1024x4096xf32> to vector<128x128xf32>
    %slice3A_181 = vector.extract_strided_slice %get3A_23 {offsets = [0, 2304], sizes = [1, 128], strides = [1, 1]} : vector<1x8192xf32> to vector<1x128xf32>
    %add3A_182 = vector.broadcast %slice3A_181 : vector<1x128xf32> to vector<128x128xf32>
    %add3A_183 = arith.addf %slice3A_180, %add3A_182 : vector<128x128xf32>
    %lt3A_184 = arith.cmpf olt, %add3A_183, %select_n3A_179 : vector<128x128xf32>
    %jit3A_185 = arith.constant 18 : i32
    %broadcast_in_dim3A_186 = vector.broadcast %jit3A_185 : i32 to vector<128x128xi32>
    %select_n3A_187 = arith.select %lt3A_184, %broadcast_in_dim3A_186, %select_n3A_178 : vector<128x128xi1>, vector<128x128xi32>
    %select_n3A_188 = arith.select %lt3A_184, %add3A_183, %select_n3A_179 : vector<128x128xi1>, vector<128x128xf32>
    %slice3A_189 = vector.extract_strided_slice %dot_general3A_15 {offsets = [0, 2432], sizes = [128, 128], strides = [1, 1]} : vector<1024x4096xf32> to vector<128x128xf32>
    %slice3A_190 = vector.extract_strided_slice %get3A_23 {offsets = [0, 2432], sizes = [1, 128], strides = [1, 1]} : vector<1x8192xf32> to vector<1x128xf32>
    %add3A_191 = vector.broadcast %slice3A_190 : vector<1x128xf32> to vector<128x128xf32>
    %add3A_192 = arith.addf %slice3A_189, %add3A_191 : vector<128x128xf32>
    %lt3A_193 = arith.cmpf olt, %add3A_192, %select_n3A_188 : vector<128x128xf32>
    %jit3A_194 = arith.constant 19 : i32
    %broadcast_in_dim3A_195 = vector.broadcast %jit3A_194 : i32 to vector<128x128xi32>
    %select_n3A_196 = arith.select %lt3A_193, %broadcast_in_dim3A_195, %select_n3A_187 : vector<128x128xi1>, vector<128x128xi32>
    %select_n3A_197 = arith.select %lt3A_193, %add3A_192, %select_n3A_188 : vector<128x128xi1>, vector<128x128xf32>
    %slice3A_198 = vector.extract_strided_slice %dot_general3A_15 {offsets = [0, 2560], sizes = [128, 128], strides = [1, 1]} : vector<1024x4096xf32> to vector<128x128xf32>
    %slice3A_199 = vector.extract_strided_slice %get3A_23 {offsets = [0, 2560], sizes = [1, 128], strides = [1, 1]} : vector<1x8192xf32> to vector<1x128xf32>
    %add3A_200 = vector.broadcast %slice3A_199 : vector<1x128xf32> to vector<128x128xf32>
    %add3A_201 = arith.addf %slice3A_198, %add3A_200 : vector<128x128xf32>
    %lt3A_202 = arith.cmpf olt, %add3A_201, %select_n3A_197 : vector<128x128xf32>
    %jit3A_203 = arith.constant 20 : i32
    %broadcast_in_dim3A_204 = vector.broadcast %jit3A_203 : i32 to vector<128x128xi32>
    %select_n3A_205 = arith.select %lt3A_202, %broadcast_in_dim3A_204, %select_n3A_196 : vector<128x128xi1>, vector<128x128xi32>
    %select_n3A_206 = arith.select %lt3A_202, %add3A_201, %select_n3A_197 : vector<128x128xi1>, vector<128x128xf32>
    %slice3A_207 = vector.extract_strided_slice %dot_general3A_15 {offsets = [0, 2688], sizes = [128, 128], strides = [1, 1]} : vector<1024x4096xf32> to vector<128x128xf32>
    %slice3A_208 = vector.extract_strided_slice %get3A_23 {offsets = [0, 2688], sizes = [1, 128], strides = [1, 1]} : vector<1x8192xf32> to vector<1x128xf32>
    %add3A_209 = vector.broadcast %slice3A_208 : vector<1x128xf32> to vector<128x128xf32>
    %add3A_210 = arith.addf %slice3A_207, %add3A_209 : vector<128x128xf32>
    %lt3A_211 = arith.cmpf olt, %add3A_210, %select_n3A_206 : vector<128x128xf32>
    %jit3A_212 = arith.constant 21 : i32
    %broadcast_in_dim3A_213 = vector.broadcast %jit3A_212 : i32 to vector<128x128xi32>
    %select_n3A_214 = arith.select %lt3A_211, %broadcast_in_dim3A_213, %select_n3A_205 : vector<128x128xi1>, vector<128x128xi32>
    %select_n3A_215 = arith.select %lt3A_211, %add3A_210, %select_n3A_206 : vector<128x128xi1>, vector<128x128xf32>
    %slice3A_216 = vector.extract_strided_slice %dot_general3A_15 {offsets = [0, 2816], sizes = [128, 128], strides = [1, 1]} : vector<1024x4096xf32> to vector<128x128xf32>
    %slice3A_217 = vector.extract_strided_slice %get3A_23 {offsets = [0, 2816], sizes = [1, 128], strides = [1, 1]} : vector<1x8192xf32> to vector<1x128xf32>
    %add3A_218 = vector.broadcast %slice3A_217 : vector<1x128xf32> to vector<128x128xf32>
    %add3A_219 = arith.addf %slice3A_216, %add3A_218 : vector<128x128xf32>
    %lt3A_220 = arith.cmpf olt, %add3A_219, %select_n3A_215 : vector<128x128xf32>
    %jit3A_221 = arith.constant 22 : i32
    %broadcast_in_dim3A_222 = vector.broadcast %jit3A_221 : i32 to vector<128x128xi32>
    %select_n3A_223 = arith.select %lt3A_220, %broadcast_in_dim3A_222, %select_n3A_214 : vector<128x128xi1>, vector<128x128xi32>
    %select_n3A_224 = arith.select %lt3A_220, %add3A_219, %select_n3A_215 : vector<128x128xi1>, vector<128x128xf32>
    %slice3A_225 = vector.extract_strided_slice %dot_general3A_15 {offsets = [0, 2944], sizes = [128, 128], strides = [1, 1]} : vector<1024x4096xf32> to vector<128x128xf32>
    %slice3A_226 = vector.extract_strided_slice %get3A_23 {offsets = [0, 2944], sizes = [1, 128], strides = [1, 1]} : vector<1x8192xf32> to vector<1x128xf32>
    %add3A_227 = vector.broadcast %slice3A_226 : vector<1x128xf32> to vector<128x128xf32>
    %add3A_228 = arith.addf %slice3A_225, %add3A_227 : vector<128x128xf32>
    %lt3A_229 = arith.cmpf olt, %add3A_228, %select_n3A_224 : vector<128x128xf32>
    %jit3A_230 = arith.constant 23 : i32
    %broadcast_in_dim3A_231 = vector.broadcast %jit3A_230 : i32 to vector<128x128xi32>
    %select_n3A_232 = arith.select %lt3A_229, %broadcast_in_dim3A_231, %select_n3A_223 : vector<128x128xi1>, vector<128x128xi32>
    %select_n3A_233 = arith.select %lt3A_229, %add3A_228, %select_n3A_224 : vector<128x128xi1>, vector<128x128xf32>
    %slice3A_234 = vector.extract_strided_slice %dot_general3A_15 {offsets = [0, 3072], sizes = [128, 128], strides = [1, 1]} : vector<1024x4096xf32> to vector<128x128xf32>
    %slice3A_235 = vector.extract_strided_slice %get3A_23 {offsets = [0, 3072], sizes = [1, 128], strides = [1, 1]} : vector<1x8192xf32> to vector<1x128xf32>
    %add3A_236 = vector.broadcast %slice3A_235 : vector<1x128xf32> to vector<128x128xf32>
    %add3A_237 = arith.addf %slice3A_234, %add3A_236 : vector<128x128xf32>
    %lt3A_238 = arith.cmpf olt, %add3A_237, %select_n3A_233 : vector<128x128xf32>
    %jit3A_239 = arith.constant 24 : i32
    %broadcast_in_dim3A_240 = vector.broadcast %jit3A_239 : i32 to vector<128x128xi32>
    %select_n3A_241 = arith.select %lt3A_238, %broadcast_in_dim3A_240, %select_n3A_232 : vector<128x128xi1>, vector<128x128xi32>
    %select_n3A_242 = arith.select %lt3A_238, %add3A_237, %select_n3A_233 : vector<128x128xi1>, vector<128x128xf32>
    %slice3A_243 = vector.extract_strided_slice %dot_general3A_15 {offsets = [0, 3200], sizes = [128, 128], strides = [1, 1]} : vector<1024x4096xf32> to vector<128x128xf32>
    %slice3A_244 = vector.extract_strided_slice %get3A_23 {offsets = [0, 3200], sizes = [1, 128], strides = [1, 1]} : vector<1x8192xf32> to vector<1x128xf32>
    %add3A_245 = vector.broadcast %slice3A_244 : vector<1x128xf32> to vector<128x128xf32>
    %add3A_246 = arith.addf %slice3A_243, %add3A_245 : vector<128x128xf32>
    %lt3A_247 = arith.cmpf olt, %add3A_246, %select_n3A_242 : vector<128x128xf32>
    %jit3A_248 = arith.constant 25 : i32
    %broadcast_in_dim3A_249 = vector.broadcast %jit3A_248 : i32 to vector<128x128xi32>
    %select_n3A_250 = arith.select %lt3A_247, %broadcast_in_dim3A_249, %select_n3A_241 : vector<128x128xi1>, vector<128x128xi32>
    %select_n3A_251 = arith.select %lt3A_247, %add3A_246, %select_n3A_242 : vector<128x128xi1>, vector<128x128xf32>
    %slice3A_252 = vector.extract_strided_slice %dot_general3A_15 {offsets = [0, 3328], sizes = [128, 128], strides = [1, 1]} : vector<1024x4096xf32> to vector<128x128xf32>
    %slice3A_253 = vector.extract_strided_slice %get3A_23 {offsets = [0, 3328], sizes = [1, 128], strides = [1, 1]} : vector<1x8192xf32> to vector<1x128xf32>
    %add3A_254 = vector.broadcast %slice3A_253 : vector<1x128xf32> to vector<128x128xf32>
    %add3A_255 = arith.addf %slice3A_252, %add3A_254 : vector<128x128xf32>
    %lt3A_256 = arith.cmpf olt, %add3A_255, %select_n3A_251 : vector<128x128xf32>
    %jit3A_257 = arith.constant 26 : i32
    %broadcast_in_dim3A_258 = vector.broadcast %jit3A_257 : i32 to vector<128x128xi32>
    %select_n3A_259 = arith.select %lt3A_256, %broadcast_in_dim3A_258, %select_n3A_250 : vector<128x128xi1>, vector<128x128xi32>
    %select_n3A_260 = arith.select %lt3A_256, %add3A_255, %select_n3A_251 : vector<128x128xi1>, vector<128x128xf32>
    %slice3A_261 = vector.extract_strided_slice %dot_general3A_15 {offsets = [0, 3456], sizes = [128, 128], strides = [1, 1]} : vector<1024x4096xf32> to vector<128x128xf32>
    %slice3A_262 = vector.extract_strided_slice %get3A_23 {offsets = [0, 3456], sizes = [1, 128], strides = [1, 1]} : vector<1x8192xf32> to vector<1x128xf32>
    %add3A_263 = vector.broadcast %slice3A_262 : vector<1x128xf32> to vector<128x128xf32>
    %add3A_264 = arith.addf %slice3A_261, %add3A_263 : vector<128x128xf32>
    %lt3A_265 = arith.cmpf olt, %add3A_264, %select_n3A_260 : vector<128x128xf32>
    %jit3A_266 = arith.constant 27 : i32
    %broadcast_in_dim3A_267 = vector.broadcast %jit3A_266 : i32 to vector<128x128xi32>
    %select_n3A_268 = arith.select %lt3A_265, %broadcast_in_dim3A_267, %select_n3A_259 : vector<128x128xi1>, vector<128x128xi32>
    %select_n3A_269 = arith.select %lt3A_265, %add3A_264, %select_n3A_260 : vector<128x128xi1>, vector<128x128xf32>
    %slice3A_270 = vector.extract_strided_slice %dot_general3A_15 {offsets = [0, 3584], sizes = [128, 128], strides = [1, 1]} : vector<1024x4096xf32> to vector<128x128xf32>
    %slice3A_271 = vector.extract_strided_slice %get3A_23 {offsets = [0, 3584], sizes = [1, 128], strides = [1, 1]} : vector<1x8192xf32> to vector<1x128xf32>
    %add3A_272 = vector.broadcast %slice3A_271 : vector<1x128xf32> to vector<128x128xf32>
    %add3A_273 = arith.addf %slice3A_270, %add3A_272 : vector<128x128xf32>
    %lt3A_274 = arith.cmpf olt, %add3A_273, %select_n3A_269 : vector<128x128xf32>
    %jit3A_275 = arith.constant 28 : i32
    %broadcast_in_dim3A_276 = vector.broadcast %jit3A_275 : i32 to vector<128x128xi32>
    %select_n3A_277 = arith.select %lt3A_274, %broadcast_in_dim3A_276, %select_n3A_268 : vector<128x128xi1>, vector<128x128xi32>
    %select_n3A_278 = arith.select %lt3A_274, %add3A_273, %select_n3A_269 : vector<128x128xi1>, vector<128x128xf32>
    %slice3A_279 = vector.extract_strided_slice %dot_general3A_15 {offsets = [0, 3712], sizes = [128, 128], strides = [1, 1]} : vector<1024x4096xf32> to vector<128x128xf32>
    %slice3A_280 = vector.extract_strided_slice %get3A_23 {offsets = [0, 3712], sizes = [1, 128], strides = [1, 1]} : vector<1x8192xf32> to vector<1x128xf32>
    %add3A_281 = vector.broadcast %slice3A_280 : vector<1x128xf32> to vector<128x128xf32>
    %add3A_282 = arith.addf %slice3A_279, %add3A_281 : vector<128x128xf32>
    %lt3A_283 = arith.cmpf olt, %add3A_282, %select_n3A_278 : vector<128x128xf32>
    %jit3A_284 = arith.constant 29 : i32
    %broadcast_in_dim3A_285 = vector.broadcast %jit3A_284 : i32 to vector<128x128xi32>
    %select_n3A_286 = arith.select %lt3A_283, %broadcast_in_dim3A_285, %select_n3A_277 : vector<128x128xi1>, vector<128x128xi32>
    %select_n3A_287 = arith.select %lt3A_283, %add3A_282, %select_n3A_278 : vector<128x128xi1>, vector<128x128xf32>
    %slice3A_288 = vector.extract_strided_slice %dot_general3A_15 {offsets = [0, 3840], sizes = [128, 128], strides = [1, 1]} : vector<1024x4096xf32> to vector<128x128xf32>
    %slice3A_289 = vector.extract_strided_slice %get3A_23 {offsets = [0, 3840], sizes = [1, 128], strides = [1, 1]} : vector<1x8192xf32> to vector<1x128xf32>
    %add3A_290 = vector.broadcast %slice3A_289 : vector<1x128xf32> to vector<128x128xf32>
    %add3A_291 = arith.addf %slice3A_288, %add3A_290 : vector<128x128xf32>
    %lt3A_292 = arith.cmpf olt, %add3A_291, %select_n3A_287 : vector<128x128xf32>
    %jit3A_293 = arith.constant 30 : i32
    %broadcast_in_dim3A_294 = vector.broadcast %jit3A_293 : i32 to vector<128x128xi32>
    %select_n3A_295 = arith.select %lt3A_292, %broadcast_in_dim3A_294, %select_n3A_286 : vector<128x128xi1>, vector<128x128xi32>
    %select_n3A_296 = arith.select %lt3A_292, %add3A_291, %select_n3A_287 : vector<128x128xi1>, vector<128x128xf32>
    %slice3A_297 = vector.extract_strided_slice %dot_general3A_15 {offsets = [0, 3968], sizes = [128, 128], strides = [1, 1]} : vector<1024x4096xf32> to vector<128x128xf32>
    %slice3A_298 = vector.extract_strided_slice %get3A_23 {offsets = [0, 3968], sizes = [1, 128], strides = [1, 1]} : vector<1x8192xf32> to vector<1x128xf32>
    %add3A_299 = vector.broadcast %slice3A_298 : vector<1x128xf32> to vector<128x128xf32>
    %add3A_300 = arith.addf %slice3A_297, %add3A_299 : vector<128x128xf32>
    %lt3A_301 = arith.cmpf olt, %add3A_300, %select_n3A_296 : vector<128x128xf32>
    %jit3A_302 = arith.constant 31 : i32
    %broadcast_in_dim3A_303 = vector.broadcast %jit3A_302 : i32 to vector<128x128xi32>
    %select_n3A_304 = arith.select %lt3A_301, %broadcast_in_dim3A_303, %select_n3A_295 : vector<128x128xi1>, vector<128x128xi32>
    %select_n3A_305 = arith.select %lt3A_301, %add3A_300, %select_n3A_296 : vector<128x128xi1>, vector<128x128xf32>
    %reduce_min3A = arith.constant dense<0x7F800000> : vector<128xf32>
    %reduce_min3A_306 = vector.multi_reduction <minimumf>, %select_n3A_305, %reduce_min3A [1] : vector<128x128xf32> to vector<128xf32>
    %broadcast_in_dim3A_307 = vector.shape_cast %reduce_min3A_306 : vector<128xf32> to vector<128x1xf32>
    %mul3A_308 = arith.constant 128 : i32
    %mul3A_309 = vector.broadcast %mul3A_308 : i32 to vector<128x128xi32>
    %mul3A_310 = arith.muli %select_n3A_304, %mul3A_309 : vector<128x128xi32>
    %add3A_311 = arith.addi %mul3A_310, %iota3A : vector<128x128xi32>
    %eq3A_312 = vector.broadcast %broadcast_in_dim3A_307 : vector<128x1xf32> to vector<128x128xf32>
    %eq3A_313 = arith.cmpf oeq, %select_n3A_305, %eq3A_312 : vector<128x128xf32>
    %jit3A_314 = arith.constant 8192 : i32
    %broadcast_in_dim3A_315 = vector.broadcast %jit3A_314 : i32 to vector<128x128xi32>
    %select_n3A_316 = arith.select %eq3A_313, %add3A_311, %broadcast_in_dim3A_315 : vector<128x128xi1>, vector<128x128xi32>
    %reduce_min3A_317 = arith.constant dense<2147483647> : vector<128xi32>
    %reduce_min3A_318 = vector.multi_reduction <minsi>, %select_n3A_316, %reduce_min3A_317 [1] : vector<128x128xi32> to vector<128xi32>
    %squeeze3A_319 = vector.shape_cast %broadcast_in_dim3A_307 : vector<128x1xf32> to vector<128xf32>
    %slice3A_320 = vector.extract_strided_slice %dot_general3A_18 {offsets = [0, 0], sizes = [128, 128], strides = [1, 1]} : vector<1024x4096xf32> to vector<128x128xf32>
    %slice3A_321 = vector.extract_strided_slice %get3A_23 {offsets = [0, 4096], sizes = [1, 128], strides = [1, 1]} : vector<1x8192xf32> to vector<1x128xf32>
    %add3A_322 = vector.broadcast %slice3A_321 : vector<1x128xf32> to vector<128x128xf32>
    %add3A_323 = arith.addf %slice3A_320, %add3A_322 : vector<128x128xf32>
    %broadcast_in_dim3A_324 = arith.constant 0 : i32
    %broadcast_in_dim3A_325 = vector.broadcast %broadcast_in_dim3A_324 : i32 to vector<128x128xi32>
    %slice3A_326 = vector.extract_strided_slice %dot_general3A_18 {offsets = [0, 128], sizes = [128, 128], strides = [1, 1]} : vector<1024x4096xf32> to vector<128x128xf32>
    %slice3A_327 = vector.extract_strided_slice %get3A_23 {offsets = [0, 4224], sizes = [1, 128], strides = [1, 1]} : vector<1x8192xf32> to vector<1x128xf32>
    %add3A_328 = vector.broadcast %slice3A_327 : vector<1x128xf32> to vector<128x128xf32>
    %add3A_329 = arith.addf %slice3A_326, %add3A_328 : vector<128x128xf32>
    %lt3A_330 = arith.cmpf olt, %add3A_329, %add3A_323 : vector<128x128xf32>
    %jit3A_331 = arith.constant 1 : i32
    %broadcast_in_dim3A_332 = vector.broadcast %jit3A_331 : i32 to vector<128x128xi32>
    %select_n3A_333 = arith.select %lt3A_330, %broadcast_in_dim3A_332, %broadcast_in_dim3A_325 : vector<128x128xi1>, vector<128x128xi32>
    %select_n3A_334 = arith.select %lt3A_330, %add3A_329, %add3A_323 : vector<128x128xi1>, vector<128x128xf32>
    %slice3A_335 = vector.extract_strided_slice %dot_general3A_18 {offsets = [0, 256], sizes = [128, 128], strides = [1, 1]} : vector<1024x4096xf32> to vector<128x128xf32>
    %slice3A_336 = vector.extract_strided_slice %get3A_23 {offsets = [0, 4352], sizes = [1, 128], strides = [1, 1]} : vector<1x8192xf32> to vector<1x128xf32>
    %add3A_337 = vector.broadcast %slice3A_336 : vector<1x128xf32> to vector<128x128xf32>
    %add3A_338 = arith.addf %slice3A_335, %add3A_337 : vector<128x128xf32>
    %lt3A_339 = arith.cmpf olt, %add3A_338, %select_n3A_334 : vector<128x128xf32>
    %jit3A_340 = arith.constant 2 : i32
    %broadcast_in_dim3A_341 = vector.broadcast %jit3A_340 : i32 to vector<128x128xi32>
    %select_n3A_342 = arith.select %lt3A_339, %broadcast_in_dim3A_341, %select_n3A_333 : vector<128x128xi1>, vector<128x128xi32>
    %select_n3A_343 = arith.select %lt3A_339, %add3A_338, %select_n3A_334 : vector<128x128xi1>, vector<128x128xf32>
    %slice3A_344 = vector.extract_strided_slice %dot_general3A_18 {offsets = [0, 384], sizes = [128, 128], strides = [1, 1]} : vector<1024x4096xf32> to vector<128x128xf32>
    %slice3A_345 = vector.extract_strided_slice %get3A_23 {offsets = [0, 4480], sizes = [1, 128], strides = [1, 1]} : vector<1x8192xf32> to vector<1x128xf32>
    %add3A_346 = vector.broadcast %slice3A_345 : vector<1x128xf32> to vector<128x128xf32>
    %add3A_347 = arith.addf %slice3A_344, %add3A_346 : vector<128x128xf32>
    %lt3A_348 = arith.cmpf olt, %add3A_347, %select_n3A_343 : vector<128x128xf32>
    %jit3A_349 = arith.constant 3 : i32
    %broadcast_in_dim3A_350 = vector.broadcast %jit3A_349 : i32 to vector<128x128xi32>
    %select_n3A_351 = arith.select %lt3A_348, %broadcast_in_dim3A_350, %select_n3A_342 : vector<128x128xi1>, vector<128x128xi32>
    %select_n3A_352 = arith.select %lt3A_348, %add3A_347, %select_n3A_343 : vector<128x128xi1>, vector<128x128xf32>
    %slice3A_353 = vector.extract_strided_slice %dot_general3A_18 {offsets = [0, 512], sizes = [128, 128], strides = [1, 1]} : vector<1024x4096xf32> to vector<128x128xf32>
    %slice3A_354 = vector.extract_strided_slice %get3A_23 {offsets = [0, 4608], sizes = [1, 128], strides = [1, 1]} : vector<1x8192xf32> to vector<1x128xf32>
    %add3A_355 = vector.broadcast %slice3A_354 : vector<1x128xf32> to vector<128x128xf32>
    %add3A_356 = arith.addf %slice3A_353, %add3A_355 : vector<128x128xf32>
    %lt3A_357 = arith.cmpf olt, %add3A_356, %select_n3A_352 : vector<128x128xf32>
    %jit3A_358 = arith.constant 4 : i32
    %broadcast_in_dim3A_359 = vector.broadcast %jit3A_358 : i32 to vector<128x128xi32>
    %select_n3A_360 = arith.select %lt3A_357, %broadcast_in_dim3A_359, %select_n3A_351 : vector<128x128xi1>, vector<128x128xi32>
    %select_n3A_361 = arith.select %lt3A_357, %add3A_356, %select_n3A_352 : vector<128x128xi1>, vector<128x128xf32>
    %slice3A_362 = vector.extract_strided_slice %dot_general3A_18 {offsets = [0, 640], sizes = [128, 128], strides = [1, 1]} : vector<1024x4096xf32> to vector<128x128xf32>
    %slice3A_363 = vector.extract_strided_slice %get3A_23 {offsets = [0, 4736], sizes = [1, 128], strides = [1, 1]} : vector<1x8192xf32> to vector<1x128xf32>
    %add3A_364 = vector.broadcast %slice3A_363 : vector<1x128xf32> to vector<128x128xf32>
    %add3A_365 = arith.addf %slice3A_362, %add3A_364 : vector<128x128xf32>
    %lt3A_366 = arith.cmpf olt, %add3A_365, %select_n3A_361 : vector<128x128xf32>
    %jit3A_367 = arith.constant 5 : i32
    %broadcast_in_dim3A_368 = vector.broadcast %jit3A_367 : i32 to vector<128x128xi32>
    %select_n3A_369 = arith.select %lt3A_366, %broadcast_in_dim3A_368, %select_n3A_360 : vector<128x128xi1>, vector<128x128xi32>
    %select_n3A_370 = arith.select %lt3A_366, %add3A_365, %select_n3A_361 : vector<128x128xi1>, vector<128x128xf32>
    %slice3A_371 = vector.extract_strided_slice %dot_general3A_18 {offsets = [0, 768], sizes = [128, 128], strides = [1, 1]} : vector<1024x4096xf32> to vector<128x128xf32>
    %slice3A_372 = vector.extract_strided_slice %get3A_23 {offsets = [0, 4864], sizes = [1, 128], strides = [1, 1]} : vector<1x8192xf32> to vector<1x128xf32>
    %add3A_373 = vector.broadcast %slice3A_372 : vector<1x128xf32> to vector<128x128xf32>
    %add3A_374 = arith.addf %slice3A_371, %add3A_373 : vector<128x128xf32>
    %lt3A_375 = arith.cmpf olt, %add3A_374, %select_n3A_370 : vector<128x128xf32>
    %jit3A_376 = arith.constant 6 : i32
    %broadcast_in_dim3A_377 = vector.broadcast %jit3A_376 : i32 to vector<128x128xi32>
    %select_n3A_378 = arith.select %lt3A_375, %broadcast_in_dim3A_377, %select_n3A_369 : vector<128x128xi1>, vector<128x128xi32>
    %select_n3A_379 = arith.select %lt3A_375, %add3A_374, %select_n3A_370 : vector<128x128xi1>, vector<128x128xf32>
    %slice3A_380 = vector.extract_strided_slice %dot_general3A_18 {offsets = [0, 896], sizes = [128, 128], strides = [1, 1]} : vector<1024x4096xf32> to vector<128x128xf32>
    %slice3A_381 = vector.extract_strided_slice %get3A_23 {offsets = [0, 4992], sizes = [1, 128], strides = [1, 1]} : vector<1x8192xf32> to vector<1x128xf32>
    %add3A_382 = vector.broadcast %slice3A_381 : vector<1x128xf32> to vector<128x128xf32>
    %add3A_383 = arith.addf %slice3A_380, %add3A_382 : vector<128x128xf32>
    %lt3A_384 = arith.cmpf olt, %add3A_383, %select_n3A_379 : vector<128x128xf32>
    %jit3A_385 = arith.constant 7 : i32
    %broadcast_in_dim3A_386 = vector.broadcast %jit3A_385 : i32 to vector<128x128xi32>
    %select_n3A_387 = arith.select %lt3A_384, %broadcast_in_dim3A_386, %select_n3A_378 : vector<128x128xi1>, vector<128x128xi32>
    %select_n3A_388 = arith.select %lt3A_384, %add3A_383, %select_n3A_379 : vector<128x128xi1>, vector<128x128xf32>
    %slice3A_389 = vector.extract_strided_slice %dot_general3A_18 {offsets = [0, 1024], sizes = [128, 128], strides = [1, 1]} : vector<1024x4096xf32> to vector<128x128xf32>
    %slice3A_390 = vector.extract_strided_slice %get3A_23 {offsets = [0, 5120], sizes = [1, 128], strides = [1, 1]} : vector<1x8192xf32> to vector<1x128xf32>
    %add3A_391 = vector.broadcast %slice3A_390 : vector<1x128xf32> to vector<128x128xf32>
    %add3A_392 = arith.addf %slice3A_389, %add3A_391 : vector<128x128xf32>
    %lt3A_393 = arith.cmpf olt, %add3A_392, %select_n3A_388 : vector<128x128xf32>
    %jit3A_394 = arith.constant 8 : i32
    %broadcast_in_dim3A_395 = vector.broadcast %jit3A_394 : i32 to vector<128x128xi32>
    %select_n3A_396 = arith.select %lt3A_393, %broadcast_in_dim3A_395, %select_n3A_387 : vector<128x128xi1>, vector<128x128xi32>
    %select_n3A_397 = arith.select %lt3A_393, %add3A_392, %select_n3A_388 : vector<128x128xi1>, vector<128x128xf32>
    %slice3A_398 = vector.extract_strided_slice %dot_general3A_18 {offsets = [0, 1152], sizes = [128, 128], strides = [1, 1]} : vector<1024x4096xf32> to vector<128x128xf32>
    %slice3A_399 = vector.extract_strided_slice %get3A_23 {offsets = [0, 5248], sizes = [1, 128], strides = [1, 1]} : vector<1x8192xf32> to vector<1x128xf32>
    %add3A_400 = vector.broadcast %slice3A_399 : vector<1x128xf32> to vector<128x128xf32>
    %add3A_401 = arith.addf %slice3A_398, %add3A_400 : vector<128x128xf32>
    %lt3A_402 = arith.cmpf olt, %add3A_401, %select_n3A_397 : vector<128x128xf32>
    %jit3A_403 = arith.constant 9 : i32
    %broadcast_in_dim3A_404 = vector.broadcast %jit3A_403 : i32 to vector<128x128xi32>
    %select_n3A_405 = arith.select %lt3A_402, %broadcast_in_dim3A_404, %select_n3A_396 : vector<128x128xi1>, vector<128x128xi32>
    %select_n3A_406 = arith.select %lt3A_402, %add3A_401, %select_n3A_397 : vector<128x128xi1>, vector<128x128xf32>
    %slice3A_407 = vector.extract_strided_slice %dot_general3A_18 {offsets = [0, 1280], sizes = [128, 128], strides = [1, 1]} : vector<1024x4096xf32> to vector<128x128xf32>
    %slice3A_408 = vector.extract_strided_slice %get3A_23 {offsets = [0, 5376], sizes = [1, 128], strides = [1, 1]} : vector<1x8192xf32> to vector<1x128xf32>
    %add3A_409 = vector.broadcast %slice3A_408 : vector<1x128xf32> to vector<128x128xf32>
    %add3A_410 = arith.addf %slice3A_407, %add3A_409 : vector<128x128xf32>
    %lt3A_411 = arith.cmpf olt, %add3A_410, %select_n3A_406 : vector<128x128xf32>
    %jit3A_412 = arith.constant 10 : i32
    %broadcast_in_dim3A_413 = vector.broadcast %jit3A_412 : i32 to vector<128x128xi32>
    %select_n3A_414 = arith.select %lt3A_411, %broadcast_in_dim3A_413, %select_n3A_405 : vector<128x128xi1>, vector<128x128xi32>
    %select_n3A_415 = arith.select %lt3A_411, %add3A_410, %select_n3A_406 : vector<128x128xi1>, vector<128x128xf32>
    %slice3A_416 = vector.extract_strided_slice %dot_general3A_18 {offsets = [0, 1408], sizes = [128, 128], strides = [1, 1]} : vector<1024x4096xf32> to vector<128x128xf32>
    %slice3A_417 = vector.extract_strided_slice %get3A_23 {offsets = [0, 5504], sizes = [1, 128], strides = [1, 1]} : vector<1x8192xf32> to vector<1x128xf32>
    %add3A_418 = vector.broadcast %slice3A_417 : vector<1x128xf32> to vector<128x128xf32>
    %add3A_419 = arith.addf %slice3A_416, %add3A_418 : vector<128x128xf32>
    %lt3A_420 = arith.cmpf olt, %add3A_419, %select_n3A_415 : vector<128x128xf32>
    %jit3A_421 = arith.constant 11 : i32
    %broadcast_in_dim3A_422 = vector.broadcast %jit3A_421 : i32 to vector<128x128xi32>
    %select_n3A_423 = arith.select %lt3A_420, %broadcast_in_dim3A_422, %select_n3A_414 : vector<128x128xi1>, vector<128x128xi32>
    %select_n3A_424 = arith.select %lt3A_420, %add3A_419, %select_n3A_415 : vector<128x128xi1>, vector<128x128xf32>
    %slice3A_425 = vector.extract_strided_slice %dot_general3A_18 {offsets = [0, 1536], sizes = [128, 128], strides = [1, 1]} : vector<1024x4096xf32> to vector<128x128xf32>
    %slice3A_426 = vector.extract_strided_slice %get3A_23 {offsets = [0, 5632], sizes = [1, 128], strides = [1, 1]} : vector<1x8192xf32> to vector<1x128xf32>
    %add3A_427 = vector.broadcast %slice3A_426 : vector<1x128xf32> to vector<128x128xf32>
    %add3A_428 = arith.addf %slice3A_425, %add3A_427 : vector<128x128xf32>
    %lt3A_429 = arith.cmpf olt, %add3A_428, %select_n3A_424 : vector<128x128xf32>
    %jit3A_430 = arith.constant 12 : i32
    %broadcast_in_dim3A_431 = vector.broadcast %jit3A_430 : i32 to vector<128x128xi32>
    %select_n3A_432 = arith.select %lt3A_429, %broadcast_in_dim3A_431, %select_n3A_423 : vector<128x128xi1>, vector<128x128xi32>
    %select_n3A_433 = arith.select %lt3A_429, %add3A_428, %select_n3A_424 : vector<128x128xi1>, vector<128x128xf32>
    %slice3A_434 = vector.extract_strided_slice %dot_general3A_18 {offsets = [0, 1664], sizes = [128, 128], strides = [1, 1]} : vector<1024x4096xf32> to vector<128x128xf32>
    %slice3A_435 = vector.extract_strided_slice %get3A_23 {offsets = [0, 5760], sizes = [1, 128], strides = [1, 1]} : vector<1x8192xf32> to vector<1x128xf32>
    %add3A_436 = vector.broadcast %slice3A_435 : vector<1x128xf32> to vector<128x128xf32>
    %add3A_437 = arith.addf %slice3A_434, %add3A_436 : vector<128x128xf32>
    %lt3A_438 = arith.cmpf olt, %add3A_437, %select_n3A_433 : vector<128x128xf32>
    %jit3A_439 = arith.constant 13 : i32
    %broadcast_in_dim3A_440 = vector.broadcast %jit3A_439 : i32 to vector<128x128xi32>
    %select_n3A_441 = arith.select %lt3A_438, %broadcast_in_dim3A_440, %select_n3A_432 : vector<128x128xi1>, vector<128x128xi32>
    %select_n3A_442 = arith.select %lt3A_438, %add3A_437, %select_n3A_433 : vector<128x128xi1>, vector<128x128xf32>
    %slice3A_443 = vector.extract_strided_slice %dot_general3A_18 {offsets = [0, 1792], sizes = [128, 128], strides = [1, 1]} : vector<1024x4096xf32> to vector<128x128xf32>
    %slice3A_444 = vector.extract_strided_slice %get3A_23 {offsets = [0, 5888], sizes = [1, 128], strides = [1, 1]} : vector<1x8192xf32> to vector<1x128xf32>
    %add3A_445 = vector.broadcast %slice3A_444 : vector<1x128xf32> to vector<128x128xf32>
    %add3A_446 = arith.addf %slice3A_443, %add3A_445 : vector<128x128xf32>
    %lt3A_447 = arith.cmpf olt, %add3A_446, %select_n3A_442 : vector<128x128xf32>
    %jit3A_448 = arith.constant 14 : i32
    %broadcast_in_dim3A_449 = vector.broadcast %jit3A_448 : i32 to vector<128x128xi32>
    %select_n3A_450 = arith.select %lt3A_447, %broadcast_in_dim3A_449, %select_n3A_441 : vector<128x128xi1>, vector<128x128xi32>
    %select_n3A_451 = arith.select %lt3A_447, %add3A_446, %select_n3A_442 : vector<128x128xi1>, vector<128x128xf32>
    %slice3A_452 = vector.extract_strided_slice %dot_general3A_18 {offsets = [0, 1920], sizes = [128, 128], strides = [1, 1]} : vector<1024x4096xf32> to vector<128x128xf32>
    %slice3A_453 = vector.extract_strided_slice %get3A_23 {offsets = [0, 6016], sizes = [1, 128], strides = [1, 1]} : vector<1x8192xf32> to vector<1x128xf32>
    %add3A_454 = vector.broadcast %slice3A_453 : vector<1x128xf32> to vector<128x128xf32>
    %add3A_455 = arith.addf %slice3A_452, %add3A_454 : vector<128x128xf32>
    %lt3A_456 = arith.cmpf olt, %add3A_455, %select_n3A_451 : vector<128x128xf32>
    %jit3A_457 = arith.constant 15 : i32
    %broadcast_in_dim3A_458 = vector.broadcast %jit3A_457 : i32 to vector<128x128xi32>
    %select_n3A_459 = arith.select %lt3A_456, %broadcast_in_dim3A_458, %select_n3A_450 : vector<128x128xi1>, vector<128x128xi32>
    %select_n3A_460 = arith.select %lt3A_456, %add3A_455, %select_n3A_451 : vector<128x128xi1>, vector<128x128xf32>
    %slice3A_461 = vector.extract_strided_slice %dot_general3A_18 {offsets = [0, 2048], sizes = [128, 128], strides = [1, 1]} : vector<1024x4096xf32> to vector<128x128xf32>
    %slice3A_462 = vector.extract_strided_slice %get3A_23 {offsets = [0, 6144], sizes = [1, 128], strides = [1, 1]} : vector<1x8192xf32> to vector<1x128xf32>
    %add3A_463 = vector.broadcast %slice3A_462 : vector<1x128xf32> to vector<128x128xf32>
    %add3A_464 = arith.addf %slice3A_461, %add3A_463 : vector<128x128xf32>
    %lt3A_465 = arith.cmpf olt, %add3A_464, %select_n3A_460 : vector<128x128xf32>
    %jit3A_466 = arith.constant 16 : i32
    %broadcast_in_dim3A_467 = vector.broadcast %jit3A_466 : i32 to vector<128x128xi32>
    %select_n3A_468 = arith.select %lt3A_465, %broadcast_in_dim3A_467, %select_n3A_459 : vector<128x128xi1>, vector<128x128xi32>
    %select_n3A_469 = arith.select %lt3A_465, %add3A_464, %select_n3A_460 : vector<128x128xi1>, vector<128x128xf32>
    %slice3A_470 = vector.extract_strided_slice %dot_general3A_18 {offsets = [0, 2176], sizes = [128, 128], strides = [1, 1]} : vector<1024x4096xf32> to vector<128x128xf32>
    %slice3A_471 = vector.extract_strided_slice %get3A_23 {offsets = [0, 6272], sizes = [1, 128], strides = [1, 1]} : vector<1x8192xf32> to vector<1x128xf32>
    %add3A_472 = vector.broadcast %slice3A_471 : vector<1x128xf32> to vector<128x128xf32>
    %add3A_473 = arith.addf %slice3A_470, %add3A_472 : vector<128x128xf32>
    %lt3A_474 = arith.cmpf olt, %add3A_473, %select_n3A_469 : vector<128x128xf32>
    %jit3A_475 = arith.constant 17 : i32
    %broadcast_in_dim3A_476 = vector.broadcast %jit3A_475 : i32 to vector<128x128xi32>
    %select_n3A_477 = arith.select %lt3A_474, %broadcast_in_dim3A_476, %select_n3A_468 : vector<128x128xi1>, vector<128x128xi32>
    %select_n3A_478 = arith.select %lt3A_474, %add3A_473, %select_n3A_469 : vector<128x128xi1>, vector<128x128xf32>
    %slice3A_479 = vector.extract_strided_slice %dot_general3A_18 {offsets = [0, 2304], sizes = [128, 128], strides = [1, 1]} : vector<1024x4096xf32> to vector<128x128xf32>
    %slice3A_480 = vector.extract_strided_slice %get3A_23 {offsets = [0, 6400], sizes = [1, 128], strides = [1, 1]} : vector<1x8192xf32> to vector<1x128xf32>
    %add3A_481 = vector.broadcast %slice3A_480 : vector<1x128xf32> to vector<128x128xf32>
    %add3A_482 = arith.addf %slice3A_479, %add3A_481 : vector<128x128xf32>
    %lt3A_483 = arith.cmpf olt, %add3A_482, %select_n3A_478 : vector<128x128xf32>
    %jit3A_484 = arith.constant 18 : i32
    %broadcast_in_dim3A_485 = vector.broadcast %jit3A_484 : i32 to vector<128x128xi32>
    %select_n3A_486 = arith.select %lt3A_483, %broadcast_in_dim3A_485, %select_n3A_477 : vector<128x128xi1>, vector<128x128xi32>
    %select_n3A_487 = arith.select %lt3A_483, %add3A_482, %select_n3A_478 : vector<128x128xi1>, vector<128x128xf32>
    %slice3A_488 = vector.extract_strided_slice %dot_general3A_18 {offsets = [0, 2432], sizes = [128, 128], strides = [1, 1]} : vector<1024x4096xf32> to vector<128x128xf32>
    %slice3A_489 = vector.extract_strided_slice %get3A_23 {offsets = [0, 6528], sizes = [1, 128], strides = [1, 1]} : vector<1x8192xf32> to vector<1x128xf32>
    %add3A_490 = vector.broadcast %slice3A_489 : vector<1x128xf32> to vector<128x128xf32>
    %add3A_491 = arith.addf %slice3A_488, %add3A_490 : vector<128x128xf32>
    %lt3A_492 = arith.cmpf olt, %add3A_491, %select_n3A_487 : vector<128x128xf32>
    %jit3A_493 = arith.constant 19 : i32
    %broadcast_in_dim3A_494 = vector.broadcast %jit3A_493 : i32 to vector<128x128xi32>
    %select_n3A_495 = arith.select %lt3A_492, %broadcast_in_dim3A_494, %select_n3A_486 : vector<128x128xi1>, vector<128x128xi32>
    %select_n3A_496 = arith.select %lt3A_492, %add3A_491, %select_n3A_487 : vector<128x128xi1>, vector<128x128xf32>
    %slice3A_497 = vector.extract_strided_slice %dot_general3A_18 {offsets = [0, 2560], sizes = [128, 128], strides = [1, 1]} : vector<1024x4096xf32> to vector<128x128xf32>
    %slice3A_498 = vector.extract_strided_slice %get3A_23 {offsets = [0, 6656], sizes = [1, 128], strides = [1, 1]} : vector<1x8192xf32> to vector<1x128xf32>
    %add3A_499 = vector.broadcast %slice3A_498 : vector<1x128xf32> to vector<128x128xf32>
    %add3A_500 = arith.addf %slice3A_497, %add3A_499 : vector<128x128xf32>
    %lt3A_501 = arith.cmpf olt, %add3A_500, %select_n3A_496 : vector<128x128xf32>
    %jit3A_502 = arith.constant 20 : i32
    %broadcast_in_dim3A_503 = vector.broadcast %jit3A_502 : i32 to vector<128x128xi32>
    %select_n3A_504 = arith.select %lt3A_501, %broadcast_in_dim3A_503, %select_n3A_495 : vector<128x128xi1>, vector<128x128xi32>
    %select_n3A_505 = arith.select %lt3A_501, %add3A_500, %select_n3A_496 : vector<128x128xi1>, vector<128x128xf32>
    %slice3A_506 = vector.extract_strided_slice %dot_general3A_18 {offsets = [0, 2688], sizes = [128, 128], strides = [1, 1]} : vector<1024x4096xf32> to vector<128x128xf32>
    %slice3A_507 = vector.extract_strided_slice %get3A_23 {offsets = [0, 6784], sizes = [1, 128], strides = [1, 1]} : vector<1x8192xf32> to vector<1x128xf32>
    %add3A_508 = vector.broadcast %slice3A_507 : vector<1x128xf32> to vector<128x128xf32>
    %add3A_509 = arith.addf %slice3A_506, %add3A_508 : vector<128x128xf32>
    %lt3A_510 = arith.cmpf olt, %add3A_509, %select_n3A_505 : vector<128x128xf32>
    %jit3A_511 = arith.constant 21 : i32
    %broadcast_in_dim3A_512 = vector.broadcast %jit3A_511 : i32 to vector<128x128xi32>
    %select_n3A_513 = arith.select %lt3A_510, %broadcast_in_dim3A_512, %select_n3A_504 : vector<128x128xi1>, vector<128x128xi32>
    %select_n3A_514 = arith.select %lt3A_510, %add3A_509, %select_n3A_505 : vector<128x128xi1>, vector<128x128xf32>
    %slice3A_515 = vector.extract_strided_slice %dot_general3A_18 {offsets = [0, 2816], sizes = [128, 128], strides = [1, 1]} : vector<1024x4096xf32> to vector<128x128xf32>
    %slice3A_516 = vector.extract_strided_slice %get3A_23 {offsets = [0, 6912], sizes = [1, 128], strides = [1, 1]} : vector<1x8192xf32> to vector<1x128xf32>
    %add3A_517 = vector.broadcast %slice3A_516 : vector<1x128xf32> to vector<128x128xf32>
    %add3A_518 = arith.addf %slice3A_515, %add3A_517 : vector<128x128xf32>
    %lt3A_519 = arith.cmpf olt, %add3A_518, %select_n3A_514 : vector<128x128xf32>
    %jit3A_520 = arith.constant 22 : i32
    %broadcast_in_dim3A_521 = vector.broadcast %jit3A_520 : i32 to vector<128x128xi32>
    %select_n3A_522 = arith.select %lt3A_519, %broadcast_in_dim3A_521, %select_n3A_513 : vector<128x128xi1>, vector<128x128xi32>
    %select_n3A_523 = arith.select %lt3A_519, %add3A_518, %select_n3A_514 : vector<128x128xi1>, vector<128x128xf32>
    %slice3A_524 = vector.extract_strided_slice %dot_general3A_18 {offsets = [0, 2944], sizes = [128, 128], strides = [1, 1]} : vector<1024x4096xf32> to vector<128x128xf32>
    %slice3A_525 = vector.extract_strided_slice %get3A_23 {offsets = [0, 7040], sizes = [1, 128], strides = [1, 1]} : vector<1x8192xf32> to vector<1x128xf32>
    %add3A_526 = vector.broadcast %slice3A_525 : vector<1x128xf32> to vector<128x128xf32>
    %add3A_527 = arith.addf %slice3A_524, %add3A_526 : vector<128x128xf32>
    %lt3A_528 = arith.cmpf olt, %add3A_527, %select_n3A_523 : vector<128x128xf32>
    %jit3A_529 = arith.constant 23 : i32
    %broadcast_in_dim3A_530 = vector.broadcast %jit3A_529 : i32 to vector<128x128xi32>
    %select_n3A_531 = arith.select %lt3A_528, %broadcast_in_dim3A_530, %select_n3A_522 : vector<128x128xi1>, vector<128x128xi32>
    %select_n3A_532 = arith.select %lt3A_528, %add3A_527, %select_n3A_523 : vector<128x128xi1>, vector<128x128xf32>
    %slice3A_533 = vector.extract_strided_slice %dot_general3A_18 {offsets = [0, 3072], sizes = [128, 128], strides = [1, 1]} : vector<1024x4096xf32> to vector<128x128xf32>
    %slice3A_534 = vector.extract_strided_slice %get3A_23 {offsets = [0, 7168], sizes = [1, 128], strides = [1, 1]} : vector<1x8192xf32> to vector<1x128xf32>
    %add3A_535 = vector.broadcast %slice3A_534 : vector<1x128xf32> to vector<128x128xf32>
    %add3A_536 = arith.addf %slice3A_533, %add3A_535 : vector<128x128xf32>
    %lt3A_537 = arith.cmpf olt, %add3A_536, %select_n3A_532 : vector<128x128xf32>
    %jit3A_538 = arith.constant 24 : i32
    %broadcast_in_dim3A_539 = vector.broadcast %jit3A_538 : i32 to vector<128x128xi32>
    %select_n3A_540 = arith.select %lt3A_537, %broadcast_in_dim3A_539, %select_n3A_531 : vector<128x128xi1>, vector<128x128xi32>
    %select_n3A_541 = arith.select %lt3A_537, %add3A_536, %select_n3A_532 : vector<128x128xi1>, vector<128x128xf32>
    %slice3A_542 = vector.extract_strided_slice %dot_general3A_18 {offsets = [0, 3200], sizes = [128, 128], strides = [1, 1]} : vector<1024x4096xf32> to vector<128x128xf32>
    %slice3A_543 = vector.extract_strided_slice %get3A_23 {offsets = [0, 7296], sizes = [1, 128], strides = [1, 1]} : vector<1x8192xf32> to vector<1x128xf32>
    %add3A_544 = vector.broadcast %slice3A_543 : vector<1x128xf32> to vector<128x128xf32>
    %add3A_545 = arith.addf %slice3A_542, %add3A_544 : vector<128x128xf32>
    %lt3A_546 = arith.cmpf olt, %add3A_545, %select_n3A_541 : vector<128x128xf32>
    %jit3A_547 = arith.constant 25 : i32
    %broadcast_in_dim3A_548 = vector.broadcast %jit3A_547 : i32 to vector<128x128xi32>
    %select_n3A_549 = arith.select %lt3A_546, %broadcast_in_dim3A_548, %select_n3A_540 : vector<128x128xi1>, vector<128x128xi32>
    %select_n3A_550 = arith.select %lt3A_546, %add3A_545, %select_n3A_541 : vector<128x128xi1>, vector<128x128xf32>
    %slice3A_551 = vector.extract_strided_slice %dot_general3A_18 {offsets = [0, 3328], sizes = [128, 128], strides = [1, 1]} : vector<1024x4096xf32> to vector<128x128xf32>
    %slice3A_552 = vector.extract_strided_slice %get3A_23 {offsets = [0, 7424], sizes = [1, 128], strides = [1, 1]} : vector<1x8192xf32> to vector<1x128xf32>
    %add3A_553 = vector.broadcast %slice3A_552 : vector<1x128xf32> to vector<128x128xf32>
    %add3A_554 = arith.addf %slice3A_551, %add3A_553 : vector<128x128xf32>
    %lt3A_555 = arith.cmpf olt, %add3A_554, %select_n3A_550 : vector<128x128xf32>
    %jit3A_556 = arith.constant 26 : i32
    %broadcast_in_dim3A_557 = vector.broadcast %jit3A_556 : i32 to vector<128x128xi32>
    %select_n3A_558 = arith.select %lt3A_555, %broadcast_in_dim3A_557, %select_n3A_549 : vector<128x128xi1>, vector<128x128xi32>
    %select_n3A_559 = arith.select %lt3A_555, %add3A_554, %select_n3A_550 : vector<128x128xi1>, vector<128x128xf32>
    %slice3A_560 = vector.extract_strided_slice %dot_general3A_18 {offsets = [0, 3456], sizes = [128, 128], strides = [1, 1]} : vector<1024x4096xf32> to vector<128x128xf32>
    %slice3A_561 = vector.extract_strided_slice %get3A_23 {offsets = [0, 7552], sizes = [1, 128], strides = [1, 1]} : vector<1x8192xf32> to vector<1x128xf32>
    %add3A_562 = vector.broadcast %slice3A_561 : vector<1x128xf32> to vector<128x128xf32>
    %add3A_563 = arith.addf %slice3A_560, %add3A_562 : vector<128x128xf32>
    %lt3A_564 = arith.cmpf olt, %add3A_563, %select_n3A_559 : vector<128x128xf32>
    %jit3A_565 = arith.constant 27 : i32
    %broadcast_in_dim3A_566 = vector.broadcast %jit3A_565 : i32 to vector<128x128xi32>
    %select_n3A_567 = arith.select %lt3A_564, %broadcast_in_dim3A_566, %select_n3A_558 : vector<128x128xi1>, vector<128x128xi32>
    %select_n3A_568 = arith.select %lt3A_564, %add3A_563, %select_n3A_559 : vector<128x128xi1>, vector<128x128xf32>
    %slice3A_569 = vector.extract_strided_slice %dot_general3A_18 {offsets = [0, 3584], sizes = [128, 128], strides = [1, 1]} : vector<1024x4096xf32> to vector<128x128xf32>
    %slice3A_570 = vector.extract_strided_slice %get3A_23 {offsets = [0, 7680], sizes = [1, 128], strides = [1, 1]} : vector<1x8192xf32> to vector<1x128xf32>
    %add3A_571 = vector.broadcast %slice3A_570 : vector<1x128xf32> to vector<128x128xf32>
    %add3A_572 = arith.addf %slice3A_569, %add3A_571 : vector<128x128xf32>
    %lt3A_573 = arith.cmpf olt, %add3A_572, %select_n3A_568 : vector<128x128xf32>
    %jit3A_574 = arith.constant 28 : i32
    %broadcast_in_dim3A_575 = vector.broadcast %jit3A_574 : i32 to vector<128x128xi32>
    %select_n3A_576 = arith.select %lt3A_573, %broadcast_in_dim3A_575, %select_n3A_567 : vector<128x128xi1>, vector<128x128xi32>
    %select_n3A_577 = arith.select %lt3A_573, %add3A_572, %select_n3A_568 : vector<128x128xi1>, vector<128x128xf32>
    %slice3A_578 = vector.extract_strided_slice %dot_general3A_18 {offsets = [0, 3712], sizes = [128, 128], strides = [1, 1]} : vector<1024x4096xf32> to vector<128x128xf32>
    %slice3A_579 = vector.extract_strided_slice %get3A_23 {offsets = [0, 7808], sizes = [1, 128], strides = [1, 1]} : vector<1x8192xf32> to vector<1x128xf32>
    %add3A_580 = vector.broadcast %slice3A_579 : vector<1x128xf32> to vector<128x128xf32>
    %add3A_581 = arith.addf %slice3A_578, %add3A_580 : vector<128x128xf32>
    %lt3A_582 = arith.cmpf olt, %add3A_581, %select_n3A_577 : vector<128x128xf32>
    %jit3A_583 = arith.constant 29 : i32
    %broadcast_in_dim3A_584 = vector.broadcast %jit3A_583 : i32 to vector<128x128xi32>
    %select_n3A_585 = arith.select %lt3A_582, %broadcast_in_dim3A_584, %select_n3A_576 : vector<128x128xi1>, vector<128x128xi32>
    %select_n3A_586 = arith.select %lt3A_582, %add3A_581, %select_n3A_577 : vector<128x128xi1>, vector<128x128xf32>
    %slice3A_587 = vector.extract_strided_slice %dot_general3A_18 {offsets = [0, 3840], sizes = [128, 128], strides = [1, 1]} : vector<1024x4096xf32> to vector<128x128xf32>
    %slice3A_588 = vector.extract_strided_slice %get3A_23 {offsets = [0, 7936], sizes = [1, 128], strides = [1, 1]} : vector<1x8192xf32> to vector<1x128xf32>
    %add3A_589 = vector.broadcast %slice3A_588 : vector<1x128xf32> to vector<128x128xf32>
    %add3A_590 = arith.addf %slice3A_587, %add3A_589 : vector<128x128xf32>
    %lt3A_591 = arith.cmpf olt, %add3A_590, %select_n3A_586 : vector<128x128xf32>
    %jit3A_592 = arith.constant 30 : i32
    %broadcast_in_dim3A_593 = vector.broadcast %jit3A_592 : i32 to vector<128x128xi32>
    %select_n3A_594 = arith.select %lt3A_591, %broadcast_in_dim3A_593, %select_n3A_585 : vector<128x128xi1>, vector<128x128xi32>
    %select_n3A_595 = arith.select %lt3A_591, %add3A_590, %select_n3A_586 : vector<128x128xi1>, vector<128x128xf32>
    %slice3A_596 = vector.extract_strided_slice %dot_general3A_18 {offsets = [0, 3968], sizes = [128, 128], strides = [1, 1]} : vector<1024x4096xf32> to vector<128x128xf32>
    %slice3A_597 = vector.extract_strided_slice %get3A_23 {offsets = [0, 8064], sizes = [1, 128], strides = [1, 1]} : vector<1x8192xf32> to vector<1x128xf32>
    %add3A_598 = vector.broadcast %slice3A_597 : vector<1x128xf32> to vector<128x128xf32>
    %add3A_599 = arith.addf %slice3A_596, %add3A_598 : vector<128x128xf32>
    %lt3A_600 = arith.cmpf olt, %add3A_599, %select_n3A_595 : vector<128x128xf32>
    %jit3A_601 = arith.constant 31 : i32
    %broadcast_in_dim3A_602 = vector.broadcast %jit3A_601 : i32 to vector<128x128xi32>
    %select_n3A_603 = arith.select %lt3A_600, %broadcast_in_dim3A_602, %select_n3A_594 : vector<128x128xi1>, vector<128x128xi32>
    %select_n3A_604 = arith.select %lt3A_600, %add3A_599, %select_n3A_595 : vector<128x128xi1>, vector<128x128xf32>
    %reduce_min3A_605 = arith.constant dense<0x7F800000> : vector<128xf32>
    %reduce_min3A_606 = vector.multi_reduction <minimumf>, %select_n3A_604, %reduce_min3A_605 [1] : vector<128x128xf32> to vector<128xf32>
    %broadcast_in_dim3A_607 = vector.shape_cast %reduce_min3A_606 : vector<128xf32> to vector<128x1xf32>
    %mul3A_608 = arith.constant 128 : i32
    %mul3A_609 = vector.broadcast %mul3A_608 : i32 to vector<128x128xi32>
    %mul3A_610 = arith.muli %select_n3A_603, %mul3A_609 : vector<128x128xi32>
    %add3A_611 = arith.addi %mul3A_610, %iota3A : vector<128x128xi32>
    %eq3A_612 = vector.broadcast %broadcast_in_dim3A_607 : vector<128x1xf32> to vector<128x128xf32>
    %eq3A_613 = arith.cmpf oeq, %select_n3A_604, %eq3A_612 : vector<128x128xf32>
    %jit3A_614 = arith.constant 8192 : i32
    %broadcast_in_dim3A_615 = vector.broadcast %jit3A_614 : i32 to vector<128x128xi32>
    %select_n3A_616 = arith.select %eq3A_613, %add3A_611, %broadcast_in_dim3A_615 : vector<128x128xi1>, vector<128x128xi32>
    %reduce_min3A_617 = arith.constant dense<2147483647> : vector<128xi32>
    %reduce_min3A_618 = vector.multi_reduction <minsi>, %select_n3A_616, %reduce_min3A_617 [1] : vector<128x128xi32> to vector<128xi32>
    %squeeze3A_619 = vector.shape_cast %broadcast_in_dim3A_607 : vector<128x1xf32> to vector<128xf32>
    %slice3A_620 = vector.extract_strided_slice %squeeze3A {offsets = [0], sizes = [128], strides = [1]} : vector<1024xf32> to vector<128xf32>
    %add3A_621 = arith.addf %squeeze3A_319, %slice3A_620 : vector<128xf32>
    %convert_element_type3A_622 = arith.truncf %add3A_621 : vector<128xf32> to vector<128xbf16>
    %convert_element_type3A_623 = arith.extf %convert_element_type3A_622 : vector<128xbf16> to vector<128xf32>
    %add3A_624 = arith.addf %squeeze3A_619, %slice3A_620 : vector<128xf32>
    %lt3A_625 = arith.cmpf olt, %add3A_624, %convert_element_type3A_623 : vector<128xf32>
    %add3A_626 = arith.constant 4096 : i32
    %add3A_627 = vector.broadcast %add3A_626 : i32 to vector<128xi32>
    %add3A_628 = arith.addi %reduce_min3A_618, %add3A_627 : vector<128xi32>
    %select_n3A_629 = arith.select %lt3A_625, %add3A_628, %reduce_min3A_318 : vector<128xi1>, vector<128xi32>
    %swap3A = arith.constant 0 : index
    %swap3A_630 = arith.constant 0 : index
    %swap3A_631 = arith.constant 0 : index
    %swap3A_632 = vector.load %arg4[%swap3A, %swap3A_630, %swap3A_631] : memref<1x1x1024xi32, #tpu.memory_space<vmem>>, vector<1x1x128xi32>
    %swap3A_633 = vector.shape_cast %swap3A_632 : vector<1x1x128xi32> to vector<128xi32>
    %swap3A_634 = vector.shape_cast %select_n3A_629 : vector<128xi32> to vector<1x1x128xi32>
    tpu.vector_store %arg4[%swap3A, %swap3A_630, %swap3A_631], %swap3A_634 {strides = array<i32>} : memref<1x1x1024xi32, #tpu.memory_space<vmem>>, vector<1x1x128xi32>,
    %slice3A_635 = vector.extract_strided_slice %dot_general3A_15 {offsets = [128, 0], sizes = [128, 128], strides = [1, 1]} : vector<1024x4096xf32> to vector<128x128xf32>
    %slice3A_636 = vector.extract_strided_slice %get3A_23 {offsets = [0, 0], sizes = [1, 128], strides = [1, 1]} : vector<1x8192xf32> to vector<1x128xf32>
    %add3A_637 = vector.broadcast %slice3A_636 : vector<1x128xf32> to vector<128x128xf32>
    %add3A_638 = arith.addf %slice3A_635, %add3A_637 : vector<128x128xf32>
    %broadcast_in_dim3A_639 = arith.constant 0 : i32
    %broadcast_in_dim3A_640 = vector.broadcast %broadcast_in_dim3A_639 : i32 to vector<128x128xi32>
    %slice3A_641 = vector.extract_strided_slice %dot_general3A_15 {offsets = [128, 128], sizes = [128, 128], strides = [1, 1]} : vector<1024x4096xf32> to vector<128x128xf32>
    %slice3A_642 = vector.extract_strided_slice %get3A_23 {offsets = [0, 128], sizes = [1, 128], strides = [1, 1]} : vector<1x8192xf32> to vector<1x128xf32>
    %add3A_643 = vector.broadcast %slice3A_642 : vector<1x128xf32> to vector<128x128xf32>
    %add3A_644 = arith.addf %slice3A_641, %add3A_643 : vector<128x128xf32>
    %lt3A_645 = arith.cmpf olt, %add3A_644, %add3A_638 : vector<128x128xf32>
    %jit3A_646 = arith.constant 1 : i32
    %broadcast_in_dim3A_647 = vector.broadcast %jit3A_646 : i32 to vector<128x128xi32>
    %select_n3A_648 = arith.select %lt3A_645, %broadcast_in_dim3A_647, %broadcast_in_dim3A_640 : vector<128x128xi1>, vector<128x128xi32>
    %select_n3A_649 = arith.select %lt3A_645, %add3A_644, %add3A_638 : vector<128x128xi1>, vector<128x128xf32>
    %slice3A_650 = vector.extract_strided_slice %dot_general3A_15 {offsets = [128, 256], sizes = [128, 128], strides = [1, 1]} : vector<1024x4096xf32> to vector<128x128xf32>
    %slice3A_651 = vector.extract_strided_slice %get3A_23 {offsets = [0, 256], sizes = [1, 128], strides = [1, 1]} : vector<1x8192xf32> to vector<1x128xf32>
    %add3A_652 = vector.broadcast %slice3A_651 : vector<1x128xf32> to vector<128x128xf32>
    %add3A_653 = arith.addf %slice3A_650, %add3A_652 : vector<128x128xf32>
    %lt3A_654 = arith.cmpf olt, %add3A_653, %select_n3A_649 : vector<128x128xf32>
    %jit3A_655 = arith.constant 2 : i32
    %broadcast_in_dim3A_656 = vector.broadcast %jit3A_655 : i32 to vector<128x128xi32>
    %select_n3A_657 = arith.select %lt3A_654, %broadcast_in_dim3A_656, %select_n3A_648 : vector<128x128xi1>, vector<128x128xi32>
    %select_n3A_658 = arith.select %lt3A_654, %add3A_653, %select_n3A_649 : vector<128x128xi1>, vector<128x128xf32>
    %slice3A_659 = vector.extract_strided_slice %dot_general3A_15 {offsets = [128, 384], sizes = [128, 128], strides = [1, 1]} : vector<1024x4096xf32> to vector<128x128xf32>
    %slice3A_660 = vector.extract_strided_slice %get3A_23 {offsets = [0, 384], sizes = [1, 128], strides = [1, 1]} : vector<1x8192xf32> to vector<1x128xf32>
    %add3A_661 = vector.broadcast %slice3A_660 : vector<1x128xf32> to vector<128x128xf32>
    %add3A_662 = arith.addf %slice3A_659, %add3A_661 : vector<128x128xf32>
    %lt3A_663 = arith.cmpf olt, %add3A_662, %select_n3A_658 : vector<128x128xf32>
    %jit3A_664 = arith.constant 3 : i32
    %broadcast_in_dim3A_665 = vector.broadcast %jit3A_664 : i32 to vector<128x128xi32>
    %select_n3A_666 = arith.select %lt3A_663, %broadcast_in_dim3A_665, %select_n3A_657 : vector<128x128xi1>, vector<128x128xi32>
    %select_n3A_667 = arith.select %lt3A_663, %add3A_662, %select_n3A_658 : vector<128x128xi1>, vector<128x128xf32>
    %slice3A_668 = vector.extract_strided_slice %dot_general3A_15 {offsets = [128, 512], sizes = [128, 128], strides = [1, 1]} : vector<1024x4096xf32> to vector<128x128xf32>
    %slice3A_669 = vector.extract_strided_slice %get3A_23 {offsets = [0, 512], sizes = [1, 128], strides = [1, 1]} : vector<1x8192xf32> to vector<1x128xf32>
    %add3A_670 = vector.broadcast %slice3A_669 : vector<1x128xf32> to vector<128x128xf32>
    %add3A_671 = arith.addf %slice3A_668, %add3A_670 : vector<128x128xf32>
    %lt3A_672 = arith.cmpf olt, %add3A_671, %select_n3A_667 : vector<128x128xf32>
    %jit3A_673 = arith.constant 4 : i32
    %broadcast_in_dim3A_674 = vector.broadcast %jit3A_673 : i32 to vector<128x128xi32>
    %select_n3A_675 = arith.select %lt3A_672, %broadcast_in_dim3A_674, %select_n3A_666 : vector<128x128xi1>, vector<128x128xi32>
    %select_n3A_676 = arith.select %lt3A_672, %add3A_671, %select_n3A_667 : vector<128x128xi1>, vector<128x128xf32>
    %slice3A_677 = vector.extract_strided_slice %dot_general3A_15 {offsets = [128, 640], sizes = [128, 128], strides = [1, 1]} : vector<1024x4096xf32> to vector<128x128xf32>
    %slice3A_678 = vector.extract_strided_slice %get3A_23 {offsets = [0, 640], sizes = [1, 128], strides = [1, 1]} : vector<1x8192xf32> to vector<1x128xf32>
    %add3A_679 = vector.broadcast %slice3A_678 : vector<1x128xf32> to vector<128x128xf32>
    %add3A_680 = arith.addf %slice3A_677, %add3A_679 : vector<128x128xf32>
    %lt3A_681 = arith.cmpf olt, %add3A_680, %select_n3A_676 : vector<128x128xf32>
    %jit3A_682 = arith.constant 5 : i32
    %broadcast_in_dim3A_683 = vector.broadcast %jit3A_682 : i32 to vector<128x128xi32>
    %select_n3A_684 = arith.select %lt3A_681, %broadcast_in_dim3A_683, %select_n3A_675 : vector<128x128xi1>, vector<128x128xi32>
    %select_n3A_685 = arith.select %lt3A_681, %add3A_680, %select_n3A_676 : vector<128x128xi1>, vector<128x128xf32>
    %slice3A_686 = vector.extract_strided_slice %dot_general3A_15 {offsets = [128, 768], sizes = [128, 128], strides = [1, 1]} : vector<1024x4096xf32> to vector<128x128xf32>
    %slice3A_687 = vector.extract_strided_slice %get3A_23 {offsets = [0, 768], sizes = [1, 128], strides = [1, 1]} : vector<1x8192xf32> to vector<1x128xf32>
    %add3A_688 = vector.broadcast %slice3A_687 : vector<1x128xf32> to vector<128x128xf32>
    %add3A_689 = arith.addf %slice3A_686, %add3A_688 : vector<128x128xf32>
    %lt3A_690 = arith.cmpf olt, %add3A_689, %select_n3A_685 : vector<128x128xf32>
    %jit3A_691 = arith.constant 6 : i32
    %broadcast_in_dim3A_692 = vector.broadcast %jit3A_691 : i32 to vector<128x128xi32>
    %select_n3A_693 = arith.select %lt3A_690, %broadcast_in_dim3A_692, %select_n3A_684 : vector<128x128xi1>, vector<128x128xi32>
    %select_n3A_694 = arith.select %lt3A_690, %add3A_689, %select_n3A_685 : vector<128x128xi1>, vector<128x128xf32>
    %slice3A_695 = vector.extract_strided_slice %dot_general3A_15 {offsets = [128, 896], sizes = [128, 128], strides = [1, 1]} : vector<1024x4096xf32> to vector<128x128xf32>
    %slice3A_696 = vector.extract_strided_slice %get3A_23 {offsets = [0, 896], sizes = [1, 128], strides = [1, 1]} : vector<1x8192xf32> to vector<1x128xf32>
    %add3A_697 = vector.broadcast %slice3A_696 : vector<1x128xf32> to vector<128x128xf32>
    %add3A_698 = arith.addf %slice3A_695, %add3A_697 : vector<128x128xf32>
    %lt3A_699 = arith.cmpf olt, %add3A_698, %select_n3A_694 : vector<128x128xf32>
    %jit3A_700 = arith.constant 7 : i32
    %broadcast_in_dim3A_701 = vector.broadcast %jit3A_700 : i32 to vector<128x128xi32>
    %select_n3A_702 = arith.select %lt3A_699, %broadcast_in_dim3A_701, %select_n3A_693 : vector<128x128xi1>, vector<128x128xi32>
    %select_n3A_703 = arith.select %lt3A_699, %add3A_698, %select_n3A_694 : vector<128x128xi1>, vector<128x128xf32>
    %slice3A_704 = vector.extract_strided_slice %dot_general3A_15 {offsets = [128, 1024], sizes = [128, 128], strides = [1, 1]} : vector<1024x4096xf32> to vector<128x128xf32>
    %slice3A_705 = vector.extract_strided_slice %get3A_23 {offsets = [0, 1024], sizes = [1, 128], strides = [1, 1]} : vector<1x8192xf32> to vector<1x128xf32>
    %add3A_706 = vector.broadcast %slice3A_705 : vector<1x128xf32> to vector<128x128xf32>
    %add3A_707 = arith.addf %slice3A_704, %add3A_706 : vector<128x128xf32>
    %lt3A_708 = arith.cmpf olt, %add3A_707, %select_n3A_703 : vector<128x128xf32>
    %jit3A_709 = arith.constant 8 : i32
    %broadcast_in_dim3A_710 = vector.broadcast %jit3A_709 : i32 to vector<128x128xi32>
    %select_n3A_711 = arith.select %lt3A_708, %broadcast_in_dim3A_710, %select_n3A_702 : vector<128x128xi1>, vector<128x128xi32>
    %select_n3A_712 = arith.select %lt3A_708, %add3A_707, %select_n3A_703 : vector<128x128xi1>, vector<128x128xf32>
    %slice3A_713 = vector.extract_strided_slice %dot_general3A_15 {offsets = [128, 1152], sizes = [128, 128], strides = [1, 1]} : vector<1024x4096xf32> to vector<128x128xf32>
    %slice3A_714 = vector.extract_strided_slice %get3A_23 {offsets = [0, 1152], sizes = [1, 128], strides = [1, 1]} : vector<1x8192xf32> to vector<1x128xf32>
    %add3A_715 = vector.broadcast %slice3A_714 : vector<1x128xf32> to vector<128x128xf32>
    %add3A_716 = arith.addf %slice3A_713, %add3A_715 : vector<128x128xf32>
    %lt3A_717 = arith.cmpf olt, %add3A_716, %select_n3A_712 : vector<128x128xf32>
    %jit3A_718 = arith.constant 9 : i32
    %broadcast_in_dim3A_719 = vector.broadcast %jit3A_718 : i32 to vector<128x128xi32>
    %select_n3A_720 = arith.select %lt3A_717, %broadcast_in_dim3A_719, %select_n3A_711 : vector<128x128xi1>, vector<128x128xi32>
    %select_n3A_721 = arith.select %lt3A_717, %add3A_716, %select_n3A_712 : vector<128x128xi1>, vector<128x128xf32>
    %slice3A_722 = vector.extract_strided_slice %dot_general3A_15 {offsets = [128, 1280], sizes = [128, 128], strides = [1, 1]} : vector<1024x4096xf32> to vector<128x128xf32>
    %slice3A_723 = vector.extract_strided_slice %get3A_23 {offsets = [0, 1280], sizes = [1, 128], strides = [1, 1]} : vector<1x8192xf32> to vector<1x128xf32>
    %add3A_724 = vector.broadcast %slice3A_723 : vector<1x128xf32> to vector<128x128xf32>
    %add3A_725 = arith.addf %slice3A_722, %add3A_724 : vector<128x128xf32>
    %lt3A_726 = arith.cmpf olt, %add3A_725, %select_n3A_721 : vector<128x128xf32>
    %jit3A_727 = arith.constant 10 : i32
    %broadcast_in_dim3A_728 = vector.broadcast %jit3A_727 : i32 to vector<128x128xi32>
    %select_n3A_729 = arith.select %lt3A_726, %broadcast_in_dim3A_728, %select_n3A_720 : vector<128x128xi1>, vector<128x128xi32>
    %select_n3A_730 = arith.select %lt3A_726, %add3A_725, %select_n3A_721 : vector<128x128xi1>, vector<128x128xf32>
    %slice3A_731 = vector.extract_strided_slice %dot_general3A_15 {offsets = [128, 1408], sizes = [128, 128], strides = [1, 1]} : vector<1024x4096xf32> to vector<128x128xf32>
    %slice3A_732 = vector.extract_strided_slice %get3A_23 {offsets = [0, 1408], sizes = [1, 128], strides = [1, 1]} : vector<1x8192xf32> to vector<1x128xf32>
    %add3A_733 = vector.broadcast %slice3A_732 : vector<1x128xf32> to vector<128x128xf32>
    %add3A_734 = arith.addf %slice3A_731, %add3A_733 : vector<128x128xf32>
    %lt3A_735 = arith.cmpf olt, %add3A_734, %select_n3A_730 : vector<128x128xf32>
    %jit3A_736 = arith.constant 11 : i32
    %broadcast_in_dim3A_737 = vector.broadcast %jit3A_736 : i32 to vector<128x128xi32>
    %select_n3A_738 = arith.select %lt3A_735, %broadcast_in_dim3A_737, %select_n3A_729 : vector<128x128xi1>, vector<128x128xi32>
    %select_n3A_739 = arith.select %lt3A_735, %add3A_734, %select_n3A_730 : vector<128x128xi1>, vector<128x128xf32>
    %slice3A_740 = vector.extract_strided_slice %dot_general3A_15 {offsets = [128, 1536], sizes = [128, 128], strides = [1, 1]} : vector<1024x4096xf32> to vector<128x128xf32>
    %slice3A_741 = vector.extract_strided_slice %get3A_23 {offsets = [0, 1536], sizes = [1, 128], strides = [1, 1]} : vector<1x8192xf32> to vector<1x128xf32>
    %add3A_742 = vector.broadcast %slice3A_741 : vector<1x128xf32> to vector<128x128xf32>
    %add3A_743 = arith.addf %slice3A_740, %add3A_742 : vector<128x128xf32>
    %lt3A_744 = arith.cmpf olt, %add3A_743, %select_n3A_739 : vector<128x128xf32>
    %jit3A_745 = arith.constant 12 : i32
    %broadcast_in_dim3A_746 = vector.broadcast %jit3A_745 : i32 to vector<128x128xi32>
    %select_n3A_747 = arith.select %lt3A_744, %broadcast_in_dim3A_746, %select_n3A_738 : vector<128x128xi1>, vector<128x128xi32>
    %select_n3A_748 = arith.select %lt3A_744, %add3A_743, %select_n3A_739 : vector<128x128xi1>, vector<128x128xf32>
    %slice3A_749 = vector.extract_strided_slice %dot_general3A_15 {offsets = [128, 1664], sizes = [128, 128], strides = [1, 1]} : vector<1024x4096xf32> to vector<128x128xf32>
    %slice3A_750 = vector.extract_strided_slice %get3A_23 {offsets = [0, 1664], sizes = [1, 128], strides = [1, 1]} : vector<1x8192xf32> to vector<1x128xf32>
    %add3A_751 = vector.broadcast %slice3A_750 : vector<1x128xf32> to vector<128x128xf32>
    %add3A_752 = arith.addf %slice3A_749, %add3A_751 : vector<128x128xf32>
    %lt3A_753 = arith.cmpf olt, %add3A_752, %select_n3A_748 : vector<128x128xf32>
    %jit3A_754 = arith.constant 13 : i32
    %broadcast_in_dim3A_755 = vector.broadcast %jit3A_754 : i32 to vector<128x128xi32>
    %select_n3A_756 = arith.select %lt3A_753, %broadcast_in_dim3A_755, %select_n3A_747 : vector<128x128xi1>, vector<128x128xi32>
    %select_n3A_757 = arith.select %lt3A_753, %add3A_752, %select_n3A_748 : vector<128x128xi1>, vector<128x128xf32>
    %slice3A_758 = vector.extract_strided_slice %dot_general3A_15 {offsets = [128, 1792], sizes = [128, 128], strides = [1, 1]} : vector<1024x4096xf32> to vector<128x128xf32>
    %slice3A_759 = vector.extract_strided_slice %get3A_23 {offsets = [0, 1792], sizes = [1, 128], strides = [1, 1]} : vector<1x8192xf32> to vector<1x128xf32>
    %add3A_760 = vector.broadcast %slice3A_759 : vector<1x128xf32> to vector<128x128xf32>
    %add3A_761 = arith.addf %slice3A_758, %add3A_760 : vector<128x128xf32>
    %lt3A_762 = arith.cmpf olt, %add3A_761, %select_n3A_757 : vector<128x128xf32>
    %jit3A_763 = arith.constant 14 : i32
    %broadcast_in_dim3A_764 = vector.broadcast %jit3A_763 : i32 to vector<128x128xi32>
    %select_n3A_765 = arith.select %lt3A_762, %broadcast_in_dim3A_764, %select_n3A_756 : vector<128x128xi1>, vector<128x128xi32>
    %select_n3A_766 = arith.select %lt3A_762, %add3A_761, %select_n3A_757 : vector<128x128xi1>, vector<128x128xf32>
    %slice3A_767 = vector.extract_strided_slice %dot_general3A_15 {offsets = [128, 1920], sizes = [128, 128], strides = [1, 1]} : vector<1024x4096xf32> to vector<128x128xf32>
    %slice3A_768 = vector.extract_strided_slice %get3A_23 {offsets = [0, 1920], sizes = [1, 128], strides = [1, 1]} : vector<1x8192xf32> to vector<1x128xf32>
    %add3A_769 = vector.broadcast %slice3A_768 : vector<1x128xf32> to vector<128x128xf32>
    %add3A_770 = arith.addf %slice3A_767, %add3A_769 : vector<128x128xf32>
    %lt3A_771 = arith.cmpf olt, %add3A_770, %select_n3A_766 : vector<128x128xf32>
    %jit3A_772 = arith.constant 15 : i32
    %broadcast_in_dim3A_773 = vector.broadcast %jit3A_772 : i32 to vector<128x128xi32>
    %select_n3A_774 = arith.select %lt3A_771, %broadcast_in_dim3A_773, %select_n3A_765 : vector<128x128xi1>, vector<128x128xi32>
    %select_n3A_775 = arith.select %lt3A_771, %add3A_770, %select_n3A_766 : vector<128x128xi1>, vector<128x128xf32>
    %slice3A_776 = vector.extract_strided_slice %dot_general3A_15 {offsets = [128, 2048], sizes = [128, 128], strides = [1, 1]} : vector<1024x4096xf32> to vector<128x128xf32>
    %slice3A_777 = vector.extract_strided_slice %get3A_23 {offsets = [0, 2048], sizes = [1, 128], strides = [1, 1]} : vector<1x8192xf32> to vector<1x128xf32>
    %add3A_778 = vector.broadcast %slice3A_777 : vector<1x128xf32> to vector<128x128xf32>
    %add3A_779 = arith.addf %slice3A_776, %add3A_778 : vector<128x128xf32>
    %lt3A_780 = arith.cmpf olt, %add3A_779, %select_n3A_775 : vector<128x128xf32>
    %jit3A_781 = arith.constant 16 : i32
    %broadcast_in_dim3A_782 = vector.broadcast %jit3A_781 : i32 to vector<128x128xi32>
    %select_n3A_783 = arith.select %lt3A_780, %broadcast_in_dim3A_782, %select_n3A_774 : vector<128x128xi1>, vector<128x128xi32>
    %select_n3A_784 = arith.select %lt3A_780, %add3A_779, %select_n3A_775 : vector<128x128xi1>, vector<128x128xf32>
    %slice3A_785 = vector.extract_strided_slice %dot_general3A_15 {offsets = [128, 2176], sizes = [128, 128], strides = [1, 1]} : vector<1024x4096xf32> to vector<128x128xf32>
    %slice3A_786 = vector.extract_strided_slice %get3A_23 {offsets = [0, 2176], sizes = [1, 128], strides = [1, 1]} : vector<1x8192xf32> to vector<1x128xf32>
    %add3A_787 = vector.broadcast %slice3A_786 : vector<1x128xf32> to vector<128x128xf32>
    %add3A_788 = arith.addf %slice3A_785, %add3A_787 : vector<128x128xf32>
    %lt3A_789 = arith.cmpf olt, %add3A_788, %select_n3A_784 : vector<128x128xf32>
    %jit3A_790 = arith.constant 17 : i32
    %broadcast_in_dim3A_791 = vector.broadcast %jit3A_790 : i32 to vector<128x128xi32>
    %select_n3A_792 = arith.select %lt3A_789, %broadcast_in_dim3A_791, %select_n3A_783 : vector<128x128xi1>, vector<128x128xi32>
    %select_n3A_793 = arith.select %lt3A_789, %add3A_788, %select_n3A_784 : vector<128x128xi1>, vector<128x128xf32>
    %slice3A_794 = vector.extract_strided_slice %dot_general3A_15 {offsets = [128, 2304], sizes = [128, 128], strides = [1, 1]} : vector<1024x4096xf32> to vector<128x128xf32>
    %slice3A_795 = vector.extract_strided_slice %get3A_23 {offsets = [0, 2304], sizes = [1, 128], strides = [1, 1]} : vector<1x8192xf32> to vector<1x128xf32>
    %add3A_796 = vector.broadcast %slice3A_795 : vector<1x128xf32> to vector<128x128xf32>
    %add3A_797 = arith.addf %slice3A_794, %add3A_796 : vector<128x128xf32>
    %lt3A_798 = arith.cmpf olt, %add3A_797, %select_n3A_793 : vector<128x128xf32>
    %jit3A_799 = arith.constant 18 : i32
    %broadcast_in_dim3A_800 = vector.broadcast %jit3A_799 : i32 to vector<128x128xi32>
    %select_n3A_801 = arith.select %lt3A_798, %broadcast_in_dim3A_800, %select_n3A_792 : vector<128x128xi1>, vector<128x128xi32>
    %select_n3A_802 = arith.select %lt3A_798, %add3A_797, %select_n3A_793 : vector<128x128xi1>, vector<128x128xf32>
    %slice3A_803 = vector.extract_strided_slice %dot_general3A_15 {offsets = [128, 2432], sizes = [128, 128], strides = [1, 1]} : vector<1024x4096xf32> to vector<128x128xf32>
    %slice3A_804 = vector.extract_strided_slice %get3A_23 {offsets = [0, 2432], sizes = [1, 128], strides = [1, 1]} : vector<1x8192xf32> to vector<1x128xf32>
    %add3A_805 = vector.broadcast %slice3A_804 : vector<1x128xf32> to vector<128x128xf32>
    %add3A_806 = arith.addf %slice3A_803, %add3A_805 : vector<128x128xf32>
    %lt3A_807 = arith.cmpf olt, %add3A_806, %select_n3A_802 : vector<128x128xf32>
    %jit3A_808 = arith.constant 19 : i32
    %broadcast_in_dim3A_809 = vector.broadcast %jit3A_808 : i32 to vector<128x128xi32>
    %select_n3A_810 = arith.select %lt3A_807, %broadcast_in_dim3A_809, %select_n3A_801 : vector<128x128xi1>, vector<128x128xi32>
    %select_n3A_811 = arith.select %lt3A_807, %add3A_806, %select_n3A_802 : vector<128x128xi1>, vector<128x128xf32>
    %slice3A_812 = vector.extract_strided_slice %dot_general3A_15 {offsets = [128, 2560], sizes = [128, 128], strides = [1, 1]} : vector<1024x4096xf32> to vector<128x128xf32>
    %slice3A_813 = vector.extract_strided_slice %get3A_23 {offsets = [0, 2560], sizes = [1, 128], strides = [1, 1]} : vector<1x8192xf32> to vector<1x128xf32>
    %add3A_814 = vector.broadcast %slice3A_813 : vector<1x128xf32> to vector<128x128xf32>
    %add3A_815 = arith.addf %slice3A_812, %add3A_814 : vector<128x128xf32>
    %lt3A_816 = arith.cmpf olt, %add3A_815, %select_n3A_811 : vector<128x128xf32>
    %jit3A_817 = arith.constant 20 : i32
    %broadcast_in_dim3A_818 = vector.broadcast %jit3A_817 : i32 to vector<128x128xi32>
    %select_n3A_819 = arith.select %lt3A_816, %broadcast_in_dim3A_818, %select_n3A_810 : vector<128x128xi1>, vector<128x128xi32>
    %select_n3A_820 = arith.select %lt3A_816, %add3A_815, %select_n3A_811 : vector<128x128xi1>, vector<128x128xf32>
    %slice3A_821 = vector.extract_strided_slice %dot_general3A_15 {offsets = [128, 2688], sizes = [128, 128], strides = [1, 1]} : vector<1024x4096xf32> to vector<128x128xf32>
    %slice3A_822 = vector.extract_strided_slice %get3A_23 {offsets = [0, 2688], sizes = [1, 128], strides = [1, 1]} : vector<1x8192xf32> to vector<1x128xf32>
    %add3A_823 = vector.broadcast %slice3A_822 : vector<1x128xf32> to vector<128x128xf32>
    %add3A_824 = arith.addf %slice3A_821, %add3A_823 : vector<128x128xf32>
    %lt3A_825 = arith.cmpf olt, %add3A_824, %select_n3A_820 : vector<128x128xf32>
    %jit3A_826 = arith.constant 21 : i32
    %broadcast_in_dim3A_827 = vector.broadcast %jit3A_826 : i32 to vector<128x128xi32>
    %select_n3A_828 = arith.select %lt3A_825, %broadcast_in_dim3A_827, %select_n3A_819 : vector<128x128xi1>, vector<128x128xi32>
    %select_n3A_829 = arith.select %lt3A_825, %add3A_824, %select_n3A_820 : vector<128x128xi1>, vector<128x128xf32>
    %slice3A_830 = vector.extract_strided_slice %dot_general3A_15 {offsets = [128, 2816], sizes = [128, 128], strides = [1, 1]} : vector<1024x4096xf32> to vector<128x128xf32>
    %slice3A_831 = vector.extract_strided_slice %get3A_23 {offsets = [0, 2816], sizes = [1, 128], strides = [1, 1]} : vector<1x8192xf32> to vector<1x128xf32>
    %add3A_832 = vector.broadcast %slice3A_831 : vector<1x128xf32> to vector<128x128xf32>
    %add3A_833 = arith.addf %slice3A_830, %add3A_832 : vector<128x128xf32>
    %lt3A_834 = arith.cmpf olt, %add3A_833, %select_n3A_829 : vector<128x128xf32>
    %jit3A_835 = arith.constant 22 : i32
    %broadcast_in_dim3A_836 = vector.broadcast %jit3A_835 : i32 to vector<128x128xi32>
    %select_n3A_837 = arith.select %lt3A_834, %broadcast_in_dim3A_836, %select_n3A_828 : vector<128x128xi1>, vector<128x128xi32>
    %select_n3A_838 = arith.select %lt3A_834, %add3A_833, %select_n3A_829 : vector<128x128xi1>, vector<128x128xf32>
    %slice3A_839 = vector.extract_strided_slice %dot_general3A_15 {offsets = [128, 2944], sizes = [128, 128], strides = [1, 1]} : vector<1024x4096xf32> to vector<128x128xf32>
    %slice3A_840 = vector.extract_strided_slice %get3A_23 {offsets = [0, 2944], sizes = [1, 128], strides = [1, 1]} : vector<1x8192xf32> to vector<1x128xf32>
    %add3A_841 = vector.broadcast %slice3A_840 : vector<1x128xf32> to vector<128x128xf32>
    %add3A_842 = arith.addf %slice3A_839, %add3A_841 : vector<128x128xf32>
    %lt3A_843 = arith.cmpf olt, %add3A_842, %select_n3A_838 : vector<128x128xf32>
    %jit3A_844 = arith.constant 23 : i32
    %broadcast_in_dim3A_845 = vector.broadcast %jit3A_844 : i32 to vector<128x128xi32>
    %select_n3A_846 = arith.select %lt3A_843, %broadcast_in_dim3A_845, %select_n3A_837 : vector<128x128xi1>, vector<128x128xi32>
    %select_n3A_847 = arith.select %lt3A_843, %add3A_842, %select_n3A_838 : vector<128x128xi1>, vector<128x128xf32>
    %slice3A_848 = vector.extract_strided_slice %dot_general3A_15 {offsets = [128, 3072], sizes = [128, 128], strides = [1, 1]} : vector<1024x4096xf32> to vector<128x128xf32>
    %slice3A_849 = vector.extract_strided_slice %get3A_23 {offsets = [0, 3072], sizes = [1, 128], strides = [1, 1]} : vector<1x8192xf32> to vector<1x128xf32>
    %add3A_850 = vector.broadcast %slice3A_849 : vector<1x128xf32> to vector<128x128xf32>
    %add3A_851 = arith.addf %slice3A_848, %add3A_850 : vector<128x128xf32>
    %lt3A_852 = arith.cmpf olt, %add3A_851, %select_n3A_847 : vector<128x128xf32>
    %jit3A_853 = arith.constant 24 : i32
    %broadcast_in_dim3A_854 = vector.broadcast %jit3A_853 : i32 to vector<128x128xi32>
    %select_n3A_855 = arith.select %lt3A_852, %broadcast_in_dim3A_854, %select_n3A_846 : vector<128x128xi1>, vector<128x128xi32>
    %select_n3A_856 = arith.select %lt3A_852, %add3A_851, %select_n3A_847 : vector<128x128xi1>, vector<128x128xf32>
    %slice3A_857 = vector.extract_strided_slice %dot_general3A_15 {offsets = [128, 3200], sizes = [128, 128], strides = [1, 1]} : vector<1024x4096xf32> to vector<128x128xf32>
    %slice3A_858 = vector.extract_strided_slice %get3A_23 {offsets = [0, 3200], sizes = [1, 128], strides = [1, 1]} : vector<1x8192xf32> to vector<1x128xf32>
    %add3A_859 = vector.broadcast %slice3A_858 : vector<1x128xf32> to vector<128x128xf32>
    %add3A_860 = arith.addf %slice3A_857, %add3A_859 : vector<128x128xf32>
    %lt3A_861 = arith.cmpf olt, %add3A_860, %select_n3A_856 : vector<128x128xf32>
    %jit3A_862 = arith.constant 25 : i32
    %broadcast_in_dim3A_863 = vector.broadcast %jit3A_862 : i32 to vector<128x128xi32>
    %select_n3A_864 = arith.select %lt3A_861, %broadcast_in_dim3A_863, %select_n3A_855 : vector<128x128xi1>, vector<128x128xi32>
    %select_n3A_865 = arith.select %lt3A_861, %add3A_860, %select_n3A_856 : vector<128x128xi1>, vector<128x128xf32>
    %slice3A_866 = vector.extract_strided_slice %dot_general3A_15 {offsets = [128, 3328], sizes = [128, 128], strides = [1, 1]} : vector<1024x4096xf32> to vector<128x128xf32>
    %slice3A_867 = vector.extract_strided_slice %get3A_23 {offsets = [0, 3328], sizes = [1, 128], strides = [1, 1]} : vector<1x8192xf32> to vector<1x128xf32>
    %add3A_868 = vector.broadcast %slice3A_867 : vector<1x128xf32> to vector<128x128xf32>
    %add3A_869 = arith.addf %slice3A_866, %add3A_868 : vector<128x128xf32>
    %lt3A_870 = arith.cmpf olt, %add3A_869, %select_n3A_865 : vector<128x128xf32>
    %jit3A_871 = arith.constant 26 : i32
    %broadcast_in_dim3A_872 = vector.broadcast %jit3A_871 : i32 to vector<128x128xi32>
    %select_n3A_873 = arith.select %lt3A_870, %broadcast_in_dim3A_872, %select_n3A_864 : vector<128x128xi1>, vector<128x128xi32>
    %select_n3A_874 = arith.select %lt3A_870, %add3A_869, %select_n3A_865 : vector<128x128xi1>, vector<128x128xf32>
    %slice3A_875 = vector.extract_strided_slice %dot_general3A_15 {offsets = [128, 3456], sizes = [128, 128], strides = [1, 1]} : vector<1024x4096xf32> to vector<128x128xf32>
    %slice3A_876 = vector.extract_strided_slice %get3A_23 {offsets = [0, 3456], sizes = [1, 128], strides = [1, 1]} : vector<1x8192xf32> to vector<1x128xf32>
    %add3A_877 = vector.broadcast %slice3A_876 : vector<1x128xf32> to vector<128x128xf32>
    %add3A_878 = arith.addf %slice3A_875, %add3A_877 : vector<128x128xf32>
    %lt3A_879 = arith.cmpf olt, %add3A_878, %select_n3A_874 : vector<128x128xf32>
    %jit3A_880 = arith.constant 27 : i32
    %broadcast_in_dim3A_881 = vector.broadcast %jit3A_880 : i32 to vector<128x128xi32>
    %select_n3A_882 = arith.select %lt3A_879, %broadcast_in_dim3A_881, %select_n3A_873 : vector<128x128xi1>, vector<128x128xi32>
    %select_n3A_883 = arith.select %lt3A_879, %add3A_878, %select_n3A_874 : vector<128x128xi1>, vector<128x128xf32>
    %slice3A_884 = vector.extract_strided_slice %dot_general3A_15 {offsets = [128, 3584], sizes = [128, 128], strides = [1, 1]} : vector<1024x4096xf32> to vector<128x128xf32>
    %slice3A_885 = vector.extract_strided_slice %get3A_23 {offsets = [0, 3584], sizes = [1, 128], strides = [1, 1]} : vector<1x8192xf32> to vector<1x128xf32>
    %add3A_886 = vector.broadcast %slice3A_885 : vector<1x128xf32> to vector<128x128xf32>
    %add3A_887 = arith.addf %slice3A_884, %add3A_886 : vector<128x128xf32>
    %lt3A_888 = arith.cmpf olt, %add3A_887, %select_n3A_883 : vector<128x128xf32>
    %jit3A_889 = arith.constant 28 : i32
    %broadcast_in_dim3A_890 = vector.broadcast %jit3A_889 : i32 to vector<128x128xi32>
    %select_n3A_891 = arith.select %lt3A_888, %broadcast_in_dim3A_890, %select_n3A_882 : vector<128x128xi1>, vector<128x128xi32>
    %select_n3A_892 = arith.select %lt3A_888, %add3A_887, %select_n3A_883 : vector<128x128xi1>, vector<128x128xf32>
    %slice3A_893 = vector.extract_strided_slice %dot_general3A_15 {offsets = [128, 3712], sizes = [128, 128], strides = [1, 1]} : vector<1024x4096xf32> to vector<128x128xf32>
    %slice3A_894 = vector.extract_strided_slice %get3A_23 {offsets = [0, 3712], sizes = [1, 128], strides = [1, 1]} : vector<1x8192xf32> to vector<1x128xf32>
    %add3A_895 = vector.broadcast %slice3A_894 : vector<1x128xf32> to vector<128x128xf32>
    %add3A_896 = arith.addf %slice3A_893, %add3A_895 : vector<128x128xf32>
    %lt3A_897 = arith.cmpf olt, %add3A_896, %select_n3A_892 : vector<128x128xf32>
    %jit3A_898 = arith.constant 29 : i32
    %broadcast_in_dim3A_899 = vector.broadcast %jit3A_898 : i32 to vector<128x128xi32>
    %select_n3A_900 = arith.select %lt3A_897, %broadcast_in_dim3A_899, %select_n3A_891 : vector<128x128xi1>, vector<128x128xi32>
    %select_n3A_901 = arith.select %lt3A_897, %add3A_896, %select_n3A_892 : vector<128x128xi1>, vector<128x128xf32>
    %slice3A_902 = vector.extract_strided_slice %dot_general3A_15 {offsets = [128, 3840], sizes = [128, 128], strides = [1, 1]} : vector<1024x4096xf32> to vector<128x128xf32>
    %slice3A_903 = vector.extract_strided_slice %get3A_23 {offsets = [0, 3840], sizes = [1, 128], strides = [1, 1]} : vector<1x8192xf32> to vector<1x128xf32>
    %add3A_904 = vector.broadcast %slice3A_903 : vector<1x128xf32> to vector<128x128xf32>
    %add3A_905 = arith.addf %slice3A_902, %add3A_904 : vector<128x128xf32>
    %lt3A_906 = arith.cmpf olt, %add3A_905, %select_n3A_901 : vector<128x128xf32>
    %jit3A_907 = arith.constant 30 : i32
    %broadcast_in_dim3A_908 = vector.broadcast %jit3A_907 : i32 to vector<128x128xi32>
    %select_n3A_909 = arith.select %lt3A_906, %broadcast_in_dim3A_908, %select_n3A_900 : vector<128x128xi1>, vector<128x128xi32>
    %select_n3A_910 = arith.select %lt3A_906, %add3A_905, %select_n3A_901 : vector<128x128xi1>, vector<128x128xf32>
    %slice3A_911 = vector.extract_strided_slice %dot_general3A_15 {offsets = [128, 3968], sizes = [128, 128], strides = [1, 1]} : vector<1024x4096xf32> to vector<128x128xf32>
    %slice3A_912 = vector.extract_strided_slice %get3A_23 {offsets = [0, 3968], sizes = [1, 128], strides = [1, 1]} : vector<1x8192xf32> to vector<1x128xf32>
    %add3A_913 = vector.broadcast %slice3A_912 : vector<1x128xf32> to vector<128x128xf32>
    %add3A_914 = arith.addf %slice3A_911, %add3A_913 : vector<128x128xf32>
    %lt3A_915 = arith.cmpf olt, %add3A_914, %select_n3A_910 : vector<128x128xf32>
    %jit3A_916 = arith.constant 31 : i32
    %broadcast_in_dim3A_917 = vector.broadcast %jit3A_916 : i32 to vector<128x128xi32>
    %select_n3A_918 = arith.select %lt3A_915, %broadcast_in_dim3A_917, %select_n3A_909 : vector<128x128xi1>, vector<128x128xi32>
    %select_n3A_919 = arith.select %lt3A_915, %add3A_914, %select_n3A_910 : vector<128x128xi1>, vector<128x128xf32>
    %reduce_min3A_920 = arith.constant dense<0x7F800000> : vector<128xf32>
    %reduce_min3A_921 = vector.multi_reduction <minimumf>, %select_n3A_919, %reduce_min3A_920 [1] : vector<128x128xf32> to vector<128xf32>
    %broadcast_in_dim3A_922 = vector.shape_cast %reduce_min3A_921 : vector<128xf32> to vector<128x1xf32>
    %mul3A_923 = arith.constant 128 : i32
    %mul3A_924 = vector.broadcast %mul3A_923 : i32 to vector<128x128xi32>
    %mul3A_925 = arith.muli %select_n3A_918, %mul3A_924 : vector<128x128xi32>
    %add3A_926 = arith.addi %mul3A_925, %iota3A : vector<128x128xi32>
    %eq3A_927 = vector.broadcast %broadcast_in_dim3A_922 : vector<128x1xf32> to vector<128x128xf32>
    %eq3A_928 = arith.cmpf oeq, %select_n3A_919, %eq3A_927 : vector<128x128xf32>
    %jit3A_929 = arith.constant 8192 : i32
    %broadcast_in_dim3A_930 = vector.broadcast %jit3A_929 : i32 to vector<128x128xi32>
    %select_n3A_931 = arith.select %eq3A_928, %add3A_926, %broadcast_in_dim3A_930 : vector<128x128xi1>, vector<128x128xi32>
    %reduce_min3A_932 = arith.constant dense<2147483647> : vector<128xi32>
    %reduce_min3A_933 = vector.multi_reduction <minsi>, %select_n3A_931, %reduce_min3A_932 [1] : vector<128x128xi32> to vector<128xi32>
    %squeeze3A_934 = vector.shape_cast %broadcast_in_dim3A_922 : vector<128x1xf32> to vector<128xf32>
    %slice3A_935 = vector.extract_strided_slice %dot_general3A_18 {offsets = [128, 0], sizes = [128, 128], strides = [1, 1]} : vector<1024x4096xf32> to vector<128x128xf32>
    %slice3A_936 = vector.extract_strided_slice %get3A_23 {offsets = [0, 4096], sizes = [1, 128], strides = [1, 1]} : vector<1x8192xf32> to vector<1x128xf32>
    %add3A_937 = vector.broadcast %slice3A_936 : vector<1x128xf32> to vector<128x128xf32>
    %add3A_938 = arith.addf %slice3A_935, %add3A_937 : vector<128x128xf32>
    %broadcast_in_dim3A_939 = arith.constant 0 : i32
    %broadcast_in_dim3A_940 = vector.broadcast %broadcast_in_dim3A_939 : i32 to vector<128x128xi32>
    %slice3A_941 = vector.extract_strided_slice %dot_general3A_18 {offsets = [128, 128], sizes = [128, 128], strides = [1, 1]} : vector<1024x4096xf32> to vector<128x128xf32>
    %slice3A_942 = vector.extract_strided_slice %get3A_23 {offsets = [0, 4224], sizes = [1, 128], strides = [1, 1]} : vector<1x8192xf32> to vector<1x128xf32>
    %add3A_943 = vector.broadcast %slice3A_942 : vector<1x128xf32> to vector<128x128xf32>
    %add3A_944 = arith.addf %slice3A_941, %add3A_943 : vector<128x128xf32>
    %lt3A_945 = arith.cmpf olt, %add3A_944, %add3A_938 : vector<128x128xf32>
    %jit3A_946 = arith.constant 1 : i32
    %broadcast_in_dim3A_947 = vector.broadcast %jit3A_946 : i32 to vector<128x128xi32>
    %select_n3A_948 = arith.select %lt3A_945, %broadcast_in_dim3A_947, %broadcast_in_dim3A_940 : vector<128x128xi1>, vector<128x128xi32>
    %select_n3A_949 = arith.select %lt3A_945, %add3A_944, %add3A_938 : vector<128x128xi1>, vector<128x128xf32>
    %slice3A_950 = vector.extract_strided_slice %dot_general3A_18 {offsets = [128, 256], sizes = [128, 128], strides = [1, 1]} : vector<1024x4096xf32> to vector<128x128xf32>
    %slice3A_951 = vector.extract_strided_slice %get3A_23 {offsets = [0, 4352], sizes = [1, 128], strides = [1, 1]} : vector<1x8192xf32> to vector<1x128xf32>
    %add3A_952 = vector.broadcast %slice3A_951 : vector<1x128xf32> to vector<128x128xf32>
    %add3A_953 = arith.addf %slice3A_950, %add3A_952 : vector<128x128xf32>
    %lt3A_954 = arith.cmpf olt, %add3A_953, %select_n3A_949 : vector<128x128xf32>
    %jit3A_955 = arith.constant 2 : i32
    %broadcast_in_dim3A_956 = vector.broadcast %jit3A_955 : i32 to vector<128x128xi32>
    %select_n3A_957 = arith.select %lt3A_954, %broadcast_in_dim3A_956, %select_n3A_948 : vector<128x128xi1>, vector<128x128xi32>
    %select_n3A_958 = arith.select %lt3A_954, %add3A_953, %select_n3A_949 : vector<128x128xi1>, vector<128x128xf32>
    %slice3A_959 = vector.extract_strided_slice %dot_general3A_18 {offsets = [128, 384], sizes = [128, 128], strides = [1, 1]} : vector<1024x4096xf32> to vector<128x128xf32>
    %slice3A_960 = vector.extract_strided_slice %get3A_23 {offsets = [0, 4480], sizes = [1, 128], strides = [1, 1]} : vector<1x8192xf32> to vector<1x128xf32>
    %add3A_961 = vector.broadcast %slice3A_960 : vector<1x128xf32> to vector<128x128xf32>
    %add3A_962 = arith.addf %slice3A_959, %add3A_961 : vector<128x128xf32>
    %lt3A_963 = arith.cmpf olt, %add3A_962, %select_n3A_958 : vector<128x128xf32>
    %jit3A_964 = arith.constant 3 : i32
    %broadcast_in_dim3A_965 = vector.broadcast %jit3A_964 : i32 to vector<128x128xi32>
    %select_n3A_966 = arith.select %lt3A_963, %broadcast_in_dim3A_965, %select_n3A_957 : vector<128x128xi1>, vector<128x128xi32>
    %select_n3A_967 = arith.select %lt3A_963, %add3A_962, %select_n3A_958 : vector<128x128xi1>, vector<128x128xf32>
    %slice3A_968 = vector.extract_strided_slice %dot_general3A_18 {offsets = [128, 512], sizes = [128, 128], strides = [1, 1]} : vector<1024x4096xf32> to vector<128x128xf32>
    %slice3A_969 = vector.extract_strided_slice %get3A_23 {offsets = [0, 4608], sizes = [1, 128], strides = [1, 1]} : vector<1x8192xf32> to vector<1x128xf32>
    %add3A_970 = vector.broadcast %slice3A_969 : vector<1x128xf32> to vector<128x128xf32>
    %add3A_971 = arith.addf %slice3A_968, %add3A_970 : vector<128x128xf32>
    %lt3A_972 = arith.cmpf olt, %add3A_971, %select_n3A_967 : vector<128x128xf32>
    %jit3A_973 = arith.constant 4 : i32
    %broadcast_in_dim3A_974 = vector.broadcast %jit3A_973 : i32 to vector<128x128xi32>
    %select_n3A_975 = arith.select %lt3A_972, %broadcast_in_dim3A_974, %select_n3A_966 : vector<128x128xi1>, vector<128x128xi32>
    %select_n3A_976 = arith.select %lt3A_972, %add3A_971, %select_n3A_967 : vector<128x128xi1>, vector<128x128xf32>
    %slice3A_977 = vector.extract_strided_slice %dot_general3A_18 {offsets = [128, 640], sizes = [128, 128], strides = [1, 1]} : vector<1024x4096xf32> to vector<128x128xf32>
    %slice3A_978 = vector.extract_strided_slice %get3A_23 {offsets = [0, 4736], sizes = [1, 128], strides = [1, 1]} : vector<1x8192xf32> to vector<1x128xf32>
    %add3A_979 = vector.broadcast %slice3A_978 : vector<1x128xf32> to vector<128x128xf32>
    %add3A_980 = arith.addf %slice3A_977, %add3A_979 : vector<128x128xf32>
    %lt3A_981 = arith.cmpf olt, %add3A_980, %select_n3A_976 : vector<128x128xf32>
    %jit3A_982 = arith.constant 5 : i32
    %broadcast_in_dim3A_983 = vector.broadcast %jit3A_982 : i32 to vector<128x128xi32>
    %select_n3A_984 = arith.select %lt3A_981, %broadcast_in_dim3A_983, %select_n3A_975 : vector<128x128xi1>, vector<128x128xi32>
    %select_n3A_985 = arith.select %lt3A_981, %add3A_980, %select_n3A_976 : vector<128x128xi1>, vector<128x128xf32>
    %slice3A_986 = vector.extract_strided_slice %dot_general3A_18 {offsets = [128, 768], sizes = [128, 128], strides = [1, 1]} : vector<1024x4096xf32> to vector<128x128xf32>
    %slice3A_987 = vector.extract_strided_slice %get3A_23 {offsets = [0, 4864], sizes = [1, 128], strides = [1, 1]} : vector<1x8192xf32> to vector<1x128xf32>
    %add3A_988 = vector.broadcast %slice3A_987 : vector<1x128xf32> to vector<128x128xf32>
    %add3A_989 = arith.addf %slice3A_986, %add3A_988 : vector<128x128xf32>
    %lt3A_990 = arith.cmpf olt, %add3A_989, %select_n3A_985 : vector<128x128xf32>
    %jit3A_991 = arith.constant 6 : i32
    %broadcast_in_dim3A_992 = vector.broadcast %jit3A_991 : i32 to vector<128x128xi32>
    %select_n3A_993 = arith.select %lt3A_990, %broadcast_in_dim3A_992, %select_n3A_984 : vector<128x128xi1>, vector<128x128xi32>
    %select_n3A_994 = arith.select %lt3A_990, %add3A_989, %select_n3A_985 : vector<128x128xi1>, vector<128x128xf32>
    %slice3A_995 = vector.extract_strided_slice %dot_general3A_18 {offsets = [128, 896], sizes = [128, 128], strides = [1, 1]} : vector<1024x4096xf32> to vector<128x128xf32>
    %slice3A_996 = vector.extract_strided_slice %get3A_23 {offsets = [0, 4992], sizes = [1, 128], strides = [1, 1]} : vector<1x8192xf32> to vector<1x128xf32>
    %add3A_997 = vector.broadcast %slice3A_996 : vector<1x128xf32> to vector<128x128xf32>
    %add3A_998 = arith.addf %slice3A_995, %add3A_997 : vector<128x128xf32>
    %lt3A_999 = arith.cmpf olt, %add3A_998, %select_n3A_994 : vector<128x128xf32>
    %jit3A_1000 = arith.constant 7 : i32
    %broadcast_in_dim3A_1001 = vector.broadcast %jit3A_1000 : i32 to vector<128x128xi32>
    %select_n3A_1002 = arith.select %lt3A_999, %broadcast_in_dim3A_1001, %select_n3A_993 : vector<128x128xi1>, vector<128x128xi32>
    %select_n3A_1003 = arith.select %lt3A_999, %add3A_998, %select_n3A_994 : vector<128x128xi1>, vector<128x128xf32>
    %slice3A_1004 = vector.extract_strided_slice %dot_general3A_18 {offsets = [128, 1024], sizes = [128, 128], strides = [1, 1]} : vector<1024x4096xf32> to vector<128x128xf32>
    %slice3A_1005 = vector.extract_strided_slice %get3A_23 {offsets = [0, 5120], sizes = [1, 128], strides = [1, 1]} : vector<1x8192xf32> to vector<1x128xf32>
    %add3A_1006 = vector.broadcast %slice3A_1005 : vector<1x128xf32> to vector<128x128xf32>
    %add3A_1007 = arith.addf %slice3A_1004, %add3A_1006 : vector<128x128xf32>
    %lt3A_1008 = arith.cmpf olt, %add3A_1007, %select_n3A_1003 : vector<128x128xf32>
    %jit3A_1009 = arith.constant 8 : i32
    %broadcast_in_dim3A_1010 = vector.broadcast %jit3A_1009 : i32 to vector<128x128xi32>
    %select_n3A_1011 = arith.select %lt3A_1008, %broadcast_in_dim3A_1010, %select_n3A_1002 : vector<128x128xi1>, vector<128x128xi32>
    %select_n3A_1012 = arith.select %lt3A_1008, %add3A_1007, %select_n3A_1003 : vector<128x128xi1>, vector<128x128xf32>
    %slice3A_1013 = vector.extract_strided_slice %dot_general3A_18 {offsets = [128, 1152], sizes = [128, 128], strides = [1, 1]} : vector<1024x4096xf32> to vector<128x128xf32>
    %slice3A_1014 = vector.extract_strided_slice %get3A_23 {offsets = [0, 5248], sizes = [1, 128], strides = [1, 1]} : vector<1x8192xf32> to vector<1x128xf32>
    %add3A_1015 = vector.broadcast %slice3A_1014 : vector<1x128xf32> to vector<128x128xf32>
    %add3A_1016 = arith.addf %slice3A_1013, %add3A_1015 : vector<128x128xf32>
    %lt3A_1017 = arith.cmpf olt, %add3A_1016, %select_n3A_1012 : vector<128x128xf32>
    %jit3A_1018 = arith.constant 9 : i32
    %broadcast_in_dim3A_1019 = vector.broadcast %jit3A_1018 : i32 to vector<128x128xi32>
    %select_n3A_1020 = arith.select %lt3A_1017, %broadcast_in_dim3A_1019, %select_n3A_1011 : vector<128x128xi1>, vector<128x128xi32>
    %select_n3A_1021 = arith.select %lt3A_1017, %add3A_1016, %select_n3A_1012 : vector<128x128xi1>, vector<128x128xf32>
    %slice3A_1022 = vector.extract_strided_slice %dot_general3A_18 {offsets = [128, 1280], sizes = [128, 128], strides = [1, 1]} : vector<1024x4096xf32> to vector<128x128xf32>
    %slice3A_1023 = vector.extract_strided_slice %get3A_23 {offsets = [0, 5376], sizes = [1, 128], strides = [1, 1]} : vector<1x8192xf32> to vector<1x128xf32>
    %add3A_1024 = vector.broadcast %slice3A_1023 : vector<1x128xf32> to vector<128x128xf32>
    %add3A_1025 = arith.addf %slice3A_1022, %add3A_1024 : vector<128x128xf32>
    %lt3A_1026 = arith.cmpf olt, %add3A_1025, %select_n3A_1021 : vector<128x128xf32>
    %jit3A_1027 = arith.constant 10 : i32
    %broadcast_in_dim3A_1028 = vector.broadcast %jit3A_1027 : i32 to vector<128x128xi32>
    %select_n3A_1029 = arith.select %lt3A_1026, %broadcast_in_dim3A_1028, %select_n3A_1020 : vector<128x128xi1>, vector<128x128xi32>
    %select_n3A_1030 = arith.select %lt3A_1026, %add3A_1025, %select_n3A_1021 : vector<128x128xi1>, vector<128x128xf32>
    %slice3A_1031 = vector.extract_strided_slice %dot_general3A_18 {offsets = [128, 1408], sizes = [128, 128], strides = [1, 1]} : vector<1024x4096xf32> to vector<128x128xf32>
    %slice3A_1032 = vector.extract_strided_slice %get3A_23 {offsets = [0, 5504], sizes = [1, 128], strides = [1, 1]} : vector<1x8192xf32> to vector<1x128xf32>
    %add3A_1033 = vector.broadcast %slice3A_1032 : vector<1x128xf32> to vector<128x128xf32>
    %add3A_1034 = arith.addf %slice3A_1031, %add3A_1033 : vector<128x128xf32>
    %lt3A_1035 = arith.cmpf olt, %add3A_1034, %select_n3A_1030 : vector<128x128xf32>
    %jit3A_1036 = arith.constant 11 : i32
    %broadcast_in_dim3A_1037 = vector.broadcast %jit3A_1036 : i32 to vector<128x128xi32>
    %select_n3A_1038 = arith.select %lt3A_1035, %broadcast_in_dim3A_1037, %select_n3A_1029 : vector<128x128xi1>, vector<128x128xi32>
    %select_n3A_1039 = arith.select %lt3A_1035, %add3A_1034, %select_n3A_1030 : vector<128x128xi1>, vector<128x128xf32>
    %slice3A_1040 = vector.extract_strided_slice %dot_general3A_18 {offsets = [128, 1536], sizes = [128, 128], strides = [1, 1]} : vector<1024x4096xf32> to vector<128x128xf32>
    %slice3A_1041 = vector.extract_strided_slice %get3A_23 {offsets = [0, 5632], sizes = [1, 128], strides = [1, 1]} : vector<1x8192xf32> to vector<1x128xf32>
    %add3A_1042 = vector.broadcast %slice3A_1041 : vector<1x128xf32> to vector<128x128xf32>
    %add3A_1043 = arith.addf %slice3A_1040, %add3A_1042 : vector<128x128xf32>
    %lt3A_1044 = arith.cmpf olt, %add3A_1043, %select_n3A_1039 : vector<128x128xf32>
    %jit3A_1045 = arith.constant 12 : i32
    %broadcast_in_dim3A_1046 = vector.broadcast %jit3A_1045 : i32 to vector<128x128xi32>
    %select_n3A_1047 = arith.select %lt3A_1044, %broadcast_in_dim3A_1046, %select_n3A_1038 : vector<128x128xi1>, vector<128x128xi32>
    %select_n3A_1048 = arith.select %lt3A_1044, %add3A_1043, %select_n3A_1039 : vector<128x128xi1>, vector<128x128xf32>
    %slice3A_1049 = vector.extract_strided_slice %dot_general3A_18 {offsets = [128, 1664], sizes = [128, 128], strides = [1, 1]} : vector<1024x4096xf32> to vector<128x128xf32>
    %slice3A_1050 = vector.extract_strided_slice %get3A_23 {offsets = [0, 5760], sizes = [1, 128], strides = [1, 1]} : vector<1x8192xf32> to vector<1x128xf32>
    %add3A_1051 = vector.broadcast %slice3A_1050 : vector<1x128xf32> to vector<128x128xf32>
    %add3A_1052 = arith.addf %slice3A_1049, %add3A_1051 : vector<128x128xf32>
    %lt3A_1053 = arith.cmpf olt, %add3A_1052, %select_n3A_1048 : vector<128x128xf32>
    %jit3A_1054 = arith.constant 13 : i32
    %broadcast_in_dim3A_1055 = vector.broadcast %jit3A_1054 : i32 to vector<128x128xi32>
    %select_n3A_1056 = arith.select %lt3A_1053, %broadcast_in_dim3A_1055, %select_n3A_1047 : vector<128x128xi1>, vector<128x128xi32>
    %select_n3A_1057 = arith.select %lt3A_1053, %add3A_1052, %select_n3A_1048 : vector<128x128xi1>, vector<128x128xf32>
    %slice3A_1058 = vector.extract_strided_slice %dot_general3A_18 {offsets = [128, 1792], sizes = [128, 128], strides = [1, 1]} : vector<1024x4096xf32> to vector<128x128xf32>
    %slice3A_1059 = vector.extract_strided_slice %get3A_23 {offsets = [0, 5888], sizes = [1, 128], strides = [1, 1]} : vector<1x8192xf32> to vector<1x128xf32>
    %add3A_1060 = vector.broadcast %slice3A_1059 : vector<1x128xf32> to vector<128x128xf32>
    %add3A_1061 = arith.addf %slice3A_1058, %add3A_1060 : vector<128x128xf32>
    %lt3A_1062 = arith.cmpf olt, %add3A_1061, %select_n3A_1057 : vector<128x128xf32>
    %jit3A_1063 = arith.constant 14 : i32
    %broadcast_in_dim3A_1064 = vector.broadcast %jit3A_1063 : i32 to vector<128x128xi32>
    %select_n3A_1065 = arith.select %lt3A_1062, %broadcast_in_dim3A_1064, %select_n3A_1056 : vector<128x128xi1>, vector<128x128xi32>
    %select_n3A_1066 = arith.select %lt3A_1062, %add3A_1061, %select_n3A_1057 : vector<128x128xi1>, vector<128x128xf32>
    %slice3A_1067 = vector.extract_strided_slice %dot_general3A_18 {offsets = [128, 1920], sizes = [128, 128], strides = [1, 1]} : vector<1024x4096xf32> to vector<128x128xf32>
    %slice3A_1068 = vector.extract_strided_slice %get3A_23 {offsets = [0, 6016], sizes = [1, 128], strides = [1, 1]} : vector<1x8192xf32> to vector<1x128xf32>
    %add3A_1069 = vector.broadcast %slice3A_1068 : vector<1x128xf32> to vector<128x128xf32>
    %add3A_1070 = arith.addf %slice3A_1067, %add3A_1069 : vector<128x128xf32>
    %lt3A_1071 = arith.cmpf olt, %add3A_1070, %select_n3A_1066 : vector<128x128xf32>
    %jit3A_1072 = arith.constant 15 : i32
    %broadcast_in_dim3A_1073 = vector.broadcast %jit3A_1072 : i32 to vector<128x128xi32>
    %select_n3A_1074 = arith.select %lt3A_1071, %broadcast_in_dim3A_1073, %select_n3A_1065 : vector<128x128xi1>, vector<128x128xi32>
    %select_n3A_1075 = arith.select %lt3A_1071, %add3A_1070, %select_n3A_1066 : vector<128x128xi1>, vector<128x128xf32>
    %slice3A_1076 = vector.extract_strided_slice %dot_general3A_18 {offsets = [128, 2048], sizes = [128, 128], strides = [1, 1]} : vector<1024x4096xf32> to vector<128x128xf32>
    %slice3A_1077 = vector.extract_strided_slice %get3A_23 {offsets = [0, 6144], sizes = [1, 128], strides = [1, 1]} : vector<1x8192xf32> to vector<1x128xf32>
    %add3A_1078 = vector.broadcast %slice3A_1077 : vector<1x128xf32> to vector<128x128xf32>
    %add3A_1079 = arith.addf %slice3A_1076, %add3A_1078 : vector<128x128xf32>
    %lt3A_1080 = arith.cmpf olt, %add3A_1079, %select_n3A_1075 : vector<128x128xf32>
    %jit3A_1081 = arith.constant 16 : i32
    %broadcast_in_dim3A_1082 = vector.broadcast %jit3A_1081 : i32 to vector<128x128xi32>
    %select_n3A_1083 = arith.select %lt3A_1080, %broadcast_in_dim3A_1082, %select_n3A_1074 : vector<128x128xi1>, vector<128x128xi32>
    %select_n3A_1084 = arith.select %lt3A_1080, %add3A_1079, %select_n3A_1075 : vector<128x128xi1>, vector<128x128xf32>
    %slice3A_1085 = vector.extract_strided_slice %dot_general3A_18 {offsets = [128, 2176], sizes = [128, 128], strides = [1, 1]} : vector<1024x4096xf32> to vector<128x128xf32>
    %slice3A_1086 = vector.extract_strided_slice %get3A_23 {offsets = [0, 6272], sizes = [1, 128], strides = [1, 1]} : vector<1x8192xf32> to vector<1x128xf32>
    %add3A_1087 = vector.broadcast %slice3A_1086 : vector<1x128xf32> to vector<128x128xf32>
    %add3A_1088 = arith.addf %slice3A_1085, %add3A_1087 : vector<128x128xf32>
    %lt3A_1089 = arith.cmpf olt, %add3A_1088, %select_n3A_1084 : vector<128x128xf32>
    %jit3A_1090 = arith.constant 17 : i32
    %broadcast_in_dim3A_1091 = vector.broadcast %jit3A_1090 : i32 to vector<128x128xi32>
    %select_n3A_1092 = arith.select %lt3A_1089, %broadcast_in_dim3A_1091, %select_n3A_1083 : vector<128x128xi1>, vector<128x128xi32>
    %select_n3A_1093 = arith.select %lt3A_1089, %add3A_1088, %select_n3A_1084 : vector<128x128xi1>, vector<128x128xf32>
    %slice3A_1094 = vector.extract_strided_slice %dot_general3A_18 {offsets = [128, 2304], sizes = [128, 128], strides = [1, 1]} : vector<1024x4096xf32> to vector<128x128xf32>
    %slice3A_1095 = vector.extract_strided_slice %get3A_23 {offsets = [0, 6400], sizes = [1, 128], strides = [1, 1]} : vector<1x8192xf32> to vector<1x128xf32>
    %add3A_1096 = vector.broadcast %slice3A_1095 : vector<1x128xf32> to vector<128x128xf32>
    %add3A_1097 = arith.addf %slice3A_1094, %add3A_1096 : vector<128x128xf32>
    %lt3A_1098 = arith.cmpf olt, %add3A_1097, %select_n3A_1093 : vector<128x128xf32>
    %jit3A_1099 = arith.constant 18 : i32
    %broadcast_in_dim3A_1100 = vector.broadcast %jit3A_1099 : i32 to vector<128x128xi32>
    %select_n3A_1101 = arith.select %lt3A_1098, %broadcast_in_dim3A_1100, %select_n3A_1092 : vector<128x128xi1>, vector<128x128xi32>
    %select_n3A_1102 = arith.select %lt3A_1098, %add3A_1097, %select_n3A_1093 : vector<128x128xi1>, vector<128x128xf32>
    %slice3A_1103 = vector.extract_strided_slice %dot_general3A_18 {offsets = [128, 2432], sizes = [128, 128], strides = [1, 1]} : vector<1024x4096xf32> to vector<128x128xf32>
    %slice3A_1104 = vector.extract_strided_slice %get3A_23 {offsets = [0, 6528], sizes = [1, 128], strides = [1, 1]} : vector<1x8192xf32> to vector<1x128xf32>
    %add3A_1105 = vector.broadcast %slice3A_1104 : vector<1x128xf32> to vector<128x128xf32>
    %add3A_1106 = arith.addf %slice3A_1103, %add3A_1105 : vector<128x128xf32>
    %lt3A_1107 = arith.cmpf olt, %add3A_1106, %select_n3A_1102 : vector<128x128xf32>
    %jit3A_1108 = arith.constant 19 : i32
    %broadcast_in_dim3A_1109 = vector.broadcast %jit3A_1108 : i32 to vector<128x128xi32>
    %select_n3A_1110 = arith.select %lt3A_1107, %broadcast_in_dim3A_1109, %select_n3A_1101 : vector<128x128xi1>, vector<128x128xi32>
    %select_n3A_1111 = arith.select %lt3A_1107, %add3A_1106, %select_n3A_1102 : vector<128x128xi1>, vector<128x128xf32>
    %slice3A_1112 = vector.extract_strided_slice %dot_general3A_18 {offsets = [128, 2560], sizes = [128, 128], strides = [1, 1]} : vector<1024x4096xf32> to vector<128x128xf32>
    %slice3A_1113 = vector.extract_strided_slice %get3A_23 {offsets = [0, 6656], sizes = [1, 128], strides = [1, 1]} : vector<1x8192xf32> to vector<1x128xf32>
    %add3A_1114 = vector.broadcast %slice3A_1113 : vector<1x128xf32> to vector<128x128xf32>
    %add3A_1115 = arith.addf %slice3A_1112, %add3A_1114 : vector<128x128xf32>
    %lt3A_1116 = arith.cmpf olt, %add3A_1115, %select_n3A_1111 : vector<128x128xf32>
    %jit3A_1117 = arith.constant 20 : i32
    %broadcast_in_dim3A_1118 = vector.broadcast %jit3A_1117 : i32 to vector<128x128xi32>
    %select_n3A_1119 = arith.select %lt3A_1116, %broadcast_in_dim3A_1118, %select_n3A_1110 : vector<128x128xi1>, vector<128x128xi32>
    %select_n3A_1120 = arith.select %lt3A_1116, %add3A_1115, %select_n3A_1111 : vector<128x128xi1>, vector<128x128xf32>
    %slice3A_1121 = vector.extract_strided_slice %dot_general3A_18 {offsets = [128, 2688], sizes = [128, 128], strides = [1, 1]} : vector<1024x4096xf32> to vector<128x128xf32>
    %slice3A_1122 = vector.extract_strided_slice %get3A_23 {offsets = [0, 6784], sizes = [1, 128], strides = [1, 1]} : vector<1x8192xf32> to vector<1x128xf32>
    %add3A_1123 = vector.broadcast %slice3A_1122 : vector<1x128xf32> to vector<128x128xf32>
    %add3A_1124 = arith.addf %slice3A_1121, %add3A_1123 : vector<128x128xf32>
    %lt3A_1125 = arith.cmpf olt, %add3A_1124, %select_n3A_1120 : vector<128x128xf32>
    %jit3A_1126 = arith.constant 21 : i32
    %broadcast_in_dim3A_1127 = vector.broadcast %jit3A_1126 : i32 to vector<128x128xi32>
    %select_n3A_1128 = arith.select %lt3A_1125, %broadcast_in_dim3A_1127, %select_n3A_1119 : vector<128x128xi1>, vector<128x128xi32>
    %select_n3A_1129 = arith.select %lt3A_1125, %add3A_1124, %select_n3A_1120 : vector<128x128xi1>, vector<128x128xf32>
    %slice3A_1130 = vector.extract_strided_slice %dot_general3A_18 {offsets = [128, 2816], sizes = [128, 128], strides = [1, 1]} : vector<1024x4096xf32> to vector<128x128xf32>
    %slice3A_1131 = vector.extract_strided_slice %get3A_23 {offsets = [0, 6912], sizes = [1, 128], strides = [1, 1]} : vector<1x8192xf32> to vector<1x128xf32>
    %add3A_1132 = vector.broadcast %slice3A_1131 : vector<1x128xf32> to vector<128x128xf32>
    %add3A_1133 = arith.addf %slice3A_1130, %add3A_1132 : vector<128x128xf32>
    %lt3A_1134 = arith.cmpf olt, %add3A_1133, %select_n3A_1129 : vector<128x128xf32>
    %jit3A_1135 = arith.constant 22 : i32
    %broadcast_in_dim3A_1136 = vector.broadcast %jit3A_1135 : i32 to vector<128x128xi32>
    %select_n3A_1137 = arith.select %lt3A_1134, %broadcast_in_dim3A_1136, %select_n3A_1128 : vector<128x128xi1>, vector<128x128xi32>
    %select_n3A_1138 = arith.select %lt3A_1134, %add3A_1133, %select_n3A_1129 : vector<128x128xi1>, vector<128x128xf32>
    %slice3A_1139 = vector.extract_strided_slice %dot_general3A_18 {offsets = [128, 2944], sizes = [128, 128], strides = [1, 1]} : vector<1024x4096xf32> to vector<128x128xf32>
    %slice3A_1140 = vector.extract_strided_slice %get3A_23 {offsets = [0, 7040], sizes = [1, 128], strides = [1, 1]} : vector<1x8192xf32> to vector<1x128xf32>
    %add3A_1141 = vector.broadcast %slice3A_1140 : vector<1x128xf32> to vector<128x128xf32>
    %add3A_1142 = arith.addf %slice3A_1139, %add3A_1141 : vector<128x128xf32>
    %lt3A_1143 = arith.cmpf olt, %add3A_1142, %select_n3A_1138 : vector<128x128xf32>
    %jit3A_1144 = arith.constant 23 : i32
    %broadcast_in_dim3A_1145 = vector.broadcast %jit3A_1144 : i32 to vector<128x128xi32>
    %select_n3A_1146 = arith.select %lt3A_1143, %broadcast_in_dim3A_1145, %select_n3A_1137 : vector<128x128xi1>, vector<128x128xi32>
    %select_n3A_1147 = arith.select %lt3A_1143, %add3A_1142, %select_n3A_1138 : vector<128x128xi1>, vector<128x128xf32>
    %slice3A_1148 = vector.extract_strided_slice %dot_general3A_18 {offsets = [128, 3072], sizes = [128, 128], strides = [1, 1]} : vector<1024x4096xf32> to vector<128x128xf32>
    %slice3A_1149 = vector.extract_strided_slice %get3A_23 {offsets = [0, 7168], sizes = [1, 128], strides = [1, 1]} : vector<1x8192xf32> to vector<1x128xf32>
    %add3A_1150 = vector.broadcast %slice3A_1149 : vector<1x128xf32> to vector<128x128xf32>
    %add3A_1151 = arith.addf %slice3A_1148, %add3A_1150 : vector<128x128xf32>
    %lt3A_1152 = arith.cmpf olt, %add3A_1151, %select_n3A_1147 : vector<128x128xf32>
    %jit3A_1153 = arith.constant 24 : i32
    %broadcast_in_dim3A_1154 = vector.broadcast %jit3A_1153 : i32 to vector<128x128xi32>
    %select_n3A_1155 = arith.select %lt3A_1152, %broadcast_in_dim3A_1154, %select_n3A_1146 : vector<128x128xi1>, vector<128x128xi32>
    %select_n3A_1156 = arith.select %lt3A_1152, %add3A_1151, %select_n3A_1147 : vector<128x128xi1>, vector<128x128xf32>
    %slice3A_1157 = vector.extract_strided_slice %dot_general3A_18 {offsets = [128, 3200], sizes = [128, 128], strides = [1, 1]} : vector<1024x4096xf32> to vector<128x128xf32>
    %slice3A_1158 = vector.extract_strided_slice %get3A_23 {offsets = [0, 7296], sizes = [1, 128], strides = [1, 1]} : vector<1x8192xf32> to vector<1x128xf32>
    %add3A_1159 = vector.broadcast %slice3A_1158 : vector<1x128xf32> to vector<128x128xf32>
    %add3A_1160 = arith.addf %slice3A_1157, %add3A_1159 : vector<128x128xf32>
    %lt3A_1161 = arith.cmpf olt, %add3A_1160, %select_n3A_1156 : vector<128x128xf32>
    %jit3A_1162 = arith.constant 25 : i32
    %broadcast_in_dim3A_1163 = vector.broadcast %jit3A_1162 : i32 to vector<128x128xi32>
    %select_n3A_1164 = arith.select %lt3A_1161, %broadcast_in_dim3A_1163, %select_n3A_1155 : vector<128x128xi1>, vector<128x128xi32>
    %select_n3A_1165 = arith.select %lt3A_1161, %add3A_1160, %select_n3A_1156 : vector<128x128xi1>, vector<128x128xf32>
    %slice3A_1166 = vector.extract_strided_slice %dot_general3A_18 {offsets = [128, 3328], sizes = [128, 128], strides = [1, 1]} : vector<1024x4096xf32> to vector<128x128xf32>
    %slice3A_1167 = vector.extract_strided_slice %get3A_23 {offsets = [0, 7424], sizes = [1, 128], strides = [1, 1]} : vector<1x8192xf32> to vector<1x128xf32>
    %add3A_1168 = vector.broadcast %slice3A_1167 : vector<1x128xf32> to vector<128x128xf32>
    %add3A_1169 = arith.addf %slice3A_1166, %add3A_1168 : vector<128x128xf32>
    %lt3A_1170 = arith.cmpf olt, %add3A_1169, %select_n3A_1165 : vector<128x128xf32>
    %jit3A_1171 = arith.constant 26 : i32
    %broadcast_in_dim3A_1172 = vector.broadcast %jit3A_1171 : i32 to vector<128x128xi32>
    %select_n3A_1173 = arith.select %lt3A_1170, %broadcast_in_dim3A_1172, %select_n3A_1164 : vector<128x128xi1>, vector<128x128xi32>
    %select_n3A_1174 = arith.select %lt3A_1170, %add3A_1169, %select_n3A_1165 : vector<128x128xi1>, vector<128x128xf32>
    %slice3A_1175 = vector.extract_strided_slice %dot_general3A_18 {offsets = [128, 3456], sizes = [128, 128], strides = [1, 1]} : vector<1024x4096xf32> to vector<128x128xf32>
    %slice3A_1176 = vector.extract_strided_slice %get3A_23 {offsets = [0, 7552], sizes = [1, 128], strides = [1, 1]} : vector<1x8192xf32> to vector<1x128xf32>
    %add3A_1177 = vector.broadcast %slice3A_1176 : vector<1x128xf32> to vector<128x128xf32>
    %add3A_1178 = arith.addf %slice3A_1175, %add3A_1177 : vector<128x128xf32>
    %lt3A_1179 = arith.cmpf olt, %add3A_1178, %select_n3A_1174 : vector<128x128xf32>
    %jit3A_1180 = arith.constant 27 : i32
    %broadcast_in_dim3A_1181 = vector.broadcast %jit3A_1180 : i32 to vector<128x128xi32>
    %select_n3A_1182 = arith.select %lt3A_1179, %broadcast_in_dim3A_1181, %select_n3A_1173 : vector<128x128xi1>, vector<128x128xi32>
    %select_n3A_1183 = arith.select %lt3A_1179, %add3A_1178, %select_n3A_1174 : vector<128x128xi1>, vector<128x128xf32>
    %slice3A_1184 = vector.extract_strided_slice %dot_general3A_18 {offsets = [128, 3584], sizes = [128, 128], strides = [1, 1]} : vector<1024x4096xf32> to vector<128x128xf32>
    %slice3A_1185 = vector.extract_strided_slice %get3A_23 {offsets = [0, 7680], sizes = [1, 128], strides = [1, 1]} : vector<1x8192xf32> to vector<1x128xf32>
    %add3A_1186 = vector.broadcast %slice3A_1185 : vector<1x128xf32> to vector<128x128xf32>
    %add3A_1187 = arith.addf %slice3A_1184, %add3A_1186 : vector<128x128xf32>
    %lt3A_1188 = arith.cmpf olt, %add3A_1187, %select_n3A_1183 : vector<128x128xf32>
    %jit3A_1189 = arith.constant 28 : i32
    %broadcast_in_dim3A_1190 = vector.broadcast %jit3A_1189 : i32 to vector<128x128xi32>
    %select_n3A_1191 = arith.select %lt3A_1188, %broadcast_in_dim3A_1190, %select_n3A_1182 : vector<128x128xi1>, vector<128x128xi32>
    %select_n3A_1192 = arith.select %lt3A_1188, %add3A_1187, %select_n3A_1183 : vector<128x128xi1>, vector<128x128xf32>
    %slice3A_1193 = vector.extract_strided_slice %dot_general3A_18 {offsets = [128, 3712], sizes = [128, 128], strides = [1, 1]} : vector<1024x4096xf32> to vector<128x128xf32>
    %slice3A_1194 = vector.extract_strided_slice %get3A_23 {offsets = [0, 7808], sizes = [1, 128], strides = [1, 1]} : vector<1x8192xf32> to vector<1x128xf32>
    %add3A_1195 = vector.broadcast %slice3A_1194 : vector<1x128xf32> to vector<128x128xf32>
    %add3A_1196 = arith.addf %slice3A_1193, %add3A_1195 : vector<128x128xf32>
    %lt3A_1197 = arith.cmpf olt, %add3A_1196, %select_n3A_1192 : vector<128x128xf32>
    %jit3A_1198 = arith.constant 29 : i32
    %broadcast_in_dim3A_1199 = vector.broadcast %jit3A_1198 : i32 to vector<128x128xi32>
    %select_n3A_1200 = arith.select %lt3A_1197, %broadcast_in_dim3A_1199, %select_n3A_1191 : vector<128x128xi1>, vector<128x128xi32>
    %select_n3A_1201 = arith.select %lt3A_1197, %add3A_1196, %select_n3A_1192 : vector<128x128xi1>, vector<128x128xf32>
    %slice3A_1202 = vector.extract_strided_slice %dot_general3A_18 {offsets = [128, 3840], sizes = [128, 128], strides = [1, 1]} : vector<1024x4096xf32> to vector<128x128xf32>
    %slice3A_1203 = vector.extract_strided_slice %get3A_23 {offsets = [0, 7936], sizes = [1, 128], strides = [1, 1]} : vector<1x8192xf32> to vector<1x128xf32>
    %add3A_1204 = vector.broadcast %slice3A_1203 : vector<1x128xf32> to vector<128x128xf32>
    %add3A_1205 = arith.addf %slice3A_1202, %add3A_1204 : vector<128x128xf32>
    %lt3A_1206 = arith.cmpf olt, %add3A_1205, %select_n3A_1201 : vector<128x128xf32>
    %jit3A_1207 = arith.constant 30 : i32
    %broadcast_in_dim3A_1208 = vector.broadcast %jit3A_1207 : i32 to vector<128x128xi32>
    %select_n3A_1209 = arith.select %lt3A_1206, %broadcast_in_dim3A_1208, %select_n3A_1200 : vector<128x128xi1>, vector<128x128xi32>
    %select_n3A_1210 = arith.select %lt3A_1206, %add3A_1205, %select_n3A_1201 : vector<128x128xi1>, vector<128x128xf32>
    %slice3A_1211 = vector.extract_strided_slice %dot_general3A_18 {offsets = [128, 3968], sizes = [128, 128], strides = [1, 1]} : vector<1024x4096xf32> to vector<128x128xf32>
    %slice3A_1212 = vector.extract_strided_slice %get3A_23 {offsets = [0, 8064], sizes = [1, 128], strides = [1, 1]} : vector<1x8192xf32> to vector<1x128xf32>
    %add3A_1213 = vector.broadcast %slice3A_1212 : vector<1x128xf32> to vector<128x128xf32>
    %add3A_1214 = arith.addf %slice3A_1211, %add3A_1213 : vector<128x128xf32>
    %lt3A_1215 = arith.cmpf olt, %add3A_1214, %select_n3A_1210 : vector<128x128xf32>
    %jit3A_1216 = arith.constant 31 : i32
    %broadcast_in_dim3A_1217 = vector.broadcast %jit3A_1216 : i32 to vector<128x128xi32>
    %select_n3A_1218 = arith.select %lt3A_1215, %broadcast_in_dim3A_1217, %select_n3A_1209 : vector<128x128xi1>, vector<128x128xi32>
    %select_n3A_1219 = arith.select %lt3A_1215, %add3A_1214, %select_n3A_1210 : vector<128x128xi1>, vector<128x128xf32>
    %reduce_min3A_1220 = arith.constant dense<0x7F800000> : vector<128xf32>
    %reduce_min3A_1221 = vector.multi_reduction <minimumf>, %select_n3A_1219, %reduce_min3A_1220 [1] : vector<128x128xf32> to vector<128xf32>
    %broadcast_in_dim3A_1222 = vector.shape_cast %reduce_min3A_1221 : vector<128xf32> to vector<128x1xf32>
    %mul3A_1223 = arith.constant 128 : i32
    %mul3A_1224 = vector.broadcast %mul3A_1223 : i32 to vector<128x128xi32>
    %mul3A_1225 = arith.muli %select_n3A_1218, %mul3A_1224 : vector<128x128xi32>
    %add3A_1226 = arith.addi %mul3A_1225, %iota3A : vector<128x128xi32>
    %eq3A_1227 = vector.broadcast %broadcast_in_dim3A_1222 : vector<128x1xf32> to vector<128x128xf32>
    %eq3A_1228 = arith.cmpf oeq, %select_n3A_1219, %eq3A_1227 : vector<128x128xf32>
    %jit3A_1229 = arith.constant 8192 : i32
    %broadcast_in_dim3A_1230 = vector.broadcast %jit3A_1229 : i32 to vector<128x128xi32>
    %select_n3A_1231 = arith.select %eq3A_1228, %add3A_1226, %broadcast_in_dim3A_1230 : vector<128x128xi1>, vector<128x128xi32>
    %reduce_min3A_1232 = arith.constant dense<2147483647> : vector<128xi32>
    %reduce_min3A_1233 = vector.multi_reduction <minsi>, %select_n3A_1231, %reduce_min3A_1232 [1] : vector<128x128xi32> to vector<128xi32>
    %squeeze3A_1234 = vector.shape_cast %broadcast_in_dim3A_1222 : vector<128x1xf32> to vector<128xf32>
    %slice3A_1235 = vector.extract_strided_slice %squeeze3A {offsets = [128], sizes = [128], strides = [1]} : vector<1024xf32> to vector<128xf32>
    %add3A_1236 = arith.addf %squeeze3A_934, %slice3A_1235 : vector<128xf32>
    %convert_element_type3A_1237 = arith.truncf %add3A_1236 : vector<128xf32> to vector<128xbf16>
    %convert_element_type3A_1238 = arith.extf %convert_element_type3A_1237 : vector<128xbf16> to vector<128xf32>
    %add3A_1239 = arith.addf %squeeze3A_1234, %slice3A_1235 : vector<128xf32>
    %lt3A_1240 = arith.cmpf olt, %add3A_1239, %convert_element_type3A_1238 : vector<128xf32>
    %add3A_1241 = arith.constant 4096 : i32
    %add3A_1242 = vector.broadcast %add3A_1241 : i32 to vector<128xi32>
    %add3A_1243 = arith.addi %reduce_min3A_1233, %add3A_1242 : vector<128xi32>
    %select_n3A_1244 = arith.select %lt3A_1240, %add3A_1243, %reduce_min3A_933 : vector<128xi1>, vector<128xi32>
    %swap3A_1245 = arith.constant 0 : index
    %swap3A_1246 = arith.constant 0 : index
    %swap3A_1247 = arith.constant 128 : index
    %swap3A_1248 = vector.load %arg4[%swap3A_1245, %swap3A_1246, %swap3A_1247] : memref<1x1x1024xi32, #tpu.memory_space<vmem>>, vector<1x1x128xi32>
    %swap3A_1249 = vector.shape_cast %swap3A_1248 : vector<1x1x128xi32> to vector<128xi32>
    %swap3A_1250 = vector.shape_cast %select_n3A_1244 : vector<128xi32> to vector<1x1x128xi32>
    tpu.vector_store %arg4[%swap3A_1245, %swap3A_1246, %swap3A_1247], %swap3A_1250 {strides = array<i32>} : memref<1x1x1024xi32, #tpu.memory_space<vmem>>, vector<1x1x128xi32>,
    %slice3A_1251 = vector.extract_strided_slice %dot_general3A_15 {offsets = [256, 0], sizes = [128, 128], strides = [1, 1]} : vector<1024x4096xf32> to vector<128x128xf32>
    %slice3A_1252 = vector.extract_strided_slice %get3A_23 {offsets = [0, 0], sizes = [1, 128], strides = [1, 1]} : vector<1x8192xf32> to vector<1x128xf32>
    %add3A_1253 = vector.broadcast %slice3A_1252 : vector<1x128xf32> to vector<128x128xf32>
    %add3A_1254 = arith.addf %slice3A_1251, %add3A_1253 : vector<128x128xf32>
    %broadcast_in_dim3A_1255 = arith.constant 0 : i32
    %broadcast_in_dim3A_1256 = vector.broadcast %broadcast_in_dim3A_1255 : i32 to vector<128x128xi32>
    %slice3A_1257 = vector.extract_strided_slice %dot_general3A_15 {offsets = [256, 128], sizes = [128, 128], strides = [1, 1]} : vector<1024x4096xf32> to vector<128x128xf32>
    %slice3A_1258 = vector.extract_strided_slice %get3A_23 {offsets = [0, 128], sizes = [1, 128], strides = [1, 1]} : vector<1x8192xf32> to vector<1x128xf32>
    %add3A_1259 = vector.broadcast %slice3A_1258 : vector<1x128xf32> to vector<128x128xf32>
    %add3A_1260 = arith.addf %slice3A_1257, %add3A_1259 : vector<128x128xf32>
    %lt3A_1261 = arith.cmpf olt, %add3A_1260, %add3A_1254 : vector<128x128xf32>
    %jit3A_1262 = arith.constant 1 : i32
    %broadcast_in_dim3A_1263 = vector.broadcast %jit3A_1262 : i32 to vector<128x128xi32>
    %select_n3A_1264 = arith.select %lt3A_1261, %broadcast_in_dim3A_1263, %broadcast_in_dim3A_1256 : vector<128x128xi1>, vector<128x128xi32>
    %select_n3A_1265 = arith.select %lt3A_1261, %add3A_1260, %add3A_1254 : vector<128x128xi1>, vector<128x128xf32>
    %slice3A_1266 = vector.extract_strided_slice %dot_general3A_15 {offsets = [256, 256], sizes = [128, 128], strides = [1, 1]} : vector<1024x4096xf32> to vector<128x128xf32>
    %slice3A_1267 = vector.extract_strided_slice %get3A_23 {offsets = [0, 256], sizes = [1, 128], strides = [1, 1]} : vector<1x8192xf32> to vector<1x128xf32>
    %add3A_1268 = vector.broadcast %slice3A_1267 : vector<1x128xf32> to vector<128x128xf32>
    %add3A_1269 = arith.addf %slice3A_1266, %add3A_1268 : vector<128x128xf32>
    %lt3A_1270 = arith.cmpf olt, %add3A_1269, %select_n3A_1265 : vector<128x128xf32>
    %jit3A_1271 = arith.constant 2 : i32
    %broadcast_in_dim3A_1272 = vector.broadcast %jit3A_1271 : i32 to vector<128x128xi32>
    %select_n3A_1273 = arith.select %lt3A_1270, %broadcast_in_dim3A_1272, %select_n3A_1264 : vector<128x128xi1>, vector<128x128xi32>
    %select_n3A_1274 = arith.select %lt3A_1270, %add3A_1269, %select_n3A_1265 : vector<128x128xi1>, vector<128x128xf32>
    %slice3A_1275 = vector.extract_strided_slice %dot_general3A_15 {offsets = [256, 384], sizes = [128, 128], strides = [1, 1]} : vector<1024x4096xf32> to vector<128x128xf32>
    %slice3A_1276 = vector.extract_strided_slice %get3A_23 {offsets = [0, 384], sizes = [1, 128], strides = [1, 1]} : vector<1x8192xf32> to vector<1x128xf32>
    %add3A_1277 = vector.broadcast %slice3A_1276 : vector<1x128xf32> to vector<128x128xf32>
    %add3A_1278 = arith.addf %slice3A_1275, %add3A_1277 : vector<128x128xf32>
    %lt3A_1279 = arith.cmpf olt, %add3A_1278, %select_n3A_1274 : vector<128x128xf32>
    %jit3A_1280 = arith.constant 3 : i32
    %broadcast_in_dim3A_1281 = vector.broadcast %jit3A_1280 : i32 to vector<128x128xi32>
    %select_n3A_1282 = arith.select %lt3A_1279, %broadcast_in_dim3A_1281, %select_n3A_1273 : vector<128x128xi1>, vector<128x128xi32>
    %select_n3A_1283 = arith.select %lt3A_1279, %add3A_1278, %select_n3A_1274 : vector<128x128xi1>, vector<128x128xf32>
    %slice3A_1284 = vector.extract_strided_slice %dot_general3A_15 {offsets = [256, 512], sizes = [128, 128], strides = [1, 1]} : vector<1024x4096xf32> to vector<128x128xf32>
    %slice3A_1285 = vector.extract_strided_slice %get3A_23 {offsets = [0, 512], sizes = [1, 128], strides = [1, 1]} : vector<1x8192xf32> to vector<1x128xf32>
    %add3A_1286 = vector.broadcast %slice3A_1285 : vector<1x128xf32> to vector<128x128xf32>
    %add3A_1287 = arith.addf %slice3A_1284, %add3A_1286 : vector<128x128xf32>
    %lt3A_1288 = arith.cmpf olt, %add3A_1287, %select_n3A_1283 : vector<128x128xf32>
    %jit3A_1289 = arith.constant 4 : i32
    %broadcast_in_dim3A_1290 = vector.broadcast %jit3A_1289 : i32 to vector<128x128xi32>
    %select_n3A_1291 = arith.select %lt3A_1288, %broadcast_in_dim3A_1290, %select_n3A_1282 : vector<128x128xi1>, vector<128x128xi32>
    %select_n3A_1292 = arith.select %lt3A_1288, %add3A_1287, %select_n3A_1283 : vector<128x128xi1>, vector<128x128xf32>
    %slice3A_1293 = vector.extract_strided_slice %dot_general3A_15 {offsets = [256, 640], sizes = [128, 128], strides = [1, 1]} : vector<1024x4096xf32> to vector<128x128xf32>
    %slice3A_1294 = vector.extract_strided_slice %get3A_23 {offsets = [0, 640], sizes = [1, 128], strides = [1, 1]} : vector<1x8192xf32> to vector<1x128xf32>
    %add3A_1295 = vector.broadcast %slice3A_1294 : vector<1x128xf32> to vector<128x128xf32>
    %add3A_1296 = arith.addf %slice3A_1293, %add3A_1295 : vector<128x128xf32>
    %lt3A_1297 = arith.cmpf olt, %add3A_1296, %select_n3A_1292 : vector<128x128xf32>
    %jit3A_1298 = arith.constant 5 : i32
    %broadcast_in_dim3A_1299 = vector.broadcast %jit3A_1298 : i32 to vector<128x128xi32>
    %select_n3A_1300 = arith.select %lt3A_1297, %broadcast_in_dim3A_1299, %select_n3A_1291 : vector<128x128xi1>, vector<128x128xi32>
    %select_n3A_1301 = arith.select %lt3A_1297, %add3A_1296, %select_n3A_1292 : vector<128x128xi1>, vector<128x128xf32>
    %slice3A_1302 = vector.extract_strided_slice %dot_general3A_15 {offsets = [256, 768], sizes = [128, 128], strides = [1, 1]} : vector<1024x4096xf32> to vector<128x128xf32>
    %slice3A_1303 = vector.extract_strided_slice %get3A_23 {offsets = [0, 768], sizes = [1, 128], strides = [1, 1]} : vector<1x8192xf32> to vector<1x128xf32>
    %add3A_1304 = vector.broadcast %slice3A_1303 : vector<1x128xf32> to vector<128x128xf32>
    %add3A_1305 = arith.addf %slice3A_1302, %add3A_1304 : vector<128x128xf32>
    %lt3A_1306 = arith.cmpf olt, %add3A_1305, %select_n3A_1301 : vector<128x128xf32>
    %jit3A_1307 = arith.constant 6 : i32
    %broadcast_in_dim3A_1308 = vector.broadcast %jit3A_1307 : i32 to vector<128x128xi32>
    %select_n3A_1309 = arith.select %lt3A_1306, %broadcast_in_dim3A_1308, %select_n3A_1300 : vector<128x128xi1>, vector<128x128xi32>
    %select_n3A_1310 = arith.select %lt3A_1306, %add3A_1305, %select_n3A_1301 : vector<128x128xi1>, vector<128x128xf32>
    %slice3A_1311 = vector.extract_strided_slice %dot_general3A_15 {offsets = [256, 896], sizes = [128, 128], strides = [1, 1]} : vector<1024x4096xf32> to vector<128x128xf32>
    %slice3A_1312 = vector.extract_strided_slice %get3A_23 {offsets = [0, 896], sizes = [1, 128], strides = [1, 1]} : vector<1x8192xf32> to vector<1x128xf32>
    %add3A_1313 = vector.broadcast %slice3A_1312 : vector<1x128xf32> to vector<128x128xf32>
    %add3A_1314 = arith.addf %slice3A_1311, %add3A_1313 : vector<128x128xf32>
    %lt3A_1315 = arith.cmpf olt, %add3A_1314, %select_n3A_1310 : vector<128x128xf32>
    %jit3A_1316 = arith.constant 7 : i32
    %broadcast_in_dim3A_1317 = vector.broadcast %jit3A_1316 : i32 to vector<128x128xi32>
    %select_n3A_1318 = arith.select %lt3A_1315, %broadcast_in_dim3A_1317, %select_n3A_1309 : vector<128x128xi1>, vector<128x128xi32>
    %select_n3A_1319 = arith.select %lt3A_1315, %add3A_1314, %select_n3A_1310 : vector<128x128xi1>, vector<128x128xf32>
    %slice3A_1320 = vector.extract_strided_slice %dot_general3A_15 {offsets = [256, 1024], sizes = [128, 128], strides = [1, 1]} : vector<1024x4096xf32> to vector<128x128xf32>
    %slice3A_1321 = vector.extract_strided_slice %get3A_23 {offsets = [0, 1024], sizes = [1, 128], strides = [1, 1]} : vector<1x8192xf32> to vector<1x128xf32>
    %add3A_1322 = vector.broadcast %slice3A_1321 : vector<1x128xf32> to vector<128x128xf32>
    %add3A_1323 = arith.addf %slice3A_1320, %add3A_1322 : vector<128x128xf32>
    %lt3A_1324 = arith.cmpf olt, %add3A_1323, %select_n3A_1319 : vector<128x128xf32>
    %jit3A_1325 = arith.constant 8 : i32
    %broadcast_in_dim3A_1326 = vector.broadcast %jit3A_1325 : i32 to vector<128x128xi32>
    %select_n3A_1327 = arith.select %lt3A_1324, %broadcast_in_dim3A_1326, %select_n3A_1318 : vector<128x128xi1>, vector<128x128xi32>
    %select_n3A_1328 = arith.select %lt3A_1324, %add3A_1323, %select_n3A_1319 : vector<128x128xi1>, vector<128x128xf32>
    %slice3A_1329 = vector.extract_strided_slice %dot_general3A_15 {offsets = [256, 1152], sizes = [128, 128], strides = [1, 1]} : vector<1024x4096xf32> to vector<128x128xf32>
    %slice3A_1330 = vector.extract_strided_slice %get3A_23 {offsets = [0, 1152], sizes = [1, 128], strides = [1, 1]} : vector<1x8192xf32> to vector<1x128xf32>
    %add3A_1331 = vector.broadcast %slice3A_1330 : vector<1x128xf32> to vector<128x128xf32>
    %add3A_1332 = arith.addf %slice3A_1329, %add3A_1331 : vector<128x128xf32>
    %lt3A_1333 = arith.cmpf olt, %add3A_1332, %select_n3A_1328 : vector<128x128xf32>
    %jit3A_1334 = arith.constant 9 : i32
    %broadcast_in_dim3A_1335 = vector.broadcast %jit3A_1334 : i32 to vector<128x128xi32>
    %select_n3A_1336 = arith.select %lt3A_1333, %broadcast_in_dim3A_1335, %select_n3A_1327 : vector<128x128xi1>, vector<128x128xi32>
    %select_n3A_1337 = arith.select %lt3A_1333, %add3A_1332, %select_n3A_1328 : vector<128x128xi1>, vector<128x128xf32>
    %slice3A_1338 = vector.extract_strided_slice %dot_general3A_15 {offsets = [256, 1280], sizes = [128, 128], strides = [1, 1]} : vector<1024x4096xf32> to vector<128x128xf32>
    %slice3A_1339 = vector.extract_strided_slice %get3A_23 {offsets = [0, 1280], sizes = [1, 128], strides = [1, 1]} : vector<1x8192xf32> to vector<1x128xf32>
    %add3A_1340 = vector.broadcast %slice3A_1339 : vector<1x128xf32> to vector<128x128xf32>
    %add3A_1341 = arith.addf %slice3A_1338, %add3A_1340 : vector<128x128xf32>
    %lt3A_1342 = arith.cmpf olt, %add3A_1341, %select_n3A_1337 : vector<128x128xf32>
    %jit3A_1343 = arith.constant 10 : i32
    %broadcast_in_dim3A_1344 = vector.broadcast %jit3A_1343 : i32 to vector<128x128xi32>
    %select_n3A_1345 = arith.select %lt3A_1342, %broadcast_in_dim3A_1344, %select_n3A_1336 : vector<128x128xi1>, vector<128x128xi32>
    %select_n3A_1346 = arith.select %lt3A_1342, %add3A_1341, %select_n3A_1337 : vector<128x128xi1>, vector<128x128xf32>
    %slice3A_1347 = vector.extract_strided_slice %dot_general3A_15 {offsets = [256, 1408], sizes = [128, 128], strides = [1, 1]} : vector<1024x4096xf32> to vector<128x128xf32>
    %slice3A_1348 = vector.extract_strided_slice %get3A_23 {offsets = [0, 1408], sizes = [1, 128], strides = [1, 1]} : vector<1x8192xf32> to vector<1x128xf32>
    %add3A_1349 = vector.broadcast %slice3A_1348 : vector<1x128xf32> to vector<128x128xf32>
    %add3A_1350 = arith.addf %slice3A_1347, %add3A_1349 : vector<128x128xf32>
    %lt3A_1351 = arith.cmpf olt, %add3A_1350, %select_n3A_1346 : vector<128x128xf32>
    %jit3A_1352 = arith.constant 11 : i32
    %broadcast_in_dim3A_1353 = vector.broadcast %jit3A_1352 : i32 to vector<128x128xi32>
    %select_n3A_1354 = arith.select %lt3A_1351, %broadcast_in_dim3A_1353, %select_n3A_1345 : vector<128x128xi1>, vector<128x128xi32>
    %select_n3A_1355 = arith.select %lt3A_1351, %add3A_1350, %select_n3A_1346 : vector<128x128xi1>, vector<128x128xf32>
    %slice3A_1356 = vector.extract_strided_slice %dot_general3A_15 {offsets = [256, 1536], sizes = [128, 128], strides = [1, 1]} : vector<1024x4096xf32> to vector<128x128xf32>
    %slice3A_1357 = vector.extract_strided_slice %get3A_23 {offsets = [0, 1536], sizes = [1, 128], strides = [1, 1]} : vector<1x8192xf32> to vector<1x128xf32>
    %add3A_1358 = vector.broadcast %slice3A_1357 : vector<1x128xf32> to vector<128x128xf32>
    %add3A_1359 = arith.addf %slice3A_1356, %add3A_1358 : vector<128x128xf32>
    %lt3A_1360 = arith.cmpf olt, %add3A_1359, %select_n3A_1355 : vector<128x128xf32>
    %jit3A_1361 = arith.constant 12 : i32
    %broadcast_in_dim3A_1362 = vector.broadcast %jit3A_1361 : i32 to vector<128x128xi32>
    %select_n3A_1363 = arith.select %lt3A_1360, %broadcast_in_dim3A_1362, %select_n3A_1354 : vector<128x128xi1>, vector<128x128xi32>
    %select_n3A_1364 = arith.select %lt3A_1360, %add3A_1359, %select_n3A_1355 : vector<128x128xi1>, vector<128x128xf32>
    %slice3A_1365 = vector.extract_strided_slice %dot_general3A_15 {offsets = [256, 1664], sizes = [128, 128], strides = [1, 1]} : vector<1024x4096xf32> to vector<128x128xf32>
    %slice3A_1366 = vector.extract_strided_slice %get3A_23 {offsets = [0, 1664], sizes = [1, 128], strides = [1, 1]} : vector<1x8192xf32> to vector<1x128xf32>
    %add3A_1367 = vector.broadcast %slice3A_1366 : vector<1x128xf32> to vector<128x128xf32>
    %add3A_1368 = arith.addf %slice3A_1365, %add3A_1367 : vector<128x128xf32>
    %lt3A_1369 = arith.cmpf olt, %add3A_1368, %select_n3A_1364 : vector<128x128xf32>
    %jit3A_1370 = arith.constant 13 : i32
    %broadcast_in_dim3A_1371 = vector.broadcast %jit3A_1370 : i32 to vector<128x128xi32>
    %select_n3A_1372 = arith.select %lt3A_1369, %broadcast_in_dim3A_1371, %select_n3A_1363 : vector<128x128xi1>, vector<128x128xi32>
    %select_n3A_1373 = arith.select %lt3A_1369, %add3A_1368, %select_n3A_1364 : vector<128x128xi1>, vector<128x128xf32>
    %slice3A_1374 = vector.extract_strided_slice %dot_general3A_15 {offsets = [256, 1792], sizes = [128, 128], strides = [1, 1]} : vector<1024x4096xf32> to vector<128x128xf32>
    %slice3A_1375 = vector.extract_strided_slice %get3A_23 {offsets = [0, 1792], sizes = [1, 128], strides = [1, 1]} : vector<1x8192xf32> to vector<1x128xf32>
    %add3A_1376 = vector.broadcast %slice3A_1375 : vector<1x128xf32> to vector<128x128xf32>
    %add3A_1377 = arith.addf %slice3A_1374, %add3A_1376 : vector<128x128xf32>
    %lt3A_1378 = arith.cmpf olt, %add3A_1377, %select_n3A_1373 : vector<128x128xf32>
    %jit3A_1379 = arith.constant 14 : i32
    %broadcast_in_dim3A_1380 = vector.broadcast %jit3A_1379 : i32 to vector<128x128xi32>
    %select_n3A_1381 = arith.select %lt3A_1378, %broadcast_in_dim3A_1380, %select_n3A_1372 : vector<128x128xi1>, vector<128x128xi32>
    %select_n3A_1382 = arith.select %lt3A_1378, %add3A_1377, %select_n3A_1373 : vector<128x128xi1>, vector<128x128xf32>
    %slice3A_1383 = vector.extract_strided_slice %dot_general3A_15 {offsets = [256, 1920], sizes = [128, 128], strides = [1, 1]} : vector<1024x4096xf32> to vector<128x128xf32>
    %slice3A_1384 = vector.extract_strided_slice %get3A_23 {offsets = [0, 1920], sizes = [1, 128], strides = [1, 1]} : vector<1x8192xf32> to vector<1x128xf32>
    %add3A_1385 = vector.broadcast %slice3A_1384 : vector<1x128xf32> to vector<128x128xf32>
    %add3A_1386 = arith.addf %slice3A_1383, %add3A_1385 : vector<128x128xf32>
    %lt3A_1387 = arith.cmpf olt, %add3A_1386, %select_n3A_1382 : vector<128x128xf32>
    %jit3A_1388 = arith.constant 15 : i32
    %broadcast_in_dim3A_1389 = vector.broadcast %jit3A_1388 : i32 to vector<128x128xi32>
    %select_n3A_1390 = arith.select %lt3A_1387, %broadcast_in_dim3A_1389, %select_n3A_1381 : vector<128x128xi1>, vector<128x128xi32>
    %select_n3A_1391 = arith.select %lt3A_1387, %add3A_1386, %select_n3A_1382 : vector<128x128xi1>, vector<128x128xf32>
    %slice3A_1392 = vector.extract_strided_slice %dot_general3A_15 {offsets = [256, 2048], sizes = [128, 128], strides = [1, 1]} : vector<1024x4096xf32> to vector<128x128xf32>
    %slice3A_1393 = vector.extract_strided_slice %get3A_23 {offsets = [0, 2048], sizes = [1, 128], strides = [1, 1]} : vector<1x8192xf32> to vector<1x128xf32>
    %add3A_1394 = vector.broadcast %slice3A_1393 : vector<1x128xf32> to vector<128x128xf32>
    %add3A_1395 = arith.addf %slice3A_1392, %add3A_1394 : vector<128x128xf32>
    %lt3A_1396 = arith.cmpf olt, %add3A_1395, %select_n3A_1391 : vector<128x128xf32>
    %jit3A_1397 = arith.constant 16 : i32
    %broadcast_in_dim3A_1398 = vector.broadcast %jit3A_1397 : i32 to vector<128x128xi32>
    %select_n3A_1399 = arith.select %lt3A_1396, %broadcast_in_dim3A_1398, %select_n3A_1390 : vector<128x128xi1>, vector<128x128xi32>
    %select_n3A_1400 = arith.select %lt3A_1396, %add3A_1395, %select_n3A_1391 : vector<128x128xi1>, vector<128x128xf32>
    %slice3A_1401 = vector.extract_strided_slice %dot_general3A_15 {offsets = [256, 2176], sizes = [128, 128], strides = [1, 1]} : vector<1024x4096xf32> to vector<128x128xf32>
    %slice3A_1402 = vector.extract_strided_slice %get3A_23 {offsets = [0, 2176], sizes = [1, 128], strides = [1, 1]} : vector<1x8192xf32> to vector<1x128xf32>
    %add3A_1403 = vector.broadcast %slice3A_1402 : vector<1x128xf32> to vector<128x128xf32>
    %add3A_1404 = arith.addf %slice3A_1401, %add3A_1403 : vector<128x128xf32>
    %lt3A_1405 = arith.cmpf olt, %add3A_1404, %select_n3A_1400 : vector<128x128xf32>
    %jit3A_1406 = arith.constant 17 : i32
    %broadcast_in_dim3A_1407 = vector.broadcast %jit3A_1406 : i32 to vector<128x128xi32>
    %select_n3A_1408 = arith.select %lt3A_1405, %broadcast_in_dim3A_1407, %select_n3A_1399 : vector<128x128xi1>, vector<128x128xi32>
    %select_n3A_1409 = arith.select %lt3A_1405, %add3A_1404, %select_n3A_1400 : vector<128x128xi1>, vector<128x128xf32>
    %slice3A_1410 = vector.extract_strided_slice %dot_general3A_15 {offsets = [256, 2304], sizes = [128, 128], strides = [1, 1]} : vector<1024x4096xf32> to vector<128x128xf32>
    %slice3A_1411 = vector.extract_strided_slice %get3A_23 {offsets = [0, 2304], sizes = [1, 128], strides = [1, 1]} : vector<1x8192xf32> to vector<1x128xf32>
    %add3A_1412 = vector.broadcast %slice3A_1411 : vector<1x128xf32> to vector<128x128xf32>
    %add3A_1413 = arith.addf %slice3A_1410, %add3A_1412 : vector<128x128xf32>
    %lt3A_1414 = arith.cmpf olt, %add3A_1413, %select_n3A_1409 : vector<128x128xf32>
    %jit3A_1415 = arith.constant 18 : i32
    %broadcast_in_dim3A_1416 = vector.broadcast %jit3A_1415 : i32 to vector<128x128xi32>
    %select_n3A_1417 = arith.select %lt3A_1414, %broadcast_in_dim3A_1416, %select_n3A_1408 : vector<128x128xi1>, vector<128x128xi32>
    %select_n3A_1418 = arith.select %lt3A_1414, %add3A_1413, %select_n3A_1409 : vector<128x128xi1>, vector<128x128xf32>
    %slice3A_1419 = vector.extract_strided_slice %dot_general3A_15 {offsets = [256, 2432], sizes = [128, 128], strides = [1, 1]} : vector<1024x4096xf32> to vector<128x128xf32>
    %slice3A_1420 = vector.extract_strided_slice %get3A_23 {offsets = [0, 2432], sizes = [1, 128], strides = [1, 1]} : vector<1x8192xf32> to vector<1x128xf32>
    %add3A_1421 = vector.broadcast %slice3A_1420 : vector<1x128xf32> to vector<128x128xf32>
    %add3A_1422 = arith.addf %slice3A_1419, %add3A_1421 : vector<128x128xf32>
    %lt3A_1423 = arith.cmpf olt, %add3A_1422, %select_n3A_1418 : vector<128x128xf32>
    %jit3A_1424 = arith.constant 19 : i32
    %broadcast_in_dim3A_1425 = vector.broadcast %jit3A_1424 : i32 to vector<128x128xi32>
    %select_n3A_1426 = arith.select %lt3A_1423, %broadcast_in_dim3A_1425, %select_n3A_1417 : vector<128x128xi1>, vector<128x128xi32>
    %select_n3A_1427 = arith.select %lt3A_1423, %add3A_1422, %select_n3A_1418 : vector<128x128xi1>, vector<128x128xf32>
    %slice3A_1428 = vector.extract_strided_slice %dot_general3A_15 {offsets = [256, 2560], sizes = [128, 128], strides = [1, 1]} : vector<1024x4096xf32> to vector<128x128xf32>
    %slice3A_1429 = vector.extract_strided_slice %get3A_23 {offsets = [0, 2560], sizes = [1, 128], strides = [1, 1]} : vector<1x8192xf32> to vector<1x128xf32>
    %add3A_1430 = vector.broadcast %slice3A_1429 : vector<1x128xf32> to vector<128x128xf32>
    %add3A_1431 = arith.addf %slice3A_1428, %add3A_1430 : vector<128x128xf32>
    %lt3A_1432 = arith.cmpf olt, %add3A_1431, %select_n3A_1427 : vector<128x128xf32>
    %jit3A_1433 = arith.constant 20 : i32
    %broadcast_in_dim3A_1434 = vector.broadcast %jit3A_1433 : i32 to vector<128x128xi32>
    %select_n3A_1435 = arith.select %lt3A_1432, %broadcast_in_dim3A_1434, %select_n3A_1426 : vector<128x128xi1>, vector<128x128xi32>
    %select_n3A_1436 = arith.select %lt3A_1432, %add3A_1431, %select_n3A_1427 : vector<128x128xi1>, vector<128x128xf32>
    %slice3A_1437 = vector.extract_strided_slice %dot_general3A_15 {offsets = [256, 2688], sizes = [128, 128], strides = [1, 1]} : vector<1024x4096xf32> to vector<128x128xf32>
    %slice3A_1438 = vector.extract_strided_slice %get3A_23 {offsets = [0, 2688], sizes = [1, 128], strides = [1, 1]} : vector<1x8192xf32> to vector<1x128xf32>
    %add3A_1439 = vector.broadcast %slice3A_1438 : vector<1x128xf32> to vector<128x128xf32>
    %add3A_1440 = arith.addf %slice3A_1437, %add3A_1439 : vector<128x128xf32>
    %lt3A_1441 = arith.cmpf olt, %add3A_1440, %select_n3A_1436 : vector<128x128xf32>
    %jit3A_1442 = arith.constant 21 : i32
    %broadcast_in_dim3A_1443 = vector.broadcast %jit3A_1442 : i32 to vector<128x128xi32>
    %select_n3A_1444 = arith.select %lt3A_1441, %broadcast_in_dim3A_1443, %select_n3A_1435 : vector<128x128xi1>, vector<128x128xi32>
    %select_n3A_1445 = arith.select %lt3A_1441, %add3A_1440, %select_n3A_1436 : vector<128x128xi1>, vector<128x128xf32>
    %slice3A_1446 = vector.extract_strided_slice %dot_general3A_15 {offsets = [256, 2816], sizes = [128, 128], strides = [1, 1]} : vector<1024x4096xf32> to vector<128x128xf32>
    %slice3A_1447 = vector.extract_strided_slice %get3A_23 {offsets = [0, 2816], sizes = [1, 128], strides = [1, 1]} : vector<1x8192xf32> to vector<1x128xf32>
    %add3A_1448 = vector.broadcast %slice3A_1447 : vector<1x128xf32> to vector<128x128xf32>
    %add3A_1449 = arith.addf %slice3A_1446, %add3A_1448 : vector<128x128xf32>
    %lt3A_1450 = arith.cmpf olt, %add3A_1449, %select_n3A_1445 : vector<128x128xf32>
    %jit3A_1451 = arith.constant 22 : i32
    %broadcast_in_dim3A_1452 = vector.broadcast %jit3A_1451 : i32 to vector<128x128xi32>
    %select_n3A_1453 = arith.select %lt3A_1450, %broadcast_in_dim3A_1452, %select_n3A_1444 : vector<128x128xi1>, vector<128x128xi32>
    %select_n3A_1454 = arith.select %lt3A_1450, %add3A_1449, %select_n3A_1445 : vector<128x128xi1>, vector<128x128xf32>
    %slice3A_1455 = vector.extract_strided_slice %dot_general3A_15 {offsets = [256, 2944], sizes = [128, 128], strides = [1, 1]} : vector<1024x4096xf32> to vector<128x128xf32>
    %slice3A_1456 = vector.extract_strided_slice %get3A_23 {offsets = [0, 2944], sizes = [1, 128], strides = [1, 1]} : vector<1x8192xf32> to vector<1x128xf32>
    %add3A_1457 = vector.broadcast %slice3A_1456 : vector<1x128xf32> to vector<128x128xf32>
    %add3A_1458 = arith.addf %slice3A_1455, %add3A_1457 : vector<128x128xf32>
    %lt3A_1459 = arith.cmpf olt, %add3A_1458, %select_n3A_1454 : vector<128x128xf32>
    %jit3A_1460 = arith.constant 23 : i32
    %broadcast_in_dim3A_1461 = vector.broadcast %jit3A_1460 : i32 to vector<128x128xi32>
    %select_n3A_1462 = arith.select %lt3A_1459, %broadcast_in_dim3A_1461, %select_n3A_1453 : vector<128x128xi1>, vector<128x128xi32>
    %select_n3A_1463 = arith.select %lt3A_1459, %add3A_1458, %select_n3A_1454 : vector<128x128xi1>, vector<128x128xf32>
    %slice3A_1464 = vector.extract_strided_slice %dot_general3A_15 {offsets = [256, 3072], sizes = [128, 128], strides = [1, 1]} : vector<1024x4096xf32> to vector<128x128xf32>
    %slice3A_1465 = vector.extract_strided_slice %get3A_23 {offsets = [0, 3072], sizes = [1, 128], strides = [1, 1]} : vector<1x8192xf32> to vector<1x128xf32>
    %add3A_1466 = vector.broadcast %slice3A_1465 : vector<1x128xf32> to vector<128x128xf32>
    %add3A_1467 = arith.addf %slice3A_1464, %add3A_1466 : vector<128x128xf32>
    %lt3A_1468 = arith.cmpf olt, %add3A_1467, %select_n3A_1463 : vector<128x128xf32>
    %jit3A_1469 = arith.constant 24 : i32
    %broadcast_in_dim3A_1470 = vector.broadcast %jit3A_1469 : i32 to vector<128x128xi32>
    %select_n3A_1471 = arith.select %lt3A_1468, %broadcast_in_dim3A_1470, %select_n3A_1462 : vector<128x128xi1>, vector<128x128xi32>
    %select_n3A_1472 = arith.select %lt3A_1468, %add3A_1467, %select_n3A_1463 : vector<128x128xi1>, vector<128x128xf32>
    %slice3A_1473 = vector.extract_strided_slice %dot_general3A_15 {offsets = [256, 3200], sizes = [128, 128], strides = [1, 1]} : vector<1024x4096xf32> to vector<128x128xf32>
    %slice3A_1474 = vector.extract_strided_slice %get3A_23 {offsets = [0, 3200], sizes = [1, 128], strides = [1, 1]} : vector<1x8192xf32> to vector<1x128xf32>
    %add3A_1475 = vector.broadcast %slice3A_1474 : vector<1x128xf32> to vector<128x128xf32>
    %add3A_1476 = arith.addf %slice3A_1473, %add3A_1475 : vector<128x128xf32>
    %lt3A_1477 = arith.cmpf olt, %add3A_1476, %select_n3A_1472 : vector<128x128xf32>
    %jit3A_1478 = arith.constant 25 : i32
    %broadcast_in_dim3A_1479 = vector.broadcast %jit3A_1478 : i32 to vector<128x128xi32>
    %select_n3A_1480 = arith.select %lt3A_1477, %broadcast_in_dim3A_1479, %select_n3A_1471 : vector<128x128xi1>, vector<128x128xi32>
    %select_n3A_1481 = arith.select %lt3A_1477, %add3A_1476, %select_n3A_1472 : vector<128x128xi1>, vector<128x128xf32>
    %slice3A_1482 = vector.extract_strided_slice %dot_general3A_15 {offsets = [256, 3328], sizes = [128, 128], strides = [1, 1]} : vector<1024x4096xf32> to vector<128x128xf32>
    %slice3A_1483 = vector.extract_strided_slice %get3A_23 {offsets = [0, 3328], sizes = [1, 128], strides = [1, 1]} : vector<1x8192xf32> to vector<1x128xf32>
    %add3A_1484 = vector.broadcast %slice3A_1483 : vector<1x128xf32> to vector<128x128xf32>
    %add3A_1485 = arith.addf %slice3A_1482, %add3A_1484 : vector<128x128xf32>
    %lt3A_1486 = arith.cmpf olt, %add3A_1485, %select_n3A_1481 : vector<128x128xf32>
    %jit3A_1487 = arith.constant 26 : i32
    %broadcast_in_dim3A_1488 = vector.broadcast %jit3A_1487 : i32 to vector<128x128xi32>
    %select_n3A_1489 = arith.select %lt3A_1486, %broadcast_in_dim3A_1488, %select_n3A_1480 : vector<128x128xi1>, vector<128x128xi32>
    %select_n3A_1490 = arith.select %lt3A_1486, %add3A_1485, %select_n3A_1481 : vector<128x128xi1>, vector<128x128xf32>
    %slice3A_1491 = vector.extract_strided_slice %dot_general3A_15 {offsets = [256, 3456], sizes = [128, 128], strides = [1, 1]} : vector<1024x4096xf32> to vector<128x128xf32>
    %slice3A_1492 = vector.extract_strided_slice %get3A_23 {offsets = [0, 3456], sizes = [1, 128], strides = [1, 1]} : vector<1x8192xf32> to vector<1x128xf32>
    %add3A_1493 = vector.broadcast %slice3A_1492 : vector<1x128xf32> to vector<128x128xf32>
    %add3A_1494 = arith.addf %slice3A_1491, %add3A_1493 : vector<128x128xf32>
    %lt3A_1495 = arith.cmpf olt, %add3A_1494, %select_n3A_1490 : vector<128x128xf32>
    %jit3A_1496 = arith.constant 27 : i32
    %broadcast_in_dim3A_1497 = vector.broadcast %jit3A_1496 : i32 to vector<128x128xi32>
    %select_n3A_1498 = arith.select %lt3A_1495, %broadcast_in_dim3A_1497, %select_n3A_1489 : vector<128x128xi1>, vector<128x128xi32>
    %select_n3A_1499 = arith.select %lt3A_1495, %add3A_1494, %select_n3A_1490 : vector<128x128xi1>, vector<128x128xf32>
    %slice3A_1500 = vector.extract_strided_slice %dot_general3A_15 {offsets = [256, 3584], sizes = [128, 128], strides = [1, 1]} : vector<1024x4096xf32> to vector<128x128xf32>
    %slice3A_1501 = vector.extract_strided_slice %get3A_23 {offsets = [0, 3584], sizes = [1, 128], strides = [1, 1]} : vector<1x8192xf32> to vector<1x128xf32>
    %add3A_1502 = vector.broadcast %slice3A_1501 : vector<1x128xf32> to vector<128x128xf32>
    %add3A_1503 = arith.addf %slice3A_1500, %add3A_1502 : vector<128x128xf32>
    %lt3A_1504 = arith.cmpf olt, %add3A_1503, %select_n3A_1499 : vector<128x128xf32>
    %jit3A_1505 = arith.constant 28 : i32
    %broadcast_in_dim3A_1506 = vector.broadcast %jit3A_1505 : i32 to vector<128x128xi32>
    %select_n3A_1507 = arith.select %lt3A_1504, %broadcast_in_dim3A_1506, %select_n3A_1498 : vector<128x128xi1>, vector<128x128xi32>
    %select_n3A_1508 = arith.select %lt3A_1504, %add3A_1503, %select_n3A_1499 : vector<128x128xi1>, vector<128x128xf32>
    %slice3A_1509 = vector.extract_strided_slice %dot_general3A_15 {offsets = [256, 3712], sizes = [128, 128], strides = [1, 1]} : vector<1024x4096xf32> to vector<128x128xf32>
    %slice3A_1510 = vector.extract_strided_slice %get3A_23 {offsets = [0, 3712], sizes = [1, 128], strides = [1, 1]} : vector<1x8192xf32> to vector<1x128xf32>
    %add3A_1511 = vector.broadcast %slice3A_1510 : vector<1x128xf32> to vector<128x128xf32>
    %add3A_1512 = arith.addf %slice3A_1509, %add3A_1511 : vector<128x128xf32>
    %lt3A_1513 = arith.cmpf olt, %add3A_1512, %select_n3A_1508 : vector<128x128xf32>
    %jit3A_1514 = arith.constant 29 : i32
    %broadcast_in_dim3A_1515 = vector.broadcast %jit3A_1514 : i32 to vector<128x128xi32>
    %select_n3A_1516 = arith.select %lt3A_1513, %broadcast_in_dim3A_1515, %select_n3A_1507 : vector<128x128xi1>, vector<128x128xi32>
    %select_n3A_1517 = arith.select %lt3A_1513, %add3A_1512, %select_n3A_1508 : vector<128x128xi1>, vector<128x128xf32>
    %slice3A_1518 = vector.extract_strided_slice %dot_general3A_15 {offsets = [256, 3840], sizes = [128, 128], strides = [1, 1]} : vector<1024x4096xf32> to vector<128x128xf32>
    %slice3A_1519 = vector.extract_strided_slice %get3A_23 {offsets = [0, 3840], sizes = [1, 128], strides = [1, 1]} : vector<1x8192xf32> to vector<1x128xf32>
    %add3A_1520 = vector.broadcast %slice3A_1519 : vector<1x128xf32> to vector<128x128xf32>
    %add3A_1521 = arith.addf %slice3A_1518, %add3A_1520 : vector<128x128xf32>
    %lt3A_1522 = arith.cmpf olt, %add3A_1521, %select_n3A_1517 : vector<128x128xf32>
    %jit3A_1523 = arith.constant 30 : i32
    %broadcast_in_dim3A_1524 = vector.broadcast %jit3A_1523 : i32 to vector<128x128xi32>
    %select_n3A_1525 = arith.select %lt3A_1522, %broadcast_in_dim3A_1524, %select_n3A_1516 : vector<128x128xi1>, vector<128x128xi32>
    %select_n3A_1526 = arith.select %lt3A_1522, %add3A_1521, %select_n3A_1517 : vector<128x128xi1>, vector<128x128xf32>
    %slice3A_1527 = vector.extract_strided_slice %dot_general3A_15 {offsets = [256, 3968], sizes = [128, 128], strides = [1, 1]} : vector<1024x4096xf32> to vector<128x128xf32>
    %slice3A_1528 = vector.extract_strided_slice %get3A_23 {offsets = [0, 3968], sizes = [1, 128], strides = [1, 1]} : vector<1x8192xf32> to vector<1x128xf32>
    %add3A_1529 = vector.broadcast %slice3A_1528 : vector<1x128xf32> to vector<128x128xf32>
    %add3A_1530 = arith.addf %slice3A_1527, %add3A_1529 : vector<128x128xf32>
    %lt3A_1531 = arith.cmpf olt, %add3A_1530, %select_n3A_1526 : vector<128x128xf32>
    %jit3A_1532 = arith.constant 31 : i32
    %broadcast_in_dim3A_1533 = vector.broadcast %jit3A_1532 : i32 to vector<128x128xi32>
    %select_n3A_1534 = arith.select %lt3A_1531, %broadcast_in_dim3A_1533, %select_n3A_1525 : vector<128x128xi1>, vector<128x128xi32>
    %select_n3A_1535 = arith.select %lt3A_1531, %add3A_1530, %select_n3A_1526 : vector<128x128xi1>, vector<128x128xf32>
    %reduce_min3A_1536 = arith.constant dense<0x7F800000> : vector<128xf32>
    %reduce_min3A_1537 = vector.multi_reduction <minimumf>, %select_n3A_1535, %reduce_min3A_1536 [1] : vector<128x128xf32> to vector<128xf32>
    %broadcast_in_dim3A_1538 = vector.shape_cast %reduce_min3A_1537 : vector<128xf32> to vector<128x1xf32>
    %mul3A_1539 = arith.constant 128 : i32
    %mul3A_1540 = vector.broadcast %mul3A_1539 : i32 to vector<128x128xi32>
    %mul3A_1541 = arith.muli %select_n3A_1534, %mul3A_1540 : vector<128x128xi32>
    %add3A_1542 = arith.addi %mul3A_1541, %iota3A : vector<128x128xi32>
    %eq3A_1543 = vector.broadcast %broadcast_in_dim3A_1538 : vector<128x1xf32> to vector<128x128xf32>
    %eq3A_1544 = arith.cmpf oeq, %select_n3A_1535, %eq3A_1543 : vector<128x128xf32>
    %jit3A_1545 = arith.constant 8192 : i32
    %broadcast_in_dim3A_1546 = vector.broadcast %jit3A_1545 : i32 to vector<128x128xi32>
    %select_n3A_1547 = arith.select %eq3A_1544, %add3A_1542, %broadcast_in_dim3A_1546 : vector<128x128xi1>, vector<128x128xi32>
    %reduce_min3A_1548 = arith.constant dense<2147483647> : vector<128xi32>
    %reduce_min3A_1549 = vector.multi_reduction <minsi>, %select_n3A_1547, %reduce_min3A_1548 [1] : vector<128x128xi32> to vector<128xi32>
    %squeeze3A_1550 = vector.shape_cast %broadcast_in_dim3A_1538 : vector<128x1xf32> to vector<128xf32>
    %slice3A_1551 = vector.extract_strided_slice %dot_general3A_18 {offsets = [256, 0], sizes = [128, 128], strides = [1, 1]} : vector<1024x4096xf32> to vector<128x128xf32>
    %slice3A_1552 = vector.extract_strided_slice %get3A_23 {offsets = [0, 4096], sizes = [1, 128], strides = [1, 1]} : vector<1x8192xf32> to vector<1x128xf32>
    %add3A_1553 = vector.broadcast %slice3A_1552 : vector<1x128xf32> to vector<128x128xf32>
    %add3A_1554 = arith.addf %slice3A_1551, %add3A_1553 : vector<128x128xf32>
    %broadcast_in_dim3A_1555 = arith.constant 0 : i32
    %broadcast_in_dim3A_1556 = vector.broadcast %broadcast_in_dim3A_1555 : i32 to vector<128x128xi32>
    %slice3A_1557 = vector.extract_strided_slice %dot_general3A_18 {offsets = [256, 128], sizes = [128, 128], strides = [1, 1]} : vector<1024x4096xf32> to vector<128x128xf32>
    %slice3A_1558 = vector.extract_strided_slice %get3A_23 {offsets = [0, 4224], sizes = [1, 128], strides = [1, 1]} : vector<1x8192xf32> to vector<1x128xf32>
    %add3A_1559 = vector.broadcast %slice3A_1558 : vector<1x128xf32> to vector<128x128xf32>
    %add3A_1560 = arith.addf %slice3A_1557, %add3A_1559 : vector<128x128xf32>
    %lt3A_1561 = arith.cmpf olt, %add3A_1560, %add3A_1554 : vector<128x128xf32>
    %jit3A_1562 = arith.constant 1 : i32
    %broadcast_in_dim3A_1563 = vector.broadcast %jit3A_1562 : i32 to vector<128x128xi32>
    %select_n3A_1564 = arith.select %lt3A_1561, %broadcast_in_dim3A_1563, %broadcast_in_dim3A_1556 : vector<128x128xi1>, vector<128x128xi32>
    %select_n3A_1565 = arith.select %lt3A_1561, %add3A_1560, %add3A_1554 : vector<128x128xi1>, vector<128x128xf32>
    %slice3A_1566 = vector.extract_strided_slice %dot_general3A_18 {offsets = [256, 256], sizes = [128, 128], strides = [1, 1]} : vector<1024x4096xf32> to vector<128x128xf32>
    %slice3A_1567 = vector.extract_strided_slice %get3A_23 {offsets = [0, 4352], sizes = [1, 128], strides = [1, 1]} : vector<1x8192xf32> to vector<1x128xf32>
    %add3A_1568 = vector.broadcast %slice3A_1567 : vector<1x128xf32> to vector<128x128xf32>
    %add3A_1569 = arith.addf %slice3A_1566, %add3A_1568 : vector<128x128xf32>
    %lt3A_1570 = arith.cmpf olt, %add3A_1569, %select_n3A_1565 : vector<128x128xf32>
    %jit3A_1571 = arith.constant 2 : i32
    %broadcast_in_dim3A_1572 = vector.broadcast %jit3A_1571 : i32 to vector<128x128xi32>
    %select_n3A_1573 = arith.select %lt3A_1570, %broadcast_in_dim3A_1572, %select_n3A_1564 : vector<128x128xi1>, vector<128x128xi32>
    %select_n3A_1574 = arith.select %lt3A_1570, %add3A_1569, %select_n3A_1565 : vector<128x128xi1>, vector<128x128xf32>
    %slice3A_1575 = vector.extract_strided_slice %dot_general3A_18 {offsets = [256, 384], sizes = [128, 128], strides = [1, 1]} : vector<1024x4096xf32> to vector<128x128xf32>
    %slice3A_1576 = vector.extract_strided_slice %get3A_23 {offsets = [0, 4480], sizes = [1, 128], strides = [1, 1]} : vector<1x8192xf32> to vector<1x128xf32>
    %add3A_1577 = vector.broadcast %slice3A_1576 : vector<1x128xf32> to vector<128x128xf32>
    %add3A_1578 = arith.addf %slice3A_1575, %add3A_1577 : vector<128x128xf32>
    %lt3A_1579 = arith.cmpf olt, %add3A_1578, %select_n3A_1574 : vector<128x128xf32>
    %jit3A_1580 = arith.constant 3 : i32
    %broadcast_in_dim3A_1581 = vector.broadcast %jit3A_1580 : i32 to vector<128x128xi32>
    %select_n3A_1582 = arith.select %lt3A_1579, %broadcast_in_dim3A_1581, %select_n3A_1573 : vector<128x128xi1>, vector<128x128xi32>
    %select_n3A_1583 = arith.select %lt3A_1579, %add3A_1578, %select_n3A_1574 : vector<128x128xi1>, vector<128x128xf32>
    %slice3A_1584 = vector.extract_strided_slice %dot_general3A_18 {offsets = [256, 512], sizes = [128, 128], strides = [1, 1]} : vector<1024x4096xf32> to vector<128x128xf32>
    %slice3A_1585 = vector.extract_strided_slice %get3A_23 {offsets = [0, 4608], sizes = [1, 128], strides = [1, 1]} : vector<1x8192xf32> to vector<1x128xf32>
    %add3A_1586 = vector.broadcast %slice3A_1585 : vector<1x128xf32> to vector<128x128xf32>
    %add3A_1587 = arith.addf %slice3A_1584, %add3A_1586 : vector<128x128xf32>
    %lt3A_1588 = arith.cmpf olt, %add3A_1587, %select_n3A_1583 : vector<128x128xf32>
    %jit3A_1589 = arith.constant 4 : i32
    %broadcast_in_dim3A_1590 = vector.broadcast %jit3A_1589 : i32 to vector<128x128xi32>
    %select_n3A_1591 = arith.select %lt3A_1588, %broadcast_in_dim3A_1590, %select_n3A_1582 : vector<128x128xi1>, vector<128x128xi32>
    %select_n3A_1592 = arith.select %lt3A_1588, %add3A_1587, %select_n3A_1583 : vector<128x128xi1>, vector<128x128xf32>
    %slice3A_1593 = vector.extract_strided_slice %dot_general3A_18 {offsets = [256, 640], sizes = [128, 128], strides = [1, 1]} : vector<1024x4096xf32> to vector<128x128xf32>
    %slice3A_1594 = vector.extract_strided_slice %get3A_23 {offsets = [0, 4736], sizes = [1, 128], strides = [1, 1]} : vector<1x8192xf32> to vector<1x128xf32>
    %add3A_1595 = vector.broadcast %slice3A_1594 : vector<1x128xf32> to vector<128x128xf32>
    %add3A_1596 = arith.addf %slice3A_1593, %add3A_1595 : vector<128x128xf32>
    %lt3A_1597 = arith.cmpf olt, %add3A_1596, %select_n3A_1592 : vector<128x128xf32>
    %jit3A_1598 = arith.constant 5 : i32
    %broadcast_in_dim3A_1599 = vector.broadcast %jit3A_1598 : i32 to vector<128x128xi32>
    %select_n3A_1600 = arith.select %lt3A_1597, %broadcast_in_dim3A_1599, %select_n3A_1591 : vector<128x128xi1>, vector<128x128xi32>
    %select_n3A_1601 = arith.select %lt3A_1597, %add3A_1596, %select_n3A_1592 : vector<128x128xi1>, vector<128x128xf32>
    %slice3A_1602 = vector.extract_strided_slice %dot_general3A_18 {offsets = [256, 768], sizes = [128, 128], strides = [1, 1]} : vector<1024x4096xf32> to vector<128x128xf32>
    %slice3A_1603 = vector.extract_strided_slice %get3A_23 {offsets = [0, 4864], sizes = [1, 128], strides = [1, 1]} : vector<1x8192xf32> to vector<1x128xf32>
    %add3A_1604 = vector.broadcast %slice3A_1603 : vector<1x128xf32> to vector<128x128xf32>
    %add3A_1605 = arith.addf %slice3A_1602, %add3A_1604 : vector<128x128xf32>
    %lt3A_1606 = arith.cmpf olt, %add3A_1605, %select_n3A_1601 : vector<128x128xf32>
    %jit3A_1607 = arith.constant 6 : i32
    %broadcast_in_dim3A_1608 = vector.broadcast %jit3A_1607 : i32 to vector<128x128xi32>
    %select_n3A_1609 = arith.select %lt3A_1606, %broadcast_in_dim3A_1608, %select_n3A_1600 : vector<128x128xi1>, vector<128x128xi32>
    %select_n3A_1610 = arith.select %lt3A_1606, %add3A_1605, %select_n3A_1601 : vector<128x128xi1>, vector<128x128xf32>
    %slice3A_1611 = vector.extract_strided_slice %dot_general3A_18 {offsets = [256, 896], sizes = [128, 128], strides = [1, 1]} : vector<1024x4096xf32> to vector<128x128xf32>
    %slice3A_1612 = vector.extract_strided_slice %get3A_23 {offsets = [0, 4992], sizes = [1, 128], strides = [1, 1]} : vector<1x8192xf32> to vector<1x128xf32>
    %add3A_1613 = vector.broadcast %slice3A_1612 : vector<1x128xf32> to vector<128x128xf32>
    %add3A_1614 = arith.addf %slice3A_1611, %add3A_1613 : vector<128x128xf32>
    %lt3A_1615 = arith.cmpf olt, %add3A_1614, %select_n3A_1610 : vector<128x128xf32>
    %jit3A_1616 = arith.constant 7 : i32
    %broadcast_in_dim3A_1617 = vector.broadcast %jit3A_1616 : i32 to vector<128x128xi32>
    %select_n3A_1618 = arith.select %lt3A_1615, %broadcast_in_dim3A_1617, %select_n3A_1609 : vector<128x128xi1>, vector<128x128xi32>
    %select_n3A_1619 = arith.select %lt3A_1615, %add3A_1614, %select_n3A_1610 : vector<128x128xi1>, vector<128x128xf32>
    %slice3A_1620 = vector.extract_strided_slice %dot_general3A_18 {offsets = [256, 1024], sizes = [128, 128], strides = [1, 1]} : vector<1024x4096xf32> to vector<128x128xf32>
    %slice3A_1621 = vector.extract_strided_slice %get3A_23 {offsets = [0, 5120], sizes = [1, 128], strides = [1, 1]} : vector<1x8192xf32> to vector<1x128xf32>
    %add3A_1622 = vector.broadcast %slice3A_1621 : vector<1x128xf32> to vector<128x128xf32>
    %add3A_1623 = arith.addf %slice3A_1620, %add3A_1622 : vector<128x128xf32>
    %lt3A_1624 = arith.cmpf olt, %add3A_1623, %select_n3A_1619 : vector<128x128xf32>
    %jit3A_1625 = arith.constant 8 : i32
    %broadcast_in_dim3A_1626 = vector.broadcast %jit3A_1625 : i32 to vector<128x128xi32>
    %select_n3A_1627 = arith.select %lt3A_1624, %broadcast_in_dim3A_1626, %select_n3A_1618 : vector<128x128xi1>, vector<128x128xi32>
    %select_n3A_1628 = arith.select %lt3A_1624, %add3A_1623, %select_n3A_1619 : vector<128x128xi1>, vector<128x128xf32>
    %slice3A_1629 = vector.extract_strided_slice %dot_general3A_18 {offsets = [256, 1152], sizes = [128, 128], strides = [1, 1]} : vector<1024x4096xf32> to vector<128x128xf32>
    %slice3A_1630 = vector.extract_strided_slice %get3A_23 {offsets = [0, 5248], sizes = [1, 128], strides = [1, 1]} : vector<1x8192xf32> to vector<1x128xf32>
    %add3A_1631 = vector.broadcast %slice3A_1630 : vector<1x128xf32> to vector<128x128xf32>
    %add3A_1632 = arith.addf %slice3A_1629, %add3A_1631 : vector<128x128xf32>
    %lt3A_1633 = arith.cmpf olt, %add3A_1632, %select_n3A_1628 : vector<128x128xf32>
    %jit3A_1634 = arith.constant 9 : i32
    %broadcast_in_dim3A_1635 = vector.broadcast %jit3A_1634 : i32 to vector<128x128xi32>
    %select_n3A_1636 = arith.select %lt3A_1633, %broadcast_in_dim3A_1635, %select_n3A_1627 : vector<128x128xi1>, vector<128x128xi32>
    %select_n3A_1637 = arith.select %lt3A_1633, %add3A_1632, %select_n3A_1628 : vector<128x128xi1>, vector<128x128xf32>
    %slice3A_1638 = vector.extract_strided_slice %dot_general3A_18 {offsets = [256, 1280], sizes = [128, 128], strides = [1, 1]} : vector<1024x4096xf32> to vector<128x128xf32>
    %slice3A_1639 = vector.extract_strided_slice %get3A_23 {offsets = [0, 5376], sizes = [1, 128], strides = [1, 1]} : vector<1x8192xf32> to vector<1x128xf32>
    %add3A_1640 = vector.broadcast %slice3A_1639 : vector<1x128xf32> to vector<128x128xf32>
    %add3A_1641 = arith.addf %slice3A_1638, %add3A_1640 : vector<128x128xf32>
    %lt3A_1642 = arith.cmpf olt, %add3A_1641, %select_n3A_1637 : vector<128x128xf32>
    %jit3A_1643 = arith.constant 10 : i32
    %broadcast_in_dim3A_1644 = vector.broadcast %jit3A_1643 : i32 to vector<128x128xi32>
    %select_n3A_1645 = arith.select %lt3A_1642, %broadcast_in_dim3A_1644, %select_n3A_1636 : vector<128x128xi1>, vector<128x128xi32>
    %select_n3A_1646 = arith.select %lt3A_1642, %add3A_1641, %select_n3A_1637 : vector<128x128xi1>, vector<128x128xf32>
    %slice3A_1647 = vector.extract_strided_slice %dot_general3A_18 {offsets = [256, 1408], sizes = [128, 128], strides = [1, 1]} : vector<1024x4096xf32> to vector<128x128xf32>
    %slice3A_1648 = vector.extract_strided_slice %get3A_23 {offsets = [0, 5504], sizes = [1, 128], strides = [1, 1]} : vector<1x8192xf32> to vector<1x128xf32>
    %add3A_1649 = vector.broadcast %slice3A_1648 : vector<1x128xf32> to vector<128x128xf32>
    %add3A_1650 = arith.addf %slice3A_1647, %add3A_1649 : vector<128x128xf32>
    %lt3A_1651 = arith.cmpf olt, %add3A_1650, %select_n3A_1646 : vector<128x128xf32>
    %jit3A_1652 = arith.constant 11 : i32
    %broadcast_in_dim3A_1653 = vector.broadcast %jit3A_1652 : i32 to vector<128x128xi32>
    %select_n3A_1654 = arith.select %lt3A_1651, %broadcast_in_dim3A_1653, %select_n3A_1645 : vector<128x128xi1>, vector<128x128xi32>
    %select_n3A_1655 = arith.select %lt3A_1651, %add3A_1650, %select_n3A_1646 : vector<128x128xi1>, vector<128x128xf32>
    %slice3A_1656 = vector.extract_strided_slice %dot_general3A_18 {offsets = [256, 1536], sizes = [128, 128], strides = [1, 1]} : vector<1024x4096xf32> to vector<128x128xf32>
    %slice3A_1657 = vector.extract_strided_slice %get3A_23 {offsets = [0, 5632], sizes = [1, 128], strides = [1, 1]} : vector<1x8192xf32> to vector<1x128xf32>
    %add3A_1658 = vector.broadcast %slice3A_1657 : vector<1x128xf32> to vector<128x128xf32>
    %add3A_1659 = arith.addf %slice3A_1656, %add3A_1658 : vector<128x128xf32>
    %lt3A_1660 = arith.cmpf olt, %add3A_1659, %select_n3A_1655 : vector<128x128xf32>
    %jit3A_1661 = arith.constant 12 : i32
    %broadcast_in_dim3A_1662 = vector.broadcast %jit3A_1661 : i32 to vector<128x128xi32>
    %select_n3A_1663 = arith.select %lt3A_1660, %broadcast_in_dim3A_1662, %select_n3A_1654 : vector<128x128xi1>, vector<128x128xi32>
    %select_n3A_1664 = arith.select %lt3A_1660, %add3A_1659, %select_n3A_1655 : vector<128x128xi1>, vector<128x128xf32>
    %slice3A_1665 = vector.extract_strided_slice %dot_general3A_18 {offsets = [256, 1664], sizes = [128, 128], strides = [1, 1]} : vector<1024x4096xf32> to vector<128x128xf32>
    %slice3A_1666 = vector.extract_strided_slice %get3A_23 {offsets = [0, 5760], sizes = [1, 128], strides = [1, 1]} : vector<1x8192xf32> to vector<1x128xf32>
    %add3A_1667 = vector.broadcast %slice3A_1666 : vector<1x128xf32> to vector<128x128xf32>
    %add3A_1668 = arith.addf %slice3A_1665, %add3A_1667 : vector<128x128xf32>
    %lt3A_1669 = arith.cmpf olt, %add3A_1668, %select_n3A_1664 : vector<128x128xf32>
    %jit3A_1670 = arith.constant 13 : i32
    %broadcast_in_dim3A_1671 = vector.broadcast %jit3A_1670 : i32 to vector<128x128xi32>
    %select_n3A_1672 = arith.select %lt3A_1669, %broadcast_in_dim3A_1671, %select_n3A_1663 : vector<128x128xi1>, vector<128x128xi32>
    %select_n3A_1673 = arith.select %lt3A_1669, %add3A_1668, %select_n3A_1664 : vector<128x128xi1>, vector<128x128xf32>
    %slice3A_1674 = vector.extract_strided_slice %dot_general3A_18 {offsets = [256, 1792], sizes = [128, 128], strides = [1, 1]} : vector<1024x4096xf32> to vector<128x128xf32>
    %slice3A_1675 = vector.extract_strided_slice %get3A_23 {offsets = [0, 5888], sizes = [1, 128], strides = [1, 1]} : vector<1x8192xf32> to vector<1x128xf32>
    %add3A_1676 = vector.broadcast %slice3A_1675 : vector<1x128xf32> to vector<128x128xf32>
    %add3A_1677 = arith.addf %slice3A_1674, %add3A_1676 : vector<128x128xf32>
    %lt3A_1678 = arith.cmpf olt, %add3A_1677, %select_n3A_1673 : vector<128x128xf32>
    %jit3A_1679 = arith.constant 14 : i32
    %broadcast_in_dim3A_1680 = vector.broadcast %jit3A_1679 : i32 to vector<128x128xi32>
    %select_n3A_1681 = arith.select %lt3A_1678, %broadcast_in_dim3A_1680, %select_n3A_1672 : vector<128x128xi1>, vector<128x128xi32>
    %select_n3A_1682 = arith.select %lt3A_1678, %add3A_1677, %select_n3A_1673 : vector<128x128xi1>, vector<128x128xf32>
    %slice3A_1683 = vector.extract_strided_slice %dot_general3A_18 {offsets = [256, 1920], sizes = [128, 128], strides = [1, 1]} : vector<1024x4096xf32> to vector<128x128xf32>
    %slice3A_1684 = vector.extract_strided_slice %get3A_23 {offsets = [0, 6016], sizes = [1, 128], strides = [1, 1]} : vector<1x8192xf32> to vector<1x128xf32>
    %add3A_1685 = vector.broadcast %slice3A_1684 : vector<1x128xf32> to vector<128x128xf32>
    %add3A_1686 = arith.addf %slice3A_1683, %add3A_1685 : vector<128x128xf32>
    %lt3A_1687 = arith.cmpf olt, %add3A_1686, %select_n3A_1682 : vector<128x128xf32>
    %jit3A_1688 = arith.constant 15 : i32
    %broadcast_in_dim3A_1689 = vector.broadcast %jit3A_1688 : i32 to vector<128x128xi32>
    %select_n3A_1690 = arith.select %lt3A_1687, %broadcast_in_dim3A_1689, %select_n3A_1681 : vector<128x128xi1>, vector<128x128xi32>
    %select_n3A_1691 = arith.select %lt3A_1687, %add3A_1686, %select_n3A_1682 : vector<128x128xi1>, vector<128x128xf32>
    %slice3A_1692 = vector.extract_strided_slice %dot_general3A_18 {offsets = [256, 2048], sizes = [128, 128], strides = [1, 1]} : vector<1024x4096xf32> to vector<128x128xf32>
    %slice3A_1693 = vector.extract_strided_slice %get3A_23 {offsets = [0, 6144], sizes = [1, 128], strides = [1, 1]} : vector<1x8192xf32> to vector<1x128xf32>
    %add3A_1694 = vector.broadcast %slice3A_1693 : vector<1x128xf32> to vector<128x128xf32>
    %add3A_1695 = arith.addf %slice3A_1692, %add3A_1694 : vector<128x128xf32>
    %lt3A_1696 = arith.cmpf olt, %add3A_1695, %select_n3A_1691 : vector<128x128xf32>
    %jit3A_1697 = arith.constant 16 : i32
    %broadcast_in_dim3A_1698 = vector.broadcast %jit3A_1697 : i32 to vector<128x128xi32>
    %select_n3A_1699 = arith.select %lt3A_1696, %broadcast_in_dim3A_1698, %select_n3A_1690 : vector<128x128xi1>, vector<128x128xi32>
    %select_n3A_1700 = arith.select %lt3A_1696, %add3A_1695, %select_n3A_1691 : vector<128x128xi1>, vector<128x128xf32>
    %slice3A_1701 = vector.extract_strided_slice %dot_general3A_18 {offsets = [256, 2176], sizes = [128, 128], strides = [1, 1]} : vector<1024x4096xf32> to vector<128x128xf32>
    %slice3A_1702 = vector.extract_strided_slice %get3A_23 {offsets = [0, 6272], sizes = [1, 128], strides = [1, 1]} : vector<1x8192xf32> to vector<1x128xf32>
    %add3A_1703 = vector.broadcast %slice3A_1702 : vector<1x128xf32> to vector<128x128xf32>
    %add3A_1704 = arith.addf %slice3A_1701, %add3A_1703 : vector<128x128xf32>
    %lt3A_1705 = arith.cmpf olt, %add3A_1704, %select_n3A_1700 : vector<128x128xf32>
    %jit3A_1706 = arith.constant 17 : i32
    %broadcast_in_dim3A_1707 = vector.broadcast %jit3A_1706 : i32 to vector<128x128xi32>
    %select_n3A_1708 = arith.select %lt3A_1705, %broadcast_in_dim3A_1707, %select_n3A_1699 : vector<128x128xi1>, vector<128x128xi32>
    %select_n3A_1709 = arith.select %lt3A_1705, %add3A_1704, %select_n3A_1700 : vector<128x128xi1>, vector<128x128xf32>
    %slice3A_1710 = vector.extract_strided_slice %dot_general3A_18 {offsets = [256, 2304], sizes = [128, 128], strides = [1, 1]} : vector<1024x4096xf32> to vector<128x128xf32>
    %slice3A_1711 = vector.extract_strided_slice %get3A_23 {offsets = [0, 6400], sizes = [1, 128], strides = [1, 1]} : vector<1x8192xf32> to vector<1x128xf32>
    %add3A_1712 = vector.broadcast %slice3A_1711 : vector<1x128xf32> to vector<128x128xf32>
    %add3A_1713 = arith.addf %slice3A_1710, %add3A_1712 : vector<128x128xf32>
    %lt3A_1714 = arith.cmpf olt, %add3A_1713, %select_n3A_1709 : vector<128x128xf32>
    %jit3A_1715 = arith.constant 18 : i32
    %broadcast_in_dim3A_1716 = vector.broadcast %jit3A_1715 : i32 to vector<128x128xi32>
    %select_n3A_1717 = arith.select %lt3A_1714, %broadcast_in_dim3A_1716, %select_n3A_1708 : vector<128x128xi1>, vector<128x128xi32>
    %select_n3A_1718 = arith.select %lt3A_1714, %add3A_1713, %select_n3A_1709 : vector<128x128xi1>, vector<128x128xf32>
    %slice3A_1719 = vector.extract_strided_slice %dot_general3A_18 {offsets = [256, 2432], sizes = [128, 128], strides = [1, 1]} : vector<1024x4096xf32> to vector<128x128xf32>
    %slice3A_1720 = vector.extract_strided_slice %get3A_23 {offsets = [0, 6528], sizes = [1, 128], strides = [1, 1]} : vector<1x8192xf32> to vector<1x128xf32>
    %add3A_1721 = vector.broadcast %slice3A_1720 : vector<1x128xf32> to vector<128x128xf32>
    %add3A_1722 = arith.addf %slice3A_1719, %add3A_1721 : vector<128x128xf32>
    %lt3A_1723 = arith.cmpf olt, %add3A_1722, %select_n3A_1718 : vector<128x128xf32>
    %jit3A_1724 = arith.constant 19 : i32
    %broadcast_in_dim3A_1725 = vector.broadcast %jit3A_1724 : i32 to vector<128x128xi32>
    %select_n3A_1726 = arith.select %lt3A_1723, %broadcast_in_dim3A_1725, %select_n3A_1717 : vector<128x128xi1>, vector<128x128xi32>
    %select_n3A_1727 = arith.select %lt3A_1723, %add3A_1722, %select_n3A_1718 : vector<128x128xi1>, vector<128x128xf32>
    %slice3A_1728 = vector.extract_strided_slice %dot_general3A_18 {offsets = [256, 2560], sizes = [128, 128], strides = [1, 1]} : vector<1024x4096xf32> to vector<128x128xf32>
    %slice3A_1729 = vector.extract_strided_slice %get3A_23 {offsets = [0, 6656], sizes = [1, 128], strides = [1, 1]} : vector<1x8192xf32> to vector<1x128xf32>
    %add3A_1730 = vector.broadcast %slice3A_1729 : vector<1x128xf32> to vector<128x128xf32>
    %add3A_1731 = arith.addf %slice3A_1728, %add3A_1730 : vector<128x128xf32>
    %lt3A_1732 = arith.cmpf olt, %add3A_1731, %select_n3A_1727 : vector<128x128xf32>
    %jit3A_1733 = arith.constant 20 : i32
    %broadcast_in_dim3A_1734 = vector.broadcast %jit3A_1733 : i32 to vector<128x128xi32>
    %select_n3A_1735 = arith.select %lt3A_1732, %broadcast_in_dim3A_1734, %select_n3A_1726 : vector<128x128xi1>, vector<128x128xi32>
    %select_n3A_1736 = arith.select %lt3A_1732, %add3A_1731, %select_n3A_1727 : vector<128x128xi1>, vector<128x128xf32>
    %slice3A_1737 = vector.extract_strided_slice %dot_general3A_18 {offsets = [256, 2688], sizes = [128, 128], strides = [1, 1]} : vector<1024x4096xf32> to vector<128x128xf32>
    %slice3A_1738 = vector.extract_strided_slice %get3A_23 {offsets = [0, 6784], sizes = [1, 128], strides = [1, 1]} : vector<1x8192xf32> to vector<1x128xf32>
    %add3A_1739 = vector.broadcast %slice3A_1738 : vector<1x128xf32> to vector<128x128xf32>
    %add3A_1740 = arith.addf %slice3A_1737, %add3A_1739 : vector<128x128xf32>
    %lt3A_1741 = arith.cmpf olt, %add3A_1740, %select_n3A_1736 : vector<128x128xf32>
    %jit3A_1742 = arith.constant 21 : i32
    %broadcast_in_dim3A_1743 = vector.broadcast %jit3A_1742 : i32 to vector<128x128xi32>
    %select_n3A_1744 = arith.select %lt3A_1741, %broadcast_in_dim3A_1743, %select_n3A_1735 : vector<128x128xi1>, vector<128x128xi32>
    %select_n3A_1745 = arith.select %lt3A_1741, %add3A_1740, %select_n3A_1736 : vector<128x128xi1>, vector<128x128xf32>
    %slice3A_1746 = vector.extract_strided_slice %dot_general3A_18 {offsets = [256, 2816], sizes = [128, 128], strides = [1, 1]} : vector<1024x4096xf32> to vector<128x128xf32>
    %slice3A_1747 = vector.extract_strided_slice %get3A_23 {offsets = [0, 6912], sizes = [1, 128], strides = [1, 1]} : vector<1x8192xf32> to vector<1x128xf32>
    %add3A_1748 = vector.broadcast %slice3A_1747 : vector<1x128xf32> to vector<128x128xf32>
    %add3A_1749 = arith.addf %slice3A_1746, %add3A_1748 : vector<128x128xf32>
    %lt3A_1750 = arith.cmpf olt, %add3A_1749, %select_n3A_1745 : vector<128x128xf32>
    %jit3A_1751 = arith.constant 22 : i32
    %broadcast_in_dim3A_1752 = vector.broadcast %jit3A_1751 : i32 to vector<128x128xi32>
    %select_n3A_1753 = arith.select %lt3A_1750, %broadcast_in_dim3A_1752, %select_n3A_1744 : vector<128x128xi1>, vector<128x128xi32>
    %select_n3A_1754 = arith.select %lt3A_1750, %add3A_1749, %select_n3A_1745 : vector<128x128xi1>, vector<128x128xf32>
    %slice3A_1755 = vector.extract_strided_slice %dot_general3A_18 {offsets = [256, 2944], sizes = [128, 128], strides = [1, 1]} : vector<1024x4096xf32> to vector<128x128xf32>
    %slice3A_1756 = vector.extract_strided_slice %get3A_23 {offsets = [0, 7040], sizes = [1, 128], strides = [1, 1]} : vector<1x8192xf32> to vector<1x128xf32>
    %add3A_1757 = vector.broadcast %slice3A_1756 : vector<1x128xf32> to vector<128x128xf32>
    %add3A_1758 = arith.addf %slice3A_1755, %add3A_1757 : vector<128x128xf32>
    %lt3A_1759 = arith.cmpf olt, %add3A_1758, %select_n3A_1754 : vector<128x128xf32>
    %jit3A_1760 = arith.constant 23 : i32
    %broadcast_in_dim3A_1761 = vector.broadcast %jit3A_1760 : i32 to vector<128x128xi32>
    %select_n3A_1762 = arith.select %lt3A_1759, %broadcast_in_dim3A_1761, %select_n3A_1753 : vector<128x128xi1>, vector<128x128xi32>
    %select_n3A_1763 = arith.select %lt3A_1759, %add3A_1758, %select_n3A_1754 : vector<128x128xi1>, vector<128x128xf32>
    %slice3A_1764 = vector.extract_strided_slice %dot_general3A_18 {offsets = [256, 3072], sizes = [128, 128], strides = [1, 1]} : vector<1024x4096xf32> to vector<128x128xf32>
    %slice3A_1765 = vector.extract_strided_slice %get3A_23 {offsets = [0, 7168], sizes = [1, 128], strides = [1, 1]} : vector<1x8192xf32> to vector<1x128xf32>
    %add3A_1766 = vector.broadcast %slice3A_1765 : vector<1x128xf32> to vector<128x128xf32>
    %add3A_1767 = arith.addf %slice3A_1764, %add3A_1766 : vector<128x128xf32>
    %lt3A_1768 = arith.cmpf olt, %add3A_1767, %select_n3A_1763 : vector<128x128xf32>
    %jit3A_1769 = arith.constant 24 : i32
    %broadcast_in_dim3A_1770 = vector.broadcast %jit3A_1769 : i32 to vector<128x128xi32>
    %select_n3A_1771 = arith.select %lt3A_1768, %broadcast_in_dim3A_1770, %select_n3A_1762 : vector<128x128xi1>, vector<128x128xi32>
    %select_n3A_1772 = arith.select %lt3A_1768, %add3A_1767, %select_n3A_1763 : vector<128x128xi1>, vector<128x128xf32>
    %slice3A_1773 = vector.extract_strided_slice %dot_general3A_18 {offsets = [256, 3200], sizes = [128, 128], strides = [1, 1]} : vector<1024x4096xf32> to vector<128x128xf32>
    %slice3A_1774 = vector.extract_strided_slice %get3A_23 {offsets = [0, 7296], sizes = [1, 128], strides = [1, 1]} : vector<1x8192xf32> to vector<1x128xf32>
    %add3A_1775 = vector.broadcast %slice3A_1774 : vector<1x128xf32> to vector<128x128xf32>
    %add3A_1776 = arith.addf %slice3A_1773, %add3A_1775 : vector<128x128xf32>
    %lt3A_1777 = arith.cmpf olt, %add3A_1776, %select_n3A_1772 : vector<128x128xf32>
    %jit3A_1778 = arith.constant 25 : i32
    %broadcast_in_dim3A_1779 = vector.broadcast %jit3A_1778 : i32 to vector<128x128xi32>
    %select_n3A_1780 = arith.select %lt3A_1777, %broadcast_in_dim3A_1779, %select_n3A_1771 : vector<128x128xi1>, vector<128x128xi32>
    %select_n3A_1781 = arith.select %lt3A_1777, %add3A_1776, %select_n3A_1772 : vector<128x128xi1>, vector<128x128xf32>
    %slice3A_1782 = vector.extract_strided_slice %dot_general3A_18 {offsets = [256, 3328], sizes = [128, 128], strides = [1, 1]} : vector<1024x4096xf32> to vector<128x128xf32>
    %slice3A_1783 = vector.extract_strided_slice %get3A_23 {offsets = [0, 7424], sizes = [1, 128], strides = [1, 1]} : vector<1x8192xf32> to vector<1x128xf32>
    %add3A_1784 = vector.broadcast %slice3A_1783 : vector<1x128xf32> to vector<128x128xf32>
    %add3A_1785 = arith.addf %slice3A_1782, %add3A_1784 : vector<128x128xf32>
    %lt3A_1786 = arith.cmpf olt, %add3A_1785, %select_n3A_1781 : vector<128x128xf32>
    %jit3A_1787 = arith.constant 26 : i32
    %broadcast_in_dim3A_1788 = vector.broadcast %jit3A_1787 : i32 to vector<128x128xi32>
    %select_n3A_1789 = arith.select %lt3A_1786, %broadcast_in_dim3A_1788, %select_n3A_1780 : vector<128x128xi1>, vector<128x128xi32>
    %select_n3A_1790 = arith.select %lt3A_1786, %add3A_1785, %select_n3A_1781 : vector<128x128xi1>, vector<128x128xf32>
    %slice3A_1791 = vector.extract_strided_slice %dot_general3A_18 {offsets = [256, 3456], sizes = [128, 128], strides = [1, 1]} : vector<1024x4096xf32> to vector<128x128xf32>
    %slice3A_1792 = vector.extract_strided_slice %get3A_23 {offsets = [0, 7552], sizes = [1, 128], strides = [1, 1]} : vector<1x8192xf32> to vector<1x128xf32>
    %add3A_1793 = vector.broadcast %slice3A_1792 : vector<1x128xf32> to vector<128x128xf32>
    %add3A_1794 = arith.addf %slice3A_1791, %add3A_1793 : vector<128x128xf32>
    %lt3A_1795 = arith.cmpf olt, %add3A_1794, %select_n3A_1790 : vector<128x128xf32>
    %jit3A_1796 = arith.constant 27 : i32
    %broadcast_in_dim3A_1797 = vector.broadcast %jit3A_1796 : i32 to vector<128x128xi32>
    %select_n3A_1798 = arith.select %lt3A_1795, %broadcast_in_dim3A_1797, %select_n3A_1789 : vector<128x128xi1>, vector<128x128xi32>
    %select_n3A_1799 = arith.select %lt3A_1795, %add3A_1794, %select_n3A_1790 : vector<128x128xi1>, vector<128x128xf32>
    %slice3A_1800 = vector.extract_strided_slice %dot_general3A_18 {offsets = [256, 3584], sizes = [128, 128], strides = [1, 1]} : vector<1024x4096xf32> to vector<128x128xf32>
    %slice3A_1801 = vector.extract_strided_slice %get3A_23 {offsets = [0, 7680], sizes = [1, 128], strides = [1, 1]} : vector<1x8192xf32> to vector<1x128xf32>
    %add3A_1802 = vector.broadcast %slice3A_1801 : vector<1x128xf32> to vector<128x128xf32>
    %add3A_1803 = arith.addf %slice3A_1800, %add3A_1802 : vector<128x128xf32>
    %lt3A_1804 = arith.cmpf olt, %add3A_1803, %select_n3A_1799 : vector<128x128xf32>
    %jit3A_1805 = arith.constant 28 : i32
    %broadcast_in_dim3A_1806 = vector.broadcast %jit3A_1805 : i32 to vector<128x128xi32>
    %select_n3A_1807 = arith.select %lt3A_1804, %broadcast_in_dim3A_1806, %select_n3A_1798 : vector<128x128xi1>, vector<128x128xi32>
    %select_n3A_1808 = arith.select %lt3A_1804, %add3A_1803, %select_n3A_1799 : vector<128x128xi1>, vector<128x128xf32>
    %slice3A_1809 = vector.extract_strided_slice %dot_general3A_18 {offsets = [256, 3712], sizes = [128, 128], strides = [1, 1]} : vector<1024x4096xf32> to vector<128x128xf32>
    %slice3A_1810 = vector.extract_strided_slice %get3A_23 {offsets = [0, 7808], sizes = [1, 128], strides = [1, 1]} : vector<1x8192xf32> to vector<1x128xf32>
    %add3A_1811 = vector.broadcast %slice3A_1810 : vector<1x128xf32> to vector<128x128xf32>
    %add3A_1812 = arith.addf %slice3A_1809, %add3A_1811 : vector<128x128xf32>
    %lt3A_1813 = arith.cmpf olt, %add3A_1812, %select_n3A_1808 : vector<128x128xf32>
    %jit3A_1814 = arith.constant 29 : i32
    %broadcast_in_dim3A_1815 = vector.broadcast %jit3A_1814 : i32 to vector<128x128xi32>
    %select_n3A_1816 = arith.select %lt3A_1813, %broadcast_in_dim3A_1815, %select_n3A_1807 : vector<128x128xi1>, vector<128x128xi32>
    %select_n3A_1817 = arith.select %lt3A_1813, %add3A_1812, %select_n3A_1808 : vector<128x128xi1>, vector<128x128xf32>
    %slice3A_1818 = vector.extract_strided_slice %dot_general3A_18 {offsets = [256, 3840], sizes = [128, 128], strides = [1, 1]} : vector<1024x4096xf32> to vector<128x128xf32>
    %slice3A_1819 = vector.extract_strided_slice %get3A_23 {offsets = [0, 7936], sizes = [1, 128], strides = [1, 1]} : vector<1x8192xf32> to vector<1x128xf32>
    %add3A_1820 = vector.broadcast %slice3A_1819 : vector<1x128xf32> to vector<128x128xf32>
    %add3A_1821 = arith.addf %slice3A_1818, %add3A_1820 : vector<128x128xf32>
    %lt3A_1822 = arith.cmpf olt, %add3A_1821, %select_n3A_1817 : vector<128x128xf32>
    %jit3A_1823 = arith.constant 30 : i32
    %broadcast_in_dim3A_1824 = vector.broadcast %jit3A_1823 : i32 to vector<128x128xi32>
    %select_n3A_1825 = arith.select %lt3A_1822, %broadcast_in_dim3A_1824, %select_n3A_1816 : vector<128x128xi1>, vector<128x128xi32>
    %select_n3A_1826 = arith.select %lt3A_1822, %add3A_1821, %select_n3A_1817 : vector<128x128xi1>, vector<128x128xf32>
    %slice3A_1827 = vector.extract_strided_slice %dot_general3A_18 {offsets = [256, 3968], sizes = [128, 128], strides = [1, 1]} : vector<1024x4096xf32> to vector<128x128xf32>
    %slice3A_1828 = vector.extract_strided_slice %get3A_23 {offsets = [0, 8064], sizes = [1, 128], strides = [1, 1]} : vector<1x8192xf32> to vector<1x128xf32>
    %add3A_1829 = vector.broadcast %slice3A_1828 : vector<1x128xf32> to vector<128x128xf32>
    %add3A_1830 = arith.addf %slice3A_1827, %add3A_1829 : vector<128x128xf32>
    %lt3A_1831 = arith.cmpf olt, %add3A_1830, %select_n3A_1826 : vector<128x128xf32>
    %jit3A_1832 = arith.constant 31 : i32
    %broadcast_in_dim3A_1833 = vector.broadcast %jit3A_1832 : i32 to vector<128x128xi32>
    %select_n3A_1834 = arith.select %lt3A_1831, %broadcast_in_dim3A_1833, %select_n3A_1825 : vector<128x128xi1>, vector<128x128xi32>
    %select_n3A_1835 = arith.select %lt3A_1831, %add3A_1830, %select_n3A_1826 : vector<128x128xi1>, vector<128x128xf32>
    %reduce_min3A_1836 = arith.constant dense<0x7F800000> : vector<128xf32>
    %reduce_min3A_1837 = vector.multi_reduction <minimumf>, %select_n3A_1835, %reduce_min3A_1836 [1] : vector<128x128xf32> to vector<128xf32>
    %broadcast_in_dim3A_1838 = vector.shape_cast %reduce_min3A_1837 : vector<128xf32> to vector<128x1xf32>
    %mul3A_1839 = arith.constant 128 : i32
    %mul3A_1840 = vector.broadcast %mul3A_1839 : i32 to vector<128x128xi32>
    %mul3A_1841 = arith.muli %select_n3A_1834, %mul3A_1840 : vector<128x128xi32>
    %add3A_1842 = arith.addi %mul3A_1841, %iota3A : vector<128x128xi32>
    %eq3A_1843 = vector.broadcast %broadcast_in_dim3A_1838 : vector<128x1xf32> to vector<128x128xf32>
    %eq3A_1844 = arith.cmpf oeq, %select_n3A_1835, %eq3A_1843 : vector<128x128xf32>
    %jit3A_1845 = arith.constant 8192 : i32
    %broadcast_in_dim3A_1846 = vector.broadcast %jit3A_1845 : i32 to vector<128x128xi32>
    %select_n3A_1847 = arith.select %eq3A_1844, %add3A_1842, %broadcast_in_dim3A_1846 : vector<128x128xi1>, vector<128x128xi32>
    %reduce_min3A_1848 = arith.constant dense<2147483647> : vector<128xi32>
    %reduce_min3A_1849 = vector.multi_reduction <minsi>, %select_n3A_1847, %reduce_min3A_1848 [1] : vector<128x128xi32> to vector<128xi32>
    %squeeze3A_1850 = vector.shape_cast %broadcast_in_dim3A_1838 : vector<128x1xf32> to vector<128xf32>
    %slice3A_1851 = vector.extract_strided_slice %squeeze3A {offsets = [256], sizes = [128], strides = [1]} : vector<1024xf32> to vector<128xf32>
    %add3A_1852 = arith.addf %squeeze3A_1550, %slice3A_1851 : vector<128xf32>
    %convert_element_type3A_1853 = arith.truncf %add3A_1852 : vector<128xf32> to vector<128xbf16>
    %convert_element_type3A_1854 = arith.extf %convert_element_type3A_1853 : vector<128xbf16> to vector<128xf32>
    %add3A_1855 = arith.addf %squeeze3A_1850, %slice3A_1851 : vector<128xf32>
    %lt3A_1856 = arith.cmpf olt, %add3A_1855, %convert_element_type3A_1854 : vector<128xf32>
    %add3A_1857 = arith.constant 4096 : i32
    %add3A_1858 = vector.broadcast %add3A_1857 : i32 to vector<128xi32>
    %add3A_1859 = arith.addi %reduce_min3A_1849, %add3A_1858 : vector<128xi32>
    %select_n3A_1860 = arith.select %lt3A_1856, %add3A_1859, %reduce_min3A_1549 : vector<128xi1>, vector<128xi32>
    %swap3A_1861 = arith.constant 0 : index
    %swap3A_1862 = arith.constant 0 : index
    %swap3A_1863 = arith.constant 256 : index
    %swap3A_1864 = vector.load %arg4[%swap3A_1861, %swap3A_1862, %swap3A_1863] : memref<1x1x1024xi32, #tpu.memory_space<vmem>>, vector<1x1x128xi32>
    %swap3A_1865 = vector.shape_cast %swap3A_1864 : vector<1x1x128xi32> to vector<128xi32>
    %swap3A_1866 = vector.shape_cast %select_n3A_1860 : vector<128xi32> to vector<1x1x128xi32>
    tpu.vector_store %arg4[%swap3A_1861, %swap3A_1862, %swap3A_1863], %swap3A_1866 {strides = array<i32>} : memref<1x1x1024xi32, #tpu.memory_space<vmem>>, vector<1x1x128xi32>,
    %slice3A_1867 = vector.extract_strided_slice %dot_general3A_15 {offsets = [384, 0], sizes = [128, 128], strides = [1, 1]} : vector<1024x4096xf32> to vector<128x128xf32>
    %slice3A_1868 = vector.extract_strided_slice %get3A_23 {offsets = [0, 0], sizes = [1, 128], strides = [1, 1]} : vector<1x8192xf32> to vector<1x128xf32>
    %add3A_1869 = vector.broadcast %slice3A_1868 : vector<1x128xf32> to vector<128x128xf32>
    %add3A_1870 = arith.addf %slice3A_1867, %add3A_1869 : vector<128x128xf32>
    %broadcast_in_dim3A_1871 = arith.constant 0 : i32
    %broadcast_in_dim3A_1872 = vector.broadcast %broadcast_in_dim3A_1871 : i32 to vector<128x128xi32>
    %slice3A_1873 = vector.extract_strided_slice %dot_general3A_15 {offsets = [384, 128], sizes = [128, 128], strides = [1, 1]} : vector<1024x4096xf32> to vector<128x128xf32>
    %slice3A_1874 = vector.extract_strided_slice %get3A_23 {offsets = [0, 128], sizes = [1, 128], strides = [1, 1]} : vector<1x8192xf32> to vector<1x128xf32>
    %add3A_1875 = vector.broadcast %slice3A_1874 : vector<1x128xf32> to vector<128x128xf32>
    %add3A_1876 = arith.addf %slice3A_1873, %add3A_1875 : vector<128x128xf32>
    %lt3A_1877 = arith.cmpf olt, %add3A_1876, %add3A_1870 : vector<128x128xf32>
    %jit3A_1878 = arith.constant 1 : i32
    %broadcast_in_dim3A_1879 = vector.broadcast %jit3A_1878 : i32 to vector<128x128xi32>
    %select_n3A_1880 = arith.select %lt3A_1877, %broadcast_in_dim3A_1879, %broadcast_in_dim3A_1872 : vector<128x128xi1>, vector<128x128xi32>
    %select_n3A_1881 = arith.select %lt3A_1877, %add3A_1876, %add3A_1870 : vector<128x128xi1>, vector<128x128xf32>
    %slice3A_1882 = vector.extract_strided_slice %dot_general3A_15 {offsets = [384, 256], sizes = [128, 128], strides = [1, 1]} : vector<1024x4096xf32> to vector<128x128xf32>
    %slice3A_1883 = vector.extract_strided_slice %get3A_23 {offsets = [0, 256], sizes = [1, 128], strides = [1, 1]} : vector<1x8192xf32> to vector<1x128xf32>
    %add3A_1884 = vector.broadcast %slice3A_1883 : vector<1x128xf32> to vector<128x128xf32>
    %add3A_1885 = arith.addf %slice3A_1882, %add3A_1884 : vector<128x128xf32>
    %lt3A_1886 = arith.cmpf olt, %add3A_1885, %select_n3A_1881 : vector<128x128xf32>
    %jit3A_1887 = arith.constant 2 : i32
    %broadcast_in_dim3A_1888 = vector.broadcast %jit3A_1887 : i32 to vector<128x128xi32>
    %select_n3A_1889 = arith.select %lt3A_1886, %broadcast_in_dim3A_1888, %select_n3A_1880 : vector<128x128xi1>, vector<128x128xi32>
    %select_n3A_1890 = arith.select %lt3A_1886, %add3A_1885, %select_n3A_1881 : vector<128x128xi1>, vector<128x128xf32>
    %slice3A_1891 = vector.extract_strided_slice %dot_general3A_15 {offsets = [384, 384], sizes = [128, 128], strides = [1, 1]} : vector<1024x4096xf32> to vector<128x128xf32>
    %slice3A_1892 = vector.extract_strided_slice %get3A_23 {offsets = [0, 384], sizes = [1, 128], strides = [1, 1]} : vector<1x8192xf32> to vector<1x128xf32>
    %add3A_1893 = vector.broadcast %slice3A_1892 : vector<1x128xf32> to vector<128x128xf32>
    %add3A_1894 = arith.addf %slice3A_1891, %add3A_1893 : vector<128x128xf32>
    %lt3A_1895 = arith.cmpf olt, %add3A_1894, %select_n3A_1890 : vector<128x128xf32>
    %jit3A_1896 = arith.constant 3 : i32
    %broadcast_in_dim3A_1897 = vector.broadcast %jit3A_1896 : i32 to vector<128x128xi32>
    %select_n3A_1898 = arith.select %lt3A_1895, %broadcast_in_dim3A_1897, %select_n3A_1889 : vector<128x128xi1>, vector<128x128xi32>
    %select_n3A_1899 = arith.select %lt3A_1895, %add3A_1894, %select_n3A_1890 : vector<128x128xi1>, vector<128x128xf32>
    %slice3A_1900 = vector.extract_strided_slice %dot_general3A_15 {offsets = [384, 512], sizes = [128, 128], strides = [1, 1]} : vector<1024x4096xf32> to vector<128x128xf32>
    %slice3A_1901 = vector.extract_strided_slice %get3A_23 {offsets = [0, 512], sizes = [1, 128], strides = [1, 1]} : vector<1x8192xf32> to vector<1x128xf32>
    %add3A_1902 = vector.broadcast %slice3A_1901 : vector<1x128xf32> to vector<128x128xf32>
    %add3A_1903 = arith.addf %slice3A_1900, %add3A_1902 : vector<128x128xf32>
    %lt3A_1904 = arith.cmpf olt, %add3A_1903, %select_n3A_1899 : vector<128x128xf32>
    %jit3A_1905 = arith.constant 4 : i32
    %broadcast_in_dim3A_1906 = vector.broadcast %jit3A_1905 : i32 to vector<128x128xi32>
    %select_n3A_1907 = arith.select %lt3A_1904, %broadcast_in_dim3A_1906, %select_n3A_1898 : vector<128x128xi1>, vector<128x128xi32>
    %select_n3A_1908 = arith.select %lt3A_1904, %add3A_1903, %select_n3A_1899 : vector<128x128xi1>, vector<128x128xf32>
    %slice3A_1909 = vector.extract_strided_slice %dot_general3A_15 {offsets = [384, 640], sizes = [128, 128], strides = [1, 1]} : vector<1024x4096xf32> to vector<128x128xf32>
    %slice3A_1910 = vector.extract_strided_slice %get3A_23 {offsets = [0, 640], sizes = [1, 128], strides = [1, 1]} : vector<1x8192xf32> to vector<1x128xf32>
    %add3A_1911 = vector.broadcast %slice3A_1910 : vector<1x128xf32> to vector<128x128xf32>
    %add3A_1912 = arith.addf %slice3A_1909, %add3A_1911 : vector<128x128xf32>
    %lt3A_1913 = arith.cmpf olt, %add3A_1912, %select_n3A_1908 : vector<128x128xf32>
    %jit3A_1914 = arith.constant 5 : i32
    %broadcast_in_dim3A_1915 = vector.broadcast %jit3A_1914 : i32 to vector<128x128xi32>
    %select_n3A_1916 = arith.select %lt3A_1913, %broadcast_in_dim3A_1915, %select_n3A_1907 : vector<128x128xi1>, vector<128x128xi32>
    %select_n3A_1917 = arith.select %lt3A_1913, %add3A_1912, %select_n3A_1908 : vector<128x128xi1>, vector<128x128xf32>
    %slice3A_1918 = vector.extract_strided_slice %dot_general3A_15 {offsets = [384, 768], sizes = [128, 128], strides = [1, 1]} : vector<1024x4096xf32> to vector<128x128xf32>
    %slice3A_1919 = vector.extract_strided_slice %get3A_23 {offsets = [0, 768], sizes = [1, 128], strides = [1, 1]} : vector<1x8192xf32> to vector<1x128xf32>
    %add3A_1920 = vector.broadcast %slice3A_1919 : vector<1x128xf32> to vector<128x128xf32>
    %add3A_1921 = arith.addf %slice3A_1918, %add3A_1920 : vector<128x128xf32>
    %lt3A_1922 = arith.cmpf olt, %add3A_1921, %select_n3A_1917 : vector<128x128xf32>
    %jit3A_1923 = arith.constant 6 : i32
    %broadcast_in_dim3A_1924 = vector.broadcast %jit3A_1923 : i32 to vector<128x128xi32>
    %select_n3A_1925 = arith.select %lt3A_1922, %broadcast_in_dim3A_1924, %select_n3A_1916 : vector<128x128xi1>, vector<128x128xi32>
    %select_n3A_1926 = arith.select %lt3A_1922, %add3A_1921, %select_n3A_1917 : vector<128x128xi1>, vector<128x128xf32>
    %slice3A_1927 = vector.extract_strided_slice %dot_general3A_15 {offsets = [384, 896], sizes = [128, 128], strides = [1, 1]} : vector<1024x4096xf32> to vector<128x128xf32>
    %slice3A_1928 = vector.extract_strided_slice %get3A_23 {offsets = [0, 896], sizes = [1, 128], strides = [1, 1]} : vector<1x8192xf32> to vector<1x128xf32>
    %add3A_1929 = vector.broadcast %slice3A_1928 : vector<1x128xf32> to vector<128x128xf32>
    %add3A_1930 = arith.addf %slice3A_1927, %add3A_1929 : vector<128x128xf32>
    %lt3A_1931 = arith.cmpf olt, %add3A_1930, %select_n3A_1926 : vector<128x128xf32>
    %jit3A_1932 = arith.constant 7 : i32
    %broadcast_in_dim3A_1933 = vector.broadcast %jit3A_1932 : i32 to vector<128x128xi32>
    %select_n3A_1934 = arith.select %lt3A_1931, %broadcast_in_dim3A_1933, %select_n3A_1925 : vector<128x128xi1>, vector<128x128xi32>
    %select_n3A_1935 = arith.select %lt3A_1931, %add3A_1930, %select_n3A_1926 : vector<128x128xi1>, vector<128x128xf32>
    %slice3A_1936 = vector.extract_strided_slice %dot_general3A_15 {offsets = [384, 1024], sizes = [128, 128], strides = [1, 1]} : vector<1024x4096xf32> to vector<128x128xf32>
    %slice3A_1937 = vector.extract_strided_slice %get3A_23 {offsets = [0, 1024], sizes = [1, 128], strides = [1, 1]} : vector<1x8192xf32> to vector<1x128xf32>
    %add3A_1938 = vector.broadcast %slice3A_1937 : vector<1x128xf32> to vector<128x128xf32>
    %add3A_1939 = arith.addf %slice3A_1936, %add3A_1938 : vector<128x128xf32>
    %lt3A_1940 = arith.cmpf olt, %add3A_1939, %select_n3A_1935 : vector<128x128xf32>
    %jit3A_1941 = arith.constant 8 : i32
    %broadcast_in_dim3A_1942 = vector.broadcast %jit3A_1941 : i32 to vector<128x128xi32>
    %select_n3A_1943 = arith.select %lt3A_1940, %broadcast_in_dim3A_1942, %select_n3A_1934 : vector<128x128xi1>, vector<128x128xi32>
    %select_n3A_1944 = arith.select %lt3A_1940, %add3A_1939, %select_n3A_1935 : vector<128x128xi1>, vector<128x128xf32>
    %slice3A_1945 = vector.extract_strided_slice %dot_general3A_15 {offsets = [384, 1152], sizes = [128, 128], strides = [1, 1]} : vector<1024x4096xf32> to vector<128x128xf32>
    %slice3A_1946 = vector.extract_strided_slice %get3A_23 {offsets = [0, 1152], sizes = [1, 128], strides = [1, 1]} : vector<1x8192xf32> to vector<1x128xf32>
    %add3A_1947 = vector.broadcast %slice3A_1946 : vector<1x128xf32> to vector<128x128xf32>
    %add3A_1948 = arith.addf %slice3A_1945, %add3A_1947 : vector<128x128xf32>
    %lt3A_1949 = arith.cmpf olt, %add3A_1948, %select_n3A_1944 : vector<128x128xf32>
    %jit3A_1950 = arith.constant 9 : i32
    %broadcast_in_dim3A_1951 = vector.broadcast %jit3A_1950 : i32 to vector<128x128xi32>
    %select_n3A_1952 = arith.select %lt3A_1949, %broadcast_in_dim3A_1951, %select_n3A_1943 : vector<128x128xi1>, vector<128x128xi32>
    %select_n3A_1953 = arith.select %lt3A_1949, %add3A_1948, %select_n3A_1944 : vector<128x128xi1>, vector<128x128xf32>
    %slice3A_1954 = vector.extract_strided_slice %dot_general3A_15 {offsets = [384, 1280], sizes = [128, 128], strides = [1, 1]} : vector<1024x4096xf32> to vector<128x128xf32>
    %slice3A_1955 = vector.extract_strided_slice %get3A_23 {offsets = [0, 1280], sizes = [1, 128], strides = [1, 1]} : vector<1x8192xf32> to vector<1x128xf32>
    %add3A_1956 = vector.broadcast %slice3A_1955 : vector<1x128xf32> to vector<128x128xf32>
    %add3A_1957 = arith.addf %slice3A_1954, %add3A_1956 : vector<128x128xf32>
    %lt3A_1958 = arith.cmpf olt, %add3A_1957, %select_n3A_1953 : vector<128x128xf32>
    %jit3A_1959 = arith.constant 10 : i32
    %broadcast_in_dim3A_1960 = vector.broadcast %jit3A_1959 : i32 to vector<128x128xi32>
    %select_n3A_1961 = arith.select %lt3A_1958, %broadcast_in_dim3A_1960, %select_n3A_1952 : vector<128x128xi1>, vector<128x128xi32>
    %select_n3A_1962 = arith.select %lt3A_1958, %add3A_1957, %select_n3A_1953 : vector<128x128xi1>, vector<128x128xf32>
    %slice3A_1963 = vector.extract_strided_slice %dot_general3A_15 {offsets = [384, 1408], sizes = [128, 128], strides = [1, 1]} : vector<1024x4096xf32> to vector<128x128xf32>
    %slice3A_1964 = vector.extract_strided_slice %get3A_23 {offsets = [0, 1408], sizes = [1, 128], strides = [1, 1]} : vector<1x8192xf32> to vector<1x128xf32>
    %add3A_1965 = vector.broadcast %slice3A_1964 : vector<1x128xf32> to vector<128x128xf32>
    %add3A_1966 = arith.addf %slice3A_1963, %add3A_1965 : vector<128x128xf32>
    %lt3A_1967 = arith.cmpf olt, %add3A_1966, %select_n3A_1962 : vector<128x128xf32>
    %jit3A_1968 = arith.constant 11 : i32
    %broadcast_in_dim3A_1969 = vector.broadcast %jit3A_1968 : i32 to vector<128x128xi32>
    %select_n3A_1970 = arith.select %lt3A_1967, %broadcast_in_dim3A_1969, %select_n3A_1961 : vector<128x128xi1>, vector<128x128xi32>
    %select_n3A_1971 = arith.select %lt3A_1967, %add3A_1966, %select_n3A_1962 : vector<128x128xi1>, vector<128x128xf32>
    %slice3A_1972 = vector.extract_strided_slice %dot_general3A_15 {offsets = [384, 1536], sizes = [128, 128], strides = [1, 1]} : vector<1024x4096xf32> to vector<128x128xf32>
    %slice3A_1973 = vector.extract_strided_slice %get3A_23 {offsets = [0, 1536], sizes = [1, 128], strides = [1, 1]} : vector<1x8192xf32> to vector<1x128xf32>
    %add3A_1974 = vector.broadcast %slice3A_1973 : vector<1x128xf32> to vector<128x128xf32>
    %add3A_1975 = arith.addf %slice3A_1972, %add3A_1974 : vector<128x128xf32>
    %lt3A_1976 = arith.cmpf olt, %add3A_1975, %select_n3A_1971 : vector<128x128xf32>
    %jit3A_1977 = arith.constant 12 : i32
    %broadcast_in_dim3A_1978 = vector.broadcast %jit3A_1977 : i32 to vector<128x128xi32>
    %select_n3A_1979 = arith.select %lt3A_1976, %broadcast_in_dim3A_1978, %select_n3A_1970 : vector<128x128xi1>, vector<128x128xi32>
    %select_n3A_1980 = arith.select %lt3A_1976, %add3A_1975, %select_n3A_1971 : vector<128x128xi1>, vector<128x128xf32>
    %slice3A_1981 = vector.extract_strided_slice %dot_general3A_15 {offsets = [384, 1664], sizes = [128, 128], strides = [1, 1]} : vector<1024x4096xf32> to vector<128x128xf32>
    %slice3A_1982 = vector.extract_strided_slice %get3A_23 {offsets = [0, 1664], sizes = [1, 128], strides = [1, 1]} : vector<1x8192xf32> to vector<1x128xf32>
    %add3A_1983 = vector.broadcast %slice3A_1982 : vector<1x128xf32> to vector<128x128xf32>
    %add3A_1984 = arith.addf %slice3A_1981, %add3A_1983 : vector<128x128xf32>
    %lt3A_1985 = arith.cmpf olt, %add3A_1984, %select_n3A_1980 : vector<128x128xf32>
    %jit3A_1986 = arith.constant 13 : i32
    %broadcast_in_dim3A_1987 = vector.broadcast %jit3A_1986 : i32 to vector<128x128xi32>
    %select_n3A_1988 = arith.select %lt3A_1985, %broadcast_in_dim3A_1987, %select_n3A_1979 : vector<128x128xi1>, vector<128x128xi32>
    %select_n3A_1989 = arith.select %lt3A_1985, %add3A_1984, %select_n3A_1980 : vector<128x128xi1>, vector<128x128xf32>
    %slice3A_1990 = vector.extract_strided_slice %dot_general3A_15 {offsets = [384, 1792], sizes = [128, 128], strides = [1, 1]} : vector<1024x4096xf32> to vector<128x128xf32>
    %slice3A_1991 = vector.extract_strided_slice %get3A_23 {offsets = [0, 1792], sizes = [1, 128], strides = [1, 1]} : vector<1x8192xf32> to vector<1x128xf32>
    %add3A_1992 = vector.broadcast %slice3A_1991 : vector<1x128xf32> to vector<128x128xf32>
    %add3A_1993 = arith.addf %slice3A_1990, %add3A_1992 : vector<128x128xf32>
    %lt3A_1994 = arith.cmpf olt, %add3A_1993, %select_n3A_1989 : vector<128x128xf32>
    %jit3A_1995 = arith.constant 14 : i32
    %broadcast_in_dim3A_1996 = vector.broadcast %jit3A_1995 : i32 to vector<128x128xi32>
    %select_n3A_1997 = arith.select %lt3A_1994, %broadcast_in_dim3A_1996, %select_n3A_1988 : vector<128x128xi1>, vector<128x128xi32>
    %select_n3A_1998 = arith.select %lt3A_1994, %add3A_1993, %select_n3A_1989 : vector<128x128xi1>, vector<128x128xf32>
    %slice3A_1999 = vector.extract_strided_slice %dot_general3A_15 {offsets = [384, 1920], sizes = [128, 128], strides = [1, 1]} : vector<1024x4096xf32> to vector<128x128xf32>
    %slice3A_2000 = vector.extract_strided_slice %get3A_23 {offsets = [0, 1920], sizes = [1, 128], strides = [1, 1]} : vector<1x8192xf32> to vector<1x128xf32>
    %add3A_2001 = vector.broadcast %slice3A_2000 : vector<1x128xf32> to vector<128x128xf32>
    %add3A_2002 = arith.addf %slice3A_1999, %add3A_2001 : vector<128x128xf32>
    %lt3A_2003 = arith.cmpf olt, %add3A_2002, %select_n3A_1998 : vector<128x128xf32>
    %jit3A_2004 = arith.constant 15 : i32
    %broadcast_in_dim3A_2005 = vector.broadcast %jit3A_2004 : i32 to vector<128x128xi32>
    %select_n3A_2006 = arith.select %lt3A_2003, %broadcast_in_dim3A_2005, %select_n3A_1997 : vector<128x128xi1>, vector<128x128xi32>
    %select_n3A_2007 = arith.select %lt3A_2003, %add3A_2002, %select_n3A_1998 : vector<128x128xi1>, vector<128x128xf32>
    %slice3A_2008 = vector.extract_strided_slice %dot_general3A_15 {offsets = [384, 2048], sizes = [128, 128], strides = [1, 1]} : vector<1024x4096xf32> to vector<128x128xf32>
    %slice3A_2009 = vector.extract_strided_slice %get3A_23 {offsets = [0, 2048], sizes = [1, 128], strides = [1, 1]} : vector<1x8192xf32> to vector<1x128xf32>
    %add3A_2010 = vector.broadcast %slice3A_2009 : vector<1x128xf32> to vector<128x128xf32>
    %add3A_2011 = arith.addf %slice3A_2008, %add3A_2010 : vector<128x128xf32>
    %lt3A_2012 = arith.cmpf olt, %add3A_2011, %select_n3A_2007 : vector<128x128xf32>
    %jit3A_2013 = arith.constant 16 : i32
    %broadcast_in_dim3A_2014 = vector.broadcast %jit3A_2013 : i32 to vector<128x128xi32>
    %select_n3A_2015 = arith.select %lt3A_2012, %broadcast_in_dim3A_2014, %select_n3A_2006 : vector<128x128xi1>, vector<128x128xi32>
    %select_n3A_2016 = arith.select %lt3A_2012, %add3A_2011, %select_n3A_2007 : vector<128x128xi1>, vector<128x128xf32>
    %slice3A_2017 = vector.extract_strided_slice %dot_general3A_15 {offsets = [384, 2176], sizes = [128, 128], strides = [1, 1]} : vector<1024x4096xf32> to vector<128x128xf32>
    %slice3A_2018 = vector.extract_strided_slice %get3A_23 {offsets = [0, 2176], sizes = [1, 128], strides = [1, 1]} : vector<1x8192xf32> to vector<1x128xf32>
    %add3A_2019 = vector.broadcast %slice3A_2018 : vector<1x128xf32> to vector<128x128xf32>
    %add3A_2020 = arith.addf %slice3A_2017, %add3A_2019 : vector<128x128xf32>
    %lt3A_2021 = arith.cmpf olt, %add3A_2020, %select_n3A_2016 : vector<128x128xf32>
    %jit3A_2022 = arith.constant 17 : i32
    %broadcast_in_dim3A_2023 = vector.broadcast %jit3A_2022 : i32 to vector<128x128xi32>
    %select_n3A_2024 = arith.select %lt3A_2021, %broadcast_in_dim3A_2023, %select_n3A_2015 : vector<128x128xi1>, vector<128x128xi32>
    %select_n3A_2025 = arith.select %lt3A_2021, %add3A_2020, %select_n3A_2016 : vector<128x128xi1>, vector<128x128xf32>
    %slice3A_2026 = vector.extract_strided_slice %dot_general3A_15 {offsets = [384, 2304], sizes = [128, 128], strides = [1, 1]} : vector<1024x4096xf32> to vector<128x128xf32>
    %slice3A_2027 = vector.extract_strided_slice %get3A_23 {offsets = [0, 2304], sizes = [1, 128], strides = [1, 1]} : vector<1x8192xf32> to vector<1x128xf32>
    %add3A_2028 = vector.broadcast %slice3A_2027 : vector<1x128xf32> to vector<128x128xf32>
    %add3A_2029 = arith.addf %slice3A_2026, %add3A_2028 : vector<128x128xf32>
    %lt3A_2030 = arith.cmpf olt, %add3A_2029, %select_n3A_2025 : vector<128x128xf32>
    %jit3A_2031 = arith.constant 18 : i32
    %broadcast_in_dim3A_2032 = vector.broadcast %jit3A_2031 : i32 to vector<128x128xi32>
    %select_n3A_2033 = arith.select %lt3A_2030, %broadcast_in_dim3A_2032, %select_n3A_2024 : vector<128x128xi1>, vector<128x128xi32>
    %select_n3A_2034 = arith.select %lt3A_2030, %add3A_2029, %select_n3A_2025 : vector<128x128xi1>, vector<128x128xf32>
    %slice3A_2035 = vector.extract_strided_slice %dot_general3A_15 {offsets = [384, 2432], sizes = [128, 128], strides = [1, 1]} : vector<1024x4096xf32> to vector<128x128xf32>
    %slice3A_2036 = vector.extract_strided_slice %get3A_23 {offsets = [0, 2432], sizes = [1, 128], strides = [1, 1]} : vector<1x8192xf32> to vector<1x128xf32>
    %add3A_2037 = vector.broadcast %slice3A_2036 : vector<1x128xf32> to vector<128x128xf32>
    %add3A_2038 = arith.addf %slice3A_2035, %add3A_2037 : vector<128x128xf32>
    %lt3A_2039 = arith.cmpf olt, %add3A_2038, %select_n3A_2034 : vector<128x128xf32>
    %jit3A_2040 = arith.constant 19 : i32
    %broadcast_in_dim3A_2041 = vector.broadcast %jit3A_2040 : i32 to vector<128x128xi32>
    %select_n3A_2042 = arith.select %lt3A_2039, %broadcast_in_dim3A_2041, %select_n3A_2033 : vector<128x128xi1>, vector<128x128xi32>
    %select_n3A_2043 = arith.select %lt3A_2039, %add3A_2038, %select_n3A_2034 : vector<128x128xi1>, vector<128x128xf32>
    %slice3A_2044 = vector.extract_strided_slice %dot_general3A_15 {offsets = [384, 2560], sizes = [128, 128], strides = [1, 1]} : vector<1024x4096xf32> to vector<128x128xf32>
    %slice3A_2045 = vector.extract_strided_slice %get3A_23 {offsets = [0, 2560], sizes = [1, 128], strides = [1, 1]} : vector<1x8192xf32> to vector<1x128xf32>
    %add3A_2046 = vector.broadcast %slice3A_2045 : vector<1x128xf32> to vector<128x128xf32>
    %add3A_2047 = arith.addf %slice3A_2044, %add3A_2046 : vector<128x128xf32>
    %lt3A_2048 = arith.cmpf olt, %add3A_2047, %select_n3A_2043 : vector<128x128xf32>
    %jit3A_2049 = arith.constant 20 : i32
    %broadcast_in_dim3A_2050 = vector.broadcast %jit3A_2049 : i32 to vector<128x128xi32>
    %select_n3A_2051 = arith.select %lt3A_2048, %broadcast_in_dim3A_2050, %select_n3A_2042 : vector<128x128xi1>, vector<128x128xi32>
    %select_n3A_2052 = arith.select %lt3A_2048, %add3A_2047, %select_n3A_2043 : vector<128x128xi1>, vector<128x128xf32>
    %slice3A_2053 = vector.extract_strided_slice %dot_general3A_15 {offsets = [384, 2688], sizes = [128, 128], strides = [1, 1]} : vector<1024x4096xf32> to vector<128x128xf32>
    %slice3A_2054 = vector.extract_strided_slice %get3A_23 {offsets = [0, 2688], sizes = [1, 128], strides = [1, 1]} : vector<1x8192xf32> to vector<1x128xf32>
    %add3A_2055 = vector.broadcast %slice3A_2054 : vector<1x128xf32> to vector<128x128xf32>
    %add3A_2056 = arith.addf %slice3A_2053, %add3A_2055 : vector<128x128xf32>
    %lt3A_2057 = arith.cmpf olt, %add3A_2056, %select_n3A_2052 : vector<128x128xf32>
    %jit3A_2058 = arith.constant 21 : i32
    %broadcast_in_dim3A_2059 = vector.broadcast %jit3A_2058 : i32 to vector<128x128xi32>
    %select_n3A_2060 = arith.select %lt3A_2057, %broadcast_in_dim3A_2059, %select_n3A_2051 : vector<128x128xi1>, vector<128x128xi32>
    %select_n3A_2061 = arith.select %lt3A_2057, %add3A_2056, %select_n3A_2052 : vector<128x128xi1>, vector<128x128xf32>
    %slice3A_2062 = vector.extract_strided_slice %dot_general3A_15 {offsets = [384, 2816], sizes = [128, 128], strides = [1, 1]} : vector<1024x4096xf32> to vector<128x128xf32>
    %slice3A_2063 = vector.extract_strided_slice %get3A_23 {offsets = [0, 2816], sizes = [1, 128], strides = [1, 1]} : vector<1x8192xf32> to vector<1x128xf32>
    %add3A_2064 = vector.broadcast %slice3A_2063 : vector<1x128xf32> to vector<128x128xf32>
    %add3A_2065 = arith.addf %slice3A_2062, %add3A_2064 : vector<128x128xf32>
    %lt3A_2066 = arith.cmpf olt, %add3A_2065, %select_n3A_2061 : vector<128x128xf32>
    %jit3A_2067 = arith.constant 22 : i32
    %broadcast_in_dim3A_2068 = vector.broadcast %jit3A_2067 : i32 to vector<128x128xi32>
    %select_n3A_2069 = arith.select %lt3A_2066, %broadcast_in_dim3A_2068, %select_n3A_2060 : vector<128x128xi1>, vector<128x128xi32>
    %select_n3A_2070 = arith.select %lt3A_2066, %add3A_2065, %select_n3A_2061 : vector<128x128xi1>, vector<128x128xf32>
    %slice3A_2071 = vector.extract_strided_slice %dot_general3A_15 {offsets = [384, 2944], sizes = [128, 128], strides = [1, 1]} : vector<1024x4096xf32> to vector<128x128xf32>
    %slice3A_2072 = vector.extract_strided_slice %get3A_23 {offsets = [0, 2944], sizes = [1, 128], strides = [1, 1]} : vector<1x8192xf32> to vector<1x128xf32>
    %add3A_2073 = vector.broadcast %slice3A_2072 : vector<1x128xf32> to vector<128x128xf32>
    %add3A_2074 = arith.addf %slice3A_2071, %add3A_2073 : vector<128x128xf32>
    %lt3A_2075 = arith.cmpf olt, %add3A_2074, %select_n3A_2070 : vector<128x128xf32>
    %jit3A_2076 = arith.constant 23 : i32
    %broadcast_in_dim3A_2077 = vector.broadcast %jit3A_2076 : i32 to vector<128x128xi32>
    %select_n3A_2078 = arith.select %lt3A_2075, %broadcast_in_dim3A_2077, %select_n3A_2069 : vector<128x128xi1>, vector<128x128xi32>
    %select_n3A_2079 = arith.select %lt3A_2075, %add3A_2074, %select_n3A_2070 : vector<128x128xi1>, vector<128x128xf32>
    %slice3A_2080 = vector.extract_strided_slice %dot_general3A_15 {offsets = [384, 3072], sizes = [128, 128], strides = [1, 1]} : vector<1024x4096xf32> to vector<128x128xf32>
    %slice3A_2081 = vector.extract_strided_slice %get3A_23 {offsets = [0, 3072], sizes = [1, 128], strides = [1, 1]} : vector<1x8192xf32> to vector<1x128xf32>
    %add3A_2082 = vector.broadcast %slice3A_2081 : vector<1x128xf32> to vector<128x128xf32>
    %add3A_2083 = arith.addf %slice3A_2080, %add3A_2082 : vector<128x128xf32>
    %lt3A_2084 = arith.cmpf olt, %add3A_2083, %select_n3A_2079 : vector<128x128xf32>
    %jit3A_2085 = arith.constant 24 : i32
    %broadcast_in_dim3A_2086 = vector.broadcast %jit3A_2085 : i32 to vector<128x128xi32>
    %select_n3A_2087 = arith.select %lt3A_2084, %broadcast_in_dim3A_2086, %select_n3A_2078 : vector<128x128xi1>, vector<128x128xi32>
    %select_n3A_2088 = arith.select %lt3A_2084, %add3A_2083, %select_n3A_2079 : vector<128x128xi1>, vector<128x128xf32>
    %slice3A_2089 = vector.extract_strided_slice %dot_general3A_15 {offsets = [384, 3200], sizes = [128, 128], strides = [1, 1]} : vector<1024x4096xf32> to vector<128x128xf32>
    %slice3A_2090 = vector.extract_strided_slice %get3A_23 {offsets = [0, 3200], sizes = [1, 128], strides = [1, 1]} : vector<1x8192xf32> to vector<1x128xf32>
    %add3A_2091 = vector.broadcast %slice3A_2090 : vector<1x128xf32> to vector<128x128xf32>
    %add3A_2092 = arith.addf %slice3A_2089, %add3A_2091 : vector<128x128xf32>
    %lt3A_2093 = arith.cmpf olt, %add3A_2092, %select_n3A_2088 : vector<128x128xf32>
    %jit3A_2094 = arith.constant 25 : i32
    %broadcast_in_dim3A_2095 = vector.broadcast %jit3A_2094 : i32 to vector<128x128xi32>
    %select_n3A_2096 = arith.select %lt3A_2093, %broadcast_in_dim3A_2095, %select_n3A_2087 : vector<128x128xi1>, vector<128x128xi32>
    %select_n3A_2097 = arith.select %lt3A_2093, %add3A_2092, %select_n3A_2088 : vector<128x128xi1>, vector<128x128xf32>
    %slice3A_2098 = vector.extract_strided_slice %dot_general3A_15 {offsets = [384, 3328], sizes = [128, 128], strides = [1, 1]} : vector<1024x4096xf32> to vector<128x128xf32>
    %slice3A_2099 = vector.extract_strided_slice %get3A_23 {offsets = [0, 3328], sizes = [1, 128], strides = [1, 1]} : vector<1x8192xf32> to vector<1x128xf32>
    %add3A_2100 = vector.broadcast %slice3A_2099 : vector<1x128xf32> to vector<128x128xf32>
    %add3A_2101 = arith.addf %slice3A_2098, %add3A_2100 : vector<128x128xf32>
    %lt3A_2102 = arith.cmpf olt, %add3A_2101, %select_n3A_2097 : vector<128x128xf32>
    %jit3A_2103 = arith.constant 26 : i32
    %broadcast_in_dim3A_2104 = vector.broadcast %jit3A_2103 : i32 to vector<128x128xi32>
    %select_n3A_2105 = arith.select %lt3A_2102, %broadcast_in_dim3A_2104, %select_n3A_2096 : vector<128x128xi1>, vector<128x128xi32>
    %select_n3A_2106 = arith.select %lt3A_2102, %add3A_2101, %select_n3A_2097 : vector<128x128xi1>, vector<128x128xf32>
    %slice3A_2107 = vector.extract_strided_slice %dot_general3A_15 {offsets = [384, 3456], sizes = [128, 128], strides = [1, 1]} : vector<1024x4096xf32> to vector<128x128xf32>
    %slice3A_2108 = vector.extract_strided_slice %get3A_23 {offsets = [0, 3456], sizes = [1, 128], strides = [1, 1]} : vector<1x8192xf32> to vector<1x128xf32>
    %add3A_2109 = vector.broadcast %slice3A_2108 : vector<1x128xf32> to vector<128x128xf32>
    %add3A_2110 = arith.addf %slice3A_2107, %add3A_2109 : vector<128x128xf32>
    %lt3A_2111 = arith.cmpf olt, %add3A_2110, %select_n3A_2106 : vector<128x128xf32>
    %jit3A_2112 = arith.constant 27 : i32
    %broadcast_in_dim3A_2113 = vector.broadcast %jit3A_2112 : i32 to vector<128x128xi32>
    %select_n3A_2114 = arith.select %lt3A_2111, %broadcast_in_dim3A_2113, %select_n3A_2105 : vector<128x128xi1>, vector<128x128xi32>
    %select_n3A_2115 = arith.select %lt3A_2111, %add3A_2110, %select_n3A_2106 : vector<128x128xi1>, vector<128x128xf32>
    %slice3A_2116 = vector.extract_strided_slice %dot_general3A_15 {offsets = [384, 3584], sizes = [128, 128], strides = [1, 1]} : vector<1024x4096xf32> to vector<128x128xf32>
    %slice3A_2117 = vector.extract_strided_slice %get3A_23 {offsets = [0, 3584], sizes = [1, 128], strides = [1, 1]} : vector<1x8192xf32> to vector<1x128xf32>
    %add3A_2118 = vector.broadcast %slice3A_2117 : vector<1x128xf32> to vector<128x128xf32>
    %add3A_2119 = arith.addf %slice3A_2116, %add3A_2118 : vector<128x128xf32>
    %lt3A_2120 = arith.cmpf olt, %add3A_2119, %select_n3A_2115 : vector<128x128xf32>
    %jit3A_2121 = arith.constant 28 : i32
    %broadcast_in_dim3A_2122 = vector.broadcast %jit3A_2121 : i32 to vector<128x128xi32>
    %select_n3A_2123 = arith.select %lt3A_2120, %broadcast_in_dim3A_2122, %select_n3A_2114 : vector<128x128xi1>, vector<128x128xi32>
    %select_n3A_2124 = arith.select %lt3A_2120, %add3A_2119, %select_n3A_2115 : vector<128x128xi1>, vector<128x128xf32>
    %slice3A_2125 = vector.extract_strided_slice %dot_general3A_15 {offsets = [384, 3712], sizes = [128, 128], strides = [1, 1]} : vector<1024x4096xf32> to vector<128x128xf32>
    %slice3A_2126 = vector.extract_strided_slice %get3A_23 {offsets = [0, 3712], sizes = [1, 128], strides = [1, 1]} : vector<1x8192xf32> to vector<1x128xf32>
    %add3A_2127 = vector.broadcast %slice3A_2126 : vector<1x128xf32> to vector<128x128xf32>
    %add3A_2128 = arith.addf %slice3A_2125, %add3A_2127 : vector<128x128xf32>
    %lt3A_2129 = arith.cmpf olt, %add3A_2128, %select_n3A_2124 : vector<128x128xf32>
    %jit3A_2130 = arith.constant 29 : i32
    %broadcast_in_dim3A_2131 = vector.broadcast %jit3A_2130 : i32 to vector<128x128xi32>
    %select_n3A_2132 = arith.select %lt3A_2129, %broadcast_in_dim3A_2131, %select_n3A_2123 : vector<128x128xi1>, vector<128x128xi32>
    %select_n3A_2133 = arith.select %lt3A_2129, %add3A_2128, %select_n3A_2124 : vector<128x128xi1>, vector<128x128xf32>
    %slice3A_2134 = vector.extract_strided_slice %dot_general3A_15 {offsets = [384, 3840], sizes = [128, 128], strides = [1, 1]} : vector<1024x4096xf32> to vector<128x128xf32>
    %slice3A_2135 = vector.extract_strided_slice %get3A_23 {offsets = [0, 3840], sizes = [1, 128], strides = [1, 1]} : vector<1x8192xf32> to vector<1x128xf32>
    %add3A_2136 = vector.broadcast %slice3A_2135 : vector<1x128xf32> to vector<128x128xf32>
    %add3A_2137 = arith.addf %slice3A_2134, %add3A_2136 : vector<128x128xf32>
    %lt3A_2138 = arith.cmpf olt, %add3A_2137, %select_n3A_2133 : vector<128x128xf32>
    %jit3A_2139 = arith.constant 30 : i32
    %broadcast_in_dim3A_2140 = vector.broadcast %jit3A_2139 : i32 to vector<128x128xi32>
    %select_n3A_2141 = arith.select %lt3A_2138, %broadcast_in_dim3A_2140, %select_n3A_2132 : vector<128x128xi1>, vector<128x128xi32>
    %select_n3A_2142 = arith.select %lt3A_2138, %add3A_2137, %select_n3A_2133 : vector<128x128xi1>, vector<128x128xf32>
    %slice3A_2143 = vector.extract_strided_slice %dot_general3A_15 {offsets = [384, 3968], sizes = [128, 128], strides = [1, 1]} : vector<1024x4096xf32> to vector<128x128xf32>
    %slice3A_2144 = vector.extract_strided_slice %get3A_23 {offsets = [0, 3968], sizes = [1, 128], strides = [1, 1]} : vector<1x8192xf32> to vector<1x128xf32>
    %add3A_2145 = vector.broadcast %slice3A_2144 : vector<1x128xf32> to vector<128x128xf32>
    %add3A_2146 = arith.addf %slice3A_2143, %add3A_2145 : vector<128x128xf32>
    %lt3A_2147 = arith.cmpf olt, %add3A_2146, %select_n3A_2142 : vector<128x128xf32>
    %jit3A_2148 = arith.constant 31 : i32
    %broadcast_in_dim3A_2149 = vector.broadcast %jit3A_2148 : i32 to vector<128x128xi32>
    %select_n3A_2150 = arith.select %lt3A_2147, %broadcast_in_dim3A_2149, %select_n3A_2141 : vector<128x128xi1>, vector<128x128xi32>
    %select_n3A_2151 = arith.select %lt3A_2147, %add3A_2146, %select_n3A_2142 : vector<128x128xi1>, vector<128x128xf32>
    %reduce_min3A_2152 = arith.constant dense<0x7F800000> : vector<128xf32>
    %reduce_min3A_2153 = vector.multi_reduction <minimumf>, %select_n3A_2151, %reduce_min3A_2152 [1] : vector<128x128xf32> to vector<128xf32>
    %broadcast_in_dim3A_2154 = vector.shape_cast %reduce_min3A_2153 : vector<128xf32> to vector<128x1xf32>
    %mul3A_2155 = arith.constant 128 : i32
    %mul3A_2156 = vector.broadcast %mul3A_2155 : i32 to vector<128x128xi32>
    %mul3A_2157 = arith.muli %select_n3A_2150, %mul3A_2156 : vector<128x128xi32>
    %add3A_2158 = arith.addi %mul3A_2157, %iota3A : vector<128x128xi32>
    %eq3A_2159 = vector.broadcast %broadcast_in_dim3A_2154 : vector<128x1xf32> to vector<128x128xf32>
    %eq3A_2160 = arith.cmpf oeq, %select_n3A_2151, %eq3A_2159 : vector<128x128xf32>
    %jit3A_2161 = arith.constant 8192 : i32
    %broadcast_in_dim3A_2162 = vector.broadcast %jit3A_2161 : i32 to vector<128x128xi32>
    %select_n3A_2163 = arith.select %eq3A_2160, %add3A_2158, %broadcast_in_dim3A_2162 : vector<128x128xi1>, vector<128x128xi32>
    %reduce_min3A_2164 = arith.constant dense<2147483647> : vector<128xi32>
    %reduce_min3A_2165 = vector.multi_reduction <minsi>, %select_n3A_2163, %reduce_min3A_2164 [1] : vector<128x128xi32> to vector<128xi32>
    %squeeze3A_2166 = vector.shape_cast %broadcast_in_dim3A_2154 : vector<128x1xf32> to vector<128xf32>
    %slice3A_2167 = vector.extract_strided_slice %dot_general3A_18 {offsets = [384, 0], sizes = [128, 128], strides = [1, 1]} : vector<1024x4096xf32> to vector<128x128xf32>
    %slice3A_2168 = vector.extract_strided_slice %get3A_23 {offsets = [0, 4096], sizes = [1, 128], strides = [1, 1]} : vector<1x8192xf32> to vector<1x128xf32>
    %add3A_2169 = vector.broadcast %slice3A_2168 : vector<1x128xf32> to vector<128x128xf32>
    %add3A_2170 = arith.addf %slice3A_2167, %add3A_2169 : vector<128x128xf32>
    %broadcast_in_dim3A_2171 = arith.constant 0 : i32
    %broadcast_in_dim3A_2172 = vector.broadcast %broadcast_in_dim3A_2171 : i32 to vector<128x128xi32>
    %slice3A_2173 = vector.extract_strided_slice %dot_general3A_18 {offsets = [384, 128], sizes = [128, 128], strides = [1, 1]} : vector<1024x4096xf32> to vector<128x128xf32>
    %slice3A_2174 = vector.extract_strided_slice %get3A_23 {offsets = [0, 4224], sizes = [1, 128], strides = [1, 1]} : vector<1x8192xf32> to vector<1x128xf32>
    %add3A_2175 = vector.broadcast %slice3A_2174 : vector<1x128xf32> to vector<128x128xf32>
    %add3A_2176 = arith.addf %slice3A_2173, %add3A_2175 : vector<128x128xf32>
    %lt3A_2177 = arith.cmpf olt, %add3A_2176, %add3A_2170 : vector<128x128xf32>
    %jit3A_2178 = arith.constant 1 : i32
    %broadcast_in_dim3A_2179 = vector.broadcast %jit3A_2178 : i32 to vector<128x128xi32>
    %select_n3A_2180 = arith.select %lt3A_2177, %broadcast_in_dim3A_2179, %broadcast_in_dim3A_2172 : vector<128x128xi1>, vector<128x128xi32>
    %select_n3A_2181 = arith.select %lt3A_2177, %add3A_2176, %add3A_2170 : vector<128x128xi1>, vector<128x128xf32>
    %slice3A_2182 = vector.extract_strided_slice %dot_general3A_18 {offsets = [384, 256], sizes = [128, 128], strides = [1, 1]} : vector<1024x4096xf32> to vector<128x128xf32>
    %slice3A_2183 = vector.extract_strided_slice %get3A_23 {offsets = [0, 4352], sizes = [1, 128], strides = [1, 1]} : vector<1x8192xf32> to vector<1x128xf32>
    %add3A_2184 = vector.broadcast %slice3A_2183 : vector<1x128xf32> to vector<128x128xf32>
    %add3A_2185 = arith.addf %slice3A_2182, %add3A_2184 : vector<128x128xf32>
    %lt3A_2186 = arith.cmpf olt, %add3A_2185, %select_n3A_2181 : vector<128x128xf32>
    %jit3A_2187 = arith.constant 2 : i32
    %broadcast_in_dim3A_2188 = vector.broadcast %jit3A_2187 : i32 to vector<128x128xi32>
    %select_n3A_2189 = arith.select %lt3A_2186, %broadcast_in_dim3A_2188, %select_n3A_2180 : vector<128x128xi1>, vector<128x128xi32>
    %select_n3A_2190 = arith.select %lt3A_2186, %add3A_2185, %select_n3A_2181 : vector<128x128xi1>, vector<128x128xf32>
    %slice3A_2191 = vector.extract_strided_slice %dot_general3A_18 {offsets = [384, 384], sizes = [128, 128], strides = [1, 1]} : vector<1024x4096xf32> to vector<128x128xf32>
    %slice3A_2192 = vector.extract_strided_slice %get3A_23 {offsets = [0, 4480], sizes = [1, 128], strides = [1, 1]} : vector<1x8192xf32> to vector<1x128xf32>
    %add3A_2193 = vector.broadcast %slice3A_2192 : vector<1x128xf32> to vector<128x128xf32>
    %add3A_2194 = arith.addf %slice3A_2191, %add3A_2193 : vector<128x128xf32>
    %lt3A_2195 = arith.cmpf olt, %add3A_2194, %select_n3A_2190 : vector<128x128xf32>
    %jit3A_2196 = arith.constant 3 : i32
    %broadcast_in_dim3A_2197 = vector.broadcast %jit3A_2196 : i32 to vector<128x128xi32>
    %select_n3A_2198 = arith.select %lt3A_2195, %broadcast_in_dim3A_2197, %select_n3A_2189 : vector<128x128xi1>, vector<128x128xi32>
    %select_n3A_2199 = arith.select %lt3A_2195, %add3A_2194, %select_n3A_2190 : vector<128x128xi1>, vector<128x128xf32>
    %slice3A_2200 = vector.extract_strided_slice %dot_general3A_18 {offsets = [384, 512], sizes = [128, 128], strides = [1, 1]} : vector<1024x4096xf32> to vector<128x128xf32>
    %slice3A_2201 = vector.extract_strided_slice %get3A_23 {offsets = [0, 4608], sizes = [1, 128], strides = [1, 1]} : vector<1x8192xf32> to vector<1x128xf32>
    %add3A_2202 = vector.broadcast %slice3A_2201 : vector<1x128xf32> to vector<128x128xf32>
    %add3A_2203 = arith.addf %slice3A_2200, %add3A_2202 : vector<128x128xf32>
    %lt3A_2204 = arith.cmpf olt, %add3A_2203, %select_n3A_2199 : vector<128x128xf32>
    %jit3A_2205 = arith.constant 4 : i32
    %broadcast_in_dim3A_2206 = vector.broadcast %jit3A_2205 : i32 to vector<128x128xi32>
    %select_n3A_2207 = arith.select %lt3A_2204, %broadcast_in_dim3A_2206, %select_n3A_2198 : vector<128x128xi1>, vector<128x128xi32>
    %select_n3A_2208 = arith.select %lt3A_2204, %add3A_2203, %select_n3A_2199 : vector<128x128xi1>, vector<128x128xf32>
    %slice3A_2209 = vector.extract_strided_slice %dot_general3A_18 {offsets = [384, 640], sizes = [128, 128], strides = [1, 1]} : vector<1024x4096xf32> to vector<128x128xf32>
    %slice3A_2210 = vector.extract_strided_slice %get3A_23 {offsets = [0, 4736], sizes = [1, 128], strides = [1, 1]} : vector<1x8192xf32> to vector<1x128xf32>
    %add3A_2211 = vector.broadcast %slice3A_2210 : vector<1x128xf32> to vector<128x128xf32>
    %add3A_2212 = arith.addf %slice3A_2209, %add3A_2211 : vector<128x128xf32>
    %lt3A_2213 = arith.cmpf olt, %add3A_2212, %select_n3A_2208 : vector<128x128xf32>
    %jit3A_2214 = arith.constant 5 : i32
    %broadcast_in_dim3A_2215 = vector.broadcast %jit3A_2214 : i32 to vector<128x128xi32>
    %select_n3A_2216 = arith.select %lt3A_2213, %broadcast_in_dim3A_2215, %select_n3A_2207 : vector<128x128xi1>, vector<128x128xi32>
    %select_n3A_2217 = arith.select %lt3A_2213, %add3A_2212, %select_n3A_2208 : vector<128x128xi1>, vector<128x128xf32>
    %slice3A_2218 = vector.extract_strided_slice %dot_general3A_18 {offsets = [384, 768], sizes = [128, 128], strides = [1, 1]} : vector<1024x4096xf32> to vector<128x128xf32>
    %slice3A_2219 = vector.extract_strided_slice %get3A_23 {offsets = [0, 4864], sizes = [1, 128], strides = [1, 1]} : vector<1x8192xf32> to vector<1x128xf32>
    %add3A_2220 = vector.broadcast %slice3A_2219 : vector<1x128xf32> to vector<128x128xf32>
    %add3A_2221 = arith.addf %slice3A_2218, %add3A_2220 : vector<128x128xf32>
    %lt3A_2222 = arith.cmpf olt, %add3A_2221, %select_n3A_2217 : vector<128x128xf32>
    %jit3A_2223 = arith.constant 6 : i32
    %broadcast_in_dim3A_2224 = vector.broadcast %jit3A_2223 : i32 to vector<128x128xi32>
    %select_n3A_2225 = arith.select %lt3A_2222, %broadcast_in_dim3A_2224, %select_n3A_2216 : vector<128x128xi1>, vector<128x128xi32>
    %select_n3A_2226 = arith.select %lt3A_2222, %add3A_2221, %select_n3A_2217 : vector<128x128xi1>, vector<128x128xf32>
    %slice3A_2227 = vector.extract_strided_slice %dot_general3A_18 {offsets = [384, 896], sizes = [128, 128], strides = [1, 1]} : vector<1024x4096xf32> to vector<128x128xf32>
    %slice3A_2228 = vector.extract_strided_slice %get3A_23 {offsets = [0, 4992], sizes = [1, 128], strides = [1, 1]} : vector<1x8192xf32> to vector<1x128xf32>
    %add3A_2229 = vector.broadcast %slice3A_2228 : vector<1x128xf32> to vector<128x128xf32>
    %add3A_2230 = arith.addf %slice3A_2227, %add3A_2229 : vector<128x128xf32>
    %lt3A_2231 = arith.cmpf olt, %add3A_2230, %select_n3A_2226 : vector<128x128xf32>
    %jit3A_2232 = arith.constant 7 : i32
    %broadcast_in_dim3A_2233 = vector.broadcast %jit3A_2232 : i32 to vector<128x128xi32>
    %select_n3A_2234 = arith.select %lt3A_2231, %broadcast_in_dim3A_2233, %select_n3A_2225 : vector<128x128xi1>, vector<128x128xi32>
    %select_n3A_2235 = arith.select %lt3A_2231, %add3A_2230, %select_n3A_2226 : vector<128x128xi1>, vector<128x128xf32>
    %slice3A_2236 = vector.extract_strided_slice %dot_general3A_18 {offsets = [384, 1024], sizes = [128, 128], strides = [1, 1]} : vector<1024x4096xf32> to vector<128x128xf32>
    %slice3A_2237 = vector.extract_strided_slice %get3A_23 {offsets = [0, 5120], sizes = [1, 128], strides = [1, 1]} : vector<1x8192xf32> to vector<1x128xf32>
    %add3A_2238 = vector.broadcast %slice3A_2237 : vector<1x128xf32> to vector<128x128xf32>
    %add3A_2239 = arith.addf %slice3A_2236, %add3A_2238 : vector<128x128xf32>
    %lt3A_2240 = arith.cmpf olt, %add3A_2239, %select_n3A_2235 : vector<128x128xf32>
    %jit3A_2241 = arith.constant 8 : i32
    %broadcast_in_dim3A_2242 = vector.broadcast %jit3A_2241 : i32 to vector<128x128xi32>
    %select_n3A_2243 = arith.select %lt3A_2240, %broadcast_in_dim3A_2242, %select_n3A_2234 : vector<128x128xi1>, vector<128x128xi32>
    %select_n3A_2244 = arith.select %lt3A_2240, %add3A_2239, %select_n3A_2235 : vector<128x128xi1>, vector<128x128xf32>
    %slice3A_2245 = vector.extract_strided_slice %dot_general3A_18 {offsets = [384, 1152], sizes = [128, 128], strides = [1, 1]} : vector<1024x4096xf32> to vector<128x128xf32>
    %slice3A_2246 = vector.extract_strided_slice %get3A_23 {offsets = [0, 5248], sizes = [1, 128], strides = [1, 1]} : vector<1x8192xf32> to vector<1x128xf32>
    %add3A_2247 = vector.broadcast %slice3A_2246 : vector<1x128xf32> to vector<128x128xf32>
    %add3A_2248 = arith.addf %slice3A_2245, %add3A_2247 : vector<128x128xf32>
    %lt3A_2249 = arith.cmpf olt, %add3A_2248, %select_n3A_2244 : vector<128x128xf32>
    %jit3A_2250 = arith.constant 9 : i32
    %broadcast_in_dim3A_2251 = vector.broadcast %jit3A_2250 : i32 to vector<128x128xi32>
    %select_n3A_2252 = arith.select %lt3A_2249, %broadcast_in_dim3A_2251, %select_n3A_2243 : vector<128x128xi1>, vector<128x128xi32>
    %select_n3A_2253 = arith.select %lt3A_2249, %add3A_2248, %select_n3A_2244 : vector<128x128xi1>, vector<128x128xf32>
    %slice3A_2254 = vector.extract_strided_slice %dot_general3A_18 {offsets = [384, 1280], sizes = [128, 128], strides = [1, 1]} : vector<1024x4096xf32> to vector<128x128xf32>
    %slice3A_2255 = vector.extract_strided_slice %get3A_23 {offsets = [0, 5376], sizes = [1, 128], strides = [1, 1]} : vector<1x8192xf32> to vector<1x128xf32>
    %add3A_2256 = vector.broadcast %slice3A_2255 : vector<1x128xf32> to vector<128x128xf32>
    %add3A_2257 = arith.addf %slice3A_2254, %add3A_2256 : vector<128x128xf32>
    %lt3A_2258 = arith.cmpf olt, %add3A_2257, %select_n3A_2253 : vector<128x128xf32>
    %jit3A_2259 = arith.constant 10 : i32
    %broadcast_in_dim3A_2260 = vector.broadcast %jit3A_2259 : i32 to vector<128x128xi32>
    %select_n3A_2261 = arith.select %lt3A_2258, %broadcast_in_dim3A_2260, %select_n3A_2252 : vector<128x128xi1>, vector<128x128xi32>
    %select_n3A_2262 = arith.select %lt3A_2258, %add3A_2257, %select_n3A_2253 : vector<128x128xi1>, vector<128x128xf32>
    %slice3A_2263 = vector.extract_strided_slice %dot_general3A_18 {offsets = [384, 1408], sizes = [128, 128], strides = [1, 1]} : vector<1024x4096xf32> to vector<128x128xf32>
    %slice3A_2264 = vector.extract_strided_slice %get3A_23 {offsets = [0, 5504], sizes = [1, 128], strides = [1, 1]} : vector<1x8192xf32> to vector<1x128xf32>
    %add3A_2265 = vector.broadcast %slice3A_2264 : vector<1x128xf32> to vector<128x128xf32>
    %add3A_2266 = arith.addf %slice3A_2263, %add3A_2265 : vector<128x128xf32>
    %lt3A_2267 = arith.cmpf olt, %add3A_2266, %select_n3A_2262 : vector<128x128xf32>
    %jit3A_2268 = arith.constant 11 : i32
    %broadcast_in_dim3A_2269 = vector.broadcast %jit3A_2268 : i32 to vector<128x128xi32>
    %select_n3A_2270 = arith.select %lt3A_2267, %broadcast_in_dim3A_2269, %select_n3A_2261 : vector<128x128xi1>, vector<128x128xi32>
    %select_n3A_2271 = arith.select %lt3A_2267, %add3A_2266, %select_n3A_2262 : vector<128x128xi1>, vector<128x128xf32>
    %slice3A_2272 = vector.extract_strided_slice %dot_general3A_18 {offsets = [384, 1536], sizes = [128, 128], strides = [1, 1]} : vector<1024x4096xf32> to vector<128x128xf32>
    %slice3A_2273 = vector.extract_strided_slice %get3A_23 {offsets = [0, 5632], sizes = [1, 128], strides = [1, 1]} : vector<1x8192xf32> to vector<1x128xf32>
    %add3A_2274 = vector.broadcast %slice3A_2273 : vector<1x128xf32> to vector<128x128xf32>
    %add3A_2275 = arith.addf %slice3A_2272, %add3A_2274 : vector<128x128xf32>
    %lt3A_2276 = arith.cmpf olt, %add3A_2275, %select_n3A_2271 : vector<128x128xf32>
    %jit3A_2277 = arith.constant 12 : i32
    %broadcast_in_dim3A_2278 = vector.broadcast %jit3A_2277 : i32 to vector<128x128xi32>
    %select_n3A_2279 = arith.select %lt3A_2276, %broadcast_in_dim3A_2278, %select_n3A_2270 : vector<128x128xi1>, vector<128x128xi32>
    %select_n3A_2280 = arith.select %lt3A_2276, %add3A_2275, %select_n3A_2271 : vector<128x128xi1>, vector<128x128xf32>
    %slice3A_2281 = vector.extract_strided_slice %dot_general3A_18 {offsets = [384, 1664], sizes = [128, 128], strides = [1, 1]} : vector<1024x4096xf32> to vector<128x128xf32>
    %slice3A_2282 = vector.extract_strided_slice %get3A_23 {offsets = [0, 5760], sizes = [1, 128], strides = [1, 1]} : vector<1x8192xf32> to vector<1x128xf32>
    %add3A_2283 = vector.broadcast %slice3A_2282 : vector<1x128xf32> to vector<128x128xf32>
    %add3A_2284 = arith.addf %slice3A_2281, %add3A_2283 : vector<128x128xf32>
    %lt3A_2285 = arith.cmpf olt, %add3A_2284, %select_n3A_2280 : vector<128x128xf32>
    %jit3A_2286 = arith.constant 13 : i32
    %broadcast_in_dim3A_2287 = vector.broadcast %jit3A_2286 : i32 to vector<128x128xi32>
    %select_n3A_2288 = arith.select %lt3A_2285, %broadcast_in_dim3A_2287, %select_n3A_2279 : vector<128x128xi1>, vector<128x128xi32>
    %select_n3A_2289 = arith.select %lt3A_2285, %add3A_2284, %select_n3A_2280 : vector<128x128xi1>, vector<128x128xf32>
    %slice3A_2290 = vector.extract_strided_slice %dot_general3A_18 {offsets = [384, 1792], sizes = [128, 128], strides = [1, 1]} : vector<1024x4096xf32> to vector<128x128xf32>
    %slice3A_2291 = vector.extract_strided_slice %get3A_23 {offsets = [0, 5888], sizes = [1, 128], strides = [1, 1]} : vector<1x8192xf32> to vector<1x128xf32>
    %add3A_2292 = vector.broadcast %slice3A_2291 : vector<1x128xf32> to vector<128x128xf32>
    %add3A_2293 = arith.addf %slice3A_2290, %add3A_2292 : vector<128x128xf32>
    %lt3A_2294 = arith.cmpf olt, %add3A_2293, %select_n3A_2289 : vector<128x128xf32>
    %jit3A_2295 = arith.constant 14 : i32
    %broadcast_in_dim3A_2296 = vector.broadcast %jit3A_2295 : i32 to vector<128x128xi32>
    %select_n3A_2297 = arith.select %lt3A_2294, %broadcast_in_dim3A_2296, %select_n3A_2288 : vector<128x128xi1>, vector<128x128xi32>
    %select_n3A_2298 = arith.select %lt3A_2294, %add3A_2293, %select_n3A_2289 : vector<128x128xi1>, vector<128x128xf32>
    %slice3A_2299 = vector.extract_strided_slice %dot_general3A_18 {offsets = [384, 1920], sizes = [128, 128], strides = [1, 1]} : vector<1024x4096xf32> to vector<128x128xf32>
    %slice3A_2300 = vector.extract_strided_slice %get3A_23 {offsets = [0, 6016], sizes = [1, 128], strides = [1, 1]} : vector<1x8192xf32> to vector<1x128xf32>
    %add3A_2301 = vector.broadcast %slice3A_2300 : vector<1x128xf32> to vector<128x128xf32>
    %add3A_2302 = arith.addf %slice3A_2299, %add3A_2301 : vector<128x128xf32>
    %lt3A_2303 = arith.cmpf olt, %add3A_2302, %select_n3A_2298 : vector<128x128xf32>
    %jit3A_2304 = arith.constant 15 : i32
    %broadcast_in_dim3A_2305 = vector.broadcast %jit3A_2304 : i32 to vector<128x128xi32>
    %select_n3A_2306 = arith.select %lt3A_2303, %broadcast_in_dim3A_2305, %select_n3A_2297 : vector<128x128xi1>, vector<128x128xi32>
    %select_n3A_2307 = arith.select %lt3A_2303, %add3A_2302, %select_n3A_2298 : vector<128x128xi1>, vector<128x128xf32>
    %slice3A_2308 = vector.extract_strided_slice %dot_general3A_18 {offsets = [384, 2048], sizes = [128, 128], strides = [1, 1]} : vector<1024x4096xf32> to vector<128x128xf32>
    %slice3A_2309 = vector.extract_strided_slice %get3A_23 {offsets = [0, 6144], sizes = [1, 128], strides = [1, 1]} : vector<1x8192xf32> to vector<1x128xf32>
    %add3A_2310 = vector.broadcast %slice3A_2309 : vector<1x128xf32> to vector<128x128xf32>
    %add3A_2311 = arith.addf %slice3A_2308, %add3A_2310 : vector<128x128xf32>
    %lt3A_2312 = arith.cmpf olt, %add3A_2311, %select_n3A_2307 : vector<128x128xf32>
    %jit3A_2313 = arith.constant 16 : i32
    %broadcast_in_dim3A_2314 = vector.broadcast %jit3A_2313 : i32 to vector<128x128xi32>
    %select_n3A_2315 = arith.select %lt3A_2312, %broadcast_in_dim3A_2314, %select_n3A_2306 : vector<128x128xi1>, vector<128x128xi32>
    %select_n3A_2316 = arith.select %lt3A_2312, %add3A_2311, %select_n3A_2307 : vector<128x128xi1>, vector<128x128xf32>
    %slice3A_2317 = vector.extract_strided_slice %dot_general3A_18 {offsets = [384, 2176], sizes = [128, 128], strides = [1, 1]} : vector<1024x4096xf32> to vector<128x128xf32>
    %slice3A_2318 = vector.extract_strided_slice %get3A_23 {offsets = [0, 6272], sizes = [1, 128], strides = [1, 1]} : vector<1x8192xf32> to vector<1x128xf32>
    %add3A_2319 = vector.broadcast %slice3A_2318 : vector<1x128xf32> to vector<128x128xf32>
    %add3A_2320 = arith.addf %slice3A_2317, %add3A_2319 : vector<128x128xf32>
    %lt3A_2321 = arith.cmpf olt, %add3A_2320, %select_n3A_2316 : vector<128x128xf32>
    %jit3A_2322 = arith.constant 17 : i32
    %broadcast_in_dim3A_2323 = vector.broadcast %jit3A_2322 : i32 to vector<128x128xi32>
    %select_n3A_2324 = arith.select %lt3A_2321, %broadcast_in_dim3A_2323, %select_n3A_2315 : vector<128x128xi1>, vector<128x128xi32>
    %select_n3A_2325 = arith.select %lt3A_2321, %add3A_2320, %select_n3A_2316 : vector<128x128xi1>, vector<128x128xf32>
    %slice3A_2326 = vector.extract_strided_slice %dot_general3A_18 {offsets = [384, 2304], sizes = [128, 128], strides = [1, 1]} : vector<1024x4096xf32> to vector<128x128xf32>
    %slice3A_2327 = vector.extract_strided_slice %get3A_23 {offsets = [0, 6400], sizes = [1, 128], strides = [1, 1]} : vector<1x8192xf32> to vector<1x128xf32>
    %add3A_2328 = vector.broadcast %slice3A_2327 : vector<1x128xf32> to vector<128x128xf32>
    %add3A_2329 = arith.addf %slice3A_2326, %add3A_2328 : vector<128x128xf32>
    %lt3A_2330 = arith.cmpf olt, %add3A_2329, %select_n3A_2325 : vector<128x128xf32>
    %jit3A_2331 = arith.constant 18 : i32
    %broadcast_in_dim3A_2332 = vector.broadcast %jit3A_2331 : i32 to vector<128x128xi32>
    %select_n3A_2333 = arith.select %lt3A_2330, %broadcast_in_dim3A_2332, %select_n3A_2324 : vector<128x128xi1>, vector<128x128xi32>
    %select_n3A_2334 = arith.select %lt3A_2330, %add3A_2329, %select_n3A_2325 : vector<128x128xi1>, vector<128x128xf32>
    %slice3A_2335 = vector.extract_strided_slice %dot_general3A_18 {offsets = [384, 2432], sizes = [128, 128], strides = [1, 1]} : vector<1024x4096xf32> to vector<128x128xf32>
    %slice3A_2336 = vector.extract_strided_slice %get3A_23 {offsets = [0, 6528], sizes = [1, 128], strides = [1, 1]} : vector<1x8192xf32> to vector<1x128xf32>
    %add3A_2337 = vector.broadcast %slice3A_2336 : vector<1x128xf32> to vector<128x128xf32>
    %add3A_2338 = arith.addf %slice3A_2335, %add3A_2337 : vector<128x128xf32>
    %lt3A_2339 = arith.cmpf olt, %add3A_2338, %select_n3A_2334 : vector<128x128xf32>
    %jit3A_2340 = arith.constant 19 : i32
    %broadcast_in_dim3A_2341 = vector.broadcast %jit3A_2340 : i32 to vector<128x128xi32>
    %select_n3A_2342 = arith.select %lt3A_2339, %broadcast_in_dim3A_2341, %select_n3A_2333 : vector<128x128xi1>, vector<128x128xi32>
    %select_n3A_2343 = arith.select %lt3A_2339, %add3A_2338, %select_n3A_2334 : vector<128x128xi1>, vector<128x128xf32>
    %slice3A_2344 = vector.extract_strided_slice %dot_general3A_18 {offsets = [384, 2560], sizes = [128, 128], strides = [1, 1]} : vector<1024x4096xf32> to vector<128x128xf32>
    %slice3A_2345 = vector.extract_strided_slice %get3A_23 {offsets = [0, 6656], sizes = [1, 128], strides = [1, 1]} : vector<1x8192xf32> to vector<1x128xf32>
    %add3A_2346 = vector.broadcast %slice3A_2345 : vector<1x128xf32> to vector<128x128xf32>
    %add3A_2347 = arith.addf %slice3A_2344, %add3A_2346 : vector<128x128xf32>
    %lt3A_2348 = arith.cmpf olt, %add3A_2347, %select_n3A_2343 : vector<128x128xf32>
    %jit3A_2349 = arith.constant 20 : i32
    %broadcast_in_dim3A_2350 = vector.broadcast %jit3A_2349 : i32 to vector<128x128xi32>
    %select_n3A_2351 = arith.select %lt3A_2348, %broadcast_in_dim3A_2350, %select_n3A_2342 : vector<128x128xi1>, vector<128x128xi32>
    %select_n3A_2352 = arith.select %lt3A_2348, %add3A_2347, %select_n3A_2343 : vector<128x128xi1>, vector<128x128xf32>
    %slice3A_2353 = vector.extract_strided_slice %dot_general3A_18 {offsets = [384, 2688], sizes = [128, 128], strides = [1, 1]} : vector<1024x4096xf32> to vector<128x128xf32>
    %slice3A_2354 = vector.extract_strided_slice %get3A_23 {offsets = [0, 6784], sizes = [1, 128], strides = [1, 1]} : vector<1x8192xf32> to vector<1x128xf32>
    %add3A_2355 = vector.broadcast %slice3A_2354 : vector<1x128xf32> to vector<128x128xf32>
    %add3A_2356 = arith.addf %slice3A_2353, %add3A_2355 : vector<128x128xf32>
    %lt3A_2357 = arith.cmpf olt, %add3A_2356, %select_n3A_2352 : vector<128x128xf32>
    %jit3A_2358 = arith.constant 21 : i32
    %broadcast_in_dim3A_2359 = vector.broadcast %jit3A_2358 : i32 to vector<128x128xi32>
    %select_n3A_2360 = arith.select %lt3A_2357, %broadcast_in_dim3A_2359, %select_n3A_2351 : vector<128x128xi1>, vector<128x128xi32>
    %select_n3A_2361 = arith.select %lt3A_2357, %add3A_2356, %select_n3A_2352 : vector<128x128xi1>, vector<128x128xf32>
    %slice3A_2362 = vector.extract_strided_slice %dot_general3A_18 {offsets = [384, 2816], sizes = [128, 128], strides = [1, 1]} : vector<1024x4096xf32> to vector<128x128xf32>
    %slice3A_2363 = vector.extract_strided_slice %get3A_23 {offsets = [0, 6912], sizes = [1, 128], strides = [1, 1]} : vector<1x8192xf32> to vector<1x128xf32>
    %add3A_2364 = vector.broadcast %slice3A_2363 : vector<1x128xf32> to vector<128x128xf32>
    %add3A_2365 = arith.addf %slice3A_2362, %add3A_2364 : vector<128x128xf32>
    %lt3A_2366 = arith.cmpf olt, %add3A_2365, %select_n3A_2361 : vector<128x128xf32>
    %jit3A_2367 = arith.constant 22 : i32
    %broadcast_in_dim3A_2368 = vector.broadcast %jit3A_2367 : i32 to vector<128x128xi32>
    %select_n3A_2369 = arith.select %lt3A_2366, %broadcast_in_dim3A_2368, %select_n3A_2360 : vector<128x128xi1>, vector<128x128xi32>
    %select_n3A_2370 = arith.select %lt3A_2366, %add3A_2365, %select_n3A_2361 : vector<128x128xi1>, vector<128x128xf32>
    %slice3A_2371 = vector.extract_strided_slice %dot_general3A_18 {offsets = [384, 2944], sizes = [128, 128], strides = [1, 1]} : vector<1024x4096xf32> to vector<128x128xf32>
    %slice3A_2372 = vector.extract_strided_slice %get3A_23 {offsets = [0, 7040], sizes = [1, 128], strides = [1, 1]} : vector<1x8192xf32> to vector<1x128xf32>
    %add3A_2373 = vector.broadcast %slice3A_2372 : vector<1x128xf32> to vector<128x128xf32>
    %add3A_2374 = arith.addf %slice3A_2371, %add3A_2373 : vector<128x128xf32>
    %lt3A_2375 = arith.cmpf olt, %add3A_2374, %select_n3A_2370 : vector<128x128xf32>
    %jit3A_2376 = arith.constant 23 : i32
    %broadcast_in_dim3A_2377 = vector.broadcast %jit3A_2376 : i32 to vector<128x128xi32>
    %select_n3A_2378 = arith.select %lt3A_2375, %broadcast_in_dim3A_2377, %select_n3A_2369 : vector<128x128xi1>, vector<128x128xi32>
    %select_n3A_2379 = arith.select %lt3A_2375, %add3A_2374, %select_n3A_2370 : vector<128x128xi1>, vector<128x128xf32>
    %slice3A_2380 = vector.extract_strided_slice %dot_general3A_18 {offsets = [384, 3072], sizes = [128, 128], strides = [1, 1]} : vector<1024x4096xf32> to vector<128x128xf32>
    %slice3A_2381 = vector.extract_strided_slice %get3A_23 {offsets = [0, 7168], sizes = [1, 128], strides = [1, 1]} : vector<1x8192xf32> to vector<1x128xf32>
    %add3A_2382 = vector.broadcast %slice3A_2381 : vector<1x128xf32> to vector<128x128xf32>
    %add3A_2383 = arith.addf %slice3A_2380, %add3A_2382 : vector<128x128xf32>
    %lt3A_2384 = arith.cmpf olt, %add3A_2383, %select_n3A_2379 : vector<128x128xf32>
    %jit3A_2385 = arith.constant 24 : i32
    %broadcast_in_dim3A_2386 = vector.broadcast %jit3A_2385 : i32 to vector<128x128xi32>
    %select_n3A_2387 = arith.select %lt3A_2384, %broadcast_in_dim3A_2386, %select_n3A_2378 : vector<128x128xi1>, vector<128x128xi32>
    %select_n3A_2388 = arith.select %lt3A_2384, %add3A_2383, %select_n3A_2379 : vector<128x128xi1>, vector<128x128xf32>
    %slice3A_2389 = vector.extract_strided_slice %dot_general3A_18 {offsets = [384, 3200], sizes = [128, 128], strides = [1, 1]} : vector<1024x4096xf32> to vector<128x128xf32>
    %slice3A_2390 = vector.extract_strided_slice %get3A_23 {offsets = [0, 7296], sizes = [1, 128], strides = [1, 1]} : vector<1x8192xf32> to vector<1x128xf32>
    %add3A_2391 = vector.broadcast %slice3A_2390 : vector<1x128xf32> to vector<128x128xf32>
    %add3A_2392 = arith.addf %slice3A_2389, %add3A_2391 : vector<128x128xf32>
    %lt3A_2393 = arith.cmpf olt, %add3A_2392, %select_n3A_2388 : vector<128x128xf32>
    %jit3A_2394 = arith.constant 25 : i32
    %broadcast_in_dim3A_2395 = vector.broadcast %jit3A_2394 : i32 to vector<128x128xi32>
    %select_n3A_2396 = arith.select %lt3A_2393, %broadcast_in_dim3A_2395, %select_n3A_2387 : vector<128x128xi1>, vector<128x128xi32>
    %select_n3A_2397 = arith.select %lt3A_2393, %add3A_2392, %select_n3A_2388 : vector<128x128xi1>, vector<128x128xf32>
    %slice3A_2398 = vector.extract_strided_slice %dot_general3A_18 {offsets = [384, 3328], sizes = [128, 128], strides = [1, 1]} : vector<1024x4096xf32> to vector<128x128xf32>
    %slice3A_2399 = vector.extract_strided_slice %get3A_23 {offsets = [0, 7424], sizes = [1, 128], strides = [1, 1]} : vector<1x8192xf32> to vector<1x128xf32>
    %add3A_2400 = vector.broadcast %slice3A_2399 : vector<1x128xf32> to vector<128x128xf32>
    %add3A_2401 = arith.addf %slice3A_2398, %add3A_2400 : vector<128x128xf32>
    %lt3A_2402 = arith.cmpf olt, %add3A_2401, %select_n3A_2397 : vector<128x128xf32>
    %jit3A_2403 = arith.constant 26 : i32
    %broadcast_in_dim3A_2404 = vector.broadcast %jit3A_2403 : i32 to vector<128x128xi32>
    %select_n3A_2405 = arith.select %lt3A_2402, %broadcast_in_dim3A_2404, %select_n3A_2396 : vector<128x128xi1>, vector<128x128xi32>
    %select_n3A_2406 = arith.select %lt3A_2402, %add3A_2401, %select_n3A_2397 : vector<128x128xi1>, vector<128x128xf32>
    %slice3A_2407 = vector.extract_strided_slice %dot_general3A_18 {offsets = [384, 3456], sizes = [128, 128], strides = [1, 1]} : vector<1024x4096xf32> to vector<128x128xf32>
    %slice3A_2408 = vector.extract_strided_slice %get3A_23 {offsets = [0, 7552], sizes = [1, 128], strides = [1, 1]} : vector<1x8192xf32> to vector<1x128xf32>
    %add3A_2409 = vector.broadcast %slice3A_2408 : vector<1x128xf32> to vector<128x128xf32>
    %add3A_2410 = arith.addf %slice3A_2407, %add3A_2409 : vector<128x128xf32>
    %lt3A_2411 = arith.cmpf olt, %add3A_2410, %select_n3A_2406 : vector<128x128xf32>
    %jit3A_2412 = arith.constant 27 : i32
    %broadcast_in_dim3A_2413 = vector.broadcast %jit3A_2412 : i32 to vector<128x128xi32>
    %select_n3A_2414 = arith.select %lt3A_2411, %broadcast_in_dim3A_2413, %select_n3A_2405 : vector<128x128xi1>, vector<128x128xi32>
    %select_n3A_2415 = arith.select %lt3A_2411, %add3A_2410, %select_n3A_2406 : vector<128x128xi1>, vector<128x128xf32>
    %slice3A_2416 = vector.extract_strided_slice %dot_general3A_18 {offsets = [384, 3584], sizes = [128, 128], strides = [1, 1]} : vector<1024x4096xf32> to vector<128x128xf32>
    %slice3A_2417 = vector.extract_strided_slice %get3A_23 {offsets = [0, 7680], sizes = [1, 128], strides = [1, 1]} : vector<1x8192xf32> to vector<1x128xf32>
    %add3A_2418 = vector.broadcast %slice3A_2417 : vector<1x128xf32> to vector<128x128xf32>
    %add3A_2419 = arith.addf %slice3A_2416, %add3A_2418 : vector<128x128xf32>
    %lt3A_2420 = arith.cmpf olt, %add3A_2419, %select_n3A_2415 : vector<128x128xf32>
    %jit3A_2421 = arith.constant 28 : i32
    %broadcast_in_dim3A_2422 = vector.broadcast %jit3A_2421 : i32 to vector<128x128xi32>
    %select_n3A_2423 = arith.select %lt3A_2420, %broadcast_in_dim3A_2422, %select_n3A_2414 : vector<128x128xi1>, vector<128x128xi32>
    %select_n3A_2424 = arith.select %lt3A_2420, %add3A_2419, %select_n3A_2415 : vector<128x128xi1>, vector<128x128xf32>
    %slice3A_2425 = vector.extract_strided_slice %dot_general3A_18 {offsets = [384, 3712], sizes = [128, 128], strides = [1, 1]} : vector<1024x4096xf32> to vector<128x128xf32>
    %slice3A_2426 = vector.extract_strided_slice %get3A_23 {offsets = [0, 7808], sizes = [1, 128], strides = [1, 1]} : vector<1x8192xf32> to vector<1x128xf32>
    %add3A_2427 = vector.broadcast %slice3A_2426 : vector<1x128xf32> to vector<128x128xf32>
    %add3A_2428 = arith.addf %slice3A_2425, %add3A_2427 : vector<128x128xf32>
    %lt3A_2429 = arith.cmpf olt, %add3A_2428, %select_n3A_2424 : vector<128x128xf32>
    %jit3A_2430 = arith.constant 29 : i32
    %broadcast_in_dim3A_2431 = vector.broadcast %jit3A_2430 : i32 to vector<128x128xi32>
    %select_n3A_2432 = arith.select %lt3A_2429, %broadcast_in_dim3A_2431, %select_n3A_2423 : vector<128x128xi1>, vector<128x128xi32>
    %select_n3A_2433 = arith.select %lt3A_2429, %add3A_2428, %select_n3A_2424 : vector<128x128xi1>, vector<128x128xf32>
    %slice3A_2434 = vector.extract_strided_slice %dot_general3A_18 {offsets = [384, 3840], sizes = [128, 128], strides = [1, 1]} : vector<1024x4096xf32> to vector<128x128xf32>
    %slice3A_2435 = vector.extract_strided_slice %get3A_23 {offsets = [0, 7936], sizes = [1, 128], strides = [1, 1]} : vector<1x8192xf32> to vector<1x128xf32>
    %add3A_2436 = vector.broadcast %slice3A_2435 : vector<1x128xf32> to vector<128x128xf32>
    %add3A_2437 = arith.addf %slice3A_2434, %add3A_2436 : vector<128x128xf32>
    %lt3A_2438 = arith.cmpf olt, %add3A_2437, %select_n3A_2433 : vector<128x128xf32>
    %jit3A_2439 = arith.constant 30 : i32
    %broadcast_in_dim3A_2440 = vector.broadcast %jit3A_2439 : i32 to vector<128x128xi32>
    %select_n3A_2441 = arith.select %lt3A_2438, %broadcast_in_dim3A_2440, %select_n3A_2432 : vector<128x128xi1>, vector<128x128xi32>
    %select_n3A_2442 = arith.select %lt3A_2438, %add3A_2437, %select_n3A_2433 : vector<128x128xi1>, vector<128x128xf32>
    %slice3A_2443 = vector.extract_strided_slice %dot_general3A_18 {offsets = [384, 3968], sizes = [128, 128], strides = [1, 1]} : vector<1024x4096xf32> to vector<128x128xf32>
    %slice3A_2444 = vector.extract_strided_slice %get3A_23 {offsets = [0, 8064], sizes = [1, 128], strides = [1, 1]} : vector<1x8192xf32> to vector<1x128xf32>
    %add3A_2445 = vector.broadcast %slice3A_2444 : vector<1x128xf32> to vector<128x128xf32>
    %add3A_2446 = arith.addf %slice3A_2443, %add3A_2445 : vector<128x128xf32>
    %lt3A_2447 = arith.cmpf olt, %add3A_2446, %select_n3A_2442 : vector<128x128xf32>
    %jit3A_2448 = arith.constant 31 : i32
    %broadcast_in_dim3A_2449 = vector.broadcast %jit3A_2448 : i32 to vector<128x128xi32>
    %select_n3A_2450 = arith.select %lt3A_2447, %broadcast_in_dim3A_2449, %select_n3A_2441 : vector<128x128xi1>, vector<128x128xi32>
    %select_n3A_2451 = arith.select %lt3A_2447, %add3A_2446, %select_n3A_2442 : vector<128x128xi1>, vector<128x128xf32>
    %reduce_min3A_2452 = arith.constant dense<0x7F800000> : vector<128xf32>
    %reduce_min3A_2453 = vector.multi_reduction <minimumf>, %select_n3A_2451, %reduce_min3A_2452 [1] : vector<128x128xf32> to vector<128xf32>
    %broadcast_in_dim3A_2454 = vector.shape_cast %reduce_min3A_2453 : vector<128xf32> to vector<128x1xf32>
    %mul3A_2455 = arith.constant 128 : i32
    %mul3A_2456 = vector.broadcast %mul3A_2455 : i32 to vector<128x128xi32>
    %mul3A_2457 = arith.muli %select_n3A_2450, %mul3A_2456 : vector<128x128xi32>
    %add3A_2458 = arith.addi %mul3A_2457, %iota3A : vector<128x128xi32>
    %eq3A_2459 = vector.broadcast %broadcast_in_dim3A_2454 : vector<128x1xf32> to vector<128x128xf32>
    %eq3A_2460 = arith.cmpf oeq, %select_n3A_2451, %eq3A_2459 : vector<128x128xf32>
    %jit3A_2461 = arith.constant 8192 : i32
    %broadcast_in_dim3A_2462 = vector.broadcast %jit3A_2461 : i32 to vector<128x128xi32>
    %select_n3A_2463 = arith.select %eq3A_2460, %add3A_2458, %broadcast_in_dim3A_2462 : vector<128x128xi1>, vector<128x128xi32>
    %reduce_min3A_2464 = arith.constant dense<2147483647> : vector<128xi32>
    %reduce_min3A_2465 = vector.multi_reduction <minsi>, %select_n3A_2463, %reduce_min3A_2464 [1] : vector<128x128xi32> to vector<128xi32>
    %squeeze3A_2466 = vector.shape_cast %broadcast_in_dim3A_2454 : vector<128x1xf32> to vector<128xf32>
    %slice3A_2467 = vector.extract_strided_slice %squeeze3A {offsets = [384], sizes = [128], strides = [1]} : vector<1024xf32> to vector<128xf32>
    %add3A_2468 = arith.addf %squeeze3A_2166, %slice3A_2467 : vector<128xf32>
    %convert_element_type3A_2469 = arith.truncf %add3A_2468 : vector<128xf32> to vector<128xbf16>
    %convert_element_type3A_2470 = arith.extf %convert_element_type3A_2469 : vector<128xbf16> to vector<128xf32>
    %add3A_2471 = arith.addf %squeeze3A_2466, %slice3A_2467 : vector<128xf32>
    %lt3A_2472 = arith.cmpf olt, %add3A_2471, %convert_element_type3A_2470 : vector<128xf32>
    %add3A_2473 = arith.constant 4096 : i32
    %add3A_2474 = vector.broadcast %add3A_2473 : i32 to vector<128xi32>
    %add3A_2475 = arith.addi %reduce_min3A_2465, %add3A_2474 : vector<128xi32>
    %select_n3A_2476 = arith.select %lt3A_2472, %add3A_2475, %reduce_min3A_2165 : vector<128xi1>, vector<128xi32>
    %swap3A_2477 = arith.constant 0 : index
    %swap3A_2478 = arith.constant 0 : index
    %swap3A_2479 = arith.constant 384 : index
    %swap3A_2480 = vector.load %arg4[%swap3A_2477, %swap3A_2478, %swap3A_2479] : memref<1x1x1024xi32, #tpu.memory_space<vmem>>, vector<1x1x128xi32>
    %swap3A_2481 = vector.shape_cast %swap3A_2480 : vector<1x1x128xi32> to vector<128xi32>
    %swap3A_2482 = vector.shape_cast %select_n3A_2476 : vector<128xi32> to vector<1x1x128xi32>
    tpu.vector_store %arg4[%swap3A_2477, %swap3A_2478, %swap3A_2479], %swap3A_2482 {strides = array<i32>} : memref<1x1x1024xi32, #tpu.memory_space<vmem>>, vector<1x1x128xi32>,
    %slice3A_2483 = vector.extract_strided_slice %dot_general3A_15 {offsets = [512, 0], sizes = [128, 128], strides = [1, 1]} : vector<1024x4096xf32> to vector<128x128xf32>
    %slice3A_2484 = vector.extract_strided_slice %get3A_23 {offsets = [0, 0], sizes = [1, 128], strides = [1, 1]} : vector<1x8192xf32> to vector<1x128xf32>
    %add3A_2485 = vector.broadcast %slice3A_2484 : vector<1x128xf32> to vector<128x128xf32>
    %add3A_2486 = arith.addf %slice3A_2483, %add3A_2485 : vector<128x128xf32>
    %broadcast_in_dim3A_2487 = arith.constant 0 : i32
    %broadcast_in_dim3A_2488 = vector.broadcast %broadcast_in_dim3A_2487 : i32 to vector<128x128xi32>
    %slice3A_2489 = vector.extract_strided_slice %dot_general3A_15 {offsets = [512, 128], sizes = [128, 128], strides = [1, 1]} : vector<1024x4096xf32> to vector<128x128xf32>
    %slice3A_2490 = vector.extract_strided_slice %get3A_23 {offsets = [0, 128], sizes = [1, 128], strides = [1, 1]} : vector<1x8192xf32> to vector<1x128xf32>
    %add3A_2491 = vector.broadcast %slice3A_2490 : vector<1x128xf32> to vector<128x128xf32>
    %add3A_2492 = arith.addf %slice3A_2489, %add3A_2491 : vector<128x128xf32>
    %lt3A_2493 = arith.cmpf olt, %add3A_2492, %add3A_2486 : vector<128x128xf32>
    %jit3A_2494 = arith.constant 1 : i32
    %broadcast_in_dim3A_2495 = vector.broadcast %jit3A_2494 : i32 to vector<128x128xi32>
    %select_n3A_2496 = arith.select %lt3A_2493, %broadcast_in_dim3A_2495, %broadcast_in_dim3A_2488 : vector<128x128xi1>, vector<128x128xi32>
    %select_n3A_2497 = arith.select %lt3A_2493, %add3A_2492, %add3A_2486 : vector<128x128xi1>, vector<128x128xf32>
    %slice3A_2498 = vector.extract_strided_slice %dot_general3A_15 {offsets = [512, 256], sizes = [128, 128], strides = [1, 1]} : vector<1024x4096xf32> to vector<128x128xf32>
    %slice3A_2499 = vector.extract_strided_slice %get3A_23 {offsets = [0, 256], sizes = [1, 128], strides = [1, 1]} : vector<1x8192xf32> to vector<1x128xf32>
    %add3A_2500 = vector.broadcast %slice3A_2499 : vector<1x128xf32> to vector<128x128xf32>
    %add3A_2501 = arith.addf %slice3A_2498, %add3A_2500 : vector<128x128xf32>
    %lt3A_2502 = arith.cmpf olt, %add3A_2501, %select_n3A_2497 : vector<128x128xf32>
    %jit3A_2503 = arith.constant 2 : i32
    %broadcast_in_dim3A_2504 = vector.broadcast %jit3A_2503 : i32 to vector<128x128xi32>
    %select_n3A_2505 = arith.select %lt3A_2502, %broadcast_in_dim3A_2504, %select_n3A_2496 : vector<128x128xi1>, vector<128x128xi32>
    %select_n3A_2506 = arith.select %lt3A_2502, %add3A_2501, %select_n3A_2497 : vector<128x128xi1>, vector<128x128xf32>
    %slice3A_2507 = vector.extract_strided_slice %dot_general3A_15 {offsets = [512, 384], sizes = [128, 128], strides = [1, 1]} : vector<1024x4096xf32> to vector<128x128xf32>
    %slice3A_2508 = vector.extract_strided_slice %get3A_23 {offsets = [0, 384], sizes = [1, 128], strides = [1, 1]} : vector<1x8192xf32> to vector<1x128xf32>
    %add3A_2509 = vector.broadcast %slice3A_2508 : vector<1x128xf32> to vector<128x128xf32>
    %add3A_2510 = arith.addf %slice3A_2507, %add3A_2509 : vector<128x128xf32>
    %lt3A_2511 = arith.cmpf olt, %add3A_2510, %select_n3A_2506 : vector<128x128xf32>
    %jit3A_2512 = arith.constant 3 : i32
    %broadcast_in_dim3A_2513 = vector.broadcast %jit3A_2512 : i32 to vector<128x128xi32>
    %select_n3A_2514 = arith.select %lt3A_2511, %broadcast_in_dim3A_2513, %select_n3A_2505 : vector<128x128xi1>, vector<128x128xi32>
    %select_n3A_2515 = arith.select %lt3A_2511, %add3A_2510, %select_n3A_2506 : vector<128x128xi1>, vector<128x128xf32>
    %slice3A_2516 = vector.extract_strided_slice %dot_general3A_15 {offsets = [512, 512], sizes = [128, 128], strides = [1, 1]} : vector<1024x4096xf32> to vector<128x128xf32>
    %slice3A_2517 = vector.extract_strided_slice %get3A_23 {offsets = [0, 512], sizes = [1, 128], strides = [1, 1]} : vector<1x8192xf32> to vector<1x128xf32>
    %add3A_2518 = vector.broadcast %slice3A_2517 : vector<1x128xf32> to vector<128x128xf32>
    %add3A_2519 = arith.addf %slice3A_2516, %add3A_2518 : vector<128x128xf32>
    %lt3A_2520 = arith.cmpf olt, %add3A_2519, %select_n3A_2515 : vector<128x128xf32>
    %jit3A_2521 = arith.constant 4 : i32
    %broadcast_in_dim3A_2522 = vector.broadcast %jit3A_2521 : i32 to vector<128x128xi32>
    %select_n3A_2523 = arith.select %lt3A_2520, %broadcast_in_dim3A_2522, %select_n3A_2514 : vector<128x128xi1>, vector<128x128xi32>
    %select_n3A_2524 = arith.select %lt3A_2520, %add3A_2519, %select_n3A_2515 : vector<128x128xi1>, vector<128x128xf32>
    %slice3A_2525 = vector.extract_strided_slice %dot_general3A_15 {offsets = [512, 640], sizes = [128, 128], strides = [1, 1]} : vector<1024x4096xf32> to vector<128x128xf32>
    %slice3A_2526 = vector.extract_strided_slice %get3A_23 {offsets = [0, 640], sizes = [1, 128], strides = [1, 1]} : vector<1x8192xf32> to vector<1x128xf32>
    %add3A_2527 = vector.broadcast %slice3A_2526 : vector<1x128xf32> to vector<128x128xf32>
    %add3A_2528 = arith.addf %slice3A_2525, %add3A_2527 : vector<128x128xf32>
    %lt3A_2529 = arith.cmpf olt, %add3A_2528, %select_n3A_2524 : vector<128x128xf32>
    %jit3A_2530 = arith.constant 5 : i32
    %broadcast_in_dim3A_2531 = vector.broadcast %jit3A_2530 : i32 to vector<128x128xi32>
    %select_n3A_2532 = arith.select %lt3A_2529, %broadcast_in_dim3A_2531, %select_n3A_2523 : vector<128x128xi1>, vector<128x128xi32>
    %select_n3A_2533 = arith.select %lt3A_2529, %add3A_2528, %select_n3A_2524 : vector<128x128xi1>, vector<128x128xf32>
    %slice3A_2534 = vector.extract_strided_slice %dot_general3A_15 {offsets = [512, 768], sizes = [128, 128], strides = [1, 1]} : vector<1024x4096xf32> to vector<128x128xf32>
    %slice3A_2535 = vector.extract_strided_slice %get3A_23 {offsets = [0, 768], sizes = [1, 128], strides = [1, 1]} : vector<1x8192xf32> to vector<1x128xf32>
    %add3A_2536 = vector.broadcast %slice3A_2535 : vector<1x128xf32> to vector<128x128xf32>
    %add3A_2537 = arith.addf %slice3A_2534, %add3A_2536 : vector<128x128xf32>
    %lt3A_2538 = arith.cmpf olt, %add3A_2537, %select_n3A_2533 : vector<128x128xf32>
    %jit3A_2539 = arith.constant 6 : i32
    %broadcast_in_dim3A_2540 = vector.broadcast %jit3A_2539 : i32 to vector<128x128xi32>
    %select_n3A_2541 = arith.select %lt3A_2538, %broadcast_in_dim3A_2540, %select_n3A_2532 : vector<128x128xi1>, vector<128x128xi32>
    %select_n3A_2542 = arith.select %lt3A_2538, %add3A_2537, %select_n3A_2533 : vector<128x128xi1>, vector<128x128xf32>
    %slice3A_2543 = vector.extract_strided_slice %dot_general3A_15 {offsets = [512, 896], sizes = [128, 128], strides = [1, 1]} : vector<1024x4096xf32> to vector<128x128xf32>
    %slice3A_2544 = vector.extract_strided_slice %get3A_23 {offsets = [0, 896], sizes = [1, 128], strides = [1, 1]} : vector<1x8192xf32> to vector<1x128xf32>
    %add3A_2545 = vector.broadcast %slice3A_2544 : vector<1x128xf32> to vector<128x128xf32>
    %add3A_2546 = arith.addf %slice3A_2543, %add3A_2545 : vector<128x128xf32>
    %lt3A_2547 = arith.cmpf olt, %add3A_2546, %select_n3A_2542 : vector<128x128xf32>
    %jit3A_2548 = arith.constant 7 : i32
    %broadcast_in_dim3A_2549 = vector.broadcast %jit3A_2548 : i32 to vector<128x128xi32>
    %select_n3A_2550 = arith.select %lt3A_2547, %broadcast_in_dim3A_2549, %select_n3A_2541 : vector<128x128xi1>, vector<128x128xi32>
    %select_n3A_2551 = arith.select %lt3A_2547, %add3A_2546, %select_n3A_2542 : vector<128x128xi1>, vector<128x128xf32>
    %slice3A_2552 = vector.extract_strided_slice %dot_general3A_15 {offsets = [512, 1024], sizes = [128, 128], strides = [1, 1]} : vector<1024x4096xf32> to vector<128x128xf32>
    %slice3A_2553 = vector.extract_strided_slice %get3A_23 {offsets = [0, 1024], sizes = [1, 128], strides = [1, 1]} : vector<1x8192xf32> to vector<1x128xf32>
    %add3A_2554 = vector.broadcast %slice3A_2553 : vector<1x128xf32> to vector<128x128xf32>
    %add3A_2555 = arith.addf %slice3A_2552, %add3A_2554 : vector<128x128xf32>
    %lt3A_2556 = arith.cmpf olt, %add3A_2555, %select_n3A_2551 : vector<128x128xf32>
    %jit3A_2557 = arith.constant 8 : i32
    %broadcast_in_dim3A_2558 = vector.broadcast %jit3A_2557 : i32 to vector<128x128xi32>
    %select_n3A_2559 = arith.select %lt3A_2556, %broadcast_in_dim3A_2558, %select_n3A_2550 : vector<128x128xi1>, vector<128x128xi32>
    %select_n3A_2560 = arith.select %lt3A_2556, %add3A_2555, %select_n3A_2551 : vector<128x128xi1>, vector<128x128xf32>
    %slice3A_2561 = vector.extract_strided_slice %dot_general3A_15 {offsets = [512, 1152], sizes = [128, 128], strides = [1, 1]} : vector<1024x4096xf32> to vector<128x128xf32>
    %slice3A_2562 = vector.extract_strided_slice %get3A_23 {offsets = [0, 1152], sizes = [1, 128], strides = [1, 1]} : vector<1x8192xf32> to vector<1x128xf32>
    %add3A_2563 = vector.broadcast %slice3A_2562 : vector<1x128xf32> to vector<128x128xf32>
    %add3A_2564 = arith.addf %slice3A_2561, %add3A_2563 : vector<128x128xf32>
    %lt3A_2565 = arith.cmpf olt, %add3A_2564, %select_n3A_2560 : vector<128x128xf32>
    %jit3A_2566 = arith.constant 9 : i32
    %broadcast_in_dim3A_2567 = vector.broadcast %jit3A_2566 : i32 to vector<128x128xi32>
    %select_n3A_2568 = arith.select %lt3A_2565, %broadcast_in_dim3A_2567, %select_n3A_2559 : vector<128x128xi1>, vector<128x128xi32>
    %select_n3A_2569 = arith.select %lt3A_2565, %add3A_2564, %select_n3A_2560 : vector<128x128xi1>, vector<128x128xf32>
    %slice3A_2570 = vector.extract_strided_slice %dot_general3A_15 {offsets = [512, 1280], sizes = [128, 128], strides = [1, 1]} : vector<1024x4096xf32> to vector<128x128xf32>
    %slice3A_2571 = vector.extract_strided_slice %get3A_23 {offsets = [0, 1280], sizes = [1, 128], strides = [1, 1]} : vector<1x8192xf32> to vector<1x128xf32>
    %add3A_2572 = vector.broadcast %slice3A_2571 : vector<1x128xf32> to vector<128x128xf32>
    %add3A_2573 = arith.addf %slice3A_2570, %add3A_2572 : vector<128x128xf32>
    %lt3A_2574 = arith.cmpf olt, %add3A_2573, %select_n3A_2569 : vector<128x128xf32>
    %jit3A_2575 = arith.constant 10 : i32
    %broadcast_in_dim3A_2576 = vector.broadcast %jit3A_2575 : i32 to vector<128x128xi32>
    %select_n3A_2577 = arith.select %lt3A_2574, %broadcast_in_dim3A_2576, %select_n3A_2568 : vector<128x128xi1>, vector<128x128xi32>
    %select_n3A_2578 = arith.select %lt3A_2574, %add3A_2573, %select_n3A_2569 : vector<128x128xi1>, vector<128x128xf32>
    %slice3A_2579 = vector.extract_strided_slice %dot_general3A_15 {offsets = [512, 1408], sizes = [128, 128], strides = [1, 1]} : vector<1024x4096xf32> to vector<128x128xf32>
    %slice3A_2580 = vector.extract_strided_slice %get3A_23 {offsets = [0, 1408], sizes = [1, 128], strides = [1, 1]} : vector<1x8192xf32> to vector<1x128xf32>
    %add3A_2581 = vector.broadcast %slice3A_2580 : vector<1x128xf32> to vector<128x128xf32>
    %add3A_2582 = arith.addf %slice3A_2579, %add3A_2581 : vector<128x128xf32>
    %lt3A_2583 = arith.cmpf olt, %add3A_2582, %select_n3A_2578 : vector<128x128xf32>
    %jit3A_2584 = arith.constant 11 : i32
    %broadcast_in_dim3A_2585 = vector.broadcast %jit3A_2584 : i32 to vector<128x128xi32>
    %select_n3A_2586 = arith.select %lt3A_2583, %broadcast_in_dim3A_2585, %select_n3A_2577 : vector<128x128xi1>, vector<128x128xi32>
    %select_n3A_2587 = arith.select %lt3A_2583, %add3A_2582, %select_n3A_2578 : vector<128x128xi1>, vector<128x128xf32>
    %slice3A_2588 = vector.extract_strided_slice %dot_general3A_15 {offsets = [512, 1536], sizes = [128, 128], strides = [1, 1]} : vector<1024x4096xf32> to vector<128x128xf32>
    %slice3A_2589 = vector.extract_strided_slice %get3A_23 {offsets = [0, 1536], sizes = [1, 128], strides = [1, 1]} : vector<1x8192xf32> to vector<1x128xf32>
    %add3A_2590 = vector.broadcast %slice3A_2589 : vector<1x128xf32> to vector<128x128xf32>
    %add3A_2591 = arith.addf %slice3A_2588, %add3A_2590 : vector<128x128xf32>
    %lt3A_2592 = arith.cmpf olt, %add3A_2591, %select_n3A_2587 : vector<128x128xf32>
    %jit3A_2593 = arith.constant 12 : i32
    %broadcast_in_dim3A_2594 = vector.broadcast %jit3A_2593 : i32 to vector<128x128xi32>
    %select_n3A_2595 = arith.select %lt3A_2592, %broadcast_in_dim3A_2594, %select_n3A_2586 : vector<128x128xi1>, vector<128x128xi32>
    %select_n3A_2596 = arith.select %lt3A_2592, %add3A_2591, %select_n3A_2587 : vector<128x128xi1>, vector<128x128xf32>
    %slice3A_2597 = vector.extract_strided_slice %dot_general3A_15 {offsets = [512, 1664], sizes = [128, 128], strides = [1, 1]} : vector<1024x4096xf32> to vector<128x128xf32>
    %slice3A_2598 = vector.extract_strided_slice %get3A_23 {offsets = [0, 1664], sizes = [1, 128], strides = [1, 1]} : vector<1x8192xf32> to vector<1x128xf32>
    %add3A_2599 = vector.broadcast %slice3A_2598 : vector<1x128xf32> to vector<128x128xf32>
    %add3A_2600 = arith.addf %slice3A_2597, %add3A_2599 : vector<128x128xf32>
    %lt3A_2601 = arith.cmpf olt, %add3A_2600, %select_n3A_2596 : vector<128x128xf32>
    %jit3A_2602 = arith.constant 13 : i32
    %broadcast_in_dim3A_2603 = vector.broadcast %jit3A_2602 : i32 to vector<128x128xi32>
    %select_n3A_2604 = arith.select %lt3A_2601, %broadcast_in_dim3A_2603, %select_n3A_2595 : vector<128x128xi1>, vector<128x128xi32>
    %select_n3A_2605 = arith.select %lt3A_2601, %add3A_2600, %select_n3A_2596 : vector<128x128xi1>, vector<128x128xf32>
    %slice3A_2606 = vector.extract_strided_slice %dot_general3A_15 {offsets = [512, 1792], sizes = [128, 128], strides = [1, 1]} : vector<1024x4096xf32> to vector<128x128xf32>
    %slice3A_2607 = vector.extract_strided_slice %get3A_23 {offsets = [0, 1792], sizes = [1, 128], strides = [1, 1]} : vector<1x8192xf32> to vector<1x128xf32>
    %add3A_2608 = vector.broadcast %slice3A_2607 : vector<1x128xf32> to vector<128x128xf32>
    %add3A_2609 = arith.addf %slice3A_2606, %add3A_2608 : vector<128x128xf32>
    %lt3A_2610 = arith.cmpf olt, %add3A_2609, %select_n3A_2605 : vector<128x128xf32>
    %jit3A_2611 = arith.constant 14 : i32
    %broadcast_in_dim3A_2612 = vector.broadcast %jit3A_2611 : i32 to vector<128x128xi32>
    %select_n3A_2613 = arith.select %lt3A_2610, %broadcast_in_dim3A_2612, %select_n3A_2604 : vector<128x128xi1>, vector<128x128xi32>
    %select_n3A_2614 = arith.select %lt3A_2610, %add3A_2609, %select_n3A_2605 : vector<128x128xi1>, vector<128x128xf32>
    %slice3A_2615 = vector.extract_strided_slice %dot_general3A_15 {offsets = [512, 1920], sizes = [128, 128], strides = [1, 1]} : vector<1024x4096xf32> to vector<128x128xf32>
    %slice3A_2616 = vector.extract_strided_slice %get3A_23 {offsets = [0, 1920], sizes = [1, 128], strides = [1, 1]} : vector<1x8192xf32> to vector<1x128xf32>
    %add3A_2617 = vector.broadcast %slice3A_2616 : vector<1x128xf32> to vector<128x128xf32>
    %add3A_2618 = arith.addf %slice3A_2615, %add3A_2617 : vector<128x128xf32>
    %lt3A_2619 = arith.cmpf olt, %add3A_2618, %select_n3A_2614 : vector<128x128xf32>
    %jit3A_2620 = arith.constant 15 : i32
    %broadcast_in_dim3A_2621 = vector.broadcast %jit3A_2620 : i32 to vector<128x128xi32>
    %select_n3A_2622 = arith.select %lt3A_2619, %broadcast_in_dim3A_2621, %select_n3A_2613 : vector<128x128xi1>, vector<128x128xi32>
    %select_n3A_2623 = arith.select %lt3A_2619, %add3A_2618, %select_n3A_2614 : vector<128x128xi1>, vector<128x128xf32>
    %slice3A_2624 = vector.extract_strided_slice %dot_general3A_15 {offsets = [512, 2048], sizes = [128, 128], strides = [1, 1]} : vector<1024x4096xf32> to vector<128x128xf32>
    %slice3A_2625 = vector.extract_strided_slice %get3A_23 {offsets = [0, 2048], sizes = [1, 128], strides = [1, 1]} : vector<1x8192xf32> to vector<1x128xf32>
    %add3A_2626 = vector.broadcast %slice3A_2625 : vector<1x128xf32> to vector<128x128xf32>
    %add3A_2627 = arith.addf %slice3A_2624, %add3A_2626 : vector<128x128xf32>
    %lt3A_2628 = arith.cmpf olt, %add3A_2627, %select_n3A_2623 : vector<128x128xf32>
    %jit3A_2629 = arith.constant 16 : i32
    %broadcast_in_dim3A_2630 = vector.broadcast %jit3A_2629 : i32 to vector<128x128xi32>
    %select_n3A_2631 = arith.select %lt3A_2628, %broadcast_in_dim3A_2630, %select_n3A_2622 : vector<128x128xi1>, vector<128x128xi32>
    %select_n3A_2632 = arith.select %lt3A_2628, %add3A_2627, %select_n3A_2623 : vector<128x128xi1>, vector<128x128xf32>
    %slice3A_2633 = vector.extract_strided_slice %dot_general3A_15 {offsets = [512, 2176], sizes = [128, 128], strides = [1, 1]} : vector<1024x4096xf32> to vector<128x128xf32>
    %slice3A_2634 = vector.extract_strided_slice %get3A_23 {offsets = [0, 2176], sizes = [1, 128], strides = [1, 1]} : vector<1x8192xf32> to vector<1x128xf32>
    %add3A_2635 = vector.broadcast %slice3A_2634 : vector<1x128xf32> to vector<128x128xf32>
    %add3A_2636 = arith.addf %slice3A_2633, %add3A_2635 : vector<128x128xf32>
    %lt3A_2637 = arith.cmpf olt, %add3A_2636, %select_n3A_2632 : vector<128x128xf32>
    %jit3A_2638 = arith.constant 17 : i32
    %broadcast_in_dim3A_2639 = vector.broadcast %jit3A_2638 : i32 to vector<128x128xi32>
    %select_n3A_2640 = arith.select %lt3A_2637, %broadcast_in_dim3A_2639, %select_n3A_2631 : vector<128x128xi1>, vector<128x128xi32>
    %select_n3A_2641 = arith.select %lt3A_2637, %add3A_2636, %select_n3A_2632 : vector<128x128xi1>, vector<128x128xf32>
    %slice3A_2642 = vector.extract_strided_slice %dot_general3A_15 {offsets = [512, 2304], sizes = [128, 128], strides = [1, 1]} : vector<1024x4096xf32> to vector<128x128xf32>
    %slice3A_2643 = vector.extract_strided_slice %get3A_23 {offsets = [0, 2304], sizes = [1, 128], strides = [1, 1]} : vector<1x8192xf32> to vector<1x128xf32>
    %add3A_2644 = vector.broadcast %slice3A_2643 : vector<1x128xf32> to vector<128x128xf32>
    %add3A_2645 = arith.addf %slice3A_2642, %add3A_2644 : vector<128x128xf32>
    %lt3A_2646 = arith.cmpf olt, %add3A_2645, %select_n3A_2641 : vector<128x128xf32>
    %jit3A_2647 = arith.constant 18 : i32
    %broadcast_in_dim3A_2648 = vector.broadcast %jit3A_2647 : i32 to vector<128x128xi32>
    %select_n3A_2649 = arith.select %lt3A_2646, %broadcast_in_dim3A_2648, %select_n3A_2640 : vector<128x128xi1>, vector<128x128xi32>
    %select_n3A_2650 = arith.select %lt3A_2646, %add3A_2645, %select_n3A_2641 : vector<128x128xi1>, vector<128x128xf32>
    %slice3A_2651 = vector.extract_strided_slice %dot_general3A_15 {offsets = [512, 2432], sizes = [128, 128], strides = [1, 1]} : vector<1024x4096xf32> to vector<128x128xf32>
    %slice3A_2652 = vector.extract_strided_slice %get3A_23 {offsets = [0, 2432], sizes = [1, 128], strides = [1, 1]} : vector<1x8192xf32> to vector<1x128xf32>
    %add3A_2653 = vector.broadcast %slice3A_2652 : vector<1x128xf32> to vector<128x128xf32>
    %add3A_2654 = arith.addf %slice3A_2651, %add3A_2653 : vector<128x128xf32>
    %lt3A_2655 = arith.cmpf olt, %add3A_2654, %select_n3A_2650 : vector<128x128xf32>
    %jit3A_2656 = arith.constant 19 : i32
    %broadcast_in_dim3A_2657 = vector.broadcast %jit3A_2656 : i32 to vector<128x128xi32>
    %select_n3A_2658 = arith.select %lt3A_2655, %broadcast_in_dim3A_2657, %select_n3A_2649 : vector<128x128xi1>, vector<128x128xi32>
    %select_n3A_2659 = arith.select %lt3A_2655, %add3A_2654, %select_n3A_2650 : vector<128x128xi1>, vector<128x128xf32>
    %slice3A_2660 = vector.extract_strided_slice %dot_general3A_15 {offsets = [512, 2560], sizes = [128, 128], strides = [1, 1]} : vector<1024x4096xf32> to vector<128x128xf32>
    %slice3A_2661 = vector.extract_strided_slice %get3A_23 {offsets = [0, 2560], sizes = [1, 128], strides = [1, 1]} : vector<1x8192xf32> to vector<1x128xf32>
    %add3A_2662 = vector.broadcast %slice3A_2661 : vector<1x128xf32> to vector<128x128xf32>
    %add3A_2663 = arith.addf %slice3A_2660, %add3A_2662 : vector<128x128xf32>
    %lt3A_2664 = arith.cmpf olt, %add3A_2663, %select_n3A_2659 : vector<128x128xf32>
    %jit3A_2665 = arith.constant 20 : i32
    %broadcast_in_dim3A_2666 = vector.broadcast %jit3A_2665 : i32 to vector<128x128xi32>
    %select_n3A_2667 = arith.select %lt3A_2664, %broadcast_in_dim3A_2666, %select_n3A_2658 : vector<128x128xi1>, vector<128x128xi32>
    %select_n3A_2668 = arith.select %lt3A_2664, %add3A_2663, %select_n3A_2659 : vector<128x128xi1>, vector<128x128xf32>
    %slice3A_2669 = vector.extract_strided_slice %dot_general3A_15 {offsets = [512, 2688], sizes = [128, 128], strides = [1, 1]} : vector<1024x4096xf32> to vector<128x128xf32>
    %slice3A_2670 = vector.extract_strided_slice %get3A_23 {offsets = [0, 2688], sizes = [1, 128], strides = [1, 1]} : vector<1x8192xf32> to vector<1x128xf32>
    %add3A_2671 = vector.broadcast %slice3A_2670 : vector<1x128xf32> to vector<128x128xf32>
    %add3A_2672 = arith.addf %slice3A_2669, %add3A_2671 : vector<128x128xf32>
    %lt3A_2673 = arith.cmpf olt, %add3A_2672, %select_n3A_2668 : vector<128x128xf32>
    %jit3A_2674 = arith.constant 21 : i32
    %broadcast_in_dim3A_2675 = vector.broadcast %jit3A_2674 : i32 to vector<128x128xi32>
    %select_n3A_2676 = arith.select %lt3A_2673, %broadcast_in_dim3A_2675, %select_n3A_2667 : vector<128x128xi1>, vector<128x128xi32>
    %select_n3A_2677 = arith.select %lt3A_2673, %add3A_2672, %select_n3A_2668 : vector<128x128xi1>, vector<128x128xf32>
    %slice3A_2678 = vector.extract_strided_slice %dot_general3A_15 {offsets = [512, 2816], sizes = [128, 128], strides = [1, 1]} : vector<1024x4096xf32> to vector<128x128xf32>
    %slice3A_2679 = vector.extract_strided_slice %get3A_23 {offsets = [0, 2816], sizes = [1, 128], strides = [1, 1]} : vector<1x8192xf32> to vector<1x128xf32>
    %add3A_2680 = vector.broadcast %slice3A_2679 : vector<1x128xf32> to vector<128x128xf32>
    %add3A_2681 = arith.addf %slice3A_2678, %add3A_2680 : vector<128x128xf32>
    %lt3A_2682 = arith.cmpf olt, %add3A_2681, %select_n3A_2677 : vector<128x128xf32>
    %jit3A_2683 = arith.constant 22 : i32
    %broadcast_in_dim3A_2684 = vector.broadcast %jit3A_2683 : i32 to vector<128x128xi32>
    %select_n3A_2685 = arith.select %lt3A_2682, %broadcast_in_dim3A_2684, %select_n3A_2676 : vector<128x128xi1>, vector<128x128xi32>
    %select_n3A_2686 = arith.select %lt3A_2682, %add3A_2681, %select_n3A_2677 : vector<128x128xi1>, vector<128x128xf32>
    %slice3A_2687 = vector.extract_strided_slice %dot_general3A_15 {offsets = [512, 2944], sizes = [128, 128], strides = [1, 1]} : vector<1024x4096xf32> to vector<128x128xf32>
    %slice3A_2688 = vector.extract_strided_slice %get3A_23 {offsets = [0, 2944], sizes = [1, 128], strides = [1, 1]} : vector<1x8192xf32> to vector<1x128xf32>
    %add3A_2689 = vector.broadcast %slice3A_2688 : vector<1x128xf32> to vector<128x128xf32>
    %add3A_2690 = arith.addf %slice3A_2687, %add3A_2689 : vector<128x128xf32>
    %lt3A_2691 = arith.cmpf olt, %add3A_2690, %select_n3A_2686 : vector<128x128xf32>
    %jit3A_2692 = arith.constant 23 : i32
    %broadcast_in_dim3A_2693 = vector.broadcast %jit3A_2692 : i32 to vector<128x128xi32>
    %select_n3A_2694 = arith.select %lt3A_2691, %broadcast_in_dim3A_2693, %select_n3A_2685 : vector<128x128xi1>, vector<128x128xi32>
    %select_n3A_2695 = arith.select %lt3A_2691, %add3A_2690, %select_n3A_2686 : vector<128x128xi1>, vector<128x128xf32>
    %slice3A_2696 = vector.extract_strided_slice %dot_general3A_15 {offsets = [512, 3072], sizes = [128, 128], strides = [1, 1]} : vector<1024x4096xf32> to vector<128x128xf32>
    %slice3A_2697 = vector.extract_strided_slice %get3A_23 {offsets = [0, 3072], sizes = [1, 128], strides = [1, 1]} : vector<1x8192xf32> to vector<1x128xf32>
    %add3A_2698 = vector.broadcast %slice3A_2697 : vector<1x128xf32> to vector<128x128xf32>
    %add3A_2699 = arith.addf %slice3A_2696, %add3A_2698 : vector<128x128xf32>
    %lt3A_2700 = arith.cmpf olt, %add3A_2699, %select_n3A_2695 : vector<128x128xf32>
    %jit3A_2701 = arith.constant 24 : i32
    %broadcast_in_dim3A_2702 = vector.broadcast %jit3A_2701 : i32 to vector<128x128xi32>
    %select_n3A_2703 = arith.select %lt3A_2700, %broadcast_in_dim3A_2702, %select_n3A_2694 : vector<128x128xi1>, vector<128x128xi32>
    %select_n3A_2704 = arith.select %lt3A_2700, %add3A_2699, %select_n3A_2695 : vector<128x128xi1>, vector<128x128xf32>
    %slice3A_2705 = vector.extract_strided_slice %dot_general3A_15 {offsets = [512, 3200], sizes = [128, 128], strides = [1, 1]} : vector<1024x4096xf32> to vector<128x128xf32>
    %slice3A_2706 = vector.extract_strided_slice %get3A_23 {offsets = [0, 3200], sizes = [1, 128], strides = [1, 1]} : vector<1x8192xf32> to vector<1x128xf32>
    %add3A_2707 = vector.broadcast %slice3A_2706 : vector<1x128xf32> to vector<128x128xf32>
    %add3A_2708 = arith.addf %slice3A_2705, %add3A_2707 : vector<128x128xf32>
    %lt3A_2709 = arith.cmpf olt, %add3A_2708, %select_n3A_2704 : vector<128x128xf32>
    %jit3A_2710 = arith.constant 25 : i32
    %broadcast_in_dim3A_2711 = vector.broadcast %jit3A_2710 : i32 to vector<128x128xi32>
    %select_n3A_2712 = arith.select %lt3A_2709, %broadcast_in_dim3A_2711, %select_n3A_2703 : vector<128x128xi1>, vector<128x128xi32>
    %select_n3A_2713 = arith.select %lt3A_2709, %add3A_2708, %select_n3A_2704 : vector<128x128xi1>, vector<128x128xf32>
    %slice3A_2714 = vector.extract_strided_slice %dot_general3A_15 {offsets = [512, 3328], sizes = [128, 128], strides = [1, 1]} : vector<1024x4096xf32> to vector<128x128xf32>
    %slice3A_2715 = vector.extract_strided_slice %get3A_23 {offsets = [0, 3328], sizes = [1, 128], strides = [1, 1]} : vector<1x8192xf32> to vector<1x128xf32>
    %add3A_2716 = vector.broadcast %slice3A_2715 : vector<1x128xf32> to vector<128x128xf32>
    %add3A_2717 = arith.addf %slice3A_2714, %add3A_2716 : vector<128x128xf32>
    %lt3A_2718 = arith.cmpf olt, %add3A_2717, %select_n3A_2713 : vector<128x128xf32>
    %jit3A_2719 = arith.constant 26 : i32
    %broadcast_in_dim3A_2720 = vector.broadcast %jit3A_2719 : i32 to vector<128x128xi32>
    %select_n3A_2721 = arith.select %lt3A_2718, %broadcast_in_dim3A_2720, %select_n3A_2712 : vector<128x128xi1>, vector<128x128xi32>
    %select_n3A_2722 = arith.select %lt3A_2718, %add3A_2717, %select_n3A_2713 : vector<128x128xi1>, vector<128x128xf32>
    %slice3A_2723 = vector.extract_strided_slice %dot_general3A_15 {offsets = [512, 3456], sizes = [128, 128], strides = [1, 1]} : vector<1024x4096xf32> to vector<128x128xf32>
    %slice3A_2724 = vector.extract_strided_slice %get3A_23 {offsets = [0, 3456], sizes = [1, 128], strides = [1, 1]} : vector<1x8192xf32> to vector<1x128xf32>
    %add3A_2725 = vector.broadcast %slice3A_2724 : vector<1x128xf32> to vector<128x128xf32>
    %add3A_2726 = arith.addf %slice3A_2723, %add3A_2725 : vector<128x128xf32>
    %lt3A_2727 = arith.cmpf olt, %add3A_2726, %select_n3A_2722 : vector<128x128xf32>
    %jit3A_2728 = arith.constant 27 : i32
    %broadcast_in_dim3A_2729 = vector.broadcast %jit3A_2728 : i32 to vector<128x128xi32>
    %select_n3A_2730 = arith.select %lt3A_2727, %broadcast_in_dim3A_2729, %select_n3A_2721 : vector<128x128xi1>, vector<128x128xi32>
    %select_n3A_2731 = arith.select %lt3A_2727, %add3A_2726, %select_n3A_2722 : vector<128x128xi1>, vector<128x128xf32>
    %slice3A_2732 = vector.extract_strided_slice %dot_general3A_15 {offsets = [512, 3584], sizes = [128, 128], strides = [1, 1]} : vector<1024x4096xf32> to vector<128x128xf32>
    %slice3A_2733 = vector.extract_strided_slice %get3A_23 {offsets = [0, 3584], sizes = [1, 128], strides = [1, 1]} : vector<1x8192xf32> to vector<1x128xf32>
    %add3A_2734 = vector.broadcast %slice3A_2733 : vector<1x128xf32> to vector<128x128xf32>
    %add3A_2735 = arith.addf %slice3A_2732, %add3A_2734 : vector<128x128xf32>
    %lt3A_2736 = arith.cmpf olt, %add3A_2735, %select_n3A_2731 : vector<128x128xf32>
    %jit3A_2737 = arith.constant 28 : i32
    %broadcast_in_dim3A_2738 = vector.broadcast %jit3A_2737 : i32 to vector<128x128xi32>
    %select_n3A_2739 = arith.select %lt3A_2736, %broadcast_in_dim3A_2738, %select_n3A_2730 : vector<128x128xi1>, vector<128x128xi32>
    %select_n3A_2740 = arith.select %lt3A_2736, %add3A_2735, %select_n3A_2731 : vector<128x128xi1>, vector<128x128xf32>
    %slice3A_2741 = vector.extract_strided_slice %dot_general3A_15 {offsets = [512, 3712], sizes = [128, 128], strides = [1, 1]} : vector<1024x4096xf32> to vector<128x128xf32>
    %slice3A_2742 = vector.extract_strided_slice %get3A_23 {offsets = [0, 3712], sizes = [1, 128], strides = [1, 1]} : vector<1x8192xf32> to vector<1x128xf32>
    %add3A_2743 = vector.broadcast %slice3A_2742 : vector<1x128xf32> to vector<128x128xf32>
    %add3A_2744 = arith.addf %slice3A_2741, %add3A_2743 : vector<128x128xf32>
    %lt3A_2745 = arith.cmpf olt, %add3A_2744, %select_n3A_2740 : vector<128x128xf32>
    %jit3A_2746 = arith.constant 29 : i32
    %broadcast_in_dim3A_2747 = vector.broadcast %jit3A_2746 : i32 to vector<128x128xi32>
    %select_n3A_2748 = arith.select %lt3A_2745, %broadcast_in_dim3A_2747, %select_n3A_2739 : vector<128x128xi1>, vector<128x128xi32>
    %select_n3A_2749 = arith.select %lt3A_2745, %add3A_2744, %select_n3A_2740 : vector<128x128xi1>, vector<128x128xf32>
    %slice3A_2750 = vector.extract_strided_slice %dot_general3A_15 {offsets = [512, 3840], sizes = [128, 128], strides = [1, 1]} : vector<1024x4096xf32> to vector<128x128xf32>
    %slice3A_2751 = vector.extract_strided_slice %get3A_23 {offsets = [0, 3840], sizes = [1, 128], strides = [1, 1]} : vector<1x8192xf32> to vector<1x128xf32>
    %add3A_2752 = vector.broadcast %slice3A_2751 : vector<1x128xf32> to vector<128x128xf32>
    %add3A_2753 = arith.addf %slice3A_2750, %add3A_2752 : vector<128x128xf32>
    %lt3A_2754 = arith.cmpf olt, %add3A_2753, %select_n3A_2749 : vector<128x128xf32>
    %jit3A_2755 = arith.constant 30 : i32
    %broadcast_in_dim3A_2756 = vector.broadcast %jit3A_2755 : i32 to vector<128x128xi32>
    %select_n3A_2757 = arith.select %lt3A_2754, %broadcast_in_dim3A_2756, %select_n3A_2748 : vector<128x128xi1>, vector<128x128xi32>
    %select_n3A_2758 = arith.select %lt3A_2754, %add3A_2753, %select_n3A_2749 : vector<128x128xi1>, vector<128x128xf32>
    %slice3A_2759 = vector.extract_strided_slice %dot_general3A_15 {offsets = [512, 3968], sizes = [128, 128], strides = [1, 1]} : vector<1024x4096xf32> to vector<128x128xf32>
    %slice3A_2760 = vector.extract_strided_slice %get3A_23 {offsets = [0, 3968], sizes = [1, 128], strides = [1, 1]} : vector<1x8192xf32> to vector<1x128xf32>
    %add3A_2761 = vector.broadcast %slice3A_2760 : vector<1x128xf32> to vector<128x128xf32>
    %add3A_2762 = arith.addf %slice3A_2759, %add3A_2761 : vector<128x128xf32>
    %lt3A_2763 = arith.cmpf olt, %add3A_2762, %select_n3A_2758 : vector<128x128xf32>
    %jit3A_2764 = arith.constant 31 : i32
    %broadcast_in_dim3A_2765 = vector.broadcast %jit3A_2764 : i32 to vector<128x128xi32>
    %select_n3A_2766 = arith.select %lt3A_2763, %broadcast_in_dim3A_2765, %select_n3A_2757 : vector<128x128xi1>, vector<128x128xi32>
    %select_n3A_2767 = arith.select %lt3A_2763, %add3A_2762, %select_n3A_2758 : vector<128x128xi1>, vector<128x128xf32>
    %reduce_min3A_2768 = arith.constant dense<0x7F800000> : vector<128xf32>
    %reduce_min3A_2769 = vector.multi_reduction <minimumf>, %select_n3A_2767, %reduce_min3A_2768 [1] : vector<128x128xf32> to vector<128xf32>
    %broadcast_in_dim3A_2770 = vector.shape_cast %reduce_min3A_2769 : vector<128xf32> to vector<128x1xf32>
    %mul3A_2771 = arith.constant 128 : i32
    %mul3A_2772 = vector.broadcast %mul3A_2771 : i32 to vector<128x128xi32>
    %mul3A_2773 = arith.muli %select_n3A_2766, %mul3A_2772 : vector<128x128xi32>
    %add3A_2774 = arith.addi %mul3A_2773, %iota3A : vector<128x128xi32>
    %eq3A_2775 = vector.broadcast %broadcast_in_dim3A_2770 : vector<128x1xf32> to vector<128x128xf32>
    %eq3A_2776 = arith.cmpf oeq, %select_n3A_2767, %eq3A_2775 : vector<128x128xf32>
    %jit3A_2777 = arith.constant 8192 : i32
    %broadcast_in_dim3A_2778 = vector.broadcast %jit3A_2777 : i32 to vector<128x128xi32>
    %select_n3A_2779 = arith.select %eq3A_2776, %add3A_2774, %broadcast_in_dim3A_2778 : vector<128x128xi1>, vector<128x128xi32>
    %reduce_min3A_2780 = arith.constant dense<2147483647> : vector<128xi32>
    %reduce_min3A_2781 = vector.multi_reduction <minsi>, %select_n3A_2779, %reduce_min3A_2780 [1] : vector<128x128xi32> to vector<128xi32>
    %squeeze3A_2782 = vector.shape_cast %broadcast_in_dim3A_2770 : vector<128x1xf32> to vector<128xf32>
    %slice3A_2783 = vector.extract_strided_slice %dot_general3A_18 {offsets = [512, 0], sizes = [128, 128], strides = [1, 1]} : vector<1024x4096xf32> to vector<128x128xf32>
    %slice3A_2784 = vector.extract_strided_slice %get3A_23 {offsets = [0, 4096], sizes = [1, 128], strides = [1, 1]} : vector<1x8192xf32> to vector<1x128xf32>
    %add3A_2785 = vector.broadcast %slice3A_2784 : vector<1x128xf32> to vector<128x128xf32>
    %add3A_2786 = arith.addf %slice3A_2783, %add3A_2785 : vector<128x128xf32>
    %broadcast_in_dim3A_2787 = arith.constant 0 : i32
    %broadcast_in_dim3A_2788 = vector.broadcast %broadcast_in_dim3A_2787 : i32 to vector<128x128xi32>
    %slice3A_2789 = vector.extract_strided_slice %dot_general3A_18 {offsets = [512, 128], sizes = [128, 128], strides = [1, 1]} : vector<1024x4096xf32> to vector<128x128xf32>
    %slice3A_2790 = vector.extract_strided_slice %get3A_23 {offsets = [0, 4224], sizes = [1, 128], strides = [1, 1]} : vector<1x8192xf32> to vector<1x128xf32>
    %add3A_2791 = vector.broadcast %slice3A_2790 : vector<1x128xf32> to vector<128x128xf32>
    %add3A_2792 = arith.addf %slice3A_2789, %add3A_2791 : vector<128x128xf32>
    %lt3A_2793 = arith.cmpf olt, %add3A_2792, %add3A_2786 : vector<128x128xf32>
    %jit3A_2794 = arith.constant 1 : i32
    %broadcast_in_dim3A_2795 = vector.broadcast %jit3A_2794 : i32 to vector<128x128xi32>
    %select_n3A_2796 = arith.select %lt3A_2793, %broadcast_in_dim3A_2795, %broadcast_in_dim3A_2788 : vector<128x128xi1>, vector<128x128xi32>
    %select_n3A_2797 = arith.select %lt3A_2793, %add3A_2792, %add3A_2786 : vector<128x128xi1>, vector<128x128xf32>
    %slice3A_2798 = vector.extract_strided_slice %dot_general3A_18 {offsets = [512, 256], sizes = [128, 128], strides = [1, 1]} : vector<1024x4096xf32> to vector<128x128xf32>
    %slice3A_2799 = vector.extract_strided_slice %get3A_23 {offsets = [0, 4352], sizes = [1, 128], strides = [1, 1]} : vector<1x8192xf32> to vector<1x128xf32>
    %add3A_2800 = vector.broadcast %slice3A_2799 : vector<1x128xf32> to vector<128x128xf32>
    %add3A_2801 = arith.addf %slice3A_2798, %add3A_2800 : vector<128x128xf32>
    %lt3A_2802 = arith.cmpf olt, %add3A_2801, %select_n3A_2797 : vector<128x128xf32>
    %jit3A_2803 = arith.constant 2 : i32
    %broadcast_in_dim3A_2804 = vector.broadcast %jit3A_2803 : i32 to vector<128x128xi32>
    %select_n3A_2805 = arith.select %lt3A_2802, %broadcast_in_dim3A_2804, %select_n3A_2796 : vector<128x128xi1>, vector<128x128xi32>
    %select_n3A_2806 = arith.select %lt3A_2802, %add3A_2801, %select_n3A_2797 : vector<128x128xi1>, vector<128x128xf32>
    %slice3A_2807 = vector.extract_strided_slice %dot_general3A_18 {offsets = [512, 384], sizes = [128, 128], strides = [1, 1]} : vector<1024x4096xf32> to vector<128x128xf32>
    %slice3A_2808 = vector.extract_strided_slice %get3A_23 {offsets = [0, 4480], sizes = [1, 128], strides = [1, 1]} : vector<1x8192xf32> to vector<1x128xf32>
    %add3A_2809 = vector.broadcast %slice3A_2808 : vector<1x128xf32> to vector<128x128xf32>
    %add3A_2810 = arith.addf %slice3A_2807, %add3A_2809 : vector<128x128xf32>
    %lt3A_2811 = arith.cmpf olt, %add3A_2810, %select_n3A_2806 : vector<128x128xf32>
    %jit3A_2812 = arith.constant 3 : i32
    %broadcast_in_dim3A_2813 = vector.broadcast %jit3A_2812 : i32 to vector<128x128xi32>
    %select_n3A_2814 = arith.select %lt3A_2811, %broadcast_in_dim3A_2813, %select_n3A_2805 : vector<128x128xi1>, vector<128x128xi32>
    %select_n3A_2815 = arith.select %lt3A_2811, %add3A_2810, %select_n3A_2806 : vector<128x128xi1>, vector<128x128xf32>
    %slice3A_2816 = vector.extract_strided_slice %dot_general3A_18 {offsets = [512, 512], sizes = [128, 128], strides = [1, 1]} : vector<1024x4096xf32> to vector<128x128xf32>
    %slice3A_2817 = vector.extract_strided_slice %get3A_23 {offsets = [0, 4608], sizes = [1, 128], strides = [1, 1]} : vector<1x8192xf32> to vector<1x128xf32>
    %add3A_2818 = vector.broadcast %slice3A_2817 : vector<1x128xf32> to vector<128x128xf32>
    %add3A_2819 = arith.addf %slice3A_2816, %add3A_2818 : vector<128x128xf32>
    %lt3A_2820 = arith.cmpf olt, %add3A_2819, %select_n3A_2815 : vector<128x128xf32>
    %jit3A_2821 = arith.constant 4 : i32
    %broadcast_in_dim3A_2822 = vector.broadcast %jit3A_2821 : i32 to vector<128x128xi32>
    %select_n3A_2823 = arith.select %lt3A_2820, %broadcast_in_dim3A_2822, %select_n3A_2814 : vector<128x128xi1>, vector<128x128xi32>
    %select_n3A_2824 = arith.select %lt3A_2820, %add3A_2819, %select_n3A_2815 : vector<128x128xi1>, vector<128x128xf32>
    %slice3A_2825 = vector.extract_strided_slice %dot_general3A_18 {offsets = [512, 640], sizes = [128, 128], strides = [1, 1]} : vector<1024x4096xf32> to vector<128x128xf32>
    %slice3A_2826 = vector.extract_strided_slice %get3A_23 {offsets = [0, 4736], sizes = [1, 128], strides = [1, 1]} : vector<1x8192xf32> to vector<1x128xf32>
    %add3A_2827 = vector.broadcast %slice3A_2826 : vector<1x128xf32> to vector<128x128xf32>
    %add3A_2828 = arith.addf %slice3A_2825, %add3A_2827 : vector<128x128xf32>
    %lt3A_2829 = arith.cmpf olt, %add3A_2828, %select_n3A_2824 : vector<128x128xf32>
    %jit3A_2830 = arith.constant 5 : i32
    %broadcast_in_dim3A_2831 = vector.broadcast %jit3A_2830 : i32 to vector<128x128xi32>
    %select_n3A_2832 = arith.select %lt3A_2829, %broadcast_in_dim3A_2831, %select_n3A_2823 : vector<128x128xi1>, vector<128x128xi32>
    %select_n3A_2833 = arith.select %lt3A_2829, %add3A_2828, %select_n3A_2824 : vector<128x128xi1>, vector<128x128xf32>
    %slice3A_2834 = vector.extract_strided_slice %dot_general3A_18 {offsets = [512, 768], sizes = [128, 128], strides = [1, 1]} : vector<1024x4096xf32> to vector<128x128xf32>
    %slice3A_2835 = vector.extract_strided_slice %get3A_23 {offsets = [0, 4864], sizes = [1, 128], strides = [1, 1]} : vector<1x8192xf32> to vector<1x128xf32>
    %add3A_2836 = vector.broadcast %slice3A_2835 : vector<1x128xf32> to vector<128x128xf32>
    %add3A_2837 = arith.addf %slice3A_2834, %add3A_2836 : vector<128x128xf32>
    %lt3A_2838 = arith.cmpf olt, %add3A_2837, %select_n3A_2833 : vector<128x128xf32>
    %jit3A_2839 = arith.constant 6 : i32
    %broadcast_in_dim3A_2840 = vector.broadcast %jit3A_2839 : i32 to vector<128x128xi32>
    %select_n3A_2841 = arith.select %lt3A_2838, %broadcast_in_dim3A_2840, %select_n3A_2832 : vector<128x128xi1>, vector<128x128xi32>
    %select_n3A_2842 = arith.select %lt3A_2838, %add3A_2837, %select_n3A_2833 : vector<128x128xi1>, vector<128x128xf32>
    %slice3A_2843 = vector.extract_strided_slice %dot_general3A_18 {offsets = [512, 896], sizes = [128, 128], strides = [1, 1]} : vector<1024x4096xf32> to vector<128x128xf32>
    %slice3A_2844 = vector.extract_strided_slice %get3A_23 {offsets = [0, 4992], sizes = [1, 128], strides = [1, 1]} : vector<1x8192xf32> to vector<1x128xf32>
    %add3A_2845 = vector.broadcast %slice3A_2844 : vector<1x128xf32> to vector<128x128xf32>
    %add3A_2846 = arith.addf %slice3A_2843, %add3A_2845 : vector<128x128xf32>
    %lt3A_2847 = arith.cmpf olt, %add3A_2846, %select_n3A_2842 : vector<128x128xf32>
    %jit3A_2848 = arith.constant 7 : i32
    %broadcast_in_dim3A_2849 = vector.broadcast %jit3A_2848 : i32 to vector<128x128xi32>
    %select_n3A_2850 = arith.select %lt3A_2847, %broadcast_in_dim3A_2849, %select_n3A_2841 : vector<128x128xi1>, vector<128x128xi32>
    %select_n3A_2851 = arith.select %lt3A_2847, %add3A_2846, %select_n3A_2842 : vector<128x128xi1>, vector<128x128xf32>
    %slice3A_2852 = vector.extract_strided_slice %dot_general3A_18 {offsets = [512, 1024], sizes = [128, 128], strides = [1, 1]} : vector<1024x4096xf32> to vector<128x128xf32>
    %slice3A_2853 = vector.extract_strided_slice %get3A_23 {offsets = [0, 5120], sizes = [1, 128], strides = [1, 1]} : vector<1x8192xf32> to vector<1x128xf32>
    %add3A_2854 = vector.broadcast %slice3A_2853 : vector<1x128xf32> to vector<128x128xf32>
    %add3A_2855 = arith.addf %slice3A_2852, %add3A_2854 : vector<128x128xf32>
    %lt3A_2856 = arith.cmpf olt, %add3A_2855, %select_n3A_2851 : vector<128x128xf32>
    %jit3A_2857 = arith.constant 8 : i32
    %broadcast_in_dim3A_2858 = vector.broadcast %jit3A_2857 : i32 to vector<128x128xi32>
    %select_n3A_2859 = arith.select %lt3A_2856, %broadcast_in_dim3A_2858, %select_n3A_2850 : vector<128x128xi1>, vector<128x128xi32>
    %select_n3A_2860 = arith.select %lt3A_2856, %add3A_2855, %select_n3A_2851 : vector<128x128xi1>, vector<128x128xf32>
    %slice3A_2861 = vector.extract_strided_slice %dot_general3A_18 {offsets = [512, 1152], sizes = [128, 128], strides = [1, 1]} : vector<1024x4096xf32> to vector<128x128xf32>
    %slice3A_2862 = vector.extract_strided_slice %get3A_23 {offsets = [0, 5248], sizes = [1, 128], strides = [1, 1]} : vector<1x8192xf32> to vector<1x128xf32>
    %add3A_2863 = vector.broadcast %slice3A_2862 : vector<1x128xf32> to vector<128x128xf32>
    %add3A_2864 = arith.addf %slice3A_2861, %add3A_2863 : vector<128x128xf32>
    %lt3A_2865 = arith.cmpf olt, %add3A_2864, %select_n3A_2860 : vector<128x128xf32>
    %jit3A_2866 = arith.constant 9 : i32
    %broadcast_in_dim3A_2867 = vector.broadcast %jit3A_2866 : i32 to vector<128x128xi32>
    %select_n3A_2868 = arith.select %lt3A_2865, %broadcast_in_dim3A_2867, %select_n3A_2859 : vector<128x128xi1>, vector<128x128xi32>
    %select_n3A_2869 = arith.select %lt3A_2865, %add3A_2864, %select_n3A_2860 : vector<128x128xi1>, vector<128x128xf32>
    %slice3A_2870 = vector.extract_strided_slice %dot_general3A_18 {offsets = [512, 1280], sizes = [128, 128], strides = [1, 1]} : vector<1024x4096xf32> to vector<128x128xf32>
    %slice3A_2871 = vector.extract_strided_slice %get3A_23 {offsets = [0, 5376], sizes = [1, 128], strides = [1, 1]} : vector<1x8192xf32> to vector<1x128xf32>
    %add3A_2872 = vector.broadcast %slice3A_2871 : vector<1x128xf32> to vector<128x128xf32>
    %add3A_2873 = arith.addf %slice3A_2870, %add3A_2872 : vector<128x128xf32>
    %lt3A_2874 = arith.cmpf olt, %add3A_2873, %select_n3A_2869 : vector<128x128xf32>
    %jit3A_2875 = arith.constant 10 : i32
    %broadcast_in_dim3A_2876 = vector.broadcast %jit3A_2875 : i32 to vector<128x128xi32>
    %select_n3A_2877 = arith.select %lt3A_2874, %broadcast_in_dim3A_2876, %select_n3A_2868 : vector<128x128xi1>, vector<128x128xi32>
    %select_n3A_2878 = arith.select %lt3A_2874, %add3A_2873, %select_n3A_2869 : vector<128x128xi1>, vector<128x128xf32>
    %slice3A_2879 = vector.extract_strided_slice %dot_general3A_18 {offsets = [512, 1408], sizes = [128, 128], strides = [1, 1]} : vector<1024x4096xf32> to vector<128x128xf32>
    %slice3A_2880 = vector.extract_strided_slice %get3A_23 {offsets = [0, 5504], sizes = [1, 128], strides = [1, 1]} : vector<1x8192xf32> to vector<1x128xf32>
    %add3A_2881 = vector.broadcast %slice3A_2880 : vector<1x128xf32> to vector<128x128xf32>
    %add3A_2882 = arith.addf %slice3A_2879, %add3A_2881 : vector<128x128xf32>
    %lt3A_2883 = arith.cmpf olt, %add3A_2882, %select_n3A_2878 : vector<128x128xf32>
    %jit3A_2884 = arith.constant 11 : i32
    %broadcast_in_dim3A_2885 = vector.broadcast %jit3A_2884 : i32 to vector<128x128xi32>
    %select_n3A_2886 = arith.select %lt3A_2883, %broadcast_in_dim3A_2885, %select_n3A_2877 : vector<128x128xi1>, vector<128x128xi32>
    %select_n3A_2887 = arith.select %lt3A_2883, %add3A_2882, %select_n3A_2878 : vector<128x128xi1>, vector<128x128xf32>
    %slice3A_2888 = vector.extract_strided_slice %dot_general3A_18 {offsets = [512, 1536], sizes = [128, 128], strides = [1, 1]} : vector<1024x4096xf32> to vector<128x128xf32>
    %slice3A_2889 = vector.extract_strided_slice %get3A_23 {offsets = [0, 5632], sizes = [1, 128], strides = [1, 1]} : vector<1x8192xf32> to vector<1x128xf32>
    %add3A_2890 = vector.broadcast %slice3A_2889 : vector<1x128xf32> to vector<128x128xf32>
    %add3A_2891 = arith.addf %slice3A_2888, %add3A_2890 : vector<128x128xf32>
    %lt3A_2892 = arith.cmpf olt, %add3A_2891, %select_n3A_2887 : vector<128x128xf32>
    %jit3A_2893 = arith.constant 12 : i32
    %broadcast_in_dim3A_2894 = vector.broadcast %jit3A_2893 : i32 to vector<128x128xi32>
    %select_n3A_2895 = arith.select %lt3A_2892, %broadcast_in_dim3A_2894, %select_n3A_2886 : vector<128x128xi1>, vector<128x128xi32>
    %select_n3A_2896 = arith.select %lt3A_2892, %add3A_2891, %select_n3A_2887 : vector<128x128xi1>, vector<128x128xf32>
    %slice3A_2897 = vector.extract_strided_slice %dot_general3A_18 {offsets = [512, 1664], sizes = [128, 128], strides = [1, 1]} : vector<1024x4096xf32> to vector<128x128xf32>
    %slice3A_2898 = vector.extract_strided_slice %get3A_23 {offsets = [0, 5760], sizes = [1, 128], strides = [1, 1]} : vector<1x8192xf32> to vector<1x128xf32>
    %add3A_2899 = vector.broadcast %slice3A_2898 : vector<1x128xf32> to vector<128x128xf32>
    %add3A_2900 = arith.addf %slice3A_2897, %add3A_2899 : vector<128x128xf32>
    %lt3A_2901 = arith.cmpf olt, %add3A_2900, %select_n3A_2896 : vector<128x128xf32>
    %jit3A_2902 = arith.constant 13 : i32
    %broadcast_in_dim3A_2903 = vector.broadcast %jit3A_2902 : i32 to vector<128x128xi32>
    %select_n3A_2904 = arith.select %lt3A_2901, %broadcast_in_dim3A_2903, %select_n3A_2895 : vector<128x128xi1>, vector<128x128xi32>
    %select_n3A_2905 = arith.select %lt3A_2901, %add3A_2900, %select_n3A_2896 : vector<128x128xi1>, vector<128x128xf32>
    %slice3A_2906 = vector.extract_strided_slice %dot_general3A_18 {offsets = [512, 1792], sizes = [128, 128], strides = [1, 1]} : vector<1024x4096xf32> to vector<128x128xf32>
    %slice3A_2907 = vector.extract_strided_slice %get3A_23 {offsets = [0, 5888], sizes = [1, 128], strides = [1, 1]} : vector<1x8192xf32> to vector<1x128xf32>
    %add3A_2908 = vector.broadcast %slice3A_2907 : vector<1x128xf32> to vector<128x128xf32>
    %add3A_2909 = arith.addf %slice3A_2906, %add3A_2908 : vector<128x128xf32>
    %lt3A_2910 = arith.cmpf olt, %add3A_2909, %select_n3A_2905 : vector<128x128xf32>
    %jit3A_2911 = arith.constant 14 : i32
    %broadcast_in_dim3A_2912 = vector.broadcast %jit3A_2911 : i32 to vector<128x128xi32>
    %select_n3A_2913 = arith.select %lt3A_2910, %broadcast_in_dim3A_2912, %select_n3A_2904 : vector<128x128xi1>, vector<128x128xi32>
    %select_n3A_2914 = arith.select %lt3A_2910, %add3A_2909, %select_n3A_2905 : vector<128x128xi1>, vector<128x128xf32>
    %slice3A_2915 = vector.extract_strided_slice %dot_general3A_18 {offsets = [512, 1920], sizes = [128, 128], strides = [1, 1]} : vector<1024x4096xf32> to vector<128x128xf32>
    %slice3A_2916 = vector.extract_strided_slice %get3A_23 {offsets = [0, 6016], sizes = [1, 128], strides = [1, 1]} : vector<1x8192xf32> to vector<1x128xf32>
    %add3A_2917 = vector.broadcast %slice3A_2916 : vector<1x128xf32> to vector<128x128xf32>
    %add3A_2918 = arith.addf %slice3A_2915, %add3A_2917 : vector<128x128xf32>
    %lt3A_2919 = arith.cmpf olt, %add3A_2918, %select_n3A_2914 : vector<128x128xf32>
    %jit3A_2920 = arith.constant 15 : i32
    %broadcast_in_dim3A_2921 = vector.broadcast %jit3A_2920 : i32 to vector<128x128xi32>
    %select_n3A_2922 = arith.select %lt3A_2919, %broadcast_in_dim3A_2921, %select_n3A_2913 : vector<128x128xi1>, vector<128x128xi32>
    %select_n3A_2923 = arith.select %lt3A_2919, %add3A_2918, %select_n3A_2914 : vector<128x128xi1>, vector<128x128xf32>
    %slice3A_2924 = vector.extract_strided_slice %dot_general3A_18 {offsets = [512, 2048], sizes = [128, 128], strides = [1, 1]} : vector<1024x4096xf32> to vector<128x128xf32>
    %slice3A_2925 = vector.extract_strided_slice %get3A_23 {offsets = [0, 6144], sizes = [1, 128], strides = [1, 1]} : vector<1x8192xf32> to vector<1x128xf32>
    %add3A_2926 = vector.broadcast %slice3A_2925 : vector<1x128xf32> to vector<128x128xf32>
    %add3A_2927 = arith.addf %slice3A_2924, %add3A_2926 : vector<128x128xf32>
    %lt3A_2928 = arith.cmpf olt, %add3A_2927, %select_n3A_2923 : vector<128x128xf32>
    %jit3A_2929 = arith.constant 16 : i32
    %broadcast_in_dim3A_2930 = vector.broadcast %jit3A_2929 : i32 to vector<128x128xi32>
    %select_n3A_2931 = arith.select %lt3A_2928, %broadcast_in_dim3A_2930, %select_n3A_2922 : vector<128x128xi1>, vector<128x128xi32>
    %select_n3A_2932 = arith.select %lt3A_2928, %add3A_2927, %select_n3A_2923 : vector<128x128xi1>, vector<128x128xf32>
    %slice3A_2933 = vector.extract_strided_slice %dot_general3A_18 {offsets = [512, 2176], sizes = [128, 128], strides = [1, 1]} : vector<1024x4096xf32> to vector<128x128xf32>
    %slice3A_2934 = vector.extract_strided_slice %get3A_23 {offsets = [0, 6272], sizes = [1, 128], strides = [1, 1]} : vector<1x8192xf32> to vector<1x128xf32>
    %add3A_2935 = vector.broadcast %slice3A_2934 : vector<1x128xf32> to vector<128x128xf32>
    %add3A_2936 = arith.addf %slice3A_2933, %add3A_2935 : vector<128x128xf32>
    %lt3A_2937 = arith.cmpf olt, %add3A_2936, %select_n3A_2932 : vector<128x128xf32>
    %jit3A_2938 = arith.constant 17 : i32
    %broadcast_in_dim3A_2939 = vector.broadcast %jit3A_2938 : i32 to vector<128x128xi32>
    %select_n3A_2940 = arith.select %lt3A_2937, %broadcast_in_dim3A_2939, %select_n3A_2931 : vector<128x128xi1>, vector<128x128xi32>
    %select_n3A_2941 = arith.select %lt3A_2937, %add3A_2936, %select_n3A_2932 : vector<128x128xi1>, vector<128x128xf32>
    %slice3A_2942 = vector.extract_strided_slice %dot_general3A_18 {offsets = [512, 2304], sizes = [128, 128], strides = [1, 1]} : vector<1024x4096xf32> to vector<128x128xf32>
    %slice3A_2943 = vector.extract_strided_slice %get3A_23 {offsets = [0, 6400], sizes = [1, 128], strides = [1, 1]} : vector<1x8192xf32> to vector<1x128xf32>
    %add3A_2944 = vector.broadcast %slice3A_2943 : vector<1x128xf32> to vector<128x128xf32>
    %add3A_2945 = arith.addf %slice3A_2942, %add3A_2944 : vector<128x128xf32>
    %lt3A_2946 = arith.cmpf olt, %add3A_2945, %select_n3A_2941 : vector<128x128xf32>
    %jit3A_2947 = arith.constant 18 : i32
    %broadcast_in_dim3A_2948 = vector.broadcast %jit3A_2947 : i32 to vector<128x128xi32>
    %select_n3A_2949 = arith.select %lt3A_2946, %broadcast_in_dim3A_2948, %select_n3A_2940 : vector<128x128xi1>, vector<128x128xi32>
    %select_n3A_2950 = arith.select %lt3A_2946, %add3A_2945, %select_n3A_2941 : vector<128x128xi1>, vector<128x128xf32>
    %slice3A_2951 = vector.extract_strided_slice %dot_general3A_18 {offsets = [512, 2432], sizes = [128, 128], strides = [1, 1]} : vector<1024x4096xf32> to vector<128x128xf32>
    %slice3A_2952 = vector.extract_strided_slice %get3A_23 {offsets = [0, 6528], sizes = [1, 128], strides = [1, 1]} : vector<1x8192xf32> to vector<1x128xf32>
    %add3A_2953 = vector.broadcast %slice3A_2952 : vector<1x128xf32> to vector<128x128xf32>
    %add3A_2954 = arith.addf %slice3A_2951, %add3A_2953 : vector<128x128xf32>
    %lt3A_2955 = arith.cmpf olt, %add3A_2954, %select_n3A_2950 : vector<128x128xf32>
    %jit3A_2956 = arith.constant 19 : i32
    %broadcast_in_dim3A_2957 = vector.broadcast %jit3A_2956 : i32 to vector<128x128xi32>
    %select_n3A_2958 = arith.select %lt3A_2955, %broadcast_in_dim3A_2957, %select_n3A_2949 : vector<128x128xi1>, vector<128x128xi32>
    %select_n3A_2959 = arith.select %lt3A_2955, %add3A_2954, %select_n3A_2950 : vector<128x128xi1>, vector<128x128xf32>
    %slice3A_2960 = vector.extract_strided_slice %dot_general3A_18 {offsets = [512, 2560], sizes = [128, 128], strides = [1, 1]} : vector<1024x4096xf32> to vector<128x128xf32>
    %slice3A_2961 = vector.extract_strided_slice %get3A_23 {offsets = [0, 6656], sizes = [1, 128], strides = [1, 1]} : vector<1x8192xf32> to vector<1x128xf32>
    %add3A_2962 = vector.broadcast %slice3A_2961 : vector<1x128xf32> to vector<128x128xf32>
    %add3A_2963 = arith.addf %slice3A_2960, %add3A_2962 : vector<128x128xf32>
    %lt3A_2964 = arith.cmpf olt, %add3A_2963, %select_n3A_2959 : vector<128x128xf32>
    %jit3A_2965 = arith.constant 20 : i32
    %broadcast_in_dim3A_2966 = vector.broadcast %jit3A_2965 : i32 to vector<128x128xi32>
    %select_n3A_2967 = arith.select %lt3A_2964, %broadcast_in_dim3A_2966, %select_n3A_2958 : vector<128x128xi1>, vector<128x128xi32>
    %select_n3A_2968 = arith.select %lt3A_2964, %add3A_2963, %select_n3A_2959 : vector<128x128xi1>, vector<128x128xf32>
    %slice3A_2969 = vector.extract_strided_slice %dot_general3A_18 {offsets = [512, 2688], sizes = [128, 128], strides = [1, 1]} : vector<1024x4096xf32> to vector<128x128xf32>
    %slice3A_2970 = vector.extract_strided_slice %get3A_23 {offsets = [0, 6784], sizes = [1, 128], strides = [1, 1]} : vector<1x8192xf32> to vector<1x128xf32>
    %add3A_2971 = vector.broadcast %slice3A_2970 : vector<1x128xf32> to vector<128x128xf32>
    %add3A_2972 = arith.addf %slice3A_2969, %add3A_2971 : vector<128x128xf32>
    %lt3A_2973 = arith.cmpf olt, %add3A_2972, %select_n3A_2968 : vector<128x128xf32>
    %jit3A_2974 = arith.constant 21 : i32
    %broadcast_in_dim3A_2975 = vector.broadcast %jit3A_2974 : i32 to vector<128x128xi32>
    %select_n3A_2976 = arith.select %lt3A_2973, %broadcast_in_dim3A_2975, %select_n3A_2967 : vector<128x128xi1>, vector<128x128xi32>
    %select_n3A_2977 = arith.select %lt3A_2973, %add3A_2972, %select_n3A_2968 : vector<128x128xi1>, vector<128x128xf32>
    %slice3A_2978 = vector.extract_strided_slice %dot_general3A_18 {offsets = [512, 2816], sizes = [128, 128], strides = [1, 1]} : vector<1024x4096xf32> to vector<128x128xf32>
    %slice3A_2979 = vector.extract_strided_slice %get3A_23 {offsets = [0, 6912], sizes = [1, 128], strides = [1, 1]} : vector<1x8192xf32> to vector<1x128xf32>
    %add3A_2980 = vector.broadcast %slice3A_2979 : vector<1x128xf32> to vector<128x128xf32>
    %add3A_2981 = arith.addf %slice3A_2978, %add3A_2980 : vector<128x128xf32>
    %lt3A_2982 = arith.cmpf olt, %add3A_2981, %select_n3A_2977 : vector<128x128xf32>
    %jit3A_2983 = arith.constant 22 : i32
    %broadcast_in_dim3A_2984 = vector.broadcast %jit3A_2983 : i32 to vector<128x128xi32>
    %select_n3A_2985 = arith.select %lt3A_2982, %broadcast_in_dim3A_2984, %select_n3A_2976 : vector<128x128xi1>, vector<128x128xi32>
    %select_n3A_2986 = arith.select %lt3A_2982, %add3A_2981, %select_n3A_2977 : vector<128x128xi1>, vector<128x128xf32>
    %slice3A_2987 = vector.extract_strided_slice %dot_general3A_18 {offsets = [512, 2944], sizes = [128, 128], strides = [1, 1]} : vector<1024x4096xf32> to vector<128x128xf32>
    %slice3A_2988 = vector.extract_strided_slice %get3A_23 {offsets = [0, 7040], sizes = [1, 128], strides = [1, 1]} : vector<1x8192xf32> to vector<1x128xf32>
    %add3A_2989 = vector.broadcast %slice3A_2988 : vector<1x128xf32> to vector<128x128xf32>
    %add3A_2990 = arith.addf %slice3A_2987, %add3A_2989 : vector<128x128xf32>
    %lt3A_2991 = arith.cmpf olt, %add3A_2990, %select_n3A_2986 : vector<128x128xf32>
    %jit3A_2992 = arith.constant 23 : i32
    %broadcast_in_dim3A_2993 = vector.broadcast %jit3A_2992 : i32 to vector<128x128xi32>
    %select_n3A_2994 = arith.select %lt3A_2991, %broadcast_in_dim3A_2993, %select_n3A_2985 : vector<128x128xi1>, vector<128x128xi32>
    %select_n3A_2995 = arith.select %lt3A_2991, %add3A_2990, %select_n3A_2986 : vector<128x128xi1>, vector<128x128xf32>
    %slice3A_2996 = vector.extract_strided_slice %dot_general3A_18 {offsets = [512, 3072], sizes = [128, 128], strides = [1, 1]} : vector<1024x4096xf32> to vector<128x128xf32>
    %slice3A_2997 = vector.extract_strided_slice %get3A_23 {offsets = [0, 7168], sizes = [1, 128], strides = [1, 1]} : vector<1x8192xf32> to vector<1x128xf32>
    %add3A_2998 = vector.broadcast %slice3A_2997 : vector<1x128xf32> to vector<128x128xf32>
    %add3A_2999 = arith.addf %slice3A_2996, %add3A_2998 : vector<128x128xf32>
    %lt3A_3000 = arith.cmpf olt, %add3A_2999, %select_n3A_2995 : vector<128x128xf32>
    %jit3A_3001 = arith.constant 24 : i32
    %broadcast_in_dim3A_3002 = vector.broadcast %jit3A_3001 : i32 to vector<128x128xi32>
    %select_n3A_3003 = arith.select %lt3A_3000, %broadcast_in_dim3A_3002, %select_n3A_2994 : vector<128x128xi1>, vector<128x128xi32>
    %select_n3A_3004 = arith.select %lt3A_3000, %add3A_2999, %select_n3A_2995 : vector<128x128xi1>, vector<128x128xf32>
    %slice3A_3005 = vector.extract_strided_slice %dot_general3A_18 {offsets = [512, 3200], sizes = [128, 128], strides = [1, 1]} : vector<1024x4096xf32> to vector<128x128xf32>
    %slice3A_3006 = vector.extract_strided_slice %get3A_23 {offsets = [0, 7296], sizes = [1, 128], strides = [1, 1]} : vector<1x8192xf32> to vector<1x128xf32>
    %add3A_3007 = vector.broadcast %slice3A_3006 : vector<1x128xf32> to vector<128x128xf32>
    %add3A_3008 = arith.addf %slice3A_3005, %add3A_3007 : vector<128x128xf32>
    %lt3A_3009 = arith.cmpf olt, %add3A_3008, %select_n3A_3004 : vector<128x128xf32>
    %jit3A_3010 = arith.constant 25 : i32
    %broadcast_in_dim3A_3011 = vector.broadcast %jit3A_3010 : i32 to vector<128x128xi32>
    %select_n3A_3012 = arith.select %lt3A_3009, %broadcast_in_dim3A_3011, %select_n3A_3003 : vector<128x128xi1>, vector<128x128xi32>
    %select_n3A_3013 = arith.select %lt3A_3009, %add3A_3008, %select_n3A_3004 : vector<128x128xi1>, vector<128x128xf32>
    %slice3A_3014 = vector.extract_strided_slice %dot_general3A_18 {offsets = [512, 3328], sizes = [128, 128], strides = [1, 1]} : vector<1024x4096xf32> to vector<128x128xf32>
    %slice3A_3015 = vector.extract_strided_slice %get3A_23 {offsets = [0, 7424], sizes = [1, 128], strides = [1, 1]} : vector<1x8192xf32> to vector<1x128xf32>
    %add3A_3016 = vector.broadcast %slice3A_3015 : vector<1x128xf32> to vector<128x128xf32>
    %add3A_3017 = arith.addf %slice3A_3014, %add3A_3016 : vector<128x128xf32>
    %lt3A_3018 = arith.cmpf olt, %add3A_3017, %select_n3A_3013 : vector<128x128xf32>
    %jit3A_3019 = arith.constant 26 : i32
    %broadcast_in_dim3A_3020 = vector.broadcast %jit3A_3019 : i32 to vector<128x128xi32>
    %select_n3A_3021 = arith.select %lt3A_3018, %broadcast_in_dim3A_3020, %select_n3A_3012 : vector<128x128xi1>, vector<128x128xi32>
    %select_n3A_3022 = arith.select %lt3A_3018, %add3A_3017, %select_n3A_3013 : vector<128x128xi1>, vector<128x128xf32>
    %slice3A_3023 = vector.extract_strided_slice %dot_general3A_18 {offsets = [512, 3456], sizes = [128, 128], strides = [1, 1]} : vector<1024x4096xf32> to vector<128x128xf32>
    %slice3A_3024 = vector.extract_strided_slice %get3A_23 {offsets = [0, 7552], sizes = [1, 128], strides = [1, 1]} : vector<1x8192xf32> to vector<1x128xf32>
    %add3A_3025 = vector.broadcast %slice3A_3024 : vector<1x128xf32> to vector<128x128xf32>
    %add3A_3026 = arith.addf %slice3A_3023, %add3A_3025 : vector<128x128xf32>
    %lt3A_3027 = arith.cmpf olt, %add3A_3026, %select_n3A_3022 : vector<128x128xf32>
    %jit3A_3028 = arith.constant 27 : i32
    %broadcast_in_dim3A_3029 = vector.broadcast %jit3A_3028 : i32 to vector<128x128xi32>
    %select_n3A_3030 = arith.select %lt3A_3027, %broadcast_in_dim3A_3029, %select_n3A_3021 : vector<128x128xi1>, vector<128x128xi32>
    %select_n3A_3031 = arith.select %lt3A_3027, %add3A_3026, %select_n3A_3022 : vector<128x128xi1>, vector<128x128xf32>
    %slice3A_3032 = vector.extract_strided_slice %dot_general3A_18 {offsets = [512, 3584], sizes = [128, 128], strides = [1, 1]} : vector<1024x4096xf32> to vector<128x128xf32>
    %slice3A_3033 = vector.extract_strided_slice %get3A_23 {offsets = [0, 7680], sizes = [1, 128], strides = [1, 1]} : vector<1x8192xf32> to vector<1x128xf32>
    %add3A_3034 = vector.broadcast %slice3A_3033 : vector<1x128xf32> to vector<128x128xf32>
    %add3A_3035 = arith.addf %slice3A_3032, %add3A_3034 : vector<128x128xf32>
    %lt3A_3036 = arith.cmpf olt, %add3A_3035, %select_n3A_3031 : vector<128x128xf32>
    %jit3A_3037 = arith.constant 28 : i32
    %broadcast_in_dim3A_3038 = vector.broadcast %jit3A_3037 : i32 to vector<128x128xi32>
    %select_n3A_3039 = arith.select %lt3A_3036, %broadcast_in_dim3A_3038, %select_n3A_3030 : vector<128x128xi1>, vector<128x128xi32>
    %select_n3A_3040 = arith.select %lt3A_3036, %add3A_3035, %select_n3A_3031 : vector<128x128xi1>, vector<128x128xf32>
    %slice3A_3041 = vector.extract_strided_slice %dot_general3A_18 {offsets = [512, 3712], sizes = [128, 128], strides = [1, 1]} : vector<1024x4096xf32> to vector<128x128xf32>
    %slice3A_3042 = vector.extract_strided_slice %get3A_23 {offsets = [0, 7808], sizes = [1, 128], strides = [1, 1]} : vector<1x8192xf32> to vector<1x128xf32>
    %add3A_3043 = vector.broadcast %slice3A_3042 : vector<1x128xf32> to vector<128x128xf32>
    %add3A_3044 = arith.addf %slice3A_3041, %add3A_3043 : vector<128x128xf32>
    %lt3A_3045 = arith.cmpf olt, %add3A_3044, %select_n3A_3040 : vector<128x128xf32>
    %jit3A_3046 = arith.constant 29 : i32
    %broadcast_in_dim3A_3047 = vector.broadcast %jit3A_3046 : i32 to vector<128x128xi32>
    %select_n3A_3048 = arith.select %lt3A_3045, %broadcast_in_dim3A_3047, %select_n3A_3039 : vector<128x128xi1>, vector<128x128xi32>
    %select_n3A_3049 = arith.select %lt3A_3045, %add3A_3044, %select_n3A_3040 : vector<128x128xi1>, vector<128x128xf32>
    %slice3A_3050 = vector.extract_strided_slice %dot_general3A_18 {offsets = [512, 3840], sizes = [128, 128], strides = [1, 1]} : vector<1024x4096xf32> to vector<128x128xf32>
    %slice3A_3051 = vector.extract_strided_slice %get3A_23 {offsets = [0, 7936], sizes = [1, 128], strides = [1, 1]} : vector<1x8192xf32> to vector<1x128xf32>
    %add3A_3052 = vector.broadcast %slice3A_3051 : vector<1x128xf32> to vector<128x128xf32>
    %add3A_3053 = arith.addf %slice3A_3050, %add3A_3052 : vector<128x128xf32>
    %lt3A_3054 = arith.cmpf olt, %add3A_3053, %select_n3A_3049 : vector<128x128xf32>
    %jit3A_3055 = arith.constant 30 : i32
    %broadcast_in_dim3A_3056 = vector.broadcast %jit3A_3055 : i32 to vector<128x128xi32>
    %select_n3A_3057 = arith.select %lt3A_3054, %broadcast_in_dim3A_3056, %select_n3A_3048 : vector<128x128xi1>, vector<128x128xi32>
    %select_n3A_3058 = arith.select %lt3A_3054, %add3A_3053, %select_n3A_3049 : vector<128x128xi1>, vector<128x128xf32>
    %slice3A_3059 = vector.extract_strided_slice %dot_general3A_18 {offsets = [512, 3968], sizes = [128, 128], strides = [1, 1]} : vector<1024x4096xf32> to vector<128x128xf32>
    %slice3A_3060 = vector.extract_strided_slice %get3A_23 {offsets = [0, 8064], sizes = [1, 128], strides = [1, 1]} : vector<1x8192xf32> to vector<1x128xf32>
    %add3A_3061 = vector.broadcast %slice3A_3060 : vector<1x128xf32> to vector<128x128xf32>
    %add3A_3062 = arith.addf %slice3A_3059, %add3A_3061 : vector<128x128xf32>
    %lt3A_3063 = arith.cmpf olt, %add3A_3062, %select_n3A_3058 : vector<128x128xf32>
    %jit3A_3064 = arith.constant 31 : i32
    %broadcast_in_dim3A_3065 = vector.broadcast %jit3A_3064 : i32 to vector<128x128xi32>
    %select_n3A_3066 = arith.select %lt3A_3063, %broadcast_in_dim3A_3065, %select_n3A_3057 : vector<128x128xi1>, vector<128x128xi32>
    %select_n3A_3067 = arith.select %lt3A_3063, %add3A_3062, %select_n3A_3058 : vector<128x128xi1>, vector<128x128xf32>
    %reduce_min3A_3068 = arith.constant dense<0x7F800000> : vector<128xf32>
    %reduce_min3A_3069 = vector.multi_reduction <minimumf>, %select_n3A_3067, %reduce_min3A_3068 [1] : vector<128x128xf32> to vector<128xf32>
    %broadcast_in_dim3A_3070 = vector.shape_cast %reduce_min3A_3069 : vector<128xf32> to vector<128x1xf32>
    %mul3A_3071 = arith.constant 128 : i32
    %mul3A_3072 = vector.broadcast %mul3A_3071 : i32 to vector<128x128xi32>
    %mul3A_3073 = arith.muli %select_n3A_3066, %mul3A_3072 : vector<128x128xi32>
    %add3A_3074 = arith.addi %mul3A_3073, %iota3A : vector<128x128xi32>
    %eq3A_3075 = vector.broadcast %broadcast_in_dim3A_3070 : vector<128x1xf32> to vector<128x128xf32>
    %eq3A_3076 = arith.cmpf oeq, %select_n3A_3067, %eq3A_3075 : vector<128x128xf32>
    %jit3A_3077 = arith.constant 8192 : i32
    %broadcast_in_dim3A_3078 = vector.broadcast %jit3A_3077 : i32 to vector<128x128xi32>
    %select_n3A_3079 = arith.select %eq3A_3076, %add3A_3074, %broadcast_in_dim3A_3078 : vector<128x128xi1>, vector<128x128xi32>
    %reduce_min3A_3080 = arith.constant dense<2147483647> : vector<128xi32>
    %reduce_min3A_3081 = vector.multi_reduction <minsi>, %select_n3A_3079, %reduce_min3A_3080 [1] : vector<128x128xi32> to vector<128xi32>
    %squeeze3A_3082 = vector.shape_cast %broadcast_in_dim3A_3070 : vector<128x1xf32> to vector<128xf32>
    %slice3A_3083 = vector.extract_strided_slice %squeeze3A {offsets = [512], sizes = [128], strides = [1]} : vector<1024xf32> to vector<128xf32>
    %add3A_3084 = arith.addf %squeeze3A_2782, %slice3A_3083 : vector<128xf32>
    %convert_element_type3A_3085 = arith.truncf %add3A_3084 : vector<128xf32> to vector<128xbf16>
    %convert_element_type3A_3086 = arith.extf %convert_element_type3A_3085 : vector<128xbf16> to vector<128xf32>
    %add3A_3087 = arith.addf %squeeze3A_3082, %slice3A_3083 : vector<128xf32>
    %lt3A_3088 = arith.cmpf olt, %add3A_3087, %convert_element_type3A_3086 : vector<128xf32>
    %add3A_3089 = arith.constant 4096 : i32
    %add3A_3090 = vector.broadcast %add3A_3089 : i32 to vector<128xi32>
    %add3A_3091 = arith.addi %reduce_min3A_3081, %add3A_3090 : vector<128xi32>
    %select_n3A_3092 = arith.select %lt3A_3088, %add3A_3091, %reduce_min3A_2781 : vector<128xi1>, vector<128xi32>
    %swap3A_3093 = arith.constant 0 : index
    %swap3A_3094 = arith.constant 0 : index
    %swap3A_3095 = arith.constant 512 : index
    %swap3A_3096 = vector.load %arg4[%swap3A_3093, %swap3A_3094, %swap3A_3095] : memref<1x1x1024xi32, #tpu.memory_space<vmem>>, vector<1x1x128xi32>
    %swap3A_3097 = vector.shape_cast %swap3A_3096 : vector<1x1x128xi32> to vector<128xi32>
    %swap3A_3098 = vector.shape_cast %select_n3A_3092 : vector<128xi32> to vector<1x1x128xi32>
    tpu.vector_store %arg4[%swap3A_3093, %swap3A_3094, %swap3A_3095], %swap3A_3098 {strides = array<i32>} : memref<1x1x1024xi32, #tpu.memory_space<vmem>>, vector<1x1x128xi32>,
    %slice3A_3099 = vector.extract_strided_slice %dot_general3A_15 {offsets = [640, 0], sizes = [128, 128], strides = [1, 1]} : vector<1024x4096xf32> to vector<128x128xf32>
    %slice3A_3100 = vector.extract_strided_slice %get3A_23 {offsets = [0, 0], sizes = [1, 128], strides = [1, 1]} : vector<1x8192xf32> to vector<1x128xf32>
    %add3A_3101 = vector.broadcast %slice3A_3100 : vector<1x128xf32> to vector<128x128xf32>
    %add3A_3102 = arith.addf %slice3A_3099, %add3A_3101 : vector<128x128xf32>
    %broadcast_in_dim3A_3103 = arith.constant 0 : i32
    %broadcast_in_dim3A_3104 = vector.broadcast %broadcast_in_dim3A_3103 : i32 to vector<128x128xi32>
    %slice3A_3105 = vector.extract_strided_slice %dot_general3A_15 {offsets = [640, 128], sizes = [128, 128], strides = [1, 1]} : vector<1024x4096xf32> to vector<128x128xf32>
    %slice3A_3106 = vector.extract_strided_slice %get3A_23 {offsets = [0, 128], sizes = [1, 128], strides = [1, 1]} : vector<1x8192xf32> to vector<1x128xf32>
    %add3A_3107 = vector.broadcast %slice3A_3106 : vector<1x128xf32> to vector<128x128xf32>
    %add3A_3108 = arith.addf %slice3A_3105, %add3A_3107 : vector<128x128xf32>
    %lt3A_3109 = arith.cmpf olt, %add3A_3108, %add3A_3102 : vector<128x128xf32>
    %jit3A_3110 = arith.constant 1 : i32
    %broadcast_in_dim3A_3111 = vector.broadcast %jit3A_3110 : i32 to vector<128x128xi32>
    %select_n3A_3112 = arith.select %lt3A_3109, %broadcast_in_dim3A_3111, %broadcast_in_dim3A_3104 : vector<128x128xi1>, vector<128x128xi32>
    %select_n3A_3113 = arith.select %lt3A_3109, %add3A_3108, %add3A_3102 : vector<128x128xi1>, vector<128x128xf32>
    %slice3A_3114 = vector.extract_strided_slice %dot_general3A_15 {offsets = [640, 256], sizes = [128, 128], strides = [1, 1]} : vector<1024x4096xf32> to vector<128x128xf32>
    %slice3A_3115 = vector.extract_strided_slice %get3A_23 {offsets = [0, 256], sizes = [1, 128], strides = [1, 1]} : vector<1x8192xf32> to vector<1x128xf32>
    %add3A_3116 = vector.broadcast %slice3A_3115 : vector<1x128xf32> to vector<128x128xf32>
    %add3A_3117 = arith.addf %slice3A_3114, %add3A_3116 : vector<128x128xf32>
    %lt3A_3118 = arith.cmpf olt, %add3A_3117, %select_n3A_3113 : vector<128x128xf32>
    %jit3A_3119 = arith.constant 2 : i32
    %broadcast_in_dim3A_3120 = vector.broadcast %jit3A_3119 : i32 to vector<128x128xi32>
    %select_n3A_3121 = arith.select %lt3A_3118, %broadcast_in_dim3A_3120, %select_n3A_3112 : vector<128x128xi1>, vector<128x128xi32>
    %select_n3A_3122 = arith.select %lt3A_3118, %add3A_3117, %select_n3A_3113 : vector<128x128xi1>, vector<128x128xf32>
    %slice3A_3123 = vector.extract_strided_slice %dot_general3A_15 {offsets = [640, 384], sizes = [128, 128], strides = [1, 1]} : vector<1024x4096xf32> to vector<128x128xf32>
    %slice3A_3124 = vector.extract_strided_slice %get3A_23 {offsets = [0, 384], sizes = [1, 128], strides = [1, 1]} : vector<1x8192xf32> to vector<1x128xf32>
    %add3A_3125 = vector.broadcast %slice3A_3124 : vector<1x128xf32> to vector<128x128xf32>
    %add3A_3126 = arith.addf %slice3A_3123, %add3A_3125 : vector<128x128xf32>
    %lt3A_3127 = arith.cmpf olt, %add3A_3126, %select_n3A_3122 : vector<128x128xf32>
    %jit3A_3128 = arith.constant 3 : i32
    %broadcast_in_dim3A_3129 = vector.broadcast %jit3A_3128 : i32 to vector<128x128xi32>
    %select_n3A_3130 = arith.select %lt3A_3127, %broadcast_in_dim3A_3129, %select_n3A_3121 : vector<128x128xi1>, vector<128x128xi32>
    %select_n3A_3131 = arith.select %lt3A_3127, %add3A_3126, %select_n3A_3122 : vector<128x128xi1>, vector<128x128xf32>
    %slice3A_3132 = vector.extract_strided_slice %dot_general3A_15 {offsets = [640, 512], sizes = [128, 128], strides = [1, 1]} : vector<1024x4096xf32> to vector<128x128xf32>
    %slice3A_3133 = vector.extract_strided_slice %get3A_23 {offsets = [0, 512], sizes = [1, 128], strides = [1, 1]} : vector<1x8192xf32> to vector<1x128xf32>
    %add3A_3134 = vector.broadcast %slice3A_3133 : vector<1x128xf32> to vector<128x128xf32>
    %add3A_3135 = arith.addf %slice3A_3132, %add3A_3134 : vector<128x128xf32>
    %lt3A_3136 = arith.cmpf olt, %add3A_3135, %select_n3A_3131 : vector<128x128xf32>
    %jit3A_3137 = arith.constant 4 : i32
    %broadcast_in_dim3A_3138 = vector.broadcast %jit3A_3137 : i32 to vector<128x128xi32>
    %select_n3A_3139 = arith.select %lt3A_3136, %broadcast_in_dim3A_3138, %select_n3A_3130 : vector<128x128xi1>, vector<128x128xi32>
    %select_n3A_3140 = arith.select %lt3A_3136, %add3A_3135, %select_n3A_3131 : vector<128x128xi1>, vector<128x128xf32>
    %slice3A_3141 = vector.extract_strided_slice %dot_general3A_15 {offsets = [640, 640], sizes = [128, 128], strides = [1, 1]} : vector<1024x4096xf32> to vector<128x128xf32>
    %slice3A_3142 = vector.extract_strided_slice %get3A_23 {offsets = [0, 640], sizes = [1, 128], strides = [1, 1]} : vector<1x8192xf32> to vector<1x128xf32>
    %add3A_3143 = vector.broadcast %slice3A_3142 : vector<1x128xf32> to vector<128x128xf32>
    %add3A_3144 = arith.addf %slice3A_3141, %add3A_3143 : vector<128x128xf32>
    %lt3A_3145 = arith.cmpf olt, %add3A_3144, %select_n3A_3140 : vector<128x128xf32>
    %jit3A_3146 = arith.constant 5 : i32
    %broadcast_in_dim3A_3147 = vector.broadcast %jit3A_3146 : i32 to vector<128x128xi32>
    %select_n3A_3148 = arith.select %lt3A_3145, %broadcast_in_dim3A_3147, %select_n3A_3139 : vector<128x128xi1>, vector<128x128xi32>
    %select_n3A_3149 = arith.select %lt3A_3145, %add3A_3144, %select_n3A_3140 : vector<128x128xi1>, vector<128x128xf32>
    %slice3A_3150 = vector.extract_strided_slice %dot_general3A_15 {offsets = [640, 768], sizes = [128, 128], strides = [1, 1]} : vector<1024x4096xf32> to vector<128x128xf32>
    %slice3A_3151 = vector.extract_strided_slice %get3A_23 {offsets = [0, 768], sizes = [1, 128], strides = [1, 1]} : vector<1x8192xf32> to vector<1x128xf32>
    %add3A_3152 = vector.broadcast %slice3A_3151 : vector<1x128xf32> to vector<128x128xf32>
    %add3A_3153 = arith.addf %slice3A_3150, %add3A_3152 : vector<128x128xf32>
    %lt3A_3154 = arith.cmpf olt, %add3A_3153, %select_n3A_3149 : vector<128x128xf32>
    %jit3A_3155 = arith.constant 6 : i32
    %broadcast_in_dim3A_3156 = vector.broadcast %jit3A_3155 : i32 to vector<128x128xi32>
    %select_n3A_3157 = arith.select %lt3A_3154, %broadcast_in_dim3A_3156, %select_n3A_3148 : vector<128x128xi1>, vector<128x128xi32>
    %select_n3A_3158 = arith.select %lt3A_3154, %add3A_3153, %select_n3A_3149 : vector<128x128xi1>, vector<128x128xf32>
    %slice3A_3159 = vector.extract_strided_slice %dot_general3A_15 {offsets = [640, 896], sizes = [128, 128], strides = [1, 1]} : vector<1024x4096xf32> to vector<128x128xf32>
    %slice3A_3160 = vector.extract_strided_slice %get3A_23 {offsets = [0, 896], sizes = [1, 128], strides = [1, 1]} : vector<1x8192xf32> to vector<1x128xf32>
    %add3A_3161 = vector.broadcast %slice3A_3160 : vector<1x128xf32> to vector<128x128xf32>
    %add3A_3162 = arith.addf %slice3A_3159, %add3A_3161 : vector<128x128xf32>
    %lt3A_3163 = arith.cmpf olt, %add3A_3162, %select_n3A_3158 : vector<128x128xf32>
    %jit3A_3164 = arith.constant 7 : i32
    %broadcast_in_dim3A_3165 = vector.broadcast %jit3A_3164 : i32 to vector<128x128xi32>
    %select_n3A_3166 = arith.select %lt3A_3163, %broadcast_in_dim3A_3165, %select_n3A_3157 : vector<128x128xi1>, vector<128x128xi32>
    %select_n3A_3167 = arith.select %lt3A_3163, %add3A_3162, %select_n3A_3158 : vector<128x128xi1>, vector<128x128xf32>
    %slice3A_3168 = vector.extract_strided_slice %dot_general3A_15 {offsets = [640, 1024], sizes = [128, 128], strides = [1, 1]} : vector<1024x4096xf32> to vector<128x128xf32>
    %slice3A_3169 = vector.extract_strided_slice %get3A_23 {offsets = [0, 1024], sizes = [1, 128], strides = [1, 1]} : vector<1x8192xf32> to vector<1x128xf32>
    %add3A_3170 = vector.broadcast %slice3A_3169 : vector<1x128xf32> to vector<128x128xf32>
    %add3A_3171 = arith.addf %slice3A_3168, %add3A_3170 : vector<128x128xf32>
    %lt3A_3172 = arith.cmpf olt, %add3A_3171, %select_n3A_3167 : vector<128x128xf32>
    %jit3A_3173 = arith.constant 8 : i32
    %broadcast_in_dim3A_3174 = vector.broadcast %jit3A_3173 : i32 to vector<128x128xi32>
    %select_n3A_3175 = arith.select %lt3A_3172, %broadcast_in_dim3A_3174, %select_n3A_3166 : vector<128x128xi1>, vector<128x128xi32>
    %select_n3A_3176 = arith.select %lt3A_3172, %add3A_3171, %select_n3A_3167 : vector<128x128xi1>, vector<128x128xf32>
    %slice3A_3177 = vector.extract_strided_slice %dot_general3A_15 {offsets = [640, 1152], sizes = [128, 128], strides = [1, 1]} : vector<1024x4096xf32> to vector<128x128xf32>
    %slice3A_3178 = vector.extract_strided_slice %get3A_23 {offsets = [0, 1152], sizes = [1, 128], strides = [1, 1]} : vector<1x8192xf32> to vector<1x128xf32>
    %add3A_3179 = vector.broadcast %slice3A_3178 : vector<1x128xf32> to vector<128x128xf32>
    %add3A_3180 = arith.addf %slice3A_3177, %add3A_3179 : vector<128x128xf32>
    %lt3A_3181 = arith.cmpf olt, %add3A_3180, %select_n3A_3176 : vector<128x128xf32>
    %jit3A_3182 = arith.constant 9 : i32
    %broadcast_in_dim3A_3183 = vector.broadcast %jit3A_3182 : i32 to vector<128x128xi32>
    %select_n3A_3184 = arith.select %lt3A_3181, %broadcast_in_dim3A_3183, %select_n3A_3175 : vector<128x128xi1>, vector<128x128xi32>
    %select_n3A_3185 = arith.select %lt3A_3181, %add3A_3180, %select_n3A_3176 : vector<128x128xi1>, vector<128x128xf32>
    %slice3A_3186 = vector.extract_strided_slice %dot_general3A_15 {offsets = [640, 1280], sizes = [128, 128], strides = [1, 1]} : vector<1024x4096xf32> to vector<128x128xf32>
    %slice3A_3187 = vector.extract_strided_slice %get3A_23 {offsets = [0, 1280], sizes = [1, 128], strides = [1, 1]} : vector<1x8192xf32> to vector<1x128xf32>
    %add3A_3188 = vector.broadcast %slice3A_3187 : vector<1x128xf32> to vector<128x128xf32>
    %add3A_3189 = arith.addf %slice3A_3186, %add3A_3188 : vector<128x128xf32>
    %lt3A_3190 = arith.cmpf olt, %add3A_3189, %select_n3A_3185 : vector<128x128xf32>
    %jit3A_3191 = arith.constant 10 : i32
    %broadcast_in_dim3A_3192 = vector.broadcast %jit3A_3191 : i32 to vector<128x128xi32>
    %select_n3A_3193 = arith.select %lt3A_3190, %broadcast_in_dim3A_3192, %select_n3A_3184 : vector<128x128xi1>, vector<128x128xi32>
    %select_n3A_3194 = arith.select %lt3A_3190, %add3A_3189, %select_n3A_3185 : vector<128x128xi1>, vector<128x128xf32>
    %slice3A_3195 = vector.extract_strided_slice %dot_general3A_15 {offsets = [640, 1408], sizes = [128, 128], strides = [1, 1]} : vector<1024x4096xf32> to vector<128x128xf32>
    %slice3A_3196 = vector.extract_strided_slice %get3A_23 {offsets = [0, 1408], sizes = [1, 128], strides = [1, 1]} : vector<1x8192xf32> to vector<1x128xf32>
    %add3A_3197 = vector.broadcast %slice3A_3196 : vector<1x128xf32> to vector<128x128xf32>
    %add3A_3198 = arith.addf %slice3A_3195, %add3A_3197 : vector<128x128xf32>
    %lt3A_3199 = arith.cmpf olt, %add3A_3198, %select_n3A_3194 : vector<128x128xf32>
    %jit3A_3200 = arith.constant 11 : i32
    %broadcast_in_dim3A_3201 = vector.broadcast %jit3A_3200 : i32 to vector<128x128xi32>
    %select_n3A_3202 = arith.select %lt3A_3199, %broadcast_in_dim3A_3201, %select_n3A_3193 : vector<128x128xi1>, vector<128x128xi32>
    %select_n3A_3203 = arith.select %lt3A_3199, %add3A_3198, %select_n3A_3194 : vector<128x128xi1>, vector<128x128xf32>
    %slice3A_3204 = vector.extract_strided_slice %dot_general3A_15 {offsets = [640, 1536], sizes = [128, 128], strides = [1, 1]} : vector<1024x4096xf32> to vector<128x128xf32>
    %slice3A_3205 = vector.extract_strided_slice %get3A_23 {offsets = [0, 1536], sizes = [1, 128], strides = [1, 1]} : vector<1x8192xf32> to vector<1x128xf32>
    %add3A_3206 = vector.broadcast %slice3A_3205 : vector<1x128xf32> to vector<128x128xf32>
    %add3A_3207 = arith.addf %slice3A_3204, %add3A_3206 : vector<128x128xf32>
    %lt3A_3208 = arith.cmpf olt, %add3A_3207, %select_n3A_3203 : vector<128x128xf32>
    %jit3A_3209 = arith.constant 12 : i32
    %broadcast_in_dim3A_3210 = vector.broadcast %jit3A_3209 : i32 to vector<128x128xi32>
    %select_n3A_3211 = arith.select %lt3A_3208, %broadcast_in_dim3A_3210, %select_n3A_3202 : vector<128x128xi1>, vector<128x128xi32>
    %select_n3A_3212 = arith.select %lt3A_3208, %add3A_3207, %select_n3A_3203 : vector<128x128xi1>, vector<128x128xf32>
    %slice3A_3213 = vector.extract_strided_slice %dot_general3A_15 {offsets = [640, 1664], sizes = [128, 128], strides = [1, 1]} : vector<1024x4096xf32> to vector<128x128xf32>
    %slice3A_3214 = vector.extract_strided_slice %get3A_23 {offsets = [0, 1664], sizes = [1, 128], strides = [1, 1]} : vector<1x8192xf32> to vector<1x128xf32>
    %add3A_3215 = vector.broadcast %slice3A_3214 : vector<1x128xf32> to vector<128x128xf32>
    %add3A_3216 = arith.addf %slice3A_3213, %add3A_3215 : vector<128x128xf32>
    %lt3A_3217 = arith.cmpf olt, %add3A_3216, %select_n3A_3212 : vector<128x128xf32>
    %jit3A_3218 = arith.constant 13 : i32
    %broadcast_in_dim3A_3219 = vector.broadcast %jit3A_3218 : i32 to vector<128x128xi32>
    %select_n3A_3220 = arith.select %lt3A_3217, %broadcast_in_dim3A_3219, %select_n3A_3211 : vector<128x128xi1>, vector<128x128xi32>
    %select_n3A_3221 = arith.select %lt3A_3217, %add3A_3216, %select_n3A_3212 : vector<128x128xi1>, vector<128x128xf32>
    %slice3A_3222 = vector.extract_strided_slice %dot_general3A_15 {offsets = [640, 1792], sizes = [128, 128], strides = [1, 1]} : vector<1024x4096xf32> to vector<128x128xf32>
    %slice3A_3223 = vector.extract_strided_slice %get3A_23 {offsets = [0, 1792], sizes = [1, 128], strides = [1, 1]} : vector<1x8192xf32> to vector<1x128xf32>
    %add3A_3224 = vector.broadcast %slice3A_3223 : vector<1x128xf32> to vector<128x128xf32>
    %add3A_3225 = arith.addf %slice3A_3222, %add3A_3224 : vector<128x128xf32>
    %lt3A_3226 = arith.cmpf olt, %add3A_3225, %select_n3A_3221 : vector<128x128xf32>
    %jit3A_3227 = arith.constant 14 : i32
    %broadcast_in_dim3A_3228 = vector.broadcast %jit3A_3227 : i32 to vector<128x128xi32>
    %select_n3A_3229 = arith.select %lt3A_3226, %broadcast_in_dim3A_3228, %select_n3A_3220 : vector<128x128xi1>, vector<128x128xi32>
    %select_n3A_3230 = arith.select %lt3A_3226, %add3A_3225, %select_n3A_3221 : vector<128x128xi1>, vector<128x128xf32>
    %slice3A_3231 = vector.extract_strided_slice %dot_general3A_15 {offsets = [640, 1920], sizes = [128, 128], strides = [1, 1]} : vector<1024x4096xf32> to vector<128x128xf32>
    %slice3A_3232 = vector.extract_strided_slice %get3A_23 {offsets = [0, 1920], sizes = [1, 128], strides = [1, 1]} : vector<1x8192xf32> to vector<1x128xf32>
    %add3A_3233 = vector.broadcast %slice3A_3232 : vector<1x128xf32> to vector<128x128xf32>
    %add3A_3234 = arith.addf %slice3A_3231, %add3A_3233 : vector<128x128xf32>
    %lt3A_3235 = arith.cmpf olt, %add3A_3234, %select_n3A_3230 : vector<128x128xf32>
    %jit3A_3236 = arith.constant 15 : i32
    %broadcast_in_dim3A_3237 = vector.broadcast %jit3A_3236 : i32 to vector<128x128xi32>
    %select_n3A_3238 = arith.select %lt3A_3235, %broadcast_in_dim3A_3237, %select_n3A_3229 : vector<128x128xi1>, vector<128x128xi32>
    %select_n3A_3239 = arith.select %lt3A_3235, %add3A_3234, %select_n3A_3230 : vector<128x128xi1>, vector<128x128xf32>
    %slice3A_3240 = vector.extract_strided_slice %dot_general3A_15 {offsets = [640, 2048], sizes = [128, 128], strides = [1, 1]} : vector<1024x4096xf32> to vector<128x128xf32>
    %slice3A_3241 = vector.extract_strided_slice %get3A_23 {offsets = [0, 2048], sizes = [1, 128], strides = [1, 1]} : vector<1x8192xf32> to vector<1x128xf32>
    %add3A_3242 = vector.broadcast %slice3A_3241 : vector<1x128xf32> to vector<128x128xf32>
    %add3A_3243 = arith.addf %slice3A_3240, %add3A_3242 : vector<128x128xf32>
    %lt3A_3244 = arith.cmpf olt, %add3A_3243, %select_n3A_3239 : vector<128x128xf32>
    %jit3A_3245 = arith.constant 16 : i32
    %broadcast_in_dim3A_3246 = vector.broadcast %jit3A_3245 : i32 to vector<128x128xi32>
    %select_n3A_3247 = arith.select %lt3A_3244, %broadcast_in_dim3A_3246, %select_n3A_3238 : vector<128x128xi1>, vector<128x128xi32>
    %select_n3A_3248 = arith.select %lt3A_3244, %add3A_3243, %select_n3A_3239 : vector<128x128xi1>, vector<128x128xf32>
    %slice3A_3249 = vector.extract_strided_slice %dot_general3A_15 {offsets = [640, 2176], sizes = [128, 128], strides = [1, 1]} : vector<1024x4096xf32> to vector<128x128xf32>
    %slice3A_3250 = vector.extract_strided_slice %get3A_23 {offsets = [0, 2176], sizes = [1, 128], strides = [1, 1]} : vector<1x8192xf32> to vector<1x128xf32>
    %add3A_3251 = vector.broadcast %slice3A_3250 : vector<1x128xf32> to vector<128x128xf32>
    %add3A_3252 = arith.addf %slice3A_3249, %add3A_3251 : vector<128x128xf32>
    %lt3A_3253 = arith.cmpf olt, %add3A_3252, %select_n3A_3248 : vector<128x128xf32>
    %jit3A_3254 = arith.constant 17 : i32
    %broadcast_in_dim3A_3255 = vector.broadcast %jit3A_3254 : i32 to vector<128x128xi32>
    %select_n3A_3256 = arith.select %lt3A_3253, %broadcast_in_dim3A_3255, %select_n3A_3247 : vector<128x128xi1>, vector<128x128xi32>
    %select_n3A_3257 = arith.select %lt3A_3253, %add3A_3252, %select_n3A_3248 : vector<128x128xi1>, vector<128x128xf32>
    %slice3A_3258 = vector.extract_strided_slice %dot_general3A_15 {offsets = [640, 2304], sizes = [128, 128], strides = [1, 1]} : vector<1024x4096xf32> to vector<128x128xf32>
    %slice3A_3259 = vector.extract_strided_slice %get3A_23 {offsets = [0, 2304], sizes = [1, 128], strides = [1, 1]} : vector<1x8192xf32> to vector<1x128xf32>
    %add3A_3260 = vector.broadcast %slice3A_3259 : vector<1x128xf32> to vector<128x128xf32>
    %add3A_3261 = arith.addf %slice3A_3258, %add3A_3260 : vector<128x128xf32>
    %lt3A_3262 = arith.cmpf olt, %add3A_3261, %select_n3A_3257 : vector<128x128xf32>
    %jit3A_3263 = arith.constant 18 : i32
    %broadcast_in_dim3A_3264 = vector.broadcast %jit3A_3263 : i32 to vector<128x128xi32>
    %select_n3A_3265 = arith.select %lt3A_3262, %broadcast_in_dim3A_3264, %select_n3A_3256 : vector<128x128xi1>, vector<128x128xi32>
    %select_n3A_3266 = arith.select %lt3A_3262, %add3A_3261, %select_n3A_3257 : vector<128x128xi1>, vector<128x128xf32>
    %slice3A_3267 = vector.extract_strided_slice %dot_general3A_15 {offsets = [640, 2432], sizes = [128, 128], strides = [1, 1]} : vector<1024x4096xf32> to vector<128x128xf32>
    %slice3A_3268 = vector.extract_strided_slice %get3A_23 {offsets = [0, 2432], sizes = [1, 128], strides = [1, 1]} : vector<1x8192xf32> to vector<1x128xf32>
    %add3A_3269 = vector.broadcast %slice3A_3268 : vector<1x128xf32> to vector<128x128xf32>
    %add3A_3270 = arith.addf %slice3A_3267, %add3A_3269 : vector<128x128xf32>
    %lt3A_3271 = arith.cmpf olt, %add3A_3270, %select_n3A_3266 : vector<128x128xf32>
    %jit3A_3272 = arith.constant 19 : i32
    %broadcast_in_dim3A_3273 = vector.broadcast %jit3A_3272 : i32 to vector<128x128xi32>
    %select_n3A_3274 = arith.select %lt3A_3271, %broadcast_in_dim3A_3273, %select_n3A_3265 : vector<128x128xi1>, vector<128x128xi32>
    %select_n3A_3275 = arith.select %lt3A_3271, %add3A_3270, %select_n3A_3266 : vector<128x128xi1>, vector<128x128xf32>
    %slice3A_3276 = vector.extract_strided_slice %dot_general3A_15 {offsets = [640, 2560], sizes = [128, 128], strides = [1, 1]} : vector<1024x4096xf32> to vector<128x128xf32>
    %slice3A_3277 = vector.extract_strided_slice %get3A_23 {offsets = [0, 2560], sizes = [1, 128], strides = [1, 1]} : vector<1x8192xf32> to vector<1x128xf32>
    %add3A_3278 = vector.broadcast %slice3A_3277 : vector<1x128xf32> to vector<128x128xf32>
    %add3A_3279 = arith.addf %slice3A_3276, %add3A_3278 : vector<128x128xf32>
    %lt3A_3280 = arith.cmpf olt, %add3A_3279, %select_n3A_3275 : vector<128x128xf32>
    %jit3A_3281 = arith.constant 20 : i32
    %broadcast_in_dim3A_3282 = vector.broadcast %jit3A_3281 : i32 to vector<128x128xi32>
    %select_n3A_3283 = arith.select %lt3A_3280, %broadcast_in_dim3A_3282, %select_n3A_3274 : vector<128x128xi1>, vector<128x128xi32>
    %select_n3A_3284 = arith.select %lt3A_3280, %add3A_3279, %select_n3A_3275 : vector<128x128xi1>, vector<128x128xf32>
    %slice3A_3285 = vector.extract_strided_slice %dot_general3A_15 {offsets = [640, 2688], sizes = [128, 128], strides = [1, 1]} : vector<1024x4096xf32> to vector<128x128xf32>
    %slice3A_3286 = vector.extract_strided_slice %get3A_23 {offsets = [0, 2688], sizes = [1, 128], strides = [1, 1]} : vector<1x8192xf32> to vector<1x128xf32>
    %add3A_3287 = vector.broadcast %slice3A_3286 : vector<1x128xf32> to vector<128x128xf32>
    %add3A_3288 = arith.addf %slice3A_3285, %add3A_3287 : vector<128x128xf32>
    %lt3A_3289 = arith.cmpf olt, %add3A_3288, %select_n3A_3284 : vector<128x128xf32>
    %jit3A_3290 = arith.constant 21 : i32
    %broadcast_in_dim3A_3291 = vector.broadcast %jit3A_3290 : i32 to vector<128x128xi32>
    %select_n3A_3292 = arith.select %lt3A_3289, %broadcast_in_dim3A_3291, %select_n3A_3283 : vector<128x128xi1>, vector<128x128xi32>
    %select_n3A_3293 = arith.select %lt3A_3289, %add3A_3288, %select_n3A_3284 : vector<128x128xi1>, vector<128x128xf32>
    %slice3A_3294 = vector.extract_strided_slice %dot_general3A_15 {offsets = [640, 2816], sizes = [128, 128], strides = [1, 1]} : vector<1024x4096xf32> to vector<128x128xf32>
    %slice3A_3295 = vector.extract_strided_slice %get3A_23 {offsets = [0, 2816], sizes = [1, 128], strides = [1, 1]} : vector<1x8192xf32> to vector<1x128xf32>
    %add3A_3296 = vector.broadcast %slice3A_3295 : vector<1x128xf32> to vector<128x128xf32>
    %add3A_3297 = arith.addf %slice3A_3294, %add3A_3296 : vector<128x128xf32>
    %lt3A_3298 = arith.cmpf olt, %add3A_3297, %select_n3A_3293 : vector<128x128xf32>
    %jit3A_3299 = arith.constant 22 : i32
    %broadcast_in_dim3A_3300 = vector.broadcast %jit3A_3299 : i32 to vector<128x128xi32>
    %select_n3A_3301 = arith.select %lt3A_3298, %broadcast_in_dim3A_3300, %select_n3A_3292 : vector<128x128xi1>, vector<128x128xi32>
    %select_n3A_3302 = arith.select %lt3A_3298, %add3A_3297, %select_n3A_3293 : vector<128x128xi1>, vector<128x128xf32>
    %slice3A_3303 = vector.extract_strided_slice %dot_general3A_15 {offsets = [640, 2944], sizes = [128, 128], strides = [1, 1]} : vector<1024x4096xf32> to vector<128x128xf32>
    %slice3A_3304 = vector.extract_strided_slice %get3A_23 {offsets = [0, 2944], sizes = [1, 128], strides = [1, 1]} : vector<1x8192xf32> to vector<1x128xf32>
    %add3A_3305 = vector.broadcast %slice3A_3304 : vector<1x128xf32> to vector<128x128xf32>
    %add3A_3306 = arith.addf %slice3A_3303, %add3A_3305 : vector<128x128xf32>
    %lt3A_3307 = arith.cmpf olt, %add3A_3306, %select_n3A_3302 : vector<128x128xf32>
    %jit3A_3308 = arith.constant 23 : i32
    %broadcast_in_dim3A_3309 = vector.broadcast %jit3A_3308 : i32 to vector<128x128xi32>
    %select_n3A_3310 = arith.select %lt3A_3307, %broadcast_in_dim3A_3309, %select_n3A_3301 : vector<128x128xi1>, vector<128x128xi32>
    %select_n3A_3311 = arith.select %lt3A_3307, %add3A_3306, %select_n3A_3302 : vector<128x128xi1>, vector<128x128xf32>
    %slice3A_3312 = vector.extract_strided_slice %dot_general3A_15 {offsets = [640, 3072], sizes = [128, 128], strides = [1, 1]} : vector<1024x4096xf32> to vector<128x128xf32>
    %slice3A_3313 = vector.extract_strided_slice %get3A_23 {offsets = [0, 3072], sizes = [1, 128], strides = [1, 1]} : vector<1x8192xf32> to vector<1x128xf32>
    %add3A_3314 = vector.broadcast %slice3A_3313 : vector<1x128xf32> to vector<128x128xf32>
    %add3A_3315 = arith.addf %slice3A_3312, %add3A_3314 : vector<128x128xf32>
    %lt3A_3316 = arith.cmpf olt, %add3A_3315, %select_n3A_3311 : vector<128x128xf32>
    %jit3A_3317 = arith.constant 24 : i32
    %broadcast_in_dim3A_3318 = vector.broadcast %jit3A_3317 : i32 to vector<128x128xi32>
    %select_n3A_3319 = arith.select %lt3A_3316, %broadcast_in_dim3A_3318, %select_n3A_3310 : vector<128x128xi1>, vector<128x128xi32>
    %select_n3A_3320 = arith.select %lt3A_3316, %add3A_3315, %select_n3A_3311 : vector<128x128xi1>, vector<128x128xf32>
    %slice3A_3321 = vector.extract_strided_slice %dot_general3A_15 {offsets = [640, 3200], sizes = [128, 128], strides = [1, 1]} : vector<1024x4096xf32> to vector<128x128xf32>
    %slice3A_3322 = vector.extract_strided_slice %get3A_23 {offsets = [0, 3200], sizes = [1, 128], strides = [1, 1]} : vector<1x8192xf32> to vector<1x128xf32>
    %add3A_3323 = vector.broadcast %slice3A_3322 : vector<1x128xf32> to vector<128x128xf32>
    %add3A_3324 = arith.addf %slice3A_3321, %add3A_3323 : vector<128x128xf32>
    %lt3A_3325 = arith.cmpf olt, %add3A_3324, %select_n3A_3320 : vector<128x128xf32>
    %jit3A_3326 = arith.constant 25 : i32
    %broadcast_in_dim3A_3327 = vector.broadcast %jit3A_3326 : i32 to vector<128x128xi32>
    %select_n3A_3328 = arith.select %lt3A_3325, %broadcast_in_dim3A_3327, %select_n3A_3319 : vector<128x128xi1>, vector<128x128xi32>
    %select_n3A_3329 = arith.select %lt3A_3325, %add3A_3324, %select_n3A_3320 : vector<128x128xi1>, vector<128x128xf32>
    %slice3A_3330 = vector.extract_strided_slice %dot_general3A_15 {offsets = [640, 3328], sizes = [128, 128], strides = [1, 1]} : vector<1024x4096xf32> to vector<128x128xf32>
    %slice3A_3331 = vector.extract_strided_slice %get3A_23 {offsets = [0, 3328], sizes = [1, 128], strides = [1, 1]} : vector<1x8192xf32> to vector<1x128xf32>
    %add3A_3332 = vector.broadcast %slice3A_3331 : vector<1x128xf32> to vector<128x128xf32>
    %add3A_3333 = arith.addf %slice3A_3330, %add3A_3332 : vector<128x128xf32>
    %lt3A_3334 = arith.cmpf olt, %add3A_3333, %select_n3A_3329 : vector<128x128xf32>
    %jit3A_3335 = arith.constant 26 : i32
    %broadcast_in_dim3A_3336 = vector.broadcast %jit3A_3335 : i32 to vector<128x128xi32>
    %select_n3A_3337 = arith.select %lt3A_3334, %broadcast_in_dim3A_3336, %select_n3A_3328 : vector<128x128xi1>, vector<128x128xi32>
    %select_n3A_3338 = arith.select %lt3A_3334, %add3A_3333, %select_n3A_3329 : vector<128x128xi1>, vector<128x128xf32>
    %slice3A_3339 = vector.extract_strided_slice %dot_general3A_15 {offsets = [640, 3456], sizes = [128, 128], strides = [1, 1]} : vector<1024x4096xf32> to vector<128x128xf32>
    %slice3A_3340 = vector.extract_strided_slice %get3A_23 {offsets = [0, 3456], sizes = [1, 128], strides = [1, 1]} : vector<1x8192xf32> to vector<1x128xf32>
    %add3A_3341 = vector.broadcast %slice3A_3340 : vector<1x128xf32> to vector<128x128xf32>
    %add3A_3342 = arith.addf %slice3A_3339, %add3A_3341 : vector<128x128xf32>
    %lt3A_3343 = arith.cmpf olt, %add3A_3342, %select_n3A_3338 : vector<128x128xf32>
    %jit3A_3344 = arith.constant 27 : i32
    %broadcast_in_dim3A_3345 = vector.broadcast %jit3A_3344 : i32 to vector<128x128xi32>
    %select_n3A_3346 = arith.select %lt3A_3343, %broadcast_in_dim3A_3345, %select_n3A_3337 : vector<128x128xi1>, vector<128x128xi32>
    %select_n3A_3347 = arith.select %lt3A_3343, %add3A_3342, %select_n3A_3338 : vector<128x128xi1>, vector<128x128xf32>
    %slice3A_3348 = vector.extract_strided_slice %dot_general3A_15 {offsets = [640, 3584], sizes = [128, 128], strides = [1, 1]} : vector<1024x4096xf32> to vector<128x128xf32>
    %slice3A_3349 = vector.extract_strided_slice %get3A_23 {offsets = [0, 3584], sizes = [1, 128], strides = [1, 1]} : vector<1x8192xf32> to vector<1x128xf32>
    %add3A_3350 = vector.broadcast %slice3A_3349 : vector<1x128xf32> to vector<128x128xf32>
    %add3A_3351 = arith.addf %slice3A_3348, %add3A_3350 : vector<128x128xf32>
    %lt3A_3352 = arith.cmpf olt, %add3A_3351, %select_n3A_3347 : vector<128x128xf32>
    %jit3A_3353 = arith.constant 28 : i32
    %broadcast_in_dim3A_3354 = vector.broadcast %jit3A_3353 : i32 to vector<128x128xi32>
    %select_n3A_3355 = arith.select %lt3A_3352, %broadcast_in_dim3A_3354, %select_n3A_3346 : vector<128x128xi1>, vector<128x128xi32>
    %select_n3A_3356 = arith.select %lt3A_3352, %add3A_3351, %select_n3A_3347 : vector<128x128xi1>, vector<128x128xf32>
    %slice3A_3357 = vector.extract_strided_slice %dot_general3A_15 {offsets = [640, 3712], sizes = [128, 128], strides = [1, 1]} : vector<1024x4096xf32> to vector<128x128xf32>
    %slice3A_3358 = vector.extract_strided_slice %get3A_23 {offsets = [0, 3712], sizes = [1, 128], strides = [1, 1]} : vector<1x8192xf32> to vector<1x128xf32>
    %add3A_3359 = vector.broadcast %slice3A_3358 : vector<1x128xf32> to vector<128x128xf32>
    %add3A_3360 = arith.addf %slice3A_3357, %add3A_3359 : vector<128x128xf32>
    %lt3A_3361 = arith.cmpf olt, %add3A_3360, %select_n3A_3356 : vector<128x128xf32>
    %jit3A_3362 = arith.constant 29 : i32
    %broadcast_in_dim3A_3363 = vector.broadcast %jit3A_3362 : i32 to vector<128x128xi32>
    %select_n3A_3364 = arith.select %lt3A_3361, %broadcast_in_dim3A_3363, %select_n3A_3355 : vector<128x128xi1>, vector<128x128xi32>
    %select_n3A_3365 = arith.select %lt3A_3361, %add3A_3360, %select_n3A_3356 : vector<128x128xi1>, vector<128x128xf32>
    %slice3A_3366 = vector.extract_strided_slice %dot_general3A_15 {offsets = [640, 3840], sizes = [128, 128], strides = [1, 1]} : vector<1024x4096xf32> to vector<128x128xf32>
    %slice3A_3367 = vector.extract_strided_slice %get3A_23 {offsets = [0, 3840], sizes = [1, 128], strides = [1, 1]} : vector<1x8192xf32> to vector<1x128xf32>
    %add3A_3368 = vector.broadcast %slice3A_3367 : vector<1x128xf32> to vector<128x128xf32>
    %add3A_3369 = arith.addf %slice3A_3366, %add3A_3368 : vector<128x128xf32>
    %lt3A_3370 = arith.cmpf olt, %add3A_3369, %select_n3A_3365 : vector<128x128xf32>
    %jit3A_3371 = arith.constant 30 : i32
    %broadcast_in_dim3A_3372 = vector.broadcast %jit3A_3371 : i32 to vector<128x128xi32>
    %select_n3A_3373 = arith.select %lt3A_3370, %broadcast_in_dim3A_3372, %select_n3A_3364 : vector<128x128xi1>, vector<128x128xi32>
    %select_n3A_3374 = arith.select %lt3A_3370, %add3A_3369, %select_n3A_3365 : vector<128x128xi1>, vector<128x128xf32>
    %slice3A_3375 = vector.extract_strided_slice %dot_general3A_15 {offsets = [640, 3968], sizes = [128, 128], strides = [1, 1]} : vector<1024x4096xf32> to vector<128x128xf32>
    %slice3A_3376 = vector.extract_strided_slice %get3A_23 {offsets = [0, 3968], sizes = [1, 128], strides = [1, 1]} : vector<1x8192xf32> to vector<1x128xf32>
    %add3A_3377 = vector.broadcast %slice3A_3376 : vector<1x128xf32> to vector<128x128xf32>
    %add3A_3378 = arith.addf %slice3A_3375, %add3A_3377 : vector<128x128xf32>
    %lt3A_3379 = arith.cmpf olt, %add3A_3378, %select_n3A_3374 : vector<128x128xf32>
    %jit3A_3380 = arith.constant 31 : i32
    %broadcast_in_dim3A_3381 = vector.broadcast %jit3A_3380 : i32 to vector<128x128xi32>
    %select_n3A_3382 = arith.select %lt3A_3379, %broadcast_in_dim3A_3381, %select_n3A_3373 : vector<128x128xi1>, vector<128x128xi32>
    %select_n3A_3383 = arith.select %lt3A_3379, %add3A_3378, %select_n3A_3374 : vector<128x128xi1>, vector<128x128xf32>
    %reduce_min3A_3384 = arith.constant dense<0x7F800000> : vector<128xf32>
    %reduce_min3A_3385 = vector.multi_reduction <minimumf>, %select_n3A_3383, %reduce_min3A_3384 [1] : vector<128x128xf32> to vector<128xf32>
    %broadcast_in_dim3A_3386 = vector.shape_cast %reduce_min3A_3385 : vector<128xf32> to vector<128x1xf32>
    %mul3A_3387 = arith.constant 128 : i32
    %mul3A_3388 = vector.broadcast %mul3A_3387 : i32 to vector<128x128xi32>
    %mul3A_3389 = arith.muli %select_n3A_3382, %mul3A_3388 : vector<128x128xi32>
    %add3A_3390 = arith.addi %mul3A_3389, %iota3A : vector<128x128xi32>
    %eq3A_3391 = vector.broadcast %broadcast_in_dim3A_3386 : vector<128x1xf32> to vector<128x128xf32>
    %eq3A_3392 = arith.cmpf oeq, %select_n3A_3383, %eq3A_3391 : vector<128x128xf32>
    %jit3A_3393 = arith.constant 8192 : i32
    %broadcast_in_dim3A_3394 = vector.broadcast %jit3A_3393 : i32 to vector<128x128xi32>
    %select_n3A_3395 = arith.select %eq3A_3392, %add3A_3390, %broadcast_in_dim3A_3394 : vector<128x128xi1>, vector<128x128xi32>
    %reduce_min3A_3396 = arith.constant dense<2147483647> : vector<128xi32>
    %reduce_min3A_3397 = vector.multi_reduction <minsi>, %select_n3A_3395, %reduce_min3A_3396 [1] : vector<128x128xi32> to vector<128xi32>
    %squeeze3A_3398 = vector.shape_cast %broadcast_in_dim3A_3386 : vector<128x1xf32> to vector<128xf32>
    %slice3A_3399 = vector.extract_strided_slice %dot_general3A_18 {offsets = [640, 0], sizes = [128, 128], strides = [1, 1]} : vector<1024x4096xf32> to vector<128x128xf32>
    %slice3A_3400 = vector.extract_strided_slice %get3A_23 {offsets = [0, 4096], sizes = [1, 128], strides = [1, 1]} : vector<1x8192xf32> to vector<1x128xf32>
    %add3A_3401 = vector.broadcast %slice3A_3400 : vector<1x128xf32> to vector<128x128xf32>
    %add3A_3402 = arith.addf %slice3A_3399, %add3A_3401 : vector<128x128xf32>
    %broadcast_in_dim3A_3403 = arith.constant 0 : i32
    %broadcast_in_dim3A_3404 = vector.broadcast %broadcast_in_dim3A_3403 : i32 to vector<128x128xi32>
    %slice3A_3405 = vector.extract_strided_slice %dot_general3A_18 {offsets = [640, 128], sizes = [128, 128], strides = [1, 1]} : vector<1024x4096xf32> to vector<128x128xf32>
    %slice3A_3406 = vector.extract_strided_slice %get3A_23 {offsets = [0, 4224], sizes = [1, 128], strides = [1, 1]} : vector<1x8192xf32> to vector<1x128xf32>
    %add3A_3407 = vector.broadcast %slice3A_3406 : vector<1x128xf32> to vector<128x128xf32>
    %add3A_3408 = arith.addf %slice3A_3405, %add3A_3407 : vector<128x128xf32>
    %lt3A_3409 = arith.cmpf olt, %add3A_3408, %add3A_3402 : vector<128x128xf32>
    %jit3A_3410 = arith.constant 1 : i32
    %broadcast_in_dim3A_3411 = vector.broadcast %jit3A_3410 : i32 to vector<128x128xi32>
    %select_n3A_3412 = arith.select %lt3A_3409, %broadcast_in_dim3A_3411, %broadcast_in_dim3A_3404 : vector<128x128xi1>, vector<128x128xi32>
    %select_n3A_3413 = arith.select %lt3A_3409, %add3A_3408, %add3A_3402 : vector<128x128xi1>, vector<128x128xf32>
    %slice3A_3414 = vector.extract_strided_slice %dot_general3A_18 {offsets = [640, 256], sizes = [128, 128], strides = [1, 1]} : vector<1024x4096xf32> to vector<128x128xf32>
    %slice3A_3415 = vector.extract_strided_slice %get3A_23 {offsets = [0, 4352], sizes = [1, 128], strides = [1, 1]} : vector<1x8192xf32> to vector<1x128xf32>
    %add3A_3416 = vector.broadcast %slice3A_3415 : vector<1x128xf32> to vector<128x128xf32>
    %add3A_3417 = arith.addf %slice3A_3414, %add3A_3416 : vector<128x128xf32>
    %lt3A_3418 = arith.cmpf olt, %add3A_3417, %select_n3A_3413 : vector<128x128xf32>
    %jit3A_3419 = arith.constant 2 : i32
    %broadcast_in_dim3A_3420 = vector.broadcast %jit3A_3419 : i32 to vector<128x128xi32>
    %select_n3A_3421 = arith.select %lt3A_3418, %broadcast_in_dim3A_3420, %select_n3A_3412 : vector<128x128xi1>, vector<128x128xi32>
    %select_n3A_3422 = arith.select %lt3A_3418, %add3A_3417, %select_n3A_3413 : vector<128x128xi1>, vector<128x128xf32>
    %slice3A_3423 = vector.extract_strided_slice %dot_general3A_18 {offsets = [640, 384], sizes = [128, 128], strides = [1, 1]} : vector<1024x4096xf32> to vector<128x128xf32>
    %slice3A_3424 = vector.extract_strided_slice %get3A_23 {offsets = [0, 4480], sizes = [1, 128], strides = [1, 1]} : vector<1x8192xf32> to vector<1x128xf32>
    %add3A_3425 = vector.broadcast %slice3A_3424 : vector<1x128xf32> to vector<128x128xf32>
    %add3A_3426 = arith.addf %slice3A_3423, %add3A_3425 : vector<128x128xf32>
    %lt3A_3427 = arith.cmpf olt, %add3A_3426, %select_n3A_3422 : vector<128x128xf32>
    %jit3A_3428 = arith.constant 3 : i32
    %broadcast_in_dim3A_3429 = vector.broadcast %jit3A_3428 : i32 to vector<128x128xi32>
    %select_n3A_3430 = arith.select %lt3A_3427, %broadcast_in_dim3A_3429, %select_n3A_3421 : vector<128x128xi1>, vector<128x128xi32>
    %select_n3A_3431 = arith.select %lt3A_3427, %add3A_3426, %select_n3A_3422 : vector<128x128xi1>, vector<128x128xf32>
    %slice3A_3432 = vector.extract_strided_slice %dot_general3A_18 {offsets = [640, 512], sizes = [128, 128], strides = [1, 1]} : vector<1024x4096xf32> to vector<128x128xf32>
    %slice3A_3433 = vector.extract_strided_slice %get3A_23 {offsets = [0, 4608], sizes = [1, 128], strides = [1, 1]} : vector<1x8192xf32> to vector<1x128xf32>
    %add3A_3434 = vector.broadcast %slice3A_3433 : vector<1x128xf32> to vector<128x128xf32>
    %add3A_3435 = arith.addf %slice3A_3432, %add3A_3434 : vector<128x128xf32>
    %lt3A_3436 = arith.cmpf olt, %add3A_3435, %select_n3A_3431 : vector<128x128xf32>
    %jit3A_3437 = arith.constant 4 : i32
    %broadcast_in_dim3A_3438 = vector.broadcast %jit3A_3437 : i32 to vector<128x128xi32>
    %select_n3A_3439 = arith.select %lt3A_3436, %broadcast_in_dim3A_3438, %select_n3A_3430 : vector<128x128xi1>, vector<128x128xi32>
    %select_n3A_3440 = arith.select %lt3A_3436, %add3A_3435, %select_n3A_3431 : vector<128x128xi1>, vector<128x128xf32>
    %slice3A_3441 = vector.extract_strided_slice %dot_general3A_18 {offsets = [640, 640], sizes = [128, 128], strides = [1, 1]} : vector<1024x4096xf32> to vector<128x128xf32>
    %slice3A_3442 = vector.extract_strided_slice %get3A_23 {offsets = [0, 4736], sizes = [1, 128], strides = [1, 1]} : vector<1x8192xf32> to vector<1x128xf32>
    %add3A_3443 = vector.broadcast %slice3A_3442 : vector<1x128xf32> to vector<128x128xf32>
    %add3A_3444 = arith.addf %slice3A_3441, %add3A_3443 : vector<128x128xf32>
    %lt3A_3445 = arith.cmpf olt, %add3A_3444, %select_n3A_3440 : vector<128x128xf32>
    %jit3A_3446 = arith.constant 5 : i32
    %broadcast_in_dim3A_3447 = vector.broadcast %jit3A_3446 : i32 to vector<128x128xi32>
    %select_n3A_3448 = arith.select %lt3A_3445, %broadcast_in_dim3A_3447, %select_n3A_3439 : vector<128x128xi1>, vector<128x128xi32>
    %select_n3A_3449 = arith.select %lt3A_3445, %add3A_3444, %select_n3A_3440 : vector<128x128xi1>, vector<128x128xf32>
    %slice3A_3450 = vector.extract_strided_slice %dot_general3A_18 {offsets = [640, 768], sizes = [128, 128], strides = [1, 1]} : vector<1024x4096xf32> to vector<128x128xf32>
    %slice3A_3451 = vector.extract_strided_slice %get3A_23 {offsets = [0, 4864], sizes = [1, 128], strides = [1, 1]} : vector<1x8192xf32> to vector<1x128xf32>
    %add3A_3452 = vector.broadcast %slice3A_3451 : vector<1x128xf32> to vector<128x128xf32>
    %add3A_3453 = arith.addf %slice3A_3450, %add3A_3452 : vector<128x128xf32>
    %lt3A_3454 = arith.cmpf olt, %add3A_3453, %select_n3A_3449 : vector<128x128xf32>
    %jit3A_3455 = arith.constant 6 : i32
    %broadcast_in_dim3A_3456 = vector.broadcast %jit3A_3455 : i32 to vector<128x128xi32>
    %select_n3A_3457 = arith.select %lt3A_3454, %broadcast_in_dim3A_3456, %select_n3A_3448 : vector<128x128xi1>, vector<128x128xi32>
    %select_n3A_3458 = arith.select %lt3A_3454, %add3A_3453, %select_n3A_3449 : vector<128x128xi1>, vector<128x128xf32>
    %slice3A_3459 = vector.extract_strided_slice %dot_general3A_18 {offsets = [640, 896], sizes = [128, 128], strides = [1, 1]} : vector<1024x4096xf32> to vector<128x128xf32>
    %slice3A_3460 = vector.extract_strided_slice %get3A_23 {offsets = [0, 4992], sizes = [1, 128], strides = [1, 1]} : vector<1x8192xf32> to vector<1x128xf32>
    %add3A_3461 = vector.broadcast %slice3A_3460 : vector<1x128xf32> to vector<128x128xf32>
    %add3A_3462 = arith.addf %slice3A_3459, %add3A_3461 : vector<128x128xf32>
    %lt3A_3463 = arith.cmpf olt, %add3A_3462, %select_n3A_3458 : vector<128x128xf32>
    %jit3A_3464 = arith.constant 7 : i32
    %broadcast_in_dim3A_3465 = vector.broadcast %jit3A_3464 : i32 to vector<128x128xi32>
    %select_n3A_3466 = arith.select %lt3A_3463, %broadcast_in_dim3A_3465, %select_n3A_3457 : vector<128x128xi1>, vector<128x128xi32>
    %select_n3A_3467 = arith.select %lt3A_3463, %add3A_3462, %select_n3A_3458 : vector<128x128xi1>, vector<128x128xf32>
    %slice3A_3468 = vector.extract_strided_slice %dot_general3A_18 {offsets = [640, 1024], sizes = [128, 128], strides = [1, 1]} : vector<1024x4096xf32> to vector<128x128xf32>
    %slice3A_3469 = vector.extract_strided_slice %get3A_23 {offsets = [0, 5120], sizes = [1, 128], strides = [1, 1]} : vector<1x8192xf32> to vector<1x128xf32>
    %add3A_3470 = vector.broadcast %slice3A_3469 : vector<1x128xf32> to vector<128x128xf32>
    %add3A_3471 = arith.addf %slice3A_3468, %add3A_3470 : vector<128x128xf32>
    %lt3A_3472 = arith.cmpf olt, %add3A_3471, %select_n3A_3467 : vector<128x128xf32>
    %jit3A_3473 = arith.constant 8 : i32
    %broadcast_in_dim3A_3474 = vector.broadcast %jit3A_3473 : i32 to vector<128x128xi32>
    %select_n3A_3475 = arith.select %lt3A_3472, %broadcast_in_dim3A_3474, %select_n3A_3466 : vector<128x128xi1>, vector<128x128xi32>
    %select_n3A_3476 = arith.select %lt3A_3472, %add3A_3471, %select_n3A_3467 : vector<128x128xi1>, vector<128x128xf32>
    %slice3A_3477 = vector.extract_strided_slice %dot_general3A_18 {offsets = [640, 1152], sizes = [128, 128], strides = [1, 1]} : vector<1024x4096xf32> to vector<128x128xf32>
    %slice3A_3478 = vector.extract_strided_slice %get3A_23 {offsets = [0, 5248], sizes = [1, 128], strides = [1, 1]} : vector<1x8192xf32> to vector<1x128xf32>
    %add3A_3479 = vector.broadcast %slice3A_3478 : vector<1x128xf32> to vector<128x128xf32>
    %add3A_3480 = arith.addf %slice3A_3477, %add3A_3479 : vector<128x128xf32>
    %lt3A_3481 = arith.cmpf olt, %add3A_3480, %select_n3A_3476 : vector<128x128xf32>
    %jit3A_3482 = arith.constant 9 : i32
    %broadcast_in_dim3A_3483 = vector.broadcast %jit3A_3482 : i32 to vector<128x128xi32>
    %select_n3A_3484 = arith.select %lt3A_3481, %broadcast_in_dim3A_3483, %select_n3A_3475 : vector<128x128xi1>, vector<128x128xi32>
    %select_n3A_3485 = arith.select %lt3A_3481, %add3A_3480, %select_n3A_3476 : vector<128x128xi1>, vector<128x128xf32>
    %slice3A_3486 = vector.extract_strided_slice %dot_general3A_18 {offsets = [640, 1280], sizes = [128, 128], strides = [1, 1]} : vector<1024x4096xf32> to vector<128x128xf32>
    %slice3A_3487 = vector.extract_strided_slice %get3A_23 {offsets = [0, 5376], sizes = [1, 128], strides = [1, 1]} : vector<1x8192xf32> to vector<1x128xf32>
    %add3A_3488 = vector.broadcast %slice3A_3487 : vector<1x128xf32> to vector<128x128xf32>
    %add3A_3489 = arith.addf %slice3A_3486, %add3A_3488 : vector<128x128xf32>
    %lt3A_3490 = arith.cmpf olt, %add3A_3489, %select_n3A_3485 : vector<128x128xf32>
    %jit3A_3491 = arith.constant 10 : i32
    %broadcast_in_dim3A_3492 = vector.broadcast %jit3A_3491 : i32 to vector<128x128xi32>
    %select_n3A_3493 = arith.select %lt3A_3490, %broadcast_in_dim3A_3492, %select_n3A_3484 : vector<128x128xi1>, vector<128x128xi32>
    %select_n3A_3494 = arith.select %lt3A_3490, %add3A_3489, %select_n3A_3485 : vector<128x128xi1>, vector<128x128xf32>
    %slice3A_3495 = vector.extract_strided_slice %dot_general3A_18 {offsets = [640, 1408], sizes = [128, 128], strides = [1, 1]} : vector<1024x4096xf32> to vector<128x128xf32>
    %slice3A_3496 = vector.extract_strided_slice %get3A_23 {offsets = [0, 5504], sizes = [1, 128], strides = [1, 1]} : vector<1x8192xf32> to vector<1x128xf32>
    %add3A_3497 = vector.broadcast %slice3A_3496 : vector<1x128xf32> to vector<128x128xf32>
    %add3A_3498 = arith.addf %slice3A_3495, %add3A_3497 : vector<128x128xf32>
    %lt3A_3499 = arith.cmpf olt, %add3A_3498, %select_n3A_3494 : vector<128x128xf32>
    %jit3A_3500 = arith.constant 11 : i32
    %broadcast_in_dim3A_3501 = vector.broadcast %jit3A_3500 : i32 to vector<128x128xi32>
    %select_n3A_3502 = arith.select %lt3A_3499, %broadcast_in_dim3A_3501, %select_n3A_3493 : vector<128x128xi1>, vector<128x128xi32>
    %select_n3A_3503 = arith.select %lt3A_3499, %add3A_3498, %select_n3A_3494 : vector<128x128xi1>, vector<128x128xf32>
    %slice3A_3504 = vector.extract_strided_slice %dot_general3A_18 {offsets = [640, 1536], sizes = [128, 128], strides = [1, 1]} : vector<1024x4096xf32> to vector<128x128xf32>
    %slice3A_3505 = vector.extract_strided_slice %get3A_23 {offsets = [0, 5632], sizes = [1, 128], strides = [1, 1]} : vector<1x8192xf32> to vector<1x128xf32>
    %add3A_3506 = vector.broadcast %slice3A_3505 : vector<1x128xf32> to vector<128x128xf32>
    %add3A_3507 = arith.addf %slice3A_3504, %add3A_3506 : vector<128x128xf32>
    %lt3A_3508 = arith.cmpf olt, %add3A_3507, %select_n3A_3503 : vector<128x128xf32>
    %jit3A_3509 = arith.constant 12 : i32
    %broadcast_in_dim3A_3510 = vector.broadcast %jit3A_3509 : i32 to vector<128x128xi32>
    %select_n3A_3511 = arith.select %lt3A_3508, %broadcast_in_dim3A_3510, %select_n3A_3502 : vector<128x128xi1>, vector<128x128xi32>
    %select_n3A_3512 = arith.select %lt3A_3508, %add3A_3507, %select_n3A_3503 : vector<128x128xi1>, vector<128x128xf32>
    %slice3A_3513 = vector.extract_strided_slice %dot_general3A_18 {offsets = [640, 1664], sizes = [128, 128], strides = [1, 1]} : vector<1024x4096xf32> to vector<128x128xf32>
    %slice3A_3514 = vector.extract_strided_slice %get3A_23 {offsets = [0, 5760], sizes = [1, 128], strides = [1, 1]} : vector<1x8192xf32> to vector<1x128xf32>
    %add3A_3515 = vector.broadcast %slice3A_3514 : vector<1x128xf32> to vector<128x128xf32>
    %add3A_3516 = arith.addf %slice3A_3513, %add3A_3515 : vector<128x128xf32>
    %lt3A_3517 = arith.cmpf olt, %add3A_3516, %select_n3A_3512 : vector<128x128xf32>
    %jit3A_3518 = arith.constant 13 : i32
    %broadcast_in_dim3A_3519 = vector.broadcast %jit3A_3518 : i32 to vector<128x128xi32>
    %select_n3A_3520 = arith.select %lt3A_3517, %broadcast_in_dim3A_3519, %select_n3A_3511 : vector<128x128xi1>, vector<128x128xi32>
    %select_n3A_3521 = arith.select %lt3A_3517, %add3A_3516, %select_n3A_3512 : vector<128x128xi1>, vector<128x128xf32>
    %slice3A_3522 = vector.extract_strided_slice %dot_general3A_18 {offsets = [640, 1792], sizes = [128, 128], strides = [1, 1]} : vector<1024x4096xf32> to vector<128x128xf32>
    %slice3A_3523 = vector.extract_strided_slice %get3A_23 {offsets = [0, 5888], sizes = [1, 128], strides = [1, 1]} : vector<1x8192xf32> to vector<1x128xf32>
    %add3A_3524 = vector.broadcast %slice3A_3523 : vector<1x128xf32> to vector<128x128xf32>
    %add3A_3525 = arith.addf %slice3A_3522, %add3A_3524 : vector<128x128xf32>
    %lt3A_3526 = arith.cmpf olt, %add3A_3525, %select_n3A_3521 : vector<128x128xf32>
    %jit3A_3527 = arith.constant 14 : i32
    %broadcast_in_dim3A_3528 = vector.broadcast %jit3A_3527 : i32 to vector<128x128xi32>
    %select_n3A_3529 = arith.select %lt3A_3526, %broadcast_in_dim3A_3528, %select_n3A_3520 : vector<128x128xi1>, vector<128x128xi32>
    %select_n3A_3530 = arith.select %lt3A_3526, %add3A_3525, %select_n3A_3521 : vector<128x128xi1>, vector<128x128xf32>
    %slice3A_3531 = vector.extract_strided_slice %dot_general3A_18 {offsets = [640, 1920], sizes = [128, 128], strides = [1, 1]} : vector<1024x4096xf32> to vector<128x128xf32>
    %slice3A_3532 = vector.extract_strided_slice %get3A_23 {offsets = [0, 6016], sizes = [1, 128], strides = [1, 1]} : vector<1x8192xf32> to vector<1x128xf32>
    %add3A_3533 = vector.broadcast %slice3A_3532 : vector<1x128xf32> to vector<128x128xf32>
    %add3A_3534 = arith.addf %slice3A_3531, %add3A_3533 : vector<128x128xf32>
    %lt3A_3535 = arith.cmpf olt, %add3A_3534, %select_n3A_3530 : vector<128x128xf32>
    %jit3A_3536 = arith.constant 15 : i32
    %broadcast_in_dim3A_3537 = vector.broadcast %jit3A_3536 : i32 to vector<128x128xi32>
    %select_n3A_3538 = arith.select %lt3A_3535, %broadcast_in_dim3A_3537, %select_n3A_3529 : vector<128x128xi1>, vector<128x128xi32>
    %select_n3A_3539 = arith.select %lt3A_3535, %add3A_3534, %select_n3A_3530 : vector<128x128xi1>, vector<128x128xf32>
    %slice3A_3540 = vector.extract_strided_slice %dot_general3A_18 {offsets = [640, 2048], sizes = [128, 128], strides = [1, 1]} : vector<1024x4096xf32> to vector<128x128xf32>
    %slice3A_3541 = vector.extract_strided_slice %get3A_23 {offsets = [0, 6144], sizes = [1, 128], strides = [1, 1]} : vector<1x8192xf32> to vector<1x128xf32>
    %add3A_3542 = vector.broadcast %slice3A_3541 : vector<1x128xf32> to vector<128x128xf32>
    %add3A_3543 = arith.addf %slice3A_3540, %add3A_3542 : vector<128x128xf32>
    %lt3A_3544 = arith.cmpf olt, %add3A_3543, %select_n3A_3539 : vector<128x128xf32>
    %jit3A_3545 = arith.constant 16 : i32
    %broadcast_in_dim3A_3546 = vector.broadcast %jit3A_3545 : i32 to vector<128x128xi32>
    %select_n3A_3547 = arith.select %lt3A_3544, %broadcast_in_dim3A_3546, %select_n3A_3538 : vector<128x128xi1>, vector<128x128xi32>
    %select_n3A_3548 = arith.select %lt3A_3544, %add3A_3543, %select_n3A_3539 : vector<128x128xi1>, vector<128x128xf32>
    %slice3A_3549 = vector.extract_strided_slice %dot_general3A_18 {offsets = [640, 2176], sizes = [128, 128], strides = [1, 1]} : vector<1024x4096xf32> to vector<128x128xf32>
    %slice3A_3550 = vector.extract_strided_slice %get3A_23 {offsets = [0, 6272], sizes = [1, 128], strides = [1, 1]} : vector<1x8192xf32> to vector<1x128xf32>
    %add3A_3551 = vector.broadcast %slice3A_3550 : vector<1x128xf32> to vector<128x128xf32>
    %add3A_3552 = arith.addf %slice3A_3549, %add3A_3551 : vector<128x128xf32>
    %lt3A_3553 = arith.cmpf olt, %add3A_3552, %select_n3A_3548 : vector<128x128xf32>
    %jit3A_3554 = arith.constant 17 : i32
    %broadcast_in_dim3A_3555 = vector.broadcast %jit3A_3554 : i32 to vector<128x128xi32>
    %select_n3A_3556 = arith.select %lt3A_3553, %broadcast_in_dim3A_3555, %select_n3A_3547 : vector<128x128xi1>, vector<128x128xi32>
    %select_n3A_3557 = arith.select %lt3A_3553, %add3A_3552, %select_n3A_3548 : vector<128x128xi1>, vector<128x128xf32>
    %slice3A_3558 = vector.extract_strided_slice %dot_general3A_18 {offsets = [640, 2304], sizes = [128, 128], strides = [1, 1]} : vector<1024x4096xf32> to vector<128x128xf32>
    %slice3A_3559 = vector.extract_strided_slice %get3A_23 {offsets = [0, 6400], sizes = [1, 128], strides = [1, 1]} : vector<1x8192xf32> to vector<1x128xf32>
    %add3A_3560 = vector.broadcast %slice3A_3559 : vector<1x128xf32> to vector<128x128xf32>
    %add3A_3561 = arith.addf %slice3A_3558, %add3A_3560 : vector<128x128xf32>
    %lt3A_3562 = arith.cmpf olt, %add3A_3561, %select_n3A_3557 : vector<128x128xf32>
    %jit3A_3563 = arith.constant 18 : i32
    %broadcast_in_dim3A_3564 = vector.broadcast %jit3A_3563 : i32 to vector<128x128xi32>
    %select_n3A_3565 = arith.select %lt3A_3562, %broadcast_in_dim3A_3564, %select_n3A_3556 : vector<128x128xi1>, vector<128x128xi32>
    %select_n3A_3566 = arith.select %lt3A_3562, %add3A_3561, %select_n3A_3557 : vector<128x128xi1>, vector<128x128xf32>
    %slice3A_3567 = vector.extract_strided_slice %dot_general3A_18 {offsets = [640, 2432], sizes = [128, 128], strides = [1, 1]} : vector<1024x4096xf32> to vector<128x128xf32>
    %slice3A_3568 = vector.extract_strided_slice %get3A_23 {offsets = [0, 6528], sizes = [1, 128], strides = [1, 1]} : vector<1x8192xf32> to vector<1x128xf32>
    %add3A_3569 = vector.broadcast %slice3A_3568 : vector<1x128xf32> to vector<128x128xf32>
    %add3A_3570 = arith.addf %slice3A_3567, %add3A_3569 : vector<128x128xf32>
    %lt3A_3571 = arith.cmpf olt, %add3A_3570, %select_n3A_3566 : vector<128x128xf32>
    %jit3A_3572 = arith.constant 19 : i32
    %broadcast_in_dim3A_3573 = vector.broadcast %jit3A_3572 : i32 to vector<128x128xi32>
    %select_n3A_3574 = arith.select %lt3A_3571, %broadcast_in_dim3A_3573, %select_n3A_3565 : vector<128x128xi1>, vector<128x128xi32>
    %select_n3A_3575 = arith.select %lt3A_3571, %add3A_3570, %select_n3A_3566 : vector<128x128xi1>, vector<128x128xf32>
    %slice3A_3576 = vector.extract_strided_slice %dot_general3A_18 {offsets = [640, 2560], sizes = [128, 128], strides = [1, 1]} : vector<1024x4096xf32> to vector<128x128xf32>
    %slice3A_3577 = vector.extract_strided_slice %get3A_23 {offsets = [0, 6656], sizes = [1, 128], strides = [1, 1]} : vector<1x8192xf32> to vector<1x128xf32>
    %add3A_3578 = vector.broadcast %slice3A_3577 : vector<1x128xf32> to vector<128x128xf32>
    %add3A_3579 = arith.addf %slice3A_3576, %add3A_3578 : vector<128x128xf32>
    %lt3A_3580 = arith.cmpf olt, %add3A_3579, %select_n3A_3575 : vector<128x128xf32>
    %jit3A_3581 = arith.constant 20 : i32
    %broadcast_in_dim3A_3582 = vector.broadcast %jit3A_3581 : i32 to vector<128x128xi32>
    %select_n3A_3583 = arith.select %lt3A_3580, %broadcast_in_dim3A_3582, %select_n3A_3574 : vector<128x128xi1>, vector<128x128xi32>
    %select_n3A_3584 = arith.select %lt3A_3580, %add3A_3579, %select_n3A_3575 : vector<128x128xi1>, vector<128x128xf32>
    %slice3A_3585 = vector.extract_strided_slice %dot_general3A_18 {offsets = [640, 2688], sizes = [128, 128], strides = [1, 1]} : vector<1024x4096xf32> to vector<128x128xf32>
    %slice3A_3586 = vector.extract_strided_slice %get3A_23 {offsets = [0, 6784], sizes = [1, 128], strides = [1, 1]} : vector<1x8192xf32> to vector<1x128xf32>
    %add3A_3587 = vector.broadcast %slice3A_3586 : vector<1x128xf32> to vector<128x128xf32>
    %add3A_3588 = arith.addf %slice3A_3585, %add3A_3587 : vector<128x128xf32>
    %lt3A_3589 = arith.cmpf olt, %add3A_3588, %select_n3A_3584 : vector<128x128xf32>
    %jit3A_3590 = arith.constant 21 : i32
    %broadcast_in_dim3A_3591 = vector.broadcast %jit3A_3590 : i32 to vector<128x128xi32>
    %select_n3A_3592 = arith.select %lt3A_3589, %broadcast_in_dim3A_3591, %select_n3A_3583 : vector<128x128xi1>, vector<128x128xi32>
    %select_n3A_3593 = arith.select %lt3A_3589, %add3A_3588, %select_n3A_3584 : vector<128x128xi1>, vector<128x128xf32>
    %slice3A_3594 = vector.extract_strided_slice %dot_general3A_18 {offsets = [640, 2816], sizes = [128, 128], strides = [1, 1]} : vector<1024x4096xf32> to vector<128x128xf32>
    %slice3A_3595 = vector.extract_strided_slice %get3A_23 {offsets = [0, 6912], sizes = [1, 128], strides = [1, 1]} : vector<1x8192xf32> to vector<1x128xf32>
    %add3A_3596 = vector.broadcast %slice3A_3595 : vector<1x128xf32> to vector<128x128xf32>
    %add3A_3597 = arith.addf %slice3A_3594, %add3A_3596 : vector<128x128xf32>
    %lt3A_3598 = arith.cmpf olt, %add3A_3597, %select_n3A_3593 : vector<128x128xf32>
    %jit3A_3599 = arith.constant 22 : i32
    %broadcast_in_dim3A_3600 = vector.broadcast %jit3A_3599 : i32 to vector<128x128xi32>
    %select_n3A_3601 = arith.select %lt3A_3598, %broadcast_in_dim3A_3600, %select_n3A_3592 : vector<128x128xi1>, vector<128x128xi32>
    %select_n3A_3602 = arith.select %lt3A_3598, %add3A_3597, %select_n3A_3593 : vector<128x128xi1>, vector<128x128xf32>
    %slice3A_3603 = vector.extract_strided_slice %dot_general3A_18 {offsets = [640, 2944], sizes = [128, 128], strides = [1, 1]} : vector<1024x4096xf32> to vector<128x128xf32>
    %slice3A_3604 = vector.extract_strided_slice %get3A_23 {offsets = [0, 7040], sizes = [1, 128], strides = [1, 1]} : vector<1x8192xf32> to vector<1x128xf32>
    %add3A_3605 = vector.broadcast %slice3A_3604 : vector<1x128xf32> to vector<128x128xf32>
    %add3A_3606 = arith.addf %slice3A_3603, %add3A_3605 : vector<128x128xf32>
    %lt3A_3607 = arith.cmpf olt, %add3A_3606, %select_n3A_3602 : vector<128x128xf32>
    %jit3A_3608 = arith.constant 23 : i32
    %broadcast_in_dim3A_3609 = vector.broadcast %jit3A_3608 : i32 to vector<128x128xi32>
    %select_n3A_3610 = arith.select %lt3A_3607, %broadcast_in_dim3A_3609, %select_n3A_3601 : vector<128x128xi1>, vector<128x128xi32>
    %select_n3A_3611 = arith.select %lt3A_3607, %add3A_3606, %select_n3A_3602 : vector<128x128xi1>, vector<128x128xf32>
    %slice3A_3612 = vector.extract_strided_slice %dot_general3A_18 {offsets = [640, 3072], sizes = [128, 128], strides = [1, 1]} : vector<1024x4096xf32> to vector<128x128xf32>
    %slice3A_3613 = vector.extract_strided_slice %get3A_23 {offsets = [0, 7168], sizes = [1, 128], strides = [1, 1]} : vector<1x8192xf32> to vector<1x128xf32>
    %add3A_3614 = vector.broadcast %slice3A_3613 : vector<1x128xf32> to vector<128x128xf32>
    %add3A_3615 = arith.addf %slice3A_3612, %add3A_3614 : vector<128x128xf32>
    %lt3A_3616 = arith.cmpf olt, %add3A_3615, %select_n3A_3611 : vector<128x128xf32>
    %jit3A_3617 = arith.constant 24 : i32
    %broadcast_in_dim3A_3618 = vector.broadcast %jit3A_3617 : i32 to vector<128x128xi32>
    %select_n3A_3619 = arith.select %lt3A_3616, %broadcast_in_dim3A_3618, %select_n3A_3610 : vector<128x128xi1>, vector<128x128xi32>
    %select_n3A_3620 = arith.select %lt3A_3616, %add3A_3615, %select_n3A_3611 : vector<128x128xi1>, vector<128x128xf32>
    %slice3A_3621 = vector.extract_strided_slice %dot_general3A_18 {offsets = [640, 3200], sizes = [128, 128], strides = [1, 1]} : vector<1024x4096xf32> to vector<128x128xf32>
    %slice3A_3622 = vector.extract_strided_slice %get3A_23 {offsets = [0, 7296], sizes = [1, 128], strides = [1, 1]} : vector<1x8192xf32> to vector<1x128xf32>
    %add3A_3623 = vector.broadcast %slice3A_3622 : vector<1x128xf32> to vector<128x128xf32>
    %add3A_3624 = arith.addf %slice3A_3621, %add3A_3623 : vector<128x128xf32>
    %lt3A_3625 = arith.cmpf olt, %add3A_3624, %select_n3A_3620 : vector<128x128xf32>
    %jit3A_3626 = arith.constant 25 : i32
    %broadcast_in_dim3A_3627 = vector.broadcast %jit3A_3626 : i32 to vector<128x128xi32>
    %select_n3A_3628 = arith.select %lt3A_3625, %broadcast_in_dim3A_3627, %select_n3A_3619 : vector<128x128xi1>, vector<128x128xi32>
    %select_n3A_3629 = arith.select %lt3A_3625, %add3A_3624, %select_n3A_3620 : vector<128x128xi1>, vector<128x128xf32>
    %slice3A_3630 = vector.extract_strided_slice %dot_general3A_18 {offsets = [640, 3328], sizes = [128, 128], strides = [1, 1]} : vector<1024x4096xf32> to vector<128x128xf32>
    %slice3A_3631 = vector.extract_strided_slice %get3A_23 {offsets = [0, 7424], sizes = [1, 128], strides = [1, 1]} : vector<1x8192xf32> to vector<1x128xf32>
    %add3A_3632 = vector.broadcast %slice3A_3631 : vector<1x128xf32> to vector<128x128xf32>
    %add3A_3633 = arith.addf %slice3A_3630, %add3A_3632 : vector<128x128xf32>
    %lt3A_3634 = arith.cmpf olt, %add3A_3633, %select_n3A_3629 : vector<128x128xf32>
    %jit3A_3635 = arith.constant 26 : i32
    %broadcast_in_dim3A_3636 = vector.broadcast %jit3A_3635 : i32 to vector<128x128xi32>
    %select_n3A_3637 = arith.select %lt3A_3634, %broadcast_in_dim3A_3636, %select_n3A_3628 : vector<128x128xi1>, vector<128x128xi32>
    %select_n3A_3638 = arith.select %lt3A_3634, %add3A_3633, %select_n3A_3629 : vector<128x128xi1>, vector<128x128xf32>
    %slice3A_3639 = vector.extract_strided_slice %dot_general3A_18 {offsets = [640, 3456], sizes = [128, 128], strides = [1, 1]} : vector<1024x4096xf32> to vector<128x128xf32>
    %slice3A_3640 = vector.extract_strided_slice %get3A_23 {offsets = [0, 7552], sizes = [1, 128], strides = [1, 1]} : vector<1x8192xf32> to vector<1x128xf32>
    %add3A_3641 = vector.broadcast %slice3A_3640 : vector<1x128xf32> to vector<128x128xf32>
    %add3A_3642 = arith.addf %slice3A_3639, %add3A_3641 : vector<128x128xf32>
    %lt3A_3643 = arith.cmpf olt, %add3A_3642, %select_n3A_3638 : vector<128x128xf32>
    %jit3A_3644 = arith.constant 27 : i32
    %broadcast_in_dim3A_3645 = vector.broadcast %jit3A_3644 : i32 to vector<128x128xi32>
    %select_n3A_3646 = arith.select %lt3A_3643, %broadcast_in_dim3A_3645, %select_n3A_3637 : vector<128x128xi1>, vector<128x128xi32>
    %select_n3A_3647 = arith.select %lt3A_3643, %add3A_3642, %select_n3A_3638 : vector<128x128xi1>, vector<128x128xf32>
    %slice3A_3648 = vector.extract_strided_slice %dot_general3A_18 {offsets = [640, 3584], sizes = [128, 128], strides = [1, 1]} : vector<1024x4096xf32> to vector<128x128xf32>
    %slice3A_3649 = vector.extract_strided_slice %get3A_23 {offsets = [0, 7680], sizes = [1, 128], strides = [1, 1]} : vector<1x8192xf32> to vector<1x128xf32>
    %add3A_3650 = vector.broadcast %slice3A_3649 : vector<1x128xf32> to vector<128x128xf32>
    %add3A_3651 = arith.addf %slice3A_3648, %add3A_3650 : vector<128x128xf32>
    %lt3A_3652 = arith.cmpf olt, %add3A_3651, %select_n3A_3647 : vector<128x128xf32>
    %jit3A_3653 = arith.constant 28 : i32
    %broadcast_in_dim3A_3654 = vector.broadcast %jit3A_3653 : i32 to vector<128x128xi32>
    %select_n3A_3655 = arith.select %lt3A_3652, %broadcast_in_dim3A_3654, %select_n3A_3646 : vector<128x128xi1>, vector<128x128xi32>
    %select_n3A_3656 = arith.select %lt3A_3652, %add3A_3651, %select_n3A_3647 : vector<128x128xi1>, vector<128x128xf32>
    %slice3A_3657 = vector.extract_strided_slice %dot_general3A_18 {offsets = [640, 3712], sizes = [128, 128], strides = [1, 1]} : vector<1024x4096xf32> to vector<128x128xf32>
    %slice3A_3658 = vector.extract_strided_slice %get3A_23 {offsets = [0, 7808], sizes = [1, 128], strides = [1, 1]} : vector<1x8192xf32> to vector<1x128xf32>
    %add3A_3659 = vector.broadcast %slice3A_3658 : vector<1x128xf32> to vector<128x128xf32>
    %add3A_3660 = arith.addf %slice3A_3657, %add3A_3659 : vector<128x128xf32>
    %lt3A_3661 = arith.cmpf olt, %add3A_3660, %select_n3A_3656 : vector<128x128xf32>
    %jit3A_3662 = arith.constant 29 : i32
    %broadcast_in_dim3A_3663 = vector.broadcast %jit3A_3662 : i32 to vector<128x128xi32>
    %select_n3A_3664 = arith.select %lt3A_3661, %broadcast_in_dim3A_3663, %select_n3A_3655 : vector<128x128xi1>, vector<128x128xi32>
    %select_n3A_3665 = arith.select %lt3A_3661, %add3A_3660, %select_n3A_3656 : vector<128x128xi1>, vector<128x128xf32>
    %slice3A_3666 = vector.extract_strided_slice %dot_general3A_18 {offsets = [640, 3840], sizes = [128, 128], strides = [1, 1]} : vector<1024x4096xf32> to vector<128x128xf32>
    %slice3A_3667 = vector.extract_strided_slice %get3A_23 {offsets = [0, 7936], sizes = [1, 128], strides = [1, 1]} : vector<1x8192xf32> to vector<1x128xf32>
    %add3A_3668 = vector.broadcast %slice3A_3667 : vector<1x128xf32> to vector<128x128xf32>
    %add3A_3669 = arith.addf %slice3A_3666, %add3A_3668 : vector<128x128xf32>
    %lt3A_3670 = arith.cmpf olt, %add3A_3669, %select_n3A_3665 : vector<128x128xf32>
    %jit3A_3671 = arith.constant 30 : i32
    %broadcast_in_dim3A_3672 = vector.broadcast %jit3A_3671 : i32 to vector<128x128xi32>
    %select_n3A_3673 = arith.select %lt3A_3670, %broadcast_in_dim3A_3672, %select_n3A_3664 : vector<128x128xi1>, vector<128x128xi32>
    %select_n3A_3674 = arith.select %lt3A_3670, %add3A_3669, %select_n3A_3665 : vector<128x128xi1>, vector<128x128xf32>
    %slice3A_3675 = vector.extract_strided_slice %dot_general3A_18 {offsets = [640, 3968], sizes = [128, 128], strides = [1, 1]} : vector<1024x4096xf32> to vector<128x128xf32>
    %slice3A_3676 = vector.extract_strided_slice %get3A_23 {offsets = [0, 8064], sizes = [1, 128], strides = [1, 1]} : vector<1x8192xf32> to vector<1x128xf32>
    %add3A_3677 = vector.broadcast %slice3A_3676 : vector<1x128xf32> to vector<128x128xf32>
    %add3A_3678 = arith.addf %slice3A_3675, %add3A_3677 : vector<128x128xf32>
    %lt3A_3679 = arith.cmpf olt, %add3A_3678, %select_n3A_3674 : vector<128x128xf32>
    %jit3A_3680 = arith.constant 31 : i32
    %broadcast_in_dim3A_3681 = vector.broadcast %jit3A_3680 : i32 to vector<128x128xi32>
    %select_n3A_3682 = arith.select %lt3A_3679, %broadcast_in_dim3A_3681, %select_n3A_3673 : vector<128x128xi1>, vector<128x128xi32>
    %select_n3A_3683 = arith.select %lt3A_3679, %add3A_3678, %select_n3A_3674 : vector<128x128xi1>, vector<128x128xf32>
    %reduce_min3A_3684 = arith.constant dense<0x7F800000> : vector<128xf32>
    %reduce_min3A_3685 = vector.multi_reduction <minimumf>, %select_n3A_3683, %reduce_min3A_3684 [1] : vector<128x128xf32> to vector<128xf32>
    %broadcast_in_dim3A_3686 = vector.shape_cast %reduce_min3A_3685 : vector<128xf32> to vector<128x1xf32>
    %mul3A_3687 = arith.constant 128 : i32
    %mul3A_3688 = vector.broadcast %mul3A_3687 : i32 to vector<128x128xi32>
    %mul3A_3689 = arith.muli %select_n3A_3682, %mul3A_3688 : vector<128x128xi32>
    %add3A_3690 = arith.addi %mul3A_3689, %iota3A : vector<128x128xi32>
    %eq3A_3691 = vector.broadcast %broadcast_in_dim3A_3686 : vector<128x1xf32> to vector<128x128xf32>
    %eq3A_3692 = arith.cmpf oeq, %select_n3A_3683, %eq3A_3691 : vector<128x128xf32>
    %jit3A_3693 = arith.constant 8192 : i32
    %broadcast_in_dim3A_3694 = vector.broadcast %jit3A_3693 : i32 to vector<128x128xi32>
    %select_n3A_3695 = arith.select %eq3A_3692, %add3A_3690, %broadcast_in_dim3A_3694 : vector<128x128xi1>, vector<128x128xi32>
    %reduce_min3A_3696 = arith.constant dense<2147483647> : vector<128xi32>
    %reduce_min3A_3697 = vector.multi_reduction <minsi>, %select_n3A_3695, %reduce_min3A_3696 [1] : vector<128x128xi32> to vector<128xi32>
    %squeeze3A_3698 = vector.shape_cast %broadcast_in_dim3A_3686 : vector<128x1xf32> to vector<128xf32>
    %slice3A_3699 = vector.extract_strided_slice %squeeze3A {offsets = [640], sizes = [128], strides = [1]} : vector<1024xf32> to vector<128xf32>
    %add3A_3700 = arith.addf %squeeze3A_3398, %slice3A_3699 : vector<128xf32>
    %convert_element_type3A_3701 = arith.truncf %add3A_3700 : vector<128xf32> to vector<128xbf16>
    %convert_element_type3A_3702 = arith.extf %convert_element_type3A_3701 : vector<128xbf16> to vector<128xf32>
    %add3A_3703 = arith.addf %squeeze3A_3698, %slice3A_3699 : vector<128xf32>
    %lt3A_3704 = arith.cmpf olt, %add3A_3703, %convert_element_type3A_3702 : vector<128xf32>
    %add3A_3705 = arith.constant 4096 : i32
    %add3A_3706 = vector.broadcast %add3A_3705 : i32 to vector<128xi32>
    %add3A_3707 = arith.addi %reduce_min3A_3697, %add3A_3706 : vector<128xi32>
    %select_n3A_3708 = arith.select %lt3A_3704, %add3A_3707, %reduce_min3A_3397 : vector<128xi1>, vector<128xi32>
    %swap3A_3709 = arith.constant 0 : index
    %swap3A_3710 = arith.constant 0 : index
    %swap3A_3711 = arith.constant 640 : index
    %swap3A_3712 = vector.load %arg4[%swap3A_3709, %swap3A_3710, %swap3A_3711] : memref<1x1x1024xi32, #tpu.memory_space<vmem>>, vector<1x1x128xi32>
    %swap3A_3713 = vector.shape_cast %swap3A_3712 : vector<1x1x128xi32> to vector<128xi32>
    %swap3A_3714 = vector.shape_cast %select_n3A_3708 : vector<128xi32> to vector<1x1x128xi32>
    tpu.vector_store %arg4[%swap3A_3709, %swap3A_3710, %swap3A_3711], %swap3A_3714 {strides = array<i32>} : memref<1x1x1024xi32, #tpu.memory_space<vmem>>, vector<1x1x128xi32>,
    %slice3A_3715 = vector.extract_strided_slice %dot_general3A_15 {offsets = [768, 0], sizes = [128, 128], strides = [1, 1]} : vector<1024x4096xf32> to vector<128x128xf32>
    %slice3A_3716 = vector.extract_strided_slice %get3A_23 {offsets = [0, 0], sizes = [1, 128], strides = [1, 1]} : vector<1x8192xf32> to vector<1x128xf32>
    %add3A_3717 = vector.broadcast %slice3A_3716 : vector<1x128xf32> to vector<128x128xf32>
    %add3A_3718 = arith.addf %slice3A_3715, %add3A_3717 : vector<128x128xf32>
    %broadcast_in_dim3A_3719 = arith.constant 0 : i32
    %broadcast_in_dim3A_3720 = vector.broadcast %broadcast_in_dim3A_3719 : i32 to vector<128x128xi32>
    %slice3A_3721 = vector.extract_strided_slice %dot_general3A_15 {offsets = [768, 128], sizes = [128, 128], strides = [1, 1]} : vector<1024x4096xf32> to vector<128x128xf32>
    %slice3A_3722 = vector.extract_strided_slice %get3A_23 {offsets = [0, 128], sizes = [1, 128], strides = [1, 1]} : vector<1x8192xf32> to vector<1x128xf32>
    %add3A_3723 = vector.broadcast %slice3A_3722 : vector<1x128xf32> to vector<128x128xf32>
    %add3A_3724 = arith.addf %slice3A_3721, %add3A_3723 : vector<128x128xf32>
    %lt3A_3725 = arith.cmpf olt, %add3A_3724, %add3A_3718 : vector<128x128xf32>
    %jit3A_3726 = arith.constant 1 : i32
    %broadcast_in_dim3A_3727 = vector.broadcast %jit3A_3726 : i32 to vector<128x128xi32>
    %select_n3A_3728 = arith.select %lt3A_3725, %broadcast_in_dim3A_3727, %broadcast_in_dim3A_3720 : vector<128x128xi1>, vector<128x128xi32>
    %select_n3A_3729 = arith.select %lt3A_3725, %add3A_3724, %add3A_3718 : vector<128x128xi1>, vector<128x128xf32>
    %slice3A_3730 = vector.extract_strided_slice %dot_general3A_15 {offsets = [768, 256], sizes = [128, 128], strides = [1, 1]} : vector<1024x4096xf32> to vector<128x128xf32>
    %slice3A_3731 = vector.extract_strided_slice %get3A_23 {offsets = [0, 256], sizes = [1, 128], strides = [1, 1]} : vector<1x8192xf32> to vector<1x128xf32>
    %add3A_3732 = vector.broadcast %slice3A_3731 : vector<1x128xf32> to vector<128x128xf32>
    %add3A_3733 = arith.addf %slice3A_3730, %add3A_3732 : vector<128x128xf32>
    %lt3A_3734 = arith.cmpf olt, %add3A_3733, %select_n3A_3729 : vector<128x128xf32>
    %jit3A_3735 = arith.constant 2 : i32
    %broadcast_in_dim3A_3736 = vector.broadcast %jit3A_3735 : i32 to vector<128x128xi32>
    %select_n3A_3737 = arith.select %lt3A_3734, %broadcast_in_dim3A_3736, %select_n3A_3728 : vector<128x128xi1>, vector<128x128xi32>
    %select_n3A_3738 = arith.select %lt3A_3734, %add3A_3733, %select_n3A_3729 : vector<128x128xi1>, vector<128x128xf32>
    %slice3A_3739 = vector.extract_strided_slice %dot_general3A_15 {offsets = [768, 384], sizes = [128, 128], strides = [1, 1]} : vector<1024x4096xf32> to vector<128x128xf32>
    %slice3A_3740 = vector.extract_strided_slice %get3A_23 {offsets = [0, 384], sizes = [1, 128], strides = [1, 1]} : vector<1x8192xf32> to vector<1x128xf32>
    %add3A_3741 = vector.broadcast %slice3A_3740 : vector<1x128xf32> to vector<128x128xf32>
    %add3A_3742 = arith.addf %slice3A_3739, %add3A_3741 : vector<128x128xf32>
    %lt3A_3743 = arith.cmpf olt, %add3A_3742, %select_n3A_3738 : vector<128x128xf32>
    %jit3A_3744 = arith.constant 3 : i32
    %broadcast_in_dim3A_3745 = vector.broadcast %jit3A_3744 : i32 to vector<128x128xi32>
    %select_n3A_3746 = arith.select %lt3A_3743, %broadcast_in_dim3A_3745, %select_n3A_3737 : vector<128x128xi1>, vector<128x128xi32>
    %select_n3A_3747 = arith.select %lt3A_3743, %add3A_3742, %select_n3A_3738 : vector<128x128xi1>, vector<128x128xf32>
    %slice3A_3748 = vector.extract_strided_slice %dot_general3A_15 {offsets = [768, 512], sizes = [128, 128], strides = [1, 1]} : vector<1024x4096xf32> to vector<128x128xf32>
    %slice3A_3749 = vector.extract_strided_slice %get3A_23 {offsets = [0, 512], sizes = [1, 128], strides = [1, 1]} : vector<1x8192xf32> to vector<1x128xf32>
    %add3A_3750 = vector.broadcast %slice3A_3749 : vector<1x128xf32> to vector<128x128xf32>
    %add3A_3751 = arith.addf %slice3A_3748, %add3A_3750 : vector<128x128xf32>
    %lt3A_3752 = arith.cmpf olt, %add3A_3751, %select_n3A_3747 : vector<128x128xf32>
    %jit3A_3753 = arith.constant 4 : i32
    %broadcast_in_dim3A_3754 = vector.broadcast %jit3A_3753 : i32 to vector<128x128xi32>
    %select_n3A_3755 = arith.select %lt3A_3752, %broadcast_in_dim3A_3754, %select_n3A_3746 : vector<128x128xi1>, vector<128x128xi32>
    %select_n3A_3756 = arith.select %lt3A_3752, %add3A_3751, %select_n3A_3747 : vector<128x128xi1>, vector<128x128xf32>
    %slice3A_3757 = vector.extract_strided_slice %dot_general3A_15 {offsets = [768, 640], sizes = [128, 128], strides = [1, 1]} : vector<1024x4096xf32> to vector<128x128xf32>
    %slice3A_3758 = vector.extract_strided_slice %get3A_23 {offsets = [0, 640], sizes = [1, 128], strides = [1, 1]} : vector<1x8192xf32> to vector<1x128xf32>
    %add3A_3759 = vector.broadcast %slice3A_3758 : vector<1x128xf32> to vector<128x128xf32>
    %add3A_3760 = arith.addf %slice3A_3757, %add3A_3759 : vector<128x128xf32>
    %lt3A_3761 = arith.cmpf olt, %add3A_3760, %select_n3A_3756 : vector<128x128xf32>
    %jit3A_3762 = arith.constant 5 : i32
    %broadcast_in_dim3A_3763 = vector.broadcast %jit3A_3762 : i32 to vector<128x128xi32>
    %select_n3A_3764 = arith.select %lt3A_3761, %broadcast_in_dim3A_3763, %select_n3A_3755 : vector<128x128xi1>, vector<128x128xi32>
    %select_n3A_3765 = arith.select %lt3A_3761, %add3A_3760, %select_n3A_3756 : vector<128x128xi1>, vector<128x128xf32>
    %slice3A_3766 = vector.extract_strided_slice %dot_general3A_15 {offsets = [768, 768], sizes = [128, 128], strides = [1, 1]} : vector<1024x4096xf32> to vector<128x128xf32>
    %slice3A_3767 = vector.extract_strided_slice %get3A_23 {offsets = [0, 768], sizes = [1, 128], strides = [1, 1]} : vector<1x8192xf32> to vector<1x128xf32>
    %add3A_3768 = vector.broadcast %slice3A_3767 : vector<1x128xf32> to vector<128x128xf32>
    %add3A_3769 = arith.addf %slice3A_3766, %add3A_3768 : vector<128x128xf32>
    %lt3A_3770 = arith.cmpf olt, %add3A_3769, %select_n3A_3765 : vector<128x128xf32>
    %jit3A_3771 = arith.constant 6 : i32
    %broadcast_in_dim3A_3772 = vector.broadcast %jit3A_3771 : i32 to vector<128x128xi32>
    %select_n3A_3773 = arith.select %lt3A_3770, %broadcast_in_dim3A_3772, %select_n3A_3764 : vector<128x128xi1>, vector<128x128xi32>
    %select_n3A_3774 = arith.select %lt3A_3770, %add3A_3769, %select_n3A_3765 : vector<128x128xi1>, vector<128x128xf32>
    %slice3A_3775 = vector.extract_strided_slice %dot_general3A_15 {offsets = [768, 896], sizes = [128, 128], strides = [1, 1]} : vector<1024x4096xf32> to vector<128x128xf32>
    %slice3A_3776 = vector.extract_strided_slice %get3A_23 {offsets = [0, 896], sizes = [1, 128], strides = [1, 1]} : vector<1x8192xf32> to vector<1x128xf32>
    %add3A_3777 = vector.broadcast %slice3A_3776 : vector<1x128xf32> to vector<128x128xf32>
    %add3A_3778 = arith.addf %slice3A_3775, %add3A_3777 : vector<128x128xf32>
    %lt3A_3779 = arith.cmpf olt, %add3A_3778, %select_n3A_3774 : vector<128x128xf32>
    %jit3A_3780 = arith.constant 7 : i32
    %broadcast_in_dim3A_3781 = vector.broadcast %jit3A_3780 : i32 to vector<128x128xi32>
    %select_n3A_3782 = arith.select %lt3A_3779, %broadcast_in_dim3A_3781, %select_n3A_3773 : vector<128x128xi1>, vector<128x128xi32>
    %select_n3A_3783 = arith.select %lt3A_3779, %add3A_3778, %select_n3A_3774 : vector<128x128xi1>, vector<128x128xf32>
    %slice3A_3784 = vector.extract_strided_slice %dot_general3A_15 {offsets = [768, 1024], sizes = [128, 128], strides = [1, 1]} : vector<1024x4096xf32> to vector<128x128xf32>
    %slice3A_3785 = vector.extract_strided_slice %get3A_23 {offsets = [0, 1024], sizes = [1, 128], strides = [1, 1]} : vector<1x8192xf32> to vector<1x128xf32>
    %add3A_3786 = vector.broadcast %slice3A_3785 : vector<1x128xf32> to vector<128x128xf32>
    %add3A_3787 = arith.addf %slice3A_3784, %add3A_3786 : vector<128x128xf32>
    %lt3A_3788 = arith.cmpf olt, %add3A_3787, %select_n3A_3783 : vector<128x128xf32>
    %jit3A_3789 = arith.constant 8 : i32
    %broadcast_in_dim3A_3790 = vector.broadcast %jit3A_3789 : i32 to vector<128x128xi32>
    %select_n3A_3791 = arith.select %lt3A_3788, %broadcast_in_dim3A_3790, %select_n3A_3782 : vector<128x128xi1>, vector<128x128xi32>
    %select_n3A_3792 = arith.select %lt3A_3788, %add3A_3787, %select_n3A_3783 : vector<128x128xi1>, vector<128x128xf32>
    %slice3A_3793 = vector.extract_strided_slice %dot_general3A_15 {offsets = [768, 1152], sizes = [128, 128], strides = [1, 1]} : vector<1024x4096xf32> to vector<128x128xf32>
    %slice3A_3794 = vector.extract_strided_slice %get3A_23 {offsets = [0, 1152], sizes = [1, 128], strides = [1, 1]} : vector<1x8192xf32> to vector<1x128xf32>
    %add3A_3795 = vector.broadcast %slice3A_3794 : vector<1x128xf32> to vector<128x128xf32>
    %add3A_3796 = arith.addf %slice3A_3793, %add3A_3795 : vector<128x128xf32>
    %lt3A_3797 = arith.cmpf olt, %add3A_3796, %select_n3A_3792 : vector<128x128xf32>
    %jit3A_3798 = arith.constant 9 : i32
    %broadcast_in_dim3A_3799 = vector.broadcast %jit3A_3798 : i32 to vector<128x128xi32>
    %select_n3A_3800 = arith.select %lt3A_3797, %broadcast_in_dim3A_3799, %select_n3A_3791 : vector<128x128xi1>, vector<128x128xi32>
    %select_n3A_3801 = arith.select %lt3A_3797, %add3A_3796, %select_n3A_3792 : vector<128x128xi1>, vector<128x128xf32>
    %slice3A_3802 = vector.extract_strided_slice %dot_general3A_15 {offsets = [768, 1280], sizes = [128, 128], strides = [1, 1]} : vector<1024x4096xf32> to vector<128x128xf32>
    %slice3A_3803 = vector.extract_strided_slice %get3A_23 {offsets = [0, 1280], sizes = [1, 128], strides = [1, 1]} : vector<1x8192xf32> to vector<1x128xf32>
    %add3A_3804 = vector.broadcast %slice3A_3803 : vector<1x128xf32> to vector<128x128xf32>
    %add3A_3805 = arith.addf %slice3A_3802, %add3A_3804 : vector<128x128xf32>
    %lt3A_3806 = arith.cmpf olt, %add3A_3805, %select_n3A_3801 : vector<128x128xf32>
    %jit3A_3807 = arith.constant 10 : i32
    %broadcast_in_dim3A_3808 = vector.broadcast %jit3A_3807 : i32 to vector<128x128xi32>
    %select_n3A_3809 = arith.select %lt3A_3806, %broadcast_in_dim3A_3808, %select_n3A_3800 : vector<128x128xi1>, vector<128x128xi32>
    %select_n3A_3810 = arith.select %lt3A_3806, %add3A_3805, %select_n3A_3801 : vector<128x128xi1>, vector<128x128xf32>
    %slice3A_3811 = vector.extract_strided_slice %dot_general3A_15 {offsets = [768, 1408], sizes = [128, 128], strides = [1, 1]} : vector<1024x4096xf32> to vector<128x128xf32>
    %slice3A_3812 = vector.extract_strided_slice %get3A_23 {offsets = [0, 1408], sizes = [1, 128], strides = [1, 1]} : vector<1x8192xf32> to vector<1x128xf32>
    %add3A_3813 = vector.broadcast %slice3A_3812 : vector<1x128xf32> to vector<128x128xf32>
    %add3A_3814 = arith.addf %slice3A_3811, %add3A_3813 : vector<128x128xf32>
    %lt3A_3815 = arith.cmpf olt, %add3A_3814, %select_n3A_3810 : vector<128x128xf32>
    %jit3A_3816 = arith.constant 11 : i32
    %broadcast_in_dim3A_3817 = vector.broadcast %jit3A_3816 : i32 to vector<128x128xi32>
    %select_n3A_3818 = arith.select %lt3A_3815, %broadcast_in_dim3A_3817, %select_n3A_3809 : vector<128x128xi1>, vector<128x128xi32>
    %select_n3A_3819 = arith.select %lt3A_3815, %add3A_3814, %select_n3A_3810 : vector<128x128xi1>, vector<128x128xf32>
    %slice3A_3820 = vector.extract_strided_slice %dot_general3A_15 {offsets = [768, 1536], sizes = [128, 128], strides = [1, 1]} : vector<1024x4096xf32> to vector<128x128xf32>
    %slice3A_3821 = vector.extract_strided_slice %get3A_23 {offsets = [0, 1536], sizes = [1, 128], strides = [1, 1]} : vector<1x8192xf32> to vector<1x128xf32>
    %add3A_3822 = vector.broadcast %slice3A_3821 : vector<1x128xf32> to vector<128x128xf32>
    %add3A_3823 = arith.addf %slice3A_3820, %add3A_3822 : vector<128x128xf32>
    %lt3A_3824 = arith.cmpf olt, %add3A_3823, %select_n3A_3819 : vector<128x128xf32>
    %jit3A_3825 = arith.constant 12 : i32
    %broadcast_in_dim3A_3826 = vector.broadcast %jit3A_3825 : i32 to vector<128x128xi32>
    %select_n3A_3827 = arith.select %lt3A_3824, %broadcast_in_dim3A_3826, %select_n3A_3818 : vector<128x128xi1>, vector<128x128xi32>
    %select_n3A_3828 = arith.select %lt3A_3824, %add3A_3823, %select_n3A_3819 : vector<128x128xi1>, vector<128x128xf32>
    %slice3A_3829 = vector.extract_strided_slice %dot_general3A_15 {offsets = [768, 1664], sizes = [128, 128], strides = [1, 1]} : vector<1024x4096xf32> to vector<128x128xf32>
    %slice3A_3830 = vector.extract_strided_slice %get3A_23 {offsets = [0, 1664], sizes = [1, 128], strides = [1, 1]} : vector<1x8192xf32> to vector<1x128xf32>
    %add3A_3831 = vector.broadcast %slice3A_3830 : vector<1x128xf32> to vector<128x128xf32>
    %add3A_3832 = arith.addf %slice3A_3829, %add3A_3831 : vector<128x128xf32>
    %lt3A_3833 = arith.cmpf olt, %add3A_3832, %select_n3A_3828 : vector<128x128xf32>
    %jit3A_3834 = arith.constant 13 : i32
    %broadcast_in_dim3A_3835 = vector.broadcast %jit3A_3834 : i32 to vector<128x128xi32>
    %select_n3A_3836 = arith.select %lt3A_3833, %broadcast_in_dim3A_3835, %select_n3A_3827 : vector<128x128xi1>, vector<128x128xi32>
    %select_n3A_3837 = arith.select %lt3A_3833, %add3A_3832, %select_n3A_3828 : vector<128x128xi1>, vector<128x128xf32>
    %slice3A_3838 = vector.extract_strided_slice %dot_general3A_15 {offsets = [768, 1792], sizes = [128, 128], strides = [1, 1]} : vector<1024x4096xf32> to vector<128x128xf32>
    %slice3A_3839 = vector.extract_strided_slice %get3A_23 {offsets = [0, 1792], sizes = [1, 128], strides = [1, 1]} : vector<1x8192xf32> to vector<1x128xf32>
    %add3A_3840 = vector.broadcast %slice3A_3839 : vector<1x128xf32> to vector<128x128xf32>
    %add3A_3841 = arith.addf %slice3A_3838, %add3A_3840 : vector<128x128xf32>
    %lt3A_3842 = arith.cmpf olt, %add3A_3841, %select_n3A_3837 : vector<128x128xf32>
    %jit3A_3843 = arith.constant 14 : i32
    %broadcast_in_dim3A_3844 = vector.broadcast %jit3A_3843 : i32 to vector<128x128xi32>
    %select_n3A_3845 = arith.select %lt3A_3842, %broadcast_in_dim3A_3844, %select_n3A_3836 : vector<128x128xi1>, vector<128x128xi32>
    %select_n3A_3846 = arith.select %lt3A_3842, %add3A_3841, %select_n3A_3837 : vector<128x128xi1>, vector<128x128xf32>
    %slice3A_3847 = vector.extract_strided_slice %dot_general3A_15 {offsets = [768, 1920], sizes = [128, 128], strides = [1, 1]} : vector<1024x4096xf32> to vector<128x128xf32>
    %slice3A_3848 = vector.extract_strided_slice %get3A_23 {offsets = [0, 1920], sizes = [1, 128], strides = [1, 1]} : vector<1x8192xf32> to vector<1x128xf32>
    %add3A_3849 = vector.broadcast %slice3A_3848 : vector<1x128xf32> to vector<128x128xf32>
    %add3A_3850 = arith.addf %slice3A_3847, %add3A_3849 : vector<128x128xf32>
    %lt3A_3851 = arith.cmpf olt, %add3A_3850, %select_n3A_3846 : vector<128x128xf32>
    %jit3A_3852 = arith.constant 15 : i32
    %broadcast_in_dim3A_3853 = vector.broadcast %jit3A_3852 : i32 to vector<128x128xi32>
    %select_n3A_3854 = arith.select %lt3A_3851, %broadcast_in_dim3A_3853, %select_n3A_3845 : vector<128x128xi1>, vector<128x128xi32>
    %select_n3A_3855 = arith.select %lt3A_3851, %add3A_3850, %select_n3A_3846 : vector<128x128xi1>, vector<128x128xf32>
    %slice3A_3856 = vector.extract_strided_slice %dot_general3A_15 {offsets = [768, 2048], sizes = [128, 128], strides = [1, 1]} : vector<1024x4096xf32> to vector<128x128xf32>
    %slice3A_3857 = vector.extract_strided_slice %get3A_23 {offsets = [0, 2048], sizes = [1, 128], strides = [1, 1]} : vector<1x8192xf32> to vector<1x128xf32>
    %add3A_3858 = vector.broadcast %slice3A_3857 : vector<1x128xf32> to vector<128x128xf32>
    %add3A_3859 = arith.addf %slice3A_3856, %add3A_3858 : vector<128x128xf32>
    %lt3A_3860 = arith.cmpf olt, %add3A_3859, %select_n3A_3855 : vector<128x128xf32>
    %jit3A_3861 = arith.constant 16 : i32
    %broadcast_in_dim3A_3862 = vector.broadcast %jit3A_3861 : i32 to vector<128x128xi32>
    %select_n3A_3863 = arith.select %lt3A_3860, %broadcast_in_dim3A_3862, %select_n3A_3854 : vector<128x128xi1>, vector<128x128xi32>
    %select_n3A_3864 = arith.select %lt3A_3860, %add3A_3859, %select_n3A_3855 : vector<128x128xi1>, vector<128x128xf32>
    %slice3A_3865 = vector.extract_strided_slice %dot_general3A_15 {offsets = [768, 2176], sizes = [128, 128], strides = [1, 1]} : vector<1024x4096xf32> to vector<128x128xf32>
    %slice3A_3866 = vector.extract_strided_slice %get3A_23 {offsets = [0, 2176], sizes = [1, 128], strides = [1, 1]} : vector<1x8192xf32> to vector<1x128xf32>
    %add3A_3867 = vector.broadcast %slice3A_3866 : vector<1x128xf32> to vector<128x128xf32>
    %add3A_3868 = arith.addf %slice3A_3865, %add3A_3867 : vector<128x128xf32>
    %lt3A_3869 = arith.cmpf olt, %add3A_3868, %select_n3A_3864 : vector<128x128xf32>
    %jit3A_3870 = arith.constant 17 : i32
    %broadcast_in_dim3A_3871 = vector.broadcast %jit3A_3870 : i32 to vector<128x128xi32>
    %select_n3A_3872 = arith.select %lt3A_3869, %broadcast_in_dim3A_3871, %select_n3A_3863 : vector<128x128xi1>, vector<128x128xi32>
    %select_n3A_3873 = arith.select %lt3A_3869, %add3A_3868, %select_n3A_3864 : vector<128x128xi1>, vector<128x128xf32>
    %slice3A_3874 = vector.extract_strided_slice %dot_general3A_15 {offsets = [768, 2304], sizes = [128, 128], strides = [1, 1]} : vector<1024x4096xf32> to vector<128x128xf32>
    %slice3A_3875 = vector.extract_strided_slice %get3A_23 {offsets = [0, 2304], sizes = [1, 128], strides = [1, 1]} : vector<1x8192xf32> to vector<1x128xf32>
    %add3A_3876 = vector.broadcast %slice3A_3875 : vector<1x128xf32> to vector<128x128xf32>
    %add3A_3877 = arith.addf %slice3A_3874, %add3A_3876 : vector<128x128xf32>
    %lt3A_3878 = arith.cmpf olt, %add3A_3877, %select_n3A_3873 : vector<128x128xf32>
    %jit3A_3879 = arith.constant 18 : i32
    %broadcast_in_dim3A_3880 = vector.broadcast %jit3A_3879 : i32 to vector<128x128xi32>
    %select_n3A_3881 = arith.select %lt3A_3878, %broadcast_in_dim3A_3880, %select_n3A_3872 : vector<128x128xi1>, vector<128x128xi32>
    %select_n3A_3882 = arith.select %lt3A_3878, %add3A_3877, %select_n3A_3873 : vector<128x128xi1>, vector<128x128xf32>
    %slice3A_3883 = vector.extract_strided_slice %dot_general3A_15 {offsets = [768, 2432], sizes = [128, 128], strides = [1, 1]} : vector<1024x4096xf32> to vector<128x128xf32>
    %slice3A_3884 = vector.extract_strided_slice %get3A_23 {offsets = [0, 2432], sizes = [1, 128], strides = [1, 1]} : vector<1x8192xf32> to vector<1x128xf32>
    %add3A_3885 = vector.broadcast %slice3A_3884 : vector<1x128xf32> to vector<128x128xf32>
    %add3A_3886 = arith.addf %slice3A_3883, %add3A_3885 : vector<128x128xf32>
    %lt3A_3887 = arith.cmpf olt, %add3A_3886, %select_n3A_3882 : vector<128x128xf32>
    %jit3A_3888 = arith.constant 19 : i32
    %broadcast_in_dim3A_3889 = vector.broadcast %jit3A_3888 : i32 to vector<128x128xi32>
    %select_n3A_3890 = arith.select %lt3A_3887, %broadcast_in_dim3A_3889, %select_n3A_3881 : vector<128x128xi1>, vector<128x128xi32>
    %select_n3A_3891 = arith.select %lt3A_3887, %add3A_3886, %select_n3A_3882 : vector<128x128xi1>, vector<128x128xf32>
    %slice3A_3892 = vector.extract_strided_slice %dot_general3A_15 {offsets = [768, 2560], sizes = [128, 128], strides = [1, 1]} : vector<1024x4096xf32> to vector<128x128xf32>
    %slice3A_3893 = vector.extract_strided_slice %get3A_23 {offsets = [0, 2560], sizes = [1, 128], strides = [1, 1]} : vector<1x8192xf32> to vector<1x128xf32>
    %add3A_3894 = vector.broadcast %slice3A_3893 : vector<1x128xf32> to vector<128x128xf32>
    %add3A_3895 = arith.addf %slice3A_3892, %add3A_3894 : vector<128x128xf32>
    %lt3A_3896 = arith.cmpf olt, %add3A_3895, %select_n3A_3891 : vector<128x128xf32>
    %jit3A_3897 = arith.constant 20 : i32
    %broadcast_in_dim3A_3898 = vector.broadcast %jit3A_3897 : i32 to vector<128x128xi32>
    %select_n3A_3899 = arith.select %lt3A_3896, %broadcast_in_dim3A_3898, %select_n3A_3890 : vector<128x128xi1>, vector<128x128xi32>
    %select_n3A_3900 = arith.select %lt3A_3896, %add3A_3895, %select_n3A_3891 : vector<128x128xi1>, vector<128x128xf32>
    %slice3A_3901 = vector.extract_strided_slice %dot_general3A_15 {offsets = [768, 2688], sizes = [128, 128], strides = [1, 1]} : vector<1024x4096xf32> to vector<128x128xf32>
    %slice3A_3902 = vector.extract_strided_slice %get3A_23 {offsets = [0, 2688], sizes = [1, 128], strides = [1, 1]} : vector<1x8192xf32> to vector<1x128xf32>
    %add3A_3903 = vector.broadcast %slice3A_3902 : vector<1x128xf32> to vector<128x128xf32>
    %add3A_3904 = arith.addf %slice3A_3901, %add3A_3903 : vector<128x128xf32>
    %lt3A_3905 = arith.cmpf olt, %add3A_3904, %select_n3A_3900 : vector<128x128xf32>
    %jit3A_3906 = arith.constant 21 : i32
    %broadcast_in_dim3A_3907 = vector.broadcast %jit3A_3906 : i32 to vector<128x128xi32>
    %select_n3A_3908 = arith.select %lt3A_3905, %broadcast_in_dim3A_3907, %select_n3A_3899 : vector<128x128xi1>, vector<128x128xi32>
    %select_n3A_3909 = arith.select %lt3A_3905, %add3A_3904, %select_n3A_3900 : vector<128x128xi1>, vector<128x128xf32>
    %slice3A_3910 = vector.extract_strided_slice %dot_general3A_15 {offsets = [768, 2816], sizes = [128, 128], strides = [1, 1]} : vector<1024x4096xf32> to vector<128x128xf32>
    %slice3A_3911 = vector.extract_strided_slice %get3A_23 {offsets = [0, 2816], sizes = [1, 128], strides = [1, 1]} : vector<1x8192xf32> to vector<1x128xf32>
    %add3A_3912 = vector.broadcast %slice3A_3911 : vector<1x128xf32> to vector<128x128xf32>
    %add3A_3913 = arith.addf %slice3A_3910, %add3A_3912 : vector<128x128xf32>
    %lt3A_3914 = arith.cmpf olt, %add3A_3913, %select_n3A_3909 : vector<128x128xf32>
    %jit3A_3915 = arith.constant 22 : i32
    %broadcast_in_dim3A_3916 = vector.broadcast %jit3A_3915 : i32 to vector<128x128xi32>
    %select_n3A_3917 = arith.select %lt3A_3914, %broadcast_in_dim3A_3916, %select_n3A_3908 : vector<128x128xi1>, vector<128x128xi32>
    %select_n3A_3918 = arith.select %lt3A_3914, %add3A_3913, %select_n3A_3909 : vector<128x128xi1>, vector<128x128xf32>
    %slice3A_3919 = vector.extract_strided_slice %dot_general3A_15 {offsets = [768, 2944], sizes = [128, 128], strides = [1, 1]} : vector<1024x4096xf32> to vector<128x128xf32>
    %slice3A_3920 = vector.extract_strided_slice %get3A_23 {offsets = [0, 2944], sizes = [1, 128], strides = [1, 1]} : vector<1x8192xf32> to vector<1x128xf32>
    %add3A_3921 = vector.broadcast %slice3A_3920 : vector<1x128xf32> to vector<128x128xf32>
    %add3A_3922 = arith.addf %slice3A_3919, %add3A_3921 : vector<128x128xf32>
    %lt3A_3923 = arith.cmpf olt, %add3A_3922, %select_n3A_3918 : vector<128x128xf32>
    %jit3A_3924 = arith.constant 23 : i32
    %broadcast_in_dim3A_3925 = vector.broadcast %jit3A_3924 : i32 to vector<128x128xi32>
    %select_n3A_3926 = arith.select %lt3A_3923, %broadcast_in_dim3A_3925, %select_n3A_3917 : vector<128x128xi1>, vector<128x128xi32>
    %select_n3A_3927 = arith.select %lt3A_3923, %add3A_3922, %select_n3A_3918 : vector<128x128xi1>, vector<128x128xf32>
    %slice3A_3928 = vector.extract_strided_slice %dot_general3A_15 {offsets = [768, 3072], sizes = [128, 128], strides = [1, 1]} : vector<1024x4096xf32> to vector<128x128xf32>
    %slice3A_3929 = vector.extract_strided_slice %get3A_23 {offsets = [0, 3072], sizes = [1, 128], strides = [1, 1]} : vector<1x8192xf32> to vector<1x128xf32>
    %add3A_3930 = vector.broadcast %slice3A_3929 : vector<1x128xf32> to vector<128x128xf32>
    %add3A_3931 = arith.addf %slice3A_3928, %add3A_3930 : vector<128x128xf32>
    %lt3A_3932 = arith.cmpf olt, %add3A_3931, %select_n3A_3927 : vector<128x128xf32>
    %jit3A_3933 = arith.constant 24 : i32
    %broadcast_in_dim3A_3934 = vector.broadcast %jit3A_3933 : i32 to vector<128x128xi32>
    %select_n3A_3935 = arith.select %lt3A_3932, %broadcast_in_dim3A_3934, %select_n3A_3926 : vector<128x128xi1>, vector<128x128xi32>
    %select_n3A_3936 = arith.select %lt3A_3932, %add3A_3931, %select_n3A_3927 : vector<128x128xi1>, vector<128x128xf32>
    %slice3A_3937 = vector.extract_strided_slice %dot_general3A_15 {offsets = [768, 3200], sizes = [128, 128], strides = [1, 1]} : vector<1024x4096xf32> to vector<128x128xf32>
    %slice3A_3938 = vector.extract_strided_slice %get3A_23 {offsets = [0, 3200], sizes = [1, 128], strides = [1, 1]} : vector<1x8192xf32> to vector<1x128xf32>
    %add3A_3939 = vector.broadcast %slice3A_3938 : vector<1x128xf32> to vector<128x128xf32>
    %add3A_3940 = arith.addf %slice3A_3937, %add3A_3939 : vector<128x128xf32>
    %lt3A_3941 = arith.cmpf olt, %add3A_3940, %select_n3A_3936 : vector<128x128xf32>
    %jit3A_3942 = arith.constant 25 : i32
    %broadcast_in_dim3A_3943 = vector.broadcast %jit3A_3942 : i32 to vector<128x128xi32>
    %select_n3A_3944 = arith.select %lt3A_3941, %broadcast_in_dim3A_3943, %select_n3A_3935 : vector<128x128xi1>, vector<128x128xi32>
    %select_n3A_3945 = arith.select %lt3A_3941, %add3A_3940, %select_n3A_3936 : vector<128x128xi1>, vector<128x128xf32>
    %slice3A_3946 = vector.extract_strided_slice %dot_general3A_15 {offsets = [768, 3328], sizes = [128, 128], strides = [1, 1]} : vector<1024x4096xf32> to vector<128x128xf32>
    %slice3A_3947 = vector.extract_strided_slice %get3A_23 {offsets = [0, 3328], sizes = [1, 128], strides = [1, 1]} : vector<1x8192xf32> to vector<1x128xf32>
    %add3A_3948 = vector.broadcast %slice3A_3947 : vector<1x128xf32> to vector<128x128xf32>
    %add3A_3949 = arith.addf %slice3A_3946, %add3A_3948 : vector<128x128xf32>
    %lt3A_3950 = arith.cmpf olt, %add3A_3949, %select_n3A_3945 : vector<128x128xf32>
    %jit3A_3951 = arith.constant 26 : i32
    %broadcast_in_dim3A_3952 = vector.broadcast %jit3A_3951 : i32 to vector<128x128xi32>
    %select_n3A_3953 = arith.select %lt3A_3950, %broadcast_in_dim3A_3952, %select_n3A_3944 : vector<128x128xi1>, vector<128x128xi32>
    %select_n3A_3954 = arith.select %lt3A_3950, %add3A_3949, %select_n3A_3945 : vector<128x128xi1>, vector<128x128xf32>
    %slice3A_3955 = vector.extract_strided_slice %dot_general3A_15 {offsets = [768, 3456], sizes = [128, 128], strides = [1, 1]} : vector<1024x4096xf32> to vector<128x128xf32>
    %slice3A_3956 = vector.extract_strided_slice %get3A_23 {offsets = [0, 3456], sizes = [1, 128], strides = [1, 1]} : vector<1x8192xf32> to vector<1x128xf32>
    %add3A_3957 = vector.broadcast %slice3A_3956 : vector<1x128xf32> to vector<128x128xf32>
    %add3A_3958 = arith.addf %slice3A_3955, %add3A_3957 : vector<128x128xf32>
    %lt3A_3959 = arith.cmpf olt, %add3A_3958, %select_n3A_3954 : vector<128x128xf32>
    %jit3A_3960 = arith.constant 27 : i32
    %broadcast_in_dim3A_3961 = vector.broadcast %jit3A_3960 : i32 to vector<128x128xi32>
    %select_n3A_3962 = arith.select %lt3A_3959, %broadcast_in_dim3A_3961, %select_n3A_3953 : vector<128x128xi1>, vector<128x128xi32>
    %select_n3A_3963 = arith.select %lt3A_3959, %add3A_3958, %select_n3A_3954 : vector<128x128xi1>, vector<128x128xf32>
    %slice3A_3964 = vector.extract_strided_slice %dot_general3A_15 {offsets = [768, 3584], sizes = [128, 128], strides = [1, 1]} : vector<1024x4096xf32> to vector<128x128xf32>
    %slice3A_3965 = vector.extract_strided_slice %get3A_23 {offsets = [0, 3584], sizes = [1, 128], strides = [1, 1]} : vector<1x8192xf32> to vector<1x128xf32>
    %add3A_3966 = vector.broadcast %slice3A_3965 : vector<1x128xf32> to vector<128x128xf32>
    %add3A_3967 = arith.addf %slice3A_3964, %add3A_3966 : vector<128x128xf32>
    %lt3A_3968 = arith.cmpf olt, %add3A_3967, %select_n3A_3963 : vector<128x128xf32>
    %jit3A_3969 = arith.constant 28 : i32
    %broadcast_in_dim3A_3970 = vector.broadcast %jit3A_3969 : i32 to vector<128x128xi32>
    %select_n3A_3971 = arith.select %lt3A_3968, %broadcast_in_dim3A_3970, %select_n3A_3962 : vector<128x128xi1>, vector<128x128xi32>
    %select_n3A_3972 = arith.select %lt3A_3968, %add3A_3967, %select_n3A_3963 : vector<128x128xi1>, vector<128x128xf32>
    %slice3A_3973 = vector.extract_strided_slice %dot_general3A_15 {offsets = [768, 3712], sizes = [128, 128], strides = [1, 1]} : vector<1024x4096xf32> to vector<128x128xf32>
    %slice3A_3974 = vector.extract_strided_slice %get3A_23 {offsets = [0, 3712], sizes = [1, 128], strides = [1, 1]} : vector<1x8192xf32> to vector<1x128xf32>
    %add3A_3975 = vector.broadcast %slice3A_3974 : vector<1x128xf32> to vector<128x128xf32>
    %add3A_3976 = arith.addf %slice3A_3973, %add3A_3975 : vector<128x128xf32>
    %lt3A_3977 = arith.cmpf olt, %add3A_3976, %select_n3A_3972 : vector<128x128xf32>
    %jit3A_3978 = arith.constant 29 : i32
    %broadcast_in_dim3A_3979 = vector.broadcast %jit3A_3978 : i32 to vector<128x128xi32>
    %select_n3A_3980 = arith.select %lt3A_3977, %broadcast_in_dim3A_3979, %select_n3A_3971 : vector<128x128xi1>, vector<128x128xi32>
    %select_n3A_3981 = arith.select %lt3A_3977, %add3A_3976, %select_n3A_3972 : vector<128x128xi1>, vector<128x128xf32>
    %slice3A_3982 = vector.extract_strided_slice %dot_general3A_15 {offsets = [768, 3840], sizes = [128, 128], strides = [1, 1]} : vector<1024x4096xf32> to vector<128x128xf32>
    %slice3A_3983 = vector.extract_strided_slice %get3A_23 {offsets = [0, 3840], sizes = [1, 128], strides = [1, 1]} : vector<1x8192xf32> to vector<1x128xf32>
    %add3A_3984 = vector.broadcast %slice3A_3983 : vector<1x128xf32> to vector<128x128xf32>
    %add3A_3985 = arith.addf %slice3A_3982, %add3A_3984 : vector<128x128xf32>
    %lt3A_3986 = arith.cmpf olt, %add3A_3985, %select_n3A_3981 : vector<128x128xf32>
    %jit3A_3987 = arith.constant 30 : i32
    %broadcast_in_dim3A_3988 = vector.broadcast %jit3A_3987 : i32 to vector<128x128xi32>
    %select_n3A_3989 = arith.select %lt3A_3986, %broadcast_in_dim3A_3988, %select_n3A_3980 : vector<128x128xi1>, vector<128x128xi32>
    %select_n3A_3990 = arith.select %lt3A_3986, %add3A_3985, %select_n3A_3981 : vector<128x128xi1>, vector<128x128xf32>
    %slice3A_3991 = vector.extract_strided_slice %dot_general3A_15 {offsets = [768, 3968], sizes = [128, 128], strides = [1, 1]} : vector<1024x4096xf32> to vector<128x128xf32>
    %slice3A_3992 = vector.extract_strided_slice %get3A_23 {offsets = [0, 3968], sizes = [1, 128], strides = [1, 1]} : vector<1x8192xf32> to vector<1x128xf32>
    %add3A_3993 = vector.broadcast %slice3A_3992 : vector<1x128xf32> to vector<128x128xf32>
    %add3A_3994 = arith.addf %slice3A_3991, %add3A_3993 : vector<128x128xf32>
    %lt3A_3995 = arith.cmpf olt, %add3A_3994, %select_n3A_3990 : vector<128x128xf32>
    %jit3A_3996 = arith.constant 31 : i32
    %broadcast_in_dim3A_3997 = vector.broadcast %jit3A_3996 : i32 to vector<128x128xi32>
    %select_n3A_3998 = arith.select %lt3A_3995, %broadcast_in_dim3A_3997, %select_n3A_3989 : vector<128x128xi1>, vector<128x128xi32>
    %select_n3A_3999 = arith.select %lt3A_3995, %add3A_3994, %select_n3A_3990 : vector<128x128xi1>, vector<128x128xf32>
    %reduce_min3A_4000 = arith.constant dense<0x7F800000> : vector<128xf32>
    %reduce_min3A_4001 = vector.multi_reduction <minimumf>, %select_n3A_3999, %reduce_min3A_4000 [1] : vector<128x128xf32> to vector<128xf32>
    %broadcast_in_dim3A_4002 = vector.shape_cast %reduce_min3A_4001 : vector<128xf32> to vector<128x1xf32>
    %mul3A_4003 = arith.constant 128 : i32
    %mul3A_4004 = vector.broadcast %mul3A_4003 : i32 to vector<128x128xi32>
    %mul3A_4005 = arith.muli %select_n3A_3998, %mul3A_4004 : vector<128x128xi32>
    %add3A_4006 = arith.addi %mul3A_4005, %iota3A : vector<128x128xi32>
    %eq3A_4007 = vector.broadcast %broadcast_in_dim3A_4002 : vector<128x1xf32> to vector<128x128xf32>
    %eq3A_4008 = arith.cmpf oeq, %select_n3A_3999, %eq3A_4007 : vector<128x128xf32>
    %jit3A_4009 = arith.constant 8192 : i32
    %broadcast_in_dim3A_4010 = vector.broadcast %jit3A_4009 : i32 to vector<128x128xi32>
    %select_n3A_4011 = arith.select %eq3A_4008, %add3A_4006, %broadcast_in_dim3A_4010 : vector<128x128xi1>, vector<128x128xi32>
    %reduce_min3A_4012 = arith.constant dense<2147483647> : vector<128xi32>
    %reduce_min3A_4013 = vector.multi_reduction <minsi>, %select_n3A_4011, %reduce_min3A_4012 [1] : vector<128x128xi32> to vector<128xi32>
    %squeeze3A_4014 = vector.shape_cast %broadcast_in_dim3A_4002 : vector<128x1xf32> to vector<128xf32>
    %slice3A_4015 = vector.extract_strided_slice %dot_general3A_18 {offsets = [768, 0], sizes = [128, 128], strides = [1, 1]} : vector<1024x4096xf32> to vector<128x128xf32>
    %slice3A_4016 = vector.extract_strided_slice %get3A_23 {offsets = [0, 4096], sizes = [1, 128], strides = [1, 1]} : vector<1x8192xf32> to vector<1x128xf32>
    %add3A_4017 = vector.broadcast %slice3A_4016 : vector<1x128xf32> to vector<128x128xf32>
    %add3A_4018 = arith.addf %slice3A_4015, %add3A_4017 : vector<128x128xf32>
    %broadcast_in_dim3A_4019 = arith.constant 0 : i32
    %broadcast_in_dim3A_4020 = vector.broadcast %broadcast_in_dim3A_4019 : i32 to vector<128x128xi32>
    %slice3A_4021 = vector.extract_strided_slice %dot_general3A_18 {offsets = [768, 128], sizes = [128, 128], strides = [1, 1]} : vector<1024x4096xf32> to vector<128x128xf32>
    %slice3A_4022 = vector.extract_strided_slice %get3A_23 {offsets = [0, 4224], sizes = [1, 128], strides = [1, 1]} : vector<1x8192xf32> to vector<1x128xf32>
    %add3A_4023 = vector.broadcast %slice3A_4022 : vector<1x128xf32> to vector<128x128xf32>
    %add3A_4024 = arith.addf %slice3A_4021, %add3A_4023 : vector<128x128xf32>
    %lt3A_4025 = arith.cmpf olt, %add3A_4024, %add3A_4018 : vector<128x128xf32>
    %jit3A_4026 = arith.constant 1 : i32
    %broadcast_in_dim3A_4027 = vector.broadcast %jit3A_4026 : i32 to vector<128x128xi32>
    %select_n3A_4028 = arith.select %lt3A_4025, %broadcast_in_dim3A_4027, %broadcast_in_dim3A_4020 : vector<128x128xi1>, vector<128x128xi32>
    %select_n3A_4029 = arith.select %lt3A_4025, %add3A_4024, %add3A_4018 : vector<128x128xi1>, vector<128x128xf32>
    %slice3A_4030 = vector.extract_strided_slice %dot_general3A_18 {offsets = [768, 256], sizes = [128, 128], strides = [1, 1]} : vector<1024x4096xf32> to vector<128x128xf32>
    %slice3A_4031 = vector.extract_strided_slice %get3A_23 {offsets = [0, 4352], sizes = [1, 128], strides = [1, 1]} : vector<1x8192xf32> to vector<1x128xf32>
    %add3A_4032 = vector.broadcast %slice3A_4031 : vector<1x128xf32> to vector<128x128xf32>
    %add3A_4033 = arith.addf %slice3A_4030, %add3A_4032 : vector<128x128xf32>
    %lt3A_4034 = arith.cmpf olt, %add3A_4033, %select_n3A_4029 : vector<128x128xf32>
    %jit3A_4035 = arith.constant 2 : i32
    %broadcast_in_dim3A_4036 = vector.broadcast %jit3A_4035 : i32 to vector<128x128xi32>
    %select_n3A_4037 = arith.select %lt3A_4034, %broadcast_in_dim3A_4036, %select_n3A_4028 : vector<128x128xi1>, vector<128x128xi32>
    %select_n3A_4038 = arith.select %lt3A_4034, %add3A_4033, %select_n3A_4029 : vector<128x128xi1>, vector<128x128xf32>
    %slice3A_4039 = vector.extract_strided_slice %dot_general3A_18 {offsets = [768, 384], sizes = [128, 128], strides = [1, 1]} : vector<1024x4096xf32> to vector<128x128xf32>
    %slice3A_4040 = vector.extract_strided_slice %get3A_23 {offsets = [0, 4480], sizes = [1, 128], strides = [1, 1]} : vector<1x8192xf32> to vector<1x128xf32>
    %add3A_4041 = vector.broadcast %slice3A_4040 : vector<1x128xf32> to vector<128x128xf32>
    %add3A_4042 = arith.addf %slice3A_4039, %add3A_4041 : vector<128x128xf32>
    %lt3A_4043 = arith.cmpf olt, %add3A_4042, %select_n3A_4038 : vector<128x128xf32>
    %jit3A_4044 = arith.constant 3 : i32
    %broadcast_in_dim3A_4045 = vector.broadcast %jit3A_4044 : i32 to vector<128x128xi32>
    %select_n3A_4046 = arith.select %lt3A_4043, %broadcast_in_dim3A_4045, %select_n3A_4037 : vector<128x128xi1>, vector<128x128xi32>
    %select_n3A_4047 = arith.select %lt3A_4043, %add3A_4042, %select_n3A_4038 : vector<128x128xi1>, vector<128x128xf32>
    %slice3A_4048 = vector.extract_strided_slice %dot_general3A_18 {offsets = [768, 512], sizes = [128, 128], strides = [1, 1]} : vector<1024x4096xf32> to vector<128x128xf32>
    %slice3A_4049 = vector.extract_strided_slice %get3A_23 {offsets = [0, 4608], sizes = [1, 128], strides = [1, 1]} : vector<1x8192xf32> to vector<1x128xf32>
    %add3A_4050 = vector.broadcast %slice3A_4049 : vector<1x128xf32> to vector<128x128xf32>
    %add3A_4051 = arith.addf %slice3A_4048, %add3A_4050 : vector<128x128xf32>
    %lt3A_4052 = arith.cmpf olt, %add3A_4051, %select_n3A_4047 : vector<128x128xf32>
    %jit3A_4053 = arith.constant 4 : i32
    %broadcast_in_dim3A_4054 = vector.broadcast %jit3A_4053 : i32 to vector<128x128xi32>
    %select_n3A_4055 = arith.select %lt3A_4052, %broadcast_in_dim3A_4054, %select_n3A_4046 : vector<128x128xi1>, vector<128x128xi32>
    %select_n3A_4056 = arith.select %lt3A_4052, %add3A_4051, %select_n3A_4047 : vector<128x128xi1>, vector<128x128xf32>
    %slice3A_4057 = vector.extract_strided_slice %dot_general3A_18 {offsets = [768, 640], sizes = [128, 128], strides = [1, 1]} : vector<1024x4096xf32> to vector<128x128xf32>
    %slice3A_4058 = vector.extract_strided_slice %get3A_23 {offsets = [0, 4736], sizes = [1, 128], strides = [1, 1]} : vector<1x8192xf32> to vector<1x128xf32>
    %add3A_4059 = vector.broadcast %slice3A_4058 : vector<1x128xf32> to vector<128x128xf32>
    %add3A_4060 = arith.addf %slice3A_4057, %add3A_4059 : vector<128x128xf32>
    %lt3A_4061 = arith.cmpf olt, %add3A_4060, %select_n3A_4056 : vector<128x128xf32>
    %jit3A_4062 = arith.constant 5 : i32
    %broadcast_in_dim3A_4063 = vector.broadcast %jit3A_4062 : i32 to vector<128x128xi32>
    %select_n3A_4064 = arith.select %lt3A_4061, %broadcast_in_dim3A_4063, %select_n3A_4055 : vector<128x128xi1>, vector<128x128xi32>
    %select_n3A_4065 = arith.select %lt3A_4061, %add3A_4060, %select_n3A_4056 : vector<128x128xi1>, vector<128x128xf32>
    %slice3A_4066 = vector.extract_strided_slice %dot_general3A_18 {offsets = [768, 768], sizes = [128, 128], strides = [1, 1]} : vector<1024x4096xf32> to vector<128x128xf32>
    %slice3A_4067 = vector.extract_strided_slice %get3A_23 {offsets = [0, 4864], sizes = [1, 128], strides = [1, 1]} : vector<1x8192xf32> to vector<1x128xf32>
    %add3A_4068 = vector.broadcast %slice3A_4067 : vector<1x128xf32> to vector<128x128xf32>
    %add3A_4069 = arith.addf %slice3A_4066, %add3A_4068 : vector<128x128xf32>
    %lt3A_4070 = arith.cmpf olt, %add3A_4069, %select_n3A_4065 : vector<128x128xf32>
    %jit3A_4071 = arith.constant 6 : i32
    %broadcast_in_dim3A_4072 = vector.broadcast %jit3A_4071 : i32 to vector<128x128xi32>
    %select_n3A_4073 = arith.select %lt3A_4070, %broadcast_in_dim3A_4072, %select_n3A_4064 : vector<128x128xi1>, vector<128x128xi32>
    %select_n3A_4074 = arith.select %lt3A_4070, %add3A_4069, %select_n3A_4065 : vector<128x128xi1>, vector<128x128xf32>
    %slice3A_4075 = vector.extract_strided_slice %dot_general3A_18 {offsets = [768, 896], sizes = [128, 128], strides = [1, 1]} : vector<1024x4096xf32> to vector<128x128xf32>
    %slice3A_4076 = vector.extract_strided_slice %get3A_23 {offsets = [0, 4992], sizes = [1, 128], strides = [1, 1]} : vector<1x8192xf32> to vector<1x128xf32>
    %add3A_4077 = vector.broadcast %slice3A_4076 : vector<1x128xf32> to vector<128x128xf32>
    %add3A_4078 = arith.addf %slice3A_4075, %add3A_4077 : vector<128x128xf32>
    %lt3A_4079 = arith.cmpf olt, %add3A_4078, %select_n3A_4074 : vector<128x128xf32>
    %jit3A_4080 = arith.constant 7 : i32
    %broadcast_in_dim3A_4081 = vector.broadcast %jit3A_4080 : i32 to vector<128x128xi32>
    %select_n3A_4082 = arith.select %lt3A_4079, %broadcast_in_dim3A_4081, %select_n3A_4073 : vector<128x128xi1>, vector<128x128xi32>
    %select_n3A_4083 = arith.select %lt3A_4079, %add3A_4078, %select_n3A_4074 : vector<128x128xi1>, vector<128x128xf32>
    %slice3A_4084 = vector.extract_strided_slice %dot_general3A_18 {offsets = [768, 1024], sizes = [128, 128], strides = [1, 1]} : vector<1024x4096xf32> to vector<128x128xf32>
    %slice3A_4085 = vector.extract_strided_slice %get3A_23 {offsets = [0, 5120], sizes = [1, 128], strides = [1, 1]} : vector<1x8192xf32> to vector<1x128xf32>
    %add3A_4086 = vector.broadcast %slice3A_4085 : vector<1x128xf32> to vector<128x128xf32>
    %add3A_4087 = arith.addf %slice3A_4084, %add3A_4086 : vector<128x128xf32>
    %lt3A_4088 = arith.cmpf olt, %add3A_4087, %select_n3A_4083 : vector<128x128xf32>
    %jit3A_4089 = arith.constant 8 : i32
    %broadcast_in_dim3A_4090 = vector.broadcast %jit3A_4089 : i32 to vector<128x128xi32>
    %select_n3A_4091 = arith.select %lt3A_4088, %broadcast_in_dim3A_4090, %select_n3A_4082 : vector<128x128xi1>, vector<128x128xi32>
    %select_n3A_4092 = arith.select %lt3A_4088, %add3A_4087, %select_n3A_4083 : vector<128x128xi1>, vector<128x128xf32>
    %slice3A_4093 = vector.extract_strided_slice %dot_general3A_18 {offsets = [768, 1152], sizes = [128, 128], strides = [1, 1]} : vector<1024x4096xf32> to vector<128x128xf32>
    %slice3A_4094 = vector.extract_strided_slice %get3A_23 {offsets = [0, 5248], sizes = [1, 128], strides = [1, 1]} : vector<1x8192xf32> to vector<1x128xf32>
    %add3A_4095 = vector.broadcast %slice3A_4094 : vector<1x128xf32> to vector<128x128xf32>
    %add3A_4096 = arith.addf %slice3A_4093, %add3A_4095 : vector<128x128xf32>
    %lt3A_4097 = arith.cmpf olt, %add3A_4096, %select_n3A_4092 : vector<128x128xf32>
    %jit3A_4098 = arith.constant 9 : i32
    %broadcast_in_dim3A_4099 = vector.broadcast %jit3A_4098 : i32 to vector<128x128xi32>
    %select_n3A_4100 = arith.select %lt3A_4097, %broadcast_in_dim3A_4099, %select_n3A_4091 : vector<128x128xi1>, vector<128x128xi32>
    %select_n3A_4101 = arith.select %lt3A_4097, %add3A_4096, %select_n3A_4092 : vector<128x128xi1>, vector<128x128xf32>
    %slice3A_4102 = vector.extract_strided_slice %dot_general3A_18 {offsets = [768, 1280], sizes = [128, 128], strides = [1, 1]} : vector<1024x4096xf32> to vector<128x128xf32>
    %slice3A_4103 = vector.extract_strided_slice %get3A_23 {offsets = [0, 5376], sizes = [1, 128], strides = [1, 1]} : vector<1x8192xf32> to vector<1x128xf32>
    %add3A_4104 = vector.broadcast %slice3A_4103 : vector<1x128xf32> to vector<128x128xf32>
    %add3A_4105 = arith.addf %slice3A_4102, %add3A_4104 : vector<128x128xf32>
    %lt3A_4106 = arith.cmpf olt, %add3A_4105, %select_n3A_4101 : vector<128x128xf32>
    %jit3A_4107 = arith.constant 10 : i32
    %broadcast_in_dim3A_4108 = vector.broadcast %jit3A_4107 : i32 to vector<128x128xi32>
    %select_n3A_4109 = arith.select %lt3A_4106, %broadcast_in_dim3A_4108, %select_n3A_4100 : vector<128x128xi1>, vector<128x128xi32>
    %select_n3A_4110 = arith.select %lt3A_4106, %add3A_4105, %select_n3A_4101 : vector<128x128xi1>, vector<128x128xf32>
    %slice3A_4111 = vector.extract_strided_slice %dot_general3A_18 {offsets = [768, 1408], sizes = [128, 128], strides = [1, 1]} : vector<1024x4096xf32> to vector<128x128xf32>
    %slice3A_4112 = vector.extract_strided_slice %get3A_23 {offsets = [0, 5504], sizes = [1, 128], strides = [1, 1]} : vector<1x8192xf32> to vector<1x128xf32>
    %add3A_4113 = vector.broadcast %slice3A_4112 : vector<1x128xf32> to vector<128x128xf32>
    %add3A_4114 = arith.addf %slice3A_4111, %add3A_4113 : vector<128x128xf32>
    %lt3A_4115 = arith.cmpf olt, %add3A_4114, %select_n3A_4110 : vector<128x128xf32>
    %jit3A_4116 = arith.constant 11 : i32
    %broadcast_in_dim3A_4117 = vector.broadcast %jit3A_4116 : i32 to vector<128x128xi32>
    %select_n3A_4118 = arith.select %lt3A_4115, %broadcast_in_dim3A_4117, %select_n3A_4109 : vector<128x128xi1>, vector<128x128xi32>
    %select_n3A_4119 = arith.select %lt3A_4115, %add3A_4114, %select_n3A_4110 : vector<128x128xi1>, vector<128x128xf32>
    %slice3A_4120 = vector.extract_strided_slice %dot_general3A_18 {offsets = [768, 1536], sizes = [128, 128], strides = [1, 1]} : vector<1024x4096xf32> to vector<128x128xf32>
    %slice3A_4121 = vector.extract_strided_slice %get3A_23 {offsets = [0, 5632], sizes = [1, 128], strides = [1, 1]} : vector<1x8192xf32> to vector<1x128xf32>
    %add3A_4122 = vector.broadcast %slice3A_4121 : vector<1x128xf32> to vector<128x128xf32>
    %add3A_4123 = arith.addf %slice3A_4120, %add3A_4122 : vector<128x128xf32>
    %lt3A_4124 = arith.cmpf olt, %add3A_4123, %select_n3A_4119 : vector<128x128xf32>
    %jit3A_4125 = arith.constant 12 : i32
    %broadcast_in_dim3A_4126 = vector.broadcast %jit3A_4125 : i32 to vector<128x128xi32>
    %select_n3A_4127 = arith.select %lt3A_4124, %broadcast_in_dim3A_4126, %select_n3A_4118 : vector<128x128xi1>, vector<128x128xi32>
    %select_n3A_4128 = arith.select %lt3A_4124, %add3A_4123, %select_n3A_4119 : vector<128x128xi1>, vector<128x128xf32>
    %slice3A_4129 = vector.extract_strided_slice %dot_general3A_18 {offsets = [768, 1664], sizes = [128, 128], strides = [1, 1]} : vector<1024x4096xf32> to vector<128x128xf32>
    %slice3A_4130 = vector.extract_strided_slice %get3A_23 {offsets = [0, 5760], sizes = [1, 128], strides = [1, 1]} : vector<1x8192xf32> to vector<1x128xf32>
    %add3A_4131 = vector.broadcast %slice3A_4130 : vector<1x128xf32> to vector<128x128xf32>
    %add3A_4132 = arith.addf %slice3A_4129, %add3A_4131 : vector<128x128xf32>
    %lt3A_4133 = arith.cmpf olt, %add3A_4132, %select_n3A_4128 : vector<128x128xf32>
    %jit3A_4134 = arith.constant 13 : i32
    %broadcast_in_dim3A_4135 = vector.broadcast %jit3A_4134 : i32 to vector<128x128xi32>
    %select_n3A_4136 = arith.select %lt3A_4133, %broadcast_in_dim3A_4135, %select_n3A_4127 : vector<128x128xi1>, vector<128x128xi32>
    %select_n3A_4137 = arith.select %lt3A_4133, %add3A_4132, %select_n3A_4128 : vector<128x128xi1>, vector<128x128xf32>
    %slice3A_4138 = vector.extract_strided_slice %dot_general3A_18 {offsets = [768, 1792], sizes = [128, 128], strides = [1, 1]} : vector<1024x4096xf32> to vector<128x128xf32>
    %slice3A_4139 = vector.extract_strided_slice %get3A_23 {offsets = [0, 5888], sizes = [1, 128], strides = [1, 1]} : vector<1x8192xf32> to vector<1x128xf32>
    %add3A_4140 = vector.broadcast %slice3A_4139 : vector<1x128xf32> to vector<128x128xf32>
    %add3A_4141 = arith.addf %slice3A_4138, %add3A_4140 : vector<128x128xf32>
    %lt3A_4142 = arith.cmpf olt, %add3A_4141, %select_n3A_4137 : vector<128x128xf32>
    %jit3A_4143 = arith.constant 14 : i32
    %broadcast_in_dim3A_4144 = vector.broadcast %jit3A_4143 : i32 to vector<128x128xi32>
    %select_n3A_4145 = arith.select %lt3A_4142, %broadcast_in_dim3A_4144, %select_n3A_4136 : vector<128x128xi1>, vector<128x128xi32>
    %select_n3A_4146 = arith.select %lt3A_4142, %add3A_4141, %select_n3A_4137 : vector<128x128xi1>, vector<128x128xf32>
    %slice3A_4147 = vector.extract_strided_slice %dot_general3A_18 {offsets = [768, 1920], sizes = [128, 128], strides = [1, 1]} : vector<1024x4096xf32> to vector<128x128xf32>
    %slice3A_4148 = vector.extract_strided_slice %get3A_23 {offsets = [0, 6016], sizes = [1, 128], strides = [1, 1]} : vector<1x8192xf32> to vector<1x128xf32>
    %add3A_4149 = vector.broadcast %slice3A_4148 : vector<1x128xf32> to vector<128x128xf32>
    %add3A_4150 = arith.addf %slice3A_4147, %add3A_4149 : vector<128x128xf32>
    %lt3A_4151 = arith.cmpf olt, %add3A_4150, %select_n3A_4146 : vector<128x128xf32>
    %jit3A_4152 = arith.constant 15 : i32
    %broadcast_in_dim3A_4153 = vector.broadcast %jit3A_4152 : i32 to vector<128x128xi32>
    %select_n3A_4154 = arith.select %lt3A_4151, %broadcast_in_dim3A_4153, %select_n3A_4145 : vector<128x128xi1>, vector<128x128xi32>
    %select_n3A_4155 = arith.select %lt3A_4151, %add3A_4150, %select_n3A_4146 : vector<128x128xi1>, vector<128x128xf32>
    %slice3A_4156 = vector.extract_strided_slice %dot_general3A_18 {offsets = [768, 2048], sizes = [128, 128], strides = [1, 1]} : vector<1024x4096xf32> to vector<128x128xf32>
    %slice3A_4157 = vector.extract_strided_slice %get3A_23 {offsets = [0, 6144], sizes = [1, 128], strides = [1, 1]} : vector<1x8192xf32> to vector<1x128xf32>
    %add3A_4158 = vector.broadcast %slice3A_4157 : vector<1x128xf32> to vector<128x128xf32>
    %add3A_4159 = arith.addf %slice3A_4156, %add3A_4158 : vector<128x128xf32>
    %lt3A_4160 = arith.cmpf olt, %add3A_4159, %select_n3A_4155 : vector<128x128xf32>
    %jit3A_4161 = arith.constant 16 : i32
    %broadcast_in_dim3A_4162 = vector.broadcast %jit3A_4161 : i32 to vector<128x128xi32>
    %select_n3A_4163 = arith.select %lt3A_4160, %broadcast_in_dim3A_4162, %select_n3A_4154 : vector<128x128xi1>, vector<128x128xi32>
    %select_n3A_4164 = arith.select %lt3A_4160, %add3A_4159, %select_n3A_4155 : vector<128x128xi1>, vector<128x128xf32>
    %slice3A_4165 = vector.extract_strided_slice %dot_general3A_18 {offsets = [768, 2176], sizes = [128, 128], strides = [1, 1]} : vector<1024x4096xf32> to vector<128x128xf32>
    %slice3A_4166 = vector.extract_strided_slice %get3A_23 {offsets = [0, 6272], sizes = [1, 128], strides = [1, 1]} : vector<1x8192xf32> to vector<1x128xf32>
    %add3A_4167 = vector.broadcast %slice3A_4166 : vector<1x128xf32> to vector<128x128xf32>
    %add3A_4168 = arith.addf %slice3A_4165, %add3A_4167 : vector<128x128xf32>
    %lt3A_4169 = arith.cmpf olt, %add3A_4168, %select_n3A_4164 : vector<128x128xf32>
    %jit3A_4170 = arith.constant 17 : i32
    %broadcast_in_dim3A_4171 = vector.broadcast %jit3A_4170 : i32 to vector<128x128xi32>
    %select_n3A_4172 = arith.select %lt3A_4169, %broadcast_in_dim3A_4171, %select_n3A_4163 : vector<128x128xi1>, vector<128x128xi32>
    %select_n3A_4173 = arith.select %lt3A_4169, %add3A_4168, %select_n3A_4164 : vector<128x128xi1>, vector<128x128xf32>
    %slice3A_4174 = vector.extract_strided_slice %dot_general3A_18 {offsets = [768, 2304], sizes = [128, 128], strides = [1, 1]} : vector<1024x4096xf32> to vector<128x128xf32>
    %slice3A_4175 = vector.extract_strided_slice %get3A_23 {offsets = [0, 6400], sizes = [1, 128], strides = [1, 1]} : vector<1x8192xf32> to vector<1x128xf32>
    %add3A_4176 = vector.broadcast %slice3A_4175 : vector<1x128xf32> to vector<128x128xf32>
    %add3A_4177 = arith.addf %slice3A_4174, %add3A_4176 : vector<128x128xf32>
    %lt3A_4178 = arith.cmpf olt, %add3A_4177, %select_n3A_4173 : vector<128x128xf32>
    %jit3A_4179 = arith.constant 18 : i32
    %broadcast_in_dim3A_4180 = vector.broadcast %jit3A_4179 : i32 to vector<128x128xi32>
    %select_n3A_4181 = arith.select %lt3A_4178, %broadcast_in_dim3A_4180, %select_n3A_4172 : vector<128x128xi1>, vector<128x128xi32>
    %select_n3A_4182 = arith.select %lt3A_4178, %add3A_4177, %select_n3A_4173 : vector<128x128xi1>, vector<128x128xf32>
    %slice3A_4183 = vector.extract_strided_slice %dot_general3A_18 {offsets = [768, 2432], sizes = [128, 128], strides = [1, 1]} : vector<1024x4096xf32> to vector<128x128xf32>
    %slice3A_4184 = vector.extract_strided_slice %get3A_23 {offsets = [0, 6528], sizes = [1, 128], strides = [1, 1]} : vector<1x8192xf32> to vector<1x128xf32>
    %add3A_4185 = vector.broadcast %slice3A_4184 : vector<1x128xf32> to vector<128x128xf32>
    %add3A_4186 = arith.addf %slice3A_4183, %add3A_4185 : vector<128x128xf32>
    %lt3A_4187 = arith.cmpf olt, %add3A_4186, %select_n3A_4182 : vector<128x128xf32>
    %jit3A_4188 = arith.constant 19 : i32
    %broadcast_in_dim3A_4189 = vector.broadcast %jit3A_4188 : i32 to vector<128x128xi32>
    %select_n3A_4190 = arith.select %lt3A_4187, %broadcast_in_dim3A_4189, %select_n3A_4181 : vector<128x128xi1>, vector<128x128xi32>
    %select_n3A_4191 = arith.select %lt3A_4187, %add3A_4186, %select_n3A_4182 : vector<128x128xi1>, vector<128x128xf32>
    %slice3A_4192 = vector.extract_strided_slice %dot_general3A_18 {offsets = [768, 2560], sizes = [128, 128], strides = [1, 1]} : vector<1024x4096xf32> to vector<128x128xf32>
    %slice3A_4193 = vector.extract_strided_slice %get3A_23 {offsets = [0, 6656], sizes = [1, 128], strides = [1, 1]} : vector<1x8192xf32> to vector<1x128xf32>
    %add3A_4194 = vector.broadcast %slice3A_4193 : vector<1x128xf32> to vector<128x128xf32>
    %add3A_4195 = arith.addf %slice3A_4192, %add3A_4194 : vector<128x128xf32>
    %lt3A_4196 = arith.cmpf olt, %add3A_4195, %select_n3A_4191 : vector<128x128xf32>
    %jit3A_4197 = arith.constant 20 : i32
    %broadcast_in_dim3A_4198 = vector.broadcast %jit3A_4197 : i32 to vector<128x128xi32>
    %select_n3A_4199 = arith.select %lt3A_4196, %broadcast_in_dim3A_4198, %select_n3A_4190 : vector<128x128xi1>, vector<128x128xi32>
    %select_n3A_4200 = arith.select %lt3A_4196, %add3A_4195, %select_n3A_4191 : vector<128x128xi1>, vector<128x128xf32>
    %slice3A_4201 = vector.extract_strided_slice %dot_general3A_18 {offsets = [768, 2688], sizes = [128, 128], strides = [1, 1]} : vector<1024x4096xf32> to vector<128x128xf32>
    %slice3A_4202 = vector.extract_strided_slice %get3A_23 {offsets = [0, 6784], sizes = [1, 128], strides = [1, 1]} : vector<1x8192xf32> to vector<1x128xf32>
    %add3A_4203 = vector.broadcast %slice3A_4202 : vector<1x128xf32> to vector<128x128xf32>
    %add3A_4204 = arith.addf %slice3A_4201, %add3A_4203 : vector<128x128xf32>
    %lt3A_4205 = arith.cmpf olt, %add3A_4204, %select_n3A_4200 : vector<128x128xf32>
    %jit3A_4206 = arith.constant 21 : i32
    %broadcast_in_dim3A_4207 = vector.broadcast %jit3A_4206 : i32 to vector<128x128xi32>
    %select_n3A_4208 = arith.select %lt3A_4205, %broadcast_in_dim3A_4207, %select_n3A_4199 : vector<128x128xi1>, vector<128x128xi32>
    %select_n3A_4209 = arith.select %lt3A_4205, %add3A_4204, %select_n3A_4200 : vector<128x128xi1>, vector<128x128xf32>
    %slice3A_4210 = vector.extract_strided_slice %dot_general3A_18 {offsets = [768, 2816], sizes = [128, 128], strides = [1, 1]} : vector<1024x4096xf32> to vector<128x128xf32>
    %slice3A_4211 = vector.extract_strided_slice %get3A_23 {offsets = [0, 6912], sizes = [1, 128], strides = [1, 1]} : vector<1x8192xf32> to vector<1x128xf32>
    %add3A_4212 = vector.broadcast %slice3A_4211 : vector<1x128xf32> to vector<128x128xf32>
    %add3A_4213 = arith.addf %slice3A_4210, %add3A_4212 : vector<128x128xf32>
    %lt3A_4214 = arith.cmpf olt, %add3A_4213, %select_n3A_4209 : vector<128x128xf32>
    %jit3A_4215 = arith.constant 22 : i32
    %broadcast_in_dim3A_4216 = vector.broadcast %jit3A_4215 : i32 to vector<128x128xi32>
    %select_n3A_4217 = arith.select %lt3A_4214, %broadcast_in_dim3A_4216, %select_n3A_4208 : vector<128x128xi1>, vector<128x128xi32>
    %select_n3A_4218 = arith.select %lt3A_4214, %add3A_4213, %select_n3A_4209 : vector<128x128xi1>, vector<128x128xf32>
    %slice3A_4219 = vector.extract_strided_slice %dot_general3A_18 {offsets = [768, 2944], sizes = [128, 128], strides = [1, 1]} : vector<1024x4096xf32> to vector<128x128xf32>
    %slice3A_4220 = vector.extract_strided_slice %get3A_23 {offsets = [0, 7040], sizes = [1, 128], strides = [1, 1]} : vector<1x8192xf32> to vector<1x128xf32>
    %add3A_4221 = vector.broadcast %slice3A_4220 : vector<1x128xf32> to vector<128x128xf32>
    %add3A_4222 = arith.addf %slice3A_4219, %add3A_4221 : vector<128x128xf32>
    %lt3A_4223 = arith.cmpf olt, %add3A_4222, %select_n3A_4218 : vector<128x128xf32>
    %jit3A_4224 = arith.constant 23 : i32
    %broadcast_in_dim3A_4225 = vector.broadcast %jit3A_4224 : i32 to vector<128x128xi32>
    %select_n3A_4226 = arith.select %lt3A_4223, %broadcast_in_dim3A_4225, %select_n3A_4217 : vector<128x128xi1>, vector<128x128xi32>
    %select_n3A_4227 = arith.select %lt3A_4223, %add3A_4222, %select_n3A_4218 : vector<128x128xi1>, vector<128x128xf32>
    %slice3A_4228 = vector.extract_strided_slice %dot_general3A_18 {offsets = [768, 3072], sizes = [128, 128], strides = [1, 1]} : vector<1024x4096xf32> to vector<128x128xf32>
    %slice3A_4229 = vector.extract_strided_slice %get3A_23 {offsets = [0, 7168], sizes = [1, 128], strides = [1, 1]} : vector<1x8192xf32> to vector<1x128xf32>
    %add3A_4230 = vector.broadcast %slice3A_4229 : vector<1x128xf32> to vector<128x128xf32>
    %add3A_4231 = arith.addf %slice3A_4228, %add3A_4230 : vector<128x128xf32>
    %lt3A_4232 = arith.cmpf olt, %add3A_4231, %select_n3A_4227 : vector<128x128xf32>
    %jit3A_4233 = arith.constant 24 : i32
    %broadcast_in_dim3A_4234 = vector.broadcast %jit3A_4233 : i32 to vector<128x128xi32>
    %select_n3A_4235 = arith.select %lt3A_4232, %broadcast_in_dim3A_4234, %select_n3A_4226 : vector<128x128xi1>, vector<128x128xi32>
    %select_n3A_4236 = arith.select %lt3A_4232, %add3A_4231, %select_n3A_4227 : vector<128x128xi1>, vector<128x128xf32>
    %slice3A_4237 = vector.extract_strided_slice %dot_general3A_18 {offsets = [768, 3200], sizes = [128, 128], strides = [1, 1]} : vector<1024x4096xf32> to vector<128x128xf32>
    %slice3A_4238 = vector.extract_strided_slice %get3A_23 {offsets = [0, 7296], sizes = [1, 128], strides = [1, 1]} : vector<1x8192xf32> to vector<1x128xf32>
    %add3A_4239 = vector.broadcast %slice3A_4238 : vector<1x128xf32> to vector<128x128xf32>
    %add3A_4240 = arith.addf %slice3A_4237, %add3A_4239 : vector<128x128xf32>
    %lt3A_4241 = arith.cmpf olt, %add3A_4240, %select_n3A_4236 : vector<128x128xf32>
    %jit3A_4242 = arith.constant 25 : i32
    %broadcast_in_dim3A_4243 = vector.broadcast %jit3A_4242 : i32 to vector<128x128xi32>
    %select_n3A_4244 = arith.select %lt3A_4241, %broadcast_in_dim3A_4243, %select_n3A_4235 : vector<128x128xi1>, vector<128x128xi32>
    %select_n3A_4245 = arith.select %lt3A_4241, %add3A_4240, %select_n3A_4236 : vector<128x128xi1>, vector<128x128xf32>
    %slice3A_4246 = vector.extract_strided_slice %dot_general3A_18 {offsets = [768, 3328], sizes = [128, 128], strides = [1, 1]} : vector<1024x4096xf32> to vector<128x128xf32>
    %slice3A_4247 = vector.extract_strided_slice %get3A_23 {offsets = [0, 7424], sizes = [1, 128], strides = [1, 1]} : vector<1x8192xf32> to vector<1x128xf32>
    %add3A_4248 = vector.broadcast %slice3A_4247 : vector<1x128xf32> to vector<128x128xf32>
    %add3A_4249 = arith.addf %slice3A_4246, %add3A_4248 : vector<128x128xf32>
    %lt3A_4250 = arith.cmpf olt, %add3A_4249, %select_n3A_4245 : vector<128x128xf32>
    %jit3A_4251 = arith.constant 26 : i32
    %broadcast_in_dim3A_4252 = vector.broadcast %jit3A_4251 : i32 to vector<128x128xi32>
    %select_n3A_4253 = arith.select %lt3A_4250, %broadcast_in_dim3A_4252, %select_n3A_4244 : vector<128x128xi1>, vector<128x128xi32>
    %select_n3A_4254 = arith.select %lt3A_4250, %add3A_4249, %select_n3A_4245 : vector<128x128xi1>, vector<128x128xf32>
    %slice3A_4255 = vector.extract_strided_slice %dot_general3A_18 {offsets = [768, 3456], sizes = [128, 128], strides = [1, 1]} : vector<1024x4096xf32> to vector<128x128xf32>
    %slice3A_4256 = vector.extract_strided_slice %get3A_23 {offsets = [0, 7552], sizes = [1, 128], strides = [1, 1]} : vector<1x8192xf32> to vector<1x128xf32>
    %add3A_4257 = vector.broadcast %slice3A_4256 : vector<1x128xf32> to vector<128x128xf32>
    %add3A_4258 = arith.addf %slice3A_4255, %add3A_4257 : vector<128x128xf32>
    %lt3A_4259 = arith.cmpf olt, %add3A_4258, %select_n3A_4254 : vector<128x128xf32>
    %jit3A_4260 = arith.constant 27 : i32
    %broadcast_in_dim3A_4261 = vector.broadcast %jit3A_4260 : i32 to vector<128x128xi32>
    %select_n3A_4262 = arith.select %lt3A_4259, %broadcast_in_dim3A_4261, %select_n3A_4253 : vector<128x128xi1>, vector<128x128xi32>
    %select_n3A_4263 = arith.select %lt3A_4259, %add3A_4258, %select_n3A_4254 : vector<128x128xi1>, vector<128x128xf32>
    %slice3A_4264 = vector.extract_strided_slice %dot_general3A_18 {offsets = [768, 3584], sizes = [128, 128], strides = [1, 1]} : vector<1024x4096xf32> to vector<128x128xf32>
    %slice3A_4265 = vector.extract_strided_slice %get3A_23 {offsets = [0, 7680], sizes = [1, 128], strides = [1, 1]} : vector<1x8192xf32> to vector<1x128xf32>
    %add3A_4266 = vector.broadcast %slice3A_4265 : vector<1x128xf32> to vector<128x128xf32>
    %add3A_4267 = arith.addf %slice3A_4264, %add3A_4266 : vector<128x128xf32>
    %lt3A_4268 = arith.cmpf olt, %add3A_4267, %select_n3A_4263 : vector<128x128xf32>
    %jit3A_4269 = arith.constant 28 : i32
    %broadcast_in_dim3A_4270 = vector.broadcast %jit3A_4269 : i32 to vector<128x128xi32>
    %select_n3A_4271 = arith.select %lt3A_4268, %broadcast_in_dim3A_4270, %select_n3A_4262 : vector<128x128xi1>, vector<128x128xi32>
    %select_n3A_4272 = arith.select %lt3A_4268, %add3A_4267, %select_n3A_4263 : vector<128x128xi1>, vector<128x128xf32>
    %slice3A_4273 = vector.extract_strided_slice %dot_general3A_18 {offsets = [768, 3712], sizes = [128, 128], strides = [1, 1]} : vector<1024x4096xf32> to vector<128x128xf32>
    %slice3A_4274 = vector.extract_strided_slice %get3A_23 {offsets = [0, 7808], sizes = [1, 128], strides = [1, 1]} : vector<1x8192xf32> to vector<1x128xf32>
    %add3A_4275 = vector.broadcast %slice3A_4274 : vector<1x128xf32> to vector<128x128xf32>
    %add3A_4276 = arith.addf %slice3A_4273, %add3A_4275 : vector<128x128xf32>
    %lt3A_4277 = arith.cmpf olt, %add3A_4276, %select_n3A_4272 : vector<128x128xf32>
    %jit3A_4278 = arith.constant 29 : i32
    %broadcast_in_dim3A_4279 = vector.broadcast %jit3A_4278 : i32 to vector<128x128xi32>
    %select_n3A_4280 = arith.select %lt3A_4277, %broadcast_in_dim3A_4279, %select_n3A_4271 : vector<128x128xi1>, vector<128x128xi32>
    %select_n3A_4281 = arith.select %lt3A_4277, %add3A_4276, %select_n3A_4272 : vector<128x128xi1>, vector<128x128xf32>
    %slice3A_4282 = vector.extract_strided_slice %dot_general3A_18 {offsets = [768, 3840], sizes = [128, 128], strides = [1, 1]} : vector<1024x4096xf32> to vector<128x128xf32>
    %slice3A_4283 = vector.extract_strided_slice %get3A_23 {offsets = [0, 7936], sizes = [1, 128], strides = [1, 1]} : vector<1x8192xf32> to vector<1x128xf32>
    %add3A_4284 = vector.broadcast %slice3A_4283 : vector<1x128xf32> to vector<128x128xf32>
    %add3A_4285 = arith.addf %slice3A_4282, %add3A_4284 : vector<128x128xf32>
    %lt3A_4286 = arith.cmpf olt, %add3A_4285, %select_n3A_4281 : vector<128x128xf32>
    %jit3A_4287 = arith.constant 30 : i32
    %broadcast_in_dim3A_4288 = vector.broadcast %jit3A_4287 : i32 to vector<128x128xi32>
    %select_n3A_4289 = arith.select %lt3A_4286, %broadcast_in_dim3A_4288, %select_n3A_4280 : vector<128x128xi1>, vector<128x128xi32>
    %select_n3A_4290 = arith.select %lt3A_4286, %add3A_4285, %select_n3A_4281 : vector<128x128xi1>, vector<128x128xf32>
    %slice3A_4291 = vector.extract_strided_slice %dot_general3A_18 {offsets = [768, 3968], sizes = [128, 128], strides = [1, 1]} : vector<1024x4096xf32> to vector<128x128xf32>
    %slice3A_4292 = vector.extract_strided_slice %get3A_23 {offsets = [0, 8064], sizes = [1, 128], strides = [1, 1]} : vector<1x8192xf32> to vector<1x128xf32>
    %add3A_4293 = vector.broadcast %slice3A_4292 : vector<1x128xf32> to vector<128x128xf32>
    %add3A_4294 = arith.addf %slice3A_4291, %add3A_4293 : vector<128x128xf32>
    %lt3A_4295 = arith.cmpf olt, %add3A_4294, %select_n3A_4290 : vector<128x128xf32>
    %jit3A_4296 = arith.constant 31 : i32
    %broadcast_in_dim3A_4297 = vector.broadcast %jit3A_4296 : i32 to vector<128x128xi32>
    %select_n3A_4298 = arith.select %lt3A_4295, %broadcast_in_dim3A_4297, %select_n3A_4289 : vector<128x128xi1>, vector<128x128xi32>
    %select_n3A_4299 = arith.select %lt3A_4295, %add3A_4294, %select_n3A_4290 : vector<128x128xi1>, vector<128x128xf32>
    %reduce_min3A_4300 = arith.constant dense<0x7F800000> : vector<128xf32>
    %reduce_min3A_4301 = vector.multi_reduction <minimumf>, %select_n3A_4299, %reduce_min3A_4300 [1] : vector<128x128xf32> to vector<128xf32>
    %broadcast_in_dim3A_4302 = vector.shape_cast %reduce_min3A_4301 : vector<128xf32> to vector<128x1xf32>
    %mul3A_4303 = arith.constant 128 : i32
    %mul3A_4304 = vector.broadcast %mul3A_4303 : i32 to vector<128x128xi32>
    %mul3A_4305 = arith.muli %select_n3A_4298, %mul3A_4304 : vector<128x128xi32>
    %add3A_4306 = arith.addi %mul3A_4305, %iota3A : vector<128x128xi32>
    %eq3A_4307 = vector.broadcast %broadcast_in_dim3A_4302 : vector<128x1xf32> to vector<128x128xf32>
    %eq3A_4308 = arith.cmpf oeq, %select_n3A_4299, %eq3A_4307 : vector<128x128xf32>
    %jit3A_4309 = arith.constant 8192 : i32
    %broadcast_in_dim3A_4310 = vector.broadcast %jit3A_4309 : i32 to vector<128x128xi32>
    %select_n3A_4311 = arith.select %eq3A_4308, %add3A_4306, %broadcast_in_dim3A_4310 : vector<128x128xi1>, vector<128x128xi32>
    %reduce_min3A_4312 = arith.constant dense<2147483647> : vector<128xi32>
    %reduce_min3A_4313 = vector.multi_reduction <minsi>, %select_n3A_4311, %reduce_min3A_4312 [1] : vector<128x128xi32> to vector<128xi32>
    %squeeze3A_4314 = vector.shape_cast %broadcast_in_dim3A_4302 : vector<128x1xf32> to vector<128xf32>
    %slice3A_4315 = vector.extract_strided_slice %squeeze3A {offsets = [768], sizes = [128], strides = [1]} : vector<1024xf32> to vector<128xf32>
    %add3A_4316 = arith.addf %squeeze3A_4014, %slice3A_4315 : vector<128xf32>
    %convert_element_type3A_4317 = arith.truncf %add3A_4316 : vector<128xf32> to vector<128xbf16>
    %convert_element_type3A_4318 = arith.extf %convert_element_type3A_4317 : vector<128xbf16> to vector<128xf32>
    %add3A_4319 = arith.addf %squeeze3A_4314, %slice3A_4315 : vector<128xf32>
    %lt3A_4320 = arith.cmpf olt, %add3A_4319, %convert_element_type3A_4318 : vector<128xf32>
    %add3A_4321 = arith.constant 4096 : i32
    %add3A_4322 = vector.broadcast %add3A_4321 : i32 to vector<128xi32>
    %add3A_4323 = arith.addi %reduce_min3A_4313, %add3A_4322 : vector<128xi32>
    %select_n3A_4324 = arith.select %lt3A_4320, %add3A_4323, %reduce_min3A_4013 : vector<128xi1>, vector<128xi32>
    %swap3A_4325 = arith.constant 0 : index
    %swap3A_4326 = arith.constant 0 : index
    %swap3A_4327 = arith.constant 768 : index
    %swap3A_4328 = vector.load %arg4[%swap3A_4325, %swap3A_4326, %swap3A_4327] : memref<1x1x1024xi32, #tpu.memory_space<vmem>>, vector<1x1x128xi32>
    %swap3A_4329 = vector.shape_cast %swap3A_4328 : vector<1x1x128xi32> to vector<128xi32>
    %swap3A_4330 = vector.shape_cast %select_n3A_4324 : vector<128xi32> to vector<1x1x128xi32>
    tpu.vector_store %arg4[%swap3A_4325, %swap3A_4326, %swap3A_4327], %swap3A_4330 {strides = array<i32>} : memref<1x1x1024xi32, #tpu.memory_space<vmem>>, vector<1x1x128xi32>,
    %slice3A_4331 = vector.extract_strided_slice %dot_general3A_15 {offsets = [896, 0], sizes = [128, 128], strides = [1, 1]} : vector<1024x4096xf32> to vector<128x128xf32>
    %slice3A_4332 = vector.extract_strided_slice %get3A_23 {offsets = [0, 0], sizes = [1, 128], strides = [1, 1]} : vector<1x8192xf32> to vector<1x128xf32>
    %add3A_4333 = vector.broadcast %slice3A_4332 : vector<1x128xf32> to vector<128x128xf32>
    %add3A_4334 = arith.addf %slice3A_4331, %add3A_4333 : vector<128x128xf32>
    %broadcast_in_dim3A_4335 = arith.constant 0 : i32
    %broadcast_in_dim3A_4336 = vector.broadcast %broadcast_in_dim3A_4335 : i32 to vector<128x128xi32>
    %slice3A_4337 = vector.extract_strided_slice %dot_general3A_15 {offsets = [896, 128], sizes = [128, 128], strides = [1, 1]} : vector<1024x4096xf32> to vector<128x128xf32>
    %slice3A_4338 = vector.extract_strided_slice %get3A_23 {offsets = [0, 128], sizes = [1, 128], strides = [1, 1]} : vector<1x8192xf32> to vector<1x128xf32>
    %add3A_4339 = vector.broadcast %slice3A_4338 : vector<1x128xf32> to vector<128x128xf32>
    %add3A_4340 = arith.addf %slice3A_4337, %add3A_4339 : vector<128x128xf32>
    %lt3A_4341 = arith.cmpf olt, %add3A_4340, %add3A_4334 : vector<128x128xf32>
    %jit3A_4342 = arith.constant 1 : i32
    %broadcast_in_dim3A_4343 = vector.broadcast %jit3A_4342 : i32 to vector<128x128xi32>
    %select_n3A_4344 = arith.select %lt3A_4341, %broadcast_in_dim3A_4343, %broadcast_in_dim3A_4336 : vector<128x128xi1>, vector<128x128xi32>
    %select_n3A_4345 = arith.select %lt3A_4341, %add3A_4340, %add3A_4334 : vector<128x128xi1>, vector<128x128xf32>
    %slice3A_4346 = vector.extract_strided_slice %dot_general3A_15 {offsets = [896, 256], sizes = [128, 128], strides = [1, 1]} : vector<1024x4096xf32> to vector<128x128xf32>
    %slice3A_4347 = vector.extract_strided_slice %get3A_23 {offsets = [0, 256], sizes = [1, 128], strides = [1, 1]} : vector<1x8192xf32> to vector<1x128xf32>
    %add3A_4348 = vector.broadcast %slice3A_4347 : vector<1x128xf32> to vector<128x128xf32>
    %add3A_4349 = arith.addf %slice3A_4346, %add3A_4348 : vector<128x128xf32>
    %lt3A_4350 = arith.cmpf olt, %add3A_4349, %select_n3A_4345 : vector<128x128xf32>
    %jit3A_4351 = arith.constant 2 : i32
    %broadcast_in_dim3A_4352 = vector.broadcast %jit3A_4351 : i32 to vector<128x128xi32>
    %select_n3A_4353 = arith.select %lt3A_4350, %broadcast_in_dim3A_4352, %select_n3A_4344 : vector<128x128xi1>, vector<128x128xi32>
    %select_n3A_4354 = arith.select %lt3A_4350, %add3A_4349, %select_n3A_4345 : vector<128x128xi1>, vector<128x128xf32>
    %slice3A_4355 = vector.extract_strided_slice %dot_general3A_15 {offsets = [896, 384], sizes = [128, 128], strides = [1, 1]} : vector<1024x4096xf32> to vector<128x128xf32>
    %slice3A_4356 = vector.extract_strided_slice %get3A_23 {offsets = [0, 384], sizes = [1, 128], strides = [1, 1]} : vector<1x8192xf32> to vector<1x128xf32>
    %add3A_4357 = vector.broadcast %slice3A_4356 : vector<1x128xf32> to vector<128x128xf32>
    %add3A_4358 = arith.addf %slice3A_4355, %add3A_4357 : vector<128x128xf32>
    %lt3A_4359 = arith.cmpf olt, %add3A_4358, %select_n3A_4354 : vector<128x128xf32>
    %jit3A_4360 = arith.constant 3 : i32
    %broadcast_in_dim3A_4361 = vector.broadcast %jit3A_4360 : i32 to vector<128x128xi32>
    %select_n3A_4362 = arith.select %lt3A_4359, %broadcast_in_dim3A_4361, %select_n3A_4353 : vector<128x128xi1>, vector<128x128xi32>
    %select_n3A_4363 = arith.select %lt3A_4359, %add3A_4358, %select_n3A_4354 : vector<128x128xi1>, vector<128x128xf32>
    %slice3A_4364 = vector.extract_strided_slice %dot_general3A_15 {offsets = [896, 512], sizes = [128, 128], strides = [1, 1]} : vector<1024x4096xf32> to vector<128x128xf32>
    %slice3A_4365 = vector.extract_strided_slice %get3A_23 {offsets = [0, 512], sizes = [1, 128], strides = [1, 1]} : vector<1x8192xf32> to vector<1x128xf32>
    %add3A_4366 = vector.broadcast %slice3A_4365 : vector<1x128xf32> to vector<128x128xf32>
    %add3A_4367 = arith.addf %slice3A_4364, %add3A_4366 : vector<128x128xf32>
    %lt3A_4368 = arith.cmpf olt, %add3A_4367, %select_n3A_4363 : vector<128x128xf32>
    %jit3A_4369 = arith.constant 4 : i32
    %broadcast_in_dim3A_4370 = vector.broadcast %jit3A_4369 : i32 to vector<128x128xi32>
    %select_n3A_4371 = arith.select %lt3A_4368, %broadcast_in_dim3A_4370, %select_n3A_4362 : vector<128x128xi1>, vector<128x128xi32>
    %select_n3A_4372 = arith.select %lt3A_4368, %add3A_4367, %select_n3A_4363 : vector<128x128xi1>, vector<128x128xf32>
    %slice3A_4373 = vector.extract_strided_slice %dot_general3A_15 {offsets = [896, 640], sizes = [128, 128], strides = [1, 1]} : vector<1024x4096xf32> to vector<128x128xf32>
    %slice3A_4374 = vector.extract_strided_slice %get3A_23 {offsets = [0, 640], sizes = [1, 128], strides = [1, 1]} : vector<1x8192xf32> to vector<1x128xf32>
    %add3A_4375 = vector.broadcast %slice3A_4374 : vector<1x128xf32> to vector<128x128xf32>
    %add3A_4376 = arith.addf %slice3A_4373, %add3A_4375 : vector<128x128xf32>
    %lt3A_4377 = arith.cmpf olt, %add3A_4376, %select_n3A_4372 : vector<128x128xf32>
    %jit3A_4378 = arith.constant 5 : i32
    %broadcast_in_dim3A_4379 = vector.broadcast %jit3A_4378 : i32 to vector<128x128xi32>
    %select_n3A_4380 = arith.select %lt3A_4377, %broadcast_in_dim3A_4379, %select_n3A_4371 : vector<128x128xi1>, vector<128x128xi32>
    %select_n3A_4381 = arith.select %lt3A_4377, %add3A_4376, %select_n3A_4372 : vector<128x128xi1>, vector<128x128xf32>
    %slice3A_4382 = vector.extract_strided_slice %dot_general3A_15 {offsets = [896, 768], sizes = [128, 128], strides = [1, 1]} : vector<1024x4096xf32> to vector<128x128xf32>
    %slice3A_4383 = vector.extract_strided_slice %get3A_23 {offsets = [0, 768], sizes = [1, 128], strides = [1, 1]} : vector<1x8192xf32> to vector<1x128xf32>
    %add3A_4384 = vector.broadcast %slice3A_4383 : vector<1x128xf32> to vector<128x128xf32>
    %add3A_4385 = arith.addf %slice3A_4382, %add3A_4384 : vector<128x128xf32>
    %lt3A_4386 = arith.cmpf olt, %add3A_4385, %select_n3A_4381 : vector<128x128xf32>
    %jit3A_4387 = arith.constant 6 : i32
    %broadcast_in_dim3A_4388 = vector.broadcast %jit3A_4387 : i32 to vector<128x128xi32>
    %select_n3A_4389 = arith.select %lt3A_4386, %broadcast_in_dim3A_4388, %select_n3A_4380 : vector<128x128xi1>, vector<128x128xi32>
    %select_n3A_4390 = arith.select %lt3A_4386, %add3A_4385, %select_n3A_4381 : vector<128x128xi1>, vector<128x128xf32>
    %slice3A_4391 = vector.extract_strided_slice %dot_general3A_15 {offsets = [896, 896], sizes = [128, 128], strides = [1, 1]} : vector<1024x4096xf32> to vector<128x128xf32>
    %slice3A_4392 = vector.extract_strided_slice %get3A_23 {offsets = [0, 896], sizes = [1, 128], strides = [1, 1]} : vector<1x8192xf32> to vector<1x128xf32>
    %add3A_4393 = vector.broadcast %slice3A_4392 : vector<1x128xf32> to vector<128x128xf32>
    %add3A_4394 = arith.addf %slice3A_4391, %add3A_4393 : vector<128x128xf32>
    %lt3A_4395 = arith.cmpf olt, %add3A_4394, %select_n3A_4390 : vector<128x128xf32>
    %jit3A_4396 = arith.constant 7 : i32
    %broadcast_in_dim3A_4397 = vector.broadcast %jit3A_4396 : i32 to vector<128x128xi32>
    %select_n3A_4398 = arith.select %lt3A_4395, %broadcast_in_dim3A_4397, %select_n3A_4389 : vector<128x128xi1>, vector<128x128xi32>
    %select_n3A_4399 = arith.select %lt3A_4395, %add3A_4394, %select_n3A_4390 : vector<128x128xi1>, vector<128x128xf32>
    %slice3A_4400 = vector.extract_strided_slice %dot_general3A_15 {offsets = [896, 1024], sizes = [128, 128], strides = [1, 1]} : vector<1024x4096xf32> to vector<128x128xf32>
    %slice3A_4401 = vector.extract_strided_slice %get3A_23 {offsets = [0, 1024], sizes = [1, 128], strides = [1, 1]} : vector<1x8192xf32> to vector<1x128xf32>
    %add3A_4402 = vector.broadcast %slice3A_4401 : vector<1x128xf32> to vector<128x128xf32>
    %add3A_4403 = arith.addf %slice3A_4400, %add3A_4402 : vector<128x128xf32>
    %lt3A_4404 = arith.cmpf olt, %add3A_4403, %select_n3A_4399 : vector<128x128xf32>
    %jit3A_4405 = arith.constant 8 : i32
    %broadcast_in_dim3A_4406 = vector.broadcast %jit3A_4405 : i32 to vector<128x128xi32>
    %select_n3A_4407 = arith.select %lt3A_4404, %broadcast_in_dim3A_4406, %select_n3A_4398 : vector<128x128xi1>, vector<128x128xi32>
    %select_n3A_4408 = arith.select %lt3A_4404, %add3A_4403, %select_n3A_4399 : vector<128x128xi1>, vector<128x128xf32>
    %slice3A_4409 = vector.extract_strided_slice %dot_general3A_15 {offsets = [896, 1152], sizes = [128, 128], strides = [1, 1]} : vector<1024x4096xf32> to vector<128x128xf32>
    %slice3A_4410 = vector.extract_strided_slice %get3A_23 {offsets = [0, 1152], sizes = [1, 128], strides = [1, 1]} : vector<1x8192xf32> to vector<1x128xf32>
    %add3A_4411 = vector.broadcast %slice3A_4410 : vector<1x128xf32> to vector<128x128xf32>
    %add3A_4412 = arith.addf %slice3A_4409, %add3A_4411 : vector<128x128xf32>
    %lt3A_4413 = arith.cmpf olt, %add3A_4412, %select_n3A_4408 : vector<128x128xf32>
    %jit3A_4414 = arith.constant 9 : i32
    %broadcast_in_dim3A_4415 = vector.broadcast %jit3A_4414 : i32 to vector<128x128xi32>
    %select_n3A_4416 = arith.select %lt3A_4413, %broadcast_in_dim3A_4415, %select_n3A_4407 : vector<128x128xi1>, vector<128x128xi32>
    %select_n3A_4417 = arith.select %lt3A_4413, %add3A_4412, %select_n3A_4408 : vector<128x128xi1>, vector<128x128xf32>
    %slice3A_4418 = vector.extract_strided_slice %dot_general3A_15 {offsets = [896, 1280], sizes = [128, 128], strides = [1, 1]} : vector<1024x4096xf32> to vector<128x128xf32>
    %slice3A_4419 = vector.extract_strided_slice %get3A_23 {offsets = [0, 1280], sizes = [1, 128], strides = [1, 1]} : vector<1x8192xf32> to vector<1x128xf32>
    %add3A_4420 = vector.broadcast %slice3A_4419 : vector<1x128xf32> to vector<128x128xf32>
    %add3A_4421 = arith.addf %slice3A_4418, %add3A_4420 : vector<128x128xf32>
    %lt3A_4422 = arith.cmpf olt, %add3A_4421, %select_n3A_4417 : vector<128x128xf32>
    %jit3A_4423 = arith.constant 10 : i32
    %broadcast_in_dim3A_4424 = vector.broadcast %jit3A_4423 : i32 to vector<128x128xi32>
    %select_n3A_4425 = arith.select %lt3A_4422, %broadcast_in_dim3A_4424, %select_n3A_4416 : vector<128x128xi1>, vector<128x128xi32>
    %select_n3A_4426 = arith.select %lt3A_4422, %add3A_4421, %select_n3A_4417 : vector<128x128xi1>, vector<128x128xf32>
    %slice3A_4427 = vector.extract_strided_slice %dot_general3A_15 {offsets = [896, 1408], sizes = [128, 128], strides = [1, 1]} : vector<1024x4096xf32> to vector<128x128xf32>
    %slice3A_4428 = vector.extract_strided_slice %get3A_23 {offsets = [0, 1408], sizes = [1, 128], strides = [1, 1]} : vector<1x8192xf32> to vector<1x128xf32>
    %add3A_4429 = vector.broadcast %slice3A_4428 : vector<1x128xf32> to vector<128x128xf32>
    %add3A_4430 = arith.addf %slice3A_4427, %add3A_4429 : vector<128x128xf32>
    %lt3A_4431 = arith.cmpf olt, %add3A_4430, %select_n3A_4426 : vector<128x128xf32>
    %jit3A_4432 = arith.constant 11 : i32
    %broadcast_in_dim3A_4433 = vector.broadcast %jit3A_4432 : i32 to vector<128x128xi32>
    %select_n3A_4434 = arith.select %lt3A_4431, %broadcast_in_dim3A_4433, %select_n3A_4425 : vector<128x128xi1>, vector<128x128xi32>
    %select_n3A_4435 = arith.select %lt3A_4431, %add3A_4430, %select_n3A_4426 : vector<128x128xi1>, vector<128x128xf32>
    %slice3A_4436 = vector.extract_strided_slice %dot_general3A_15 {offsets = [896, 1536], sizes = [128, 128], strides = [1, 1]} : vector<1024x4096xf32> to vector<128x128xf32>
    %slice3A_4437 = vector.extract_strided_slice %get3A_23 {offsets = [0, 1536], sizes = [1, 128], strides = [1, 1]} : vector<1x8192xf32> to vector<1x128xf32>
    %add3A_4438 = vector.broadcast %slice3A_4437 : vector<1x128xf32> to vector<128x128xf32>
    %add3A_4439 = arith.addf %slice3A_4436, %add3A_4438 : vector<128x128xf32>
    %lt3A_4440 = arith.cmpf olt, %add3A_4439, %select_n3A_4435 : vector<128x128xf32>
    %jit3A_4441 = arith.constant 12 : i32
    %broadcast_in_dim3A_4442 = vector.broadcast %jit3A_4441 : i32 to vector<128x128xi32>
    %select_n3A_4443 = arith.select %lt3A_4440, %broadcast_in_dim3A_4442, %select_n3A_4434 : vector<128x128xi1>, vector<128x128xi32>
    %select_n3A_4444 = arith.select %lt3A_4440, %add3A_4439, %select_n3A_4435 : vector<128x128xi1>, vector<128x128xf32>
    %slice3A_4445 = vector.extract_strided_slice %dot_general3A_15 {offsets = [896, 1664], sizes = [128, 128], strides = [1, 1]} : vector<1024x4096xf32> to vector<128x128xf32>
    %slice3A_4446 = vector.extract_strided_slice %get3A_23 {offsets = [0, 1664], sizes = [1, 128], strides = [1, 1]} : vector<1x8192xf32> to vector<1x128xf32>
    %add3A_4447 = vector.broadcast %slice3A_4446 : vector<1x128xf32> to vector<128x128xf32>
    %add3A_4448 = arith.addf %slice3A_4445, %add3A_4447 : vector<128x128xf32>
    %lt3A_4449 = arith.cmpf olt, %add3A_4448, %select_n3A_4444 : vector<128x128xf32>
    %jit3A_4450 = arith.constant 13 : i32
    %broadcast_in_dim3A_4451 = vector.broadcast %jit3A_4450 : i32 to vector<128x128xi32>
    %select_n3A_4452 = arith.select %lt3A_4449, %broadcast_in_dim3A_4451, %select_n3A_4443 : vector<128x128xi1>, vector<128x128xi32>
    %select_n3A_4453 = arith.select %lt3A_4449, %add3A_4448, %select_n3A_4444 : vector<128x128xi1>, vector<128x128xf32>
    %slice3A_4454 = vector.extract_strided_slice %dot_general3A_15 {offsets = [896, 1792], sizes = [128, 128], strides = [1, 1]} : vector<1024x4096xf32> to vector<128x128xf32>
    %slice3A_4455 = vector.extract_strided_slice %get3A_23 {offsets = [0, 1792], sizes = [1, 128], strides = [1, 1]} : vector<1x8192xf32> to vector<1x128xf32>
    %add3A_4456 = vector.broadcast %slice3A_4455 : vector<1x128xf32> to vector<128x128xf32>
    %add3A_4457 = arith.addf %slice3A_4454, %add3A_4456 : vector<128x128xf32>
    %lt3A_4458 = arith.cmpf olt, %add3A_4457, %select_n3A_4453 : vector<128x128xf32>
    %jit3A_4459 = arith.constant 14 : i32
    %broadcast_in_dim3A_4460 = vector.broadcast %jit3A_4459 : i32 to vector<128x128xi32>
    %select_n3A_4461 = arith.select %lt3A_4458, %broadcast_in_dim3A_4460, %select_n3A_4452 : vector<128x128xi1>, vector<128x128xi32>
    %select_n3A_4462 = arith.select %lt3A_4458, %add3A_4457, %select_n3A_4453 : vector<128x128xi1>, vector<128x128xf32>
    %slice3A_4463 = vector.extract_strided_slice %dot_general3A_15 {offsets = [896, 1920], sizes = [128, 128], strides = [1, 1]} : vector<1024x4096xf32> to vector<128x128xf32>
    %slice3A_4464 = vector.extract_strided_slice %get3A_23 {offsets = [0, 1920], sizes = [1, 128], strides = [1, 1]} : vector<1x8192xf32> to vector<1x128xf32>
    %add3A_4465 = vector.broadcast %slice3A_4464 : vector<1x128xf32> to vector<128x128xf32>
    %add3A_4466 = arith.addf %slice3A_4463, %add3A_4465 : vector<128x128xf32>
    %lt3A_4467 = arith.cmpf olt, %add3A_4466, %select_n3A_4462 : vector<128x128xf32>
    %jit3A_4468 = arith.constant 15 : i32
    %broadcast_in_dim3A_4469 = vector.broadcast %jit3A_4468 : i32 to vector<128x128xi32>
    %select_n3A_4470 = arith.select %lt3A_4467, %broadcast_in_dim3A_4469, %select_n3A_4461 : vector<128x128xi1>, vector<128x128xi32>
    %select_n3A_4471 = arith.select %lt3A_4467, %add3A_4466, %select_n3A_4462 : vector<128x128xi1>, vector<128x128xf32>
    %slice3A_4472 = vector.extract_strided_slice %dot_general3A_15 {offsets = [896, 2048], sizes = [128, 128], strides = [1, 1]} : vector<1024x4096xf32> to vector<128x128xf32>
    %slice3A_4473 = vector.extract_strided_slice %get3A_23 {offsets = [0, 2048], sizes = [1, 128], strides = [1, 1]} : vector<1x8192xf32> to vector<1x128xf32>
    %add3A_4474 = vector.broadcast %slice3A_4473 : vector<1x128xf32> to vector<128x128xf32>
    %add3A_4475 = arith.addf %slice3A_4472, %add3A_4474 : vector<128x128xf32>
    %lt3A_4476 = arith.cmpf olt, %add3A_4475, %select_n3A_4471 : vector<128x128xf32>
    %jit3A_4477 = arith.constant 16 : i32
    %broadcast_in_dim3A_4478 = vector.broadcast %jit3A_4477 : i32 to vector<128x128xi32>
    %select_n3A_4479 = arith.select %lt3A_4476, %broadcast_in_dim3A_4478, %select_n3A_4470 : vector<128x128xi1>, vector<128x128xi32>
    %select_n3A_4480 = arith.select %lt3A_4476, %add3A_4475, %select_n3A_4471 : vector<128x128xi1>, vector<128x128xf32>
    %slice3A_4481 = vector.extract_strided_slice %dot_general3A_15 {offsets = [896, 2176], sizes = [128, 128], strides = [1, 1]} : vector<1024x4096xf32> to vector<128x128xf32>
    %slice3A_4482 = vector.extract_strided_slice %get3A_23 {offsets = [0, 2176], sizes = [1, 128], strides = [1, 1]} : vector<1x8192xf32> to vector<1x128xf32>
    %add3A_4483 = vector.broadcast %slice3A_4482 : vector<1x128xf32> to vector<128x128xf32>
    %add3A_4484 = arith.addf %slice3A_4481, %add3A_4483 : vector<128x128xf32>
    %lt3A_4485 = arith.cmpf olt, %add3A_4484, %select_n3A_4480 : vector<128x128xf32>
    %jit3A_4486 = arith.constant 17 : i32
    %broadcast_in_dim3A_4487 = vector.broadcast %jit3A_4486 : i32 to vector<128x128xi32>
    %select_n3A_4488 = arith.select %lt3A_4485, %broadcast_in_dim3A_4487, %select_n3A_4479 : vector<128x128xi1>, vector<128x128xi32>
    %select_n3A_4489 = arith.select %lt3A_4485, %add3A_4484, %select_n3A_4480 : vector<128x128xi1>, vector<128x128xf32>
    %slice3A_4490 = vector.extract_strided_slice %dot_general3A_15 {offsets = [896, 2304], sizes = [128, 128], strides = [1, 1]} : vector<1024x4096xf32> to vector<128x128xf32>
    %slice3A_4491 = vector.extract_strided_slice %get3A_23 {offsets = [0, 2304], sizes = [1, 128], strides = [1, 1]} : vector<1x8192xf32> to vector<1x128xf32>
    %add3A_4492 = vector.broadcast %slice3A_4491 : vector<1x128xf32> to vector<128x128xf32>
    %add3A_4493 = arith.addf %slice3A_4490, %add3A_4492 : vector<128x128xf32>
    %lt3A_4494 = arith.cmpf olt, %add3A_4493, %select_n3A_4489 : vector<128x128xf32>
    %jit3A_4495 = arith.constant 18 : i32
    %broadcast_in_dim3A_4496 = vector.broadcast %jit3A_4495 : i32 to vector<128x128xi32>
    %select_n3A_4497 = arith.select %lt3A_4494, %broadcast_in_dim3A_4496, %select_n3A_4488 : vector<128x128xi1>, vector<128x128xi32>
    %select_n3A_4498 = arith.select %lt3A_4494, %add3A_4493, %select_n3A_4489 : vector<128x128xi1>, vector<128x128xf32>
    %slice3A_4499 = vector.extract_strided_slice %dot_general3A_15 {offsets = [896, 2432], sizes = [128, 128], strides = [1, 1]} : vector<1024x4096xf32> to vector<128x128xf32>
    %slice3A_4500 = vector.extract_strided_slice %get3A_23 {offsets = [0, 2432], sizes = [1, 128], strides = [1, 1]} : vector<1x8192xf32> to vector<1x128xf32>
    %add3A_4501 = vector.broadcast %slice3A_4500 : vector<1x128xf32> to vector<128x128xf32>
    %add3A_4502 = arith.addf %slice3A_4499, %add3A_4501 : vector<128x128xf32>
    %lt3A_4503 = arith.cmpf olt, %add3A_4502, %select_n3A_4498 : vector<128x128xf32>
    %jit3A_4504 = arith.constant 19 : i32
    %broadcast_in_dim3A_4505 = vector.broadcast %jit3A_4504 : i32 to vector<128x128xi32>
    %select_n3A_4506 = arith.select %lt3A_4503, %broadcast_in_dim3A_4505, %select_n3A_4497 : vector<128x128xi1>, vector<128x128xi32>
    %select_n3A_4507 = arith.select %lt3A_4503, %add3A_4502, %select_n3A_4498 : vector<128x128xi1>, vector<128x128xf32>
    %slice3A_4508 = vector.extract_strided_slice %dot_general3A_15 {offsets = [896, 2560], sizes = [128, 128], strides = [1, 1]} : vector<1024x4096xf32> to vector<128x128xf32>
    %slice3A_4509 = vector.extract_strided_slice %get3A_23 {offsets = [0, 2560], sizes = [1, 128], strides = [1, 1]} : vector<1x8192xf32> to vector<1x128xf32>
    %add3A_4510 = vector.broadcast %slice3A_4509 : vector<1x128xf32> to vector<128x128xf32>
    %add3A_4511 = arith.addf %slice3A_4508, %add3A_4510 : vector<128x128xf32>
    %lt3A_4512 = arith.cmpf olt, %add3A_4511, %select_n3A_4507 : vector<128x128xf32>
    %jit3A_4513 = arith.constant 20 : i32
    %broadcast_in_dim3A_4514 = vector.broadcast %jit3A_4513 : i32 to vector<128x128xi32>
    %select_n3A_4515 = arith.select %lt3A_4512, %broadcast_in_dim3A_4514, %select_n3A_4506 : vector<128x128xi1>, vector<128x128xi32>
    %select_n3A_4516 = arith.select %lt3A_4512, %add3A_4511, %select_n3A_4507 : vector<128x128xi1>, vector<128x128xf32>
    %slice3A_4517 = vector.extract_strided_slice %dot_general3A_15 {offsets = [896, 2688], sizes = [128, 128], strides = [1, 1]} : vector<1024x4096xf32> to vector<128x128xf32>
    %slice3A_4518 = vector.extract_strided_slice %get3A_23 {offsets = [0, 2688], sizes = [1, 128], strides = [1, 1]} : vector<1x8192xf32> to vector<1x128xf32>
    %add3A_4519 = vector.broadcast %slice3A_4518 : vector<1x128xf32> to vector<128x128xf32>
    %add3A_4520 = arith.addf %slice3A_4517, %add3A_4519 : vector<128x128xf32>
    %lt3A_4521 = arith.cmpf olt, %add3A_4520, %select_n3A_4516 : vector<128x128xf32>
    %jit3A_4522 = arith.constant 21 : i32
    %broadcast_in_dim3A_4523 = vector.broadcast %jit3A_4522 : i32 to vector<128x128xi32>
    %select_n3A_4524 = arith.select %lt3A_4521, %broadcast_in_dim3A_4523, %select_n3A_4515 : vector<128x128xi1>, vector<128x128xi32>
    %select_n3A_4525 = arith.select %lt3A_4521, %add3A_4520, %select_n3A_4516 : vector<128x128xi1>, vector<128x128xf32>
    %slice3A_4526 = vector.extract_strided_slice %dot_general3A_15 {offsets = [896, 2816], sizes = [128, 128], strides = [1, 1]} : vector<1024x4096xf32> to vector<128x128xf32>
    %slice3A_4527 = vector.extract_strided_slice %get3A_23 {offsets = [0, 2816], sizes = [1, 128], strides = [1, 1]} : vector<1x8192xf32> to vector<1x128xf32>
    %add3A_4528 = vector.broadcast %slice3A_4527 : vector<1x128xf32> to vector<128x128xf32>
    %add3A_4529 = arith.addf %slice3A_4526, %add3A_4528 : vector<128x128xf32>
    %lt3A_4530 = arith.cmpf olt, %add3A_4529, %select_n3A_4525 : vector<128x128xf32>
    %jit3A_4531 = arith.constant 22 : i32
    %broadcast_in_dim3A_4532 = vector.broadcast %jit3A_4531 : i32 to vector<128x128xi32>
    %select_n3A_4533 = arith.select %lt3A_4530, %broadcast_in_dim3A_4532, %select_n3A_4524 : vector<128x128xi1>, vector<128x128xi32>
    %select_n3A_4534 = arith.select %lt3A_4530, %add3A_4529, %select_n3A_4525 : vector<128x128xi1>, vector<128x128xf32>
    %slice3A_4535 = vector.extract_strided_slice %dot_general3A_15 {offsets = [896, 2944], sizes = [128, 128], strides = [1, 1]} : vector<1024x4096xf32> to vector<128x128xf32>
    %slice3A_4536 = vector.extract_strided_slice %get3A_23 {offsets = [0, 2944], sizes = [1, 128], strides = [1, 1]} : vector<1x8192xf32> to vector<1x128xf32>
    %add3A_4537 = vector.broadcast %slice3A_4536 : vector<1x128xf32> to vector<128x128xf32>
    %add3A_4538 = arith.addf %slice3A_4535, %add3A_4537 : vector<128x128xf32>
    %lt3A_4539 = arith.cmpf olt, %add3A_4538, %select_n3A_4534 : vector<128x128xf32>
    %jit3A_4540 = arith.constant 23 : i32
    %broadcast_in_dim3A_4541 = vector.broadcast %jit3A_4540 : i32 to vector<128x128xi32>
    %select_n3A_4542 = arith.select %lt3A_4539, %broadcast_in_dim3A_4541, %select_n3A_4533 : vector<128x128xi1>, vector<128x128xi32>
    %select_n3A_4543 = arith.select %lt3A_4539, %add3A_4538, %select_n3A_4534 : vector<128x128xi1>, vector<128x128xf32>
    %slice3A_4544 = vector.extract_strided_slice %dot_general3A_15 {offsets = [896, 3072], sizes = [128, 128], strides = [1, 1]} : vector<1024x4096xf32> to vector<128x128xf32>
    %slice3A_4545 = vector.extract_strided_slice %get3A_23 {offsets = [0, 3072], sizes = [1, 128], strides = [1, 1]} : vector<1x8192xf32> to vector<1x128xf32>
    %add3A_4546 = vector.broadcast %slice3A_4545 : vector<1x128xf32> to vector<128x128xf32>
    %add3A_4547 = arith.addf %slice3A_4544, %add3A_4546 : vector<128x128xf32>
    %lt3A_4548 = arith.cmpf olt, %add3A_4547, %select_n3A_4543 : vector<128x128xf32>
    %jit3A_4549 = arith.constant 24 : i32
    %broadcast_in_dim3A_4550 = vector.broadcast %jit3A_4549 : i32 to vector<128x128xi32>
    %select_n3A_4551 = arith.select %lt3A_4548, %broadcast_in_dim3A_4550, %select_n3A_4542 : vector<128x128xi1>, vector<128x128xi32>
    %select_n3A_4552 = arith.select %lt3A_4548, %add3A_4547, %select_n3A_4543 : vector<128x128xi1>, vector<128x128xf32>
    %slice3A_4553 = vector.extract_strided_slice %dot_general3A_15 {offsets = [896, 3200], sizes = [128, 128], strides = [1, 1]} : vector<1024x4096xf32> to vector<128x128xf32>
    %slice3A_4554 = vector.extract_strided_slice %get3A_23 {offsets = [0, 3200], sizes = [1, 128], strides = [1, 1]} : vector<1x8192xf32> to vector<1x128xf32>
    %add3A_4555 = vector.broadcast %slice3A_4554 : vector<1x128xf32> to vector<128x128xf32>
    %add3A_4556 = arith.addf %slice3A_4553, %add3A_4555 : vector<128x128xf32>
    %lt3A_4557 = arith.cmpf olt, %add3A_4556, %select_n3A_4552 : vector<128x128xf32>
    %jit3A_4558 = arith.constant 25 : i32
    %broadcast_in_dim3A_4559 = vector.broadcast %jit3A_4558 : i32 to vector<128x128xi32>
    %select_n3A_4560 = arith.select %lt3A_4557, %broadcast_in_dim3A_4559, %select_n3A_4551 : vector<128x128xi1>, vector<128x128xi32>
    %select_n3A_4561 = arith.select %lt3A_4557, %add3A_4556, %select_n3A_4552 : vector<128x128xi1>, vector<128x128xf32>
    %slice3A_4562 = vector.extract_strided_slice %dot_general3A_15 {offsets = [896, 3328], sizes = [128, 128], strides = [1, 1]} : vector<1024x4096xf32> to vector<128x128xf32>
    %slice3A_4563 = vector.extract_strided_slice %get3A_23 {offsets = [0, 3328], sizes = [1, 128], strides = [1, 1]} : vector<1x8192xf32> to vector<1x128xf32>
    %add3A_4564 = vector.broadcast %slice3A_4563 : vector<1x128xf32> to vector<128x128xf32>
    %add3A_4565 = arith.addf %slice3A_4562, %add3A_4564 : vector<128x128xf32>
    %lt3A_4566 = arith.cmpf olt, %add3A_4565, %select_n3A_4561 : vector<128x128xf32>
    %jit3A_4567 = arith.constant 26 : i32
    %broadcast_in_dim3A_4568 = vector.broadcast %jit3A_4567 : i32 to vector<128x128xi32>
    %select_n3A_4569 = arith.select %lt3A_4566, %broadcast_in_dim3A_4568, %select_n3A_4560 : vector<128x128xi1>, vector<128x128xi32>
    %select_n3A_4570 = arith.select %lt3A_4566, %add3A_4565, %select_n3A_4561 : vector<128x128xi1>, vector<128x128xf32>
    %slice3A_4571 = vector.extract_strided_slice %dot_general3A_15 {offsets = [896, 3456], sizes = [128, 128], strides = [1, 1]} : vector<1024x4096xf32> to vector<128x128xf32>
    %slice3A_4572 = vector.extract_strided_slice %get3A_23 {offsets = [0, 3456], sizes = [1, 128], strides = [1, 1]} : vector<1x8192xf32> to vector<1x128xf32>
    %add3A_4573 = vector.broadcast %slice3A_4572 : vector<1x128xf32> to vector<128x128xf32>
    %add3A_4574 = arith.addf %slice3A_4571, %add3A_4573 : vector<128x128xf32>
    %lt3A_4575 = arith.cmpf olt, %add3A_4574, %select_n3A_4570 : vector<128x128xf32>
    %jit3A_4576 = arith.constant 27 : i32
    %broadcast_in_dim3A_4577 = vector.broadcast %jit3A_4576 : i32 to vector<128x128xi32>
    %select_n3A_4578 = arith.select %lt3A_4575, %broadcast_in_dim3A_4577, %select_n3A_4569 : vector<128x128xi1>, vector<128x128xi32>
    %select_n3A_4579 = arith.select %lt3A_4575, %add3A_4574, %select_n3A_4570 : vector<128x128xi1>, vector<128x128xf32>
    %slice3A_4580 = vector.extract_strided_slice %dot_general3A_15 {offsets = [896, 3584], sizes = [128, 128], strides = [1, 1]} : vector<1024x4096xf32> to vector<128x128xf32>
    %slice3A_4581 = vector.extract_strided_slice %get3A_23 {offsets = [0, 3584], sizes = [1, 128], strides = [1, 1]} : vector<1x8192xf32> to vector<1x128xf32>
    %add3A_4582 = vector.broadcast %slice3A_4581 : vector<1x128xf32> to vector<128x128xf32>
    %add3A_4583 = arith.addf %slice3A_4580, %add3A_4582 : vector<128x128xf32>
    %lt3A_4584 = arith.cmpf olt, %add3A_4583, %select_n3A_4579 : vector<128x128xf32>
    %jit3A_4585 = arith.constant 28 : i32
    %broadcast_in_dim3A_4586 = vector.broadcast %jit3A_4585 : i32 to vector<128x128xi32>
    %select_n3A_4587 = arith.select %lt3A_4584, %broadcast_in_dim3A_4586, %select_n3A_4578 : vector<128x128xi1>, vector<128x128xi32>
    %select_n3A_4588 = arith.select %lt3A_4584, %add3A_4583, %select_n3A_4579 : vector<128x128xi1>, vector<128x128xf32>
    %slice3A_4589 = vector.extract_strided_slice %dot_general3A_15 {offsets = [896, 3712], sizes = [128, 128], strides = [1, 1]} : vector<1024x4096xf32> to vector<128x128xf32>
    %slice3A_4590 = vector.extract_strided_slice %get3A_23 {offsets = [0, 3712], sizes = [1, 128], strides = [1, 1]} : vector<1x8192xf32> to vector<1x128xf32>
    %add3A_4591 = vector.broadcast %slice3A_4590 : vector<1x128xf32> to vector<128x128xf32>
    %add3A_4592 = arith.addf %slice3A_4589, %add3A_4591 : vector<128x128xf32>
    %lt3A_4593 = arith.cmpf olt, %add3A_4592, %select_n3A_4588 : vector<128x128xf32>
    %jit3A_4594 = arith.constant 29 : i32
    %broadcast_in_dim3A_4595 = vector.broadcast %jit3A_4594 : i32 to vector<128x128xi32>
    %select_n3A_4596 = arith.select %lt3A_4593, %broadcast_in_dim3A_4595, %select_n3A_4587 : vector<128x128xi1>, vector<128x128xi32>
    %select_n3A_4597 = arith.select %lt3A_4593, %add3A_4592, %select_n3A_4588 : vector<128x128xi1>, vector<128x128xf32>
    %slice3A_4598 = vector.extract_strided_slice %dot_general3A_15 {offsets = [896, 3840], sizes = [128, 128], strides = [1, 1]} : vector<1024x4096xf32> to vector<128x128xf32>
    %slice3A_4599 = vector.extract_strided_slice %get3A_23 {offsets = [0, 3840], sizes = [1, 128], strides = [1, 1]} : vector<1x8192xf32> to vector<1x128xf32>
    %add3A_4600 = vector.broadcast %slice3A_4599 : vector<1x128xf32> to vector<128x128xf32>
    %add3A_4601 = arith.addf %slice3A_4598, %add3A_4600 : vector<128x128xf32>
    %lt3A_4602 = arith.cmpf olt, %add3A_4601, %select_n3A_4597 : vector<128x128xf32>
    %jit3A_4603 = arith.constant 30 : i32
    %broadcast_in_dim3A_4604 = vector.broadcast %jit3A_4603 : i32 to vector<128x128xi32>
    %select_n3A_4605 = arith.select %lt3A_4602, %broadcast_in_dim3A_4604, %select_n3A_4596 : vector<128x128xi1>, vector<128x128xi32>
    %select_n3A_4606 = arith.select %lt3A_4602, %add3A_4601, %select_n3A_4597 : vector<128x128xi1>, vector<128x128xf32>
    %slice3A_4607 = vector.extract_strided_slice %dot_general3A_15 {offsets = [896, 3968], sizes = [128, 128], strides = [1, 1]} : vector<1024x4096xf32> to vector<128x128xf32>
    %slice3A_4608 = vector.extract_strided_slice %get3A_23 {offsets = [0, 3968], sizes = [1, 128], strides = [1, 1]} : vector<1x8192xf32> to vector<1x128xf32>
    %add3A_4609 = vector.broadcast %slice3A_4608 : vector<1x128xf32> to vector<128x128xf32>
    %add3A_4610 = arith.addf %slice3A_4607, %add3A_4609 : vector<128x128xf32>
    %lt3A_4611 = arith.cmpf olt, %add3A_4610, %select_n3A_4606 : vector<128x128xf32>
    %jit3A_4612 = arith.constant 31 : i32
    %broadcast_in_dim3A_4613 = vector.broadcast %jit3A_4612 : i32 to vector<128x128xi32>
    %select_n3A_4614 = arith.select %lt3A_4611, %broadcast_in_dim3A_4613, %select_n3A_4605 : vector<128x128xi1>, vector<128x128xi32>
    %select_n3A_4615 = arith.select %lt3A_4611, %add3A_4610, %select_n3A_4606 : vector<128x128xi1>, vector<128x128xf32>
    %reduce_min3A_4616 = arith.constant dense<0x7F800000> : vector<128xf32>
    %reduce_min3A_4617 = vector.multi_reduction <minimumf>, %select_n3A_4615, %reduce_min3A_4616 [1] : vector<128x128xf32> to vector<128xf32>
    %broadcast_in_dim3A_4618 = vector.shape_cast %reduce_min3A_4617 : vector<128xf32> to vector<128x1xf32>
    %mul3A_4619 = arith.constant 128 : i32
    %mul3A_4620 = vector.broadcast %mul3A_4619 : i32 to vector<128x128xi32>
    %mul3A_4621 = arith.muli %select_n3A_4614, %mul3A_4620 : vector<128x128xi32>
    %add3A_4622 = arith.addi %mul3A_4621, %iota3A : vector<128x128xi32>
    %eq3A_4623 = vector.broadcast %broadcast_in_dim3A_4618 : vector<128x1xf32> to vector<128x128xf32>
    %eq3A_4624 = arith.cmpf oeq, %select_n3A_4615, %eq3A_4623 : vector<128x128xf32>
    %jit3A_4625 = arith.constant 8192 : i32
    %broadcast_in_dim3A_4626 = vector.broadcast %jit3A_4625 : i32 to vector<128x128xi32>
    %select_n3A_4627 = arith.select %eq3A_4624, %add3A_4622, %broadcast_in_dim3A_4626 : vector<128x128xi1>, vector<128x128xi32>
    %reduce_min3A_4628 = arith.constant dense<2147483647> : vector<128xi32>
    %reduce_min3A_4629 = vector.multi_reduction <minsi>, %select_n3A_4627, %reduce_min3A_4628 [1] : vector<128x128xi32> to vector<128xi32>
    %squeeze3A_4630 = vector.shape_cast %broadcast_in_dim3A_4618 : vector<128x1xf32> to vector<128xf32>
    %slice3A_4631 = vector.extract_strided_slice %dot_general3A_18 {offsets = [896, 0], sizes = [128, 128], strides = [1, 1]} : vector<1024x4096xf32> to vector<128x128xf32>
    %slice3A_4632 = vector.extract_strided_slice %get3A_23 {offsets = [0, 4096], sizes = [1, 128], strides = [1, 1]} : vector<1x8192xf32> to vector<1x128xf32>
    %add3A_4633 = vector.broadcast %slice3A_4632 : vector<1x128xf32> to vector<128x128xf32>
    %add3A_4634 = arith.addf %slice3A_4631, %add3A_4633 : vector<128x128xf32>
    %broadcast_in_dim3A_4635 = arith.constant 0 : i32
    %broadcast_in_dim3A_4636 = vector.broadcast %broadcast_in_dim3A_4635 : i32 to vector<128x128xi32>
    %slice3A_4637 = vector.extract_strided_slice %dot_general3A_18 {offsets = [896, 128], sizes = [128, 128], strides = [1, 1]} : vector<1024x4096xf32> to vector<128x128xf32>
    %slice3A_4638 = vector.extract_strided_slice %get3A_23 {offsets = [0, 4224], sizes = [1, 128], strides = [1, 1]} : vector<1x8192xf32> to vector<1x128xf32>
    %add3A_4639 = vector.broadcast %slice3A_4638 : vector<1x128xf32> to vector<128x128xf32>
    %add3A_4640 = arith.addf %slice3A_4637, %add3A_4639 : vector<128x128xf32>
    %lt3A_4641 = arith.cmpf olt, %add3A_4640, %add3A_4634 : vector<128x128xf32>
    %jit3A_4642 = arith.constant 1 : i32
    %broadcast_in_dim3A_4643 = vector.broadcast %jit3A_4642 : i32 to vector<128x128xi32>
    %select_n3A_4644 = arith.select %lt3A_4641, %broadcast_in_dim3A_4643, %broadcast_in_dim3A_4636 : vector<128x128xi1>, vector<128x128xi32>
    %select_n3A_4645 = arith.select %lt3A_4641, %add3A_4640, %add3A_4634 : vector<128x128xi1>, vector<128x128xf32>
    %slice3A_4646 = vector.extract_strided_slice %dot_general3A_18 {offsets = [896, 256], sizes = [128, 128], strides = [1, 1]} : vector<1024x4096xf32> to vector<128x128xf32>
    %slice3A_4647 = vector.extract_strided_slice %get3A_23 {offsets = [0, 4352], sizes = [1, 128], strides = [1, 1]} : vector<1x8192xf32> to vector<1x128xf32>
    %add3A_4648 = vector.broadcast %slice3A_4647 : vector<1x128xf32> to vector<128x128xf32>
    %add3A_4649 = arith.addf %slice3A_4646, %add3A_4648 : vector<128x128xf32>
    %lt3A_4650 = arith.cmpf olt, %add3A_4649, %select_n3A_4645 : vector<128x128xf32>
    %jit3A_4651 = arith.constant 2 : i32
    %broadcast_in_dim3A_4652 = vector.broadcast %jit3A_4651 : i32 to vector<128x128xi32>
    %select_n3A_4653 = arith.select %lt3A_4650, %broadcast_in_dim3A_4652, %select_n3A_4644 : vector<128x128xi1>, vector<128x128xi32>
    %select_n3A_4654 = arith.select %lt3A_4650, %add3A_4649, %select_n3A_4645 : vector<128x128xi1>, vector<128x128xf32>
    %slice3A_4655 = vector.extract_strided_slice %dot_general3A_18 {offsets = [896, 384], sizes = [128, 128], strides = [1, 1]} : vector<1024x4096xf32> to vector<128x128xf32>
    %slice3A_4656 = vector.extract_strided_slice %get3A_23 {offsets = [0, 4480], sizes = [1, 128], strides = [1, 1]} : vector<1x8192xf32> to vector<1x128xf32>
    %add3A_4657 = vector.broadcast %slice3A_4656 : vector<1x128xf32> to vector<128x128xf32>
    %add3A_4658 = arith.addf %slice3A_4655, %add3A_4657 : vector<128x128xf32>
    %lt3A_4659 = arith.cmpf olt, %add3A_4658, %select_n3A_4654 : vector<128x128xf32>
    %jit3A_4660 = arith.constant 3 : i32
    %broadcast_in_dim3A_4661 = vector.broadcast %jit3A_4660 : i32 to vector<128x128xi32>
    %select_n3A_4662 = arith.select %lt3A_4659, %broadcast_in_dim3A_4661, %select_n3A_4653 : vector<128x128xi1>, vector<128x128xi32>
    %select_n3A_4663 = arith.select %lt3A_4659, %add3A_4658, %select_n3A_4654 : vector<128x128xi1>, vector<128x128xf32>
    %slice3A_4664 = vector.extract_strided_slice %dot_general3A_18 {offsets = [896, 512], sizes = [128, 128], strides = [1, 1]} : vector<1024x4096xf32> to vector<128x128xf32>
    %slice3A_4665 = vector.extract_strided_slice %get3A_23 {offsets = [0, 4608], sizes = [1, 128], strides = [1, 1]} : vector<1x8192xf32> to vector<1x128xf32>
    %add3A_4666 = vector.broadcast %slice3A_4665 : vector<1x128xf32> to vector<128x128xf32>
    %add3A_4667 = arith.addf %slice3A_4664, %add3A_4666 : vector<128x128xf32>
    %lt3A_4668 = arith.cmpf olt, %add3A_4667, %select_n3A_4663 : vector<128x128xf32>
    %jit3A_4669 = arith.constant 4 : i32
    %broadcast_in_dim3A_4670 = vector.broadcast %jit3A_4669 : i32 to vector<128x128xi32>
    %select_n3A_4671 = arith.select %lt3A_4668, %broadcast_in_dim3A_4670, %select_n3A_4662 : vector<128x128xi1>, vector<128x128xi32>
    %select_n3A_4672 = arith.select %lt3A_4668, %add3A_4667, %select_n3A_4663 : vector<128x128xi1>, vector<128x128xf32>
    %slice3A_4673 = vector.extract_strided_slice %dot_general3A_18 {offsets = [896, 640], sizes = [128, 128], strides = [1, 1]} : vector<1024x4096xf32> to vector<128x128xf32>
    %slice3A_4674 = vector.extract_strided_slice %get3A_23 {offsets = [0, 4736], sizes = [1, 128], strides = [1, 1]} : vector<1x8192xf32> to vector<1x128xf32>
    %add3A_4675 = vector.broadcast %slice3A_4674 : vector<1x128xf32> to vector<128x128xf32>
    %add3A_4676 = arith.addf %slice3A_4673, %add3A_4675 : vector<128x128xf32>
    %lt3A_4677 = arith.cmpf olt, %add3A_4676, %select_n3A_4672 : vector<128x128xf32>
    %jit3A_4678 = arith.constant 5 : i32
    %broadcast_in_dim3A_4679 = vector.broadcast %jit3A_4678 : i32 to vector<128x128xi32>
    %select_n3A_4680 = arith.select %lt3A_4677, %broadcast_in_dim3A_4679, %select_n3A_4671 : vector<128x128xi1>, vector<128x128xi32>
    %select_n3A_4681 = arith.select %lt3A_4677, %add3A_4676, %select_n3A_4672 : vector<128x128xi1>, vector<128x128xf32>
    %slice3A_4682 = vector.extract_strided_slice %dot_general3A_18 {offsets = [896, 768], sizes = [128, 128], strides = [1, 1]} : vector<1024x4096xf32> to vector<128x128xf32>
    %slice3A_4683 = vector.extract_strided_slice %get3A_23 {offsets = [0, 4864], sizes = [1, 128], strides = [1, 1]} : vector<1x8192xf32> to vector<1x128xf32>
    %add3A_4684 = vector.broadcast %slice3A_4683 : vector<1x128xf32> to vector<128x128xf32>
    %add3A_4685 = arith.addf %slice3A_4682, %add3A_4684 : vector<128x128xf32>
    %lt3A_4686 = arith.cmpf olt, %add3A_4685, %select_n3A_4681 : vector<128x128xf32>
    %jit3A_4687 = arith.constant 6 : i32
    %broadcast_in_dim3A_4688 = vector.broadcast %jit3A_4687 : i32 to vector<128x128xi32>
    %select_n3A_4689 = arith.select %lt3A_4686, %broadcast_in_dim3A_4688, %select_n3A_4680 : vector<128x128xi1>, vector<128x128xi32>
    %select_n3A_4690 = arith.select %lt3A_4686, %add3A_4685, %select_n3A_4681 : vector<128x128xi1>, vector<128x128xf32>
    %slice3A_4691 = vector.extract_strided_slice %dot_general3A_18 {offsets = [896, 896], sizes = [128, 128], strides = [1, 1]} : vector<1024x4096xf32> to vector<128x128xf32>
    %slice3A_4692 = vector.extract_strided_slice %get3A_23 {offsets = [0, 4992], sizes = [1, 128], strides = [1, 1]} : vector<1x8192xf32> to vector<1x128xf32>
    %add3A_4693 = vector.broadcast %slice3A_4692 : vector<1x128xf32> to vector<128x128xf32>
    %add3A_4694 = arith.addf %slice3A_4691, %add3A_4693 : vector<128x128xf32>
    %lt3A_4695 = arith.cmpf olt, %add3A_4694, %select_n3A_4690 : vector<128x128xf32>
    %jit3A_4696 = arith.constant 7 : i32
    %broadcast_in_dim3A_4697 = vector.broadcast %jit3A_4696 : i32 to vector<128x128xi32>
    %select_n3A_4698 = arith.select %lt3A_4695, %broadcast_in_dim3A_4697, %select_n3A_4689 : vector<128x128xi1>, vector<128x128xi32>
    %select_n3A_4699 = arith.select %lt3A_4695, %add3A_4694, %select_n3A_4690 : vector<128x128xi1>, vector<128x128xf32>
    %slice3A_4700 = vector.extract_strided_slice %dot_general3A_18 {offsets = [896, 1024], sizes = [128, 128], strides = [1, 1]} : vector<1024x4096xf32> to vector<128x128xf32>
    %slice3A_4701 = vector.extract_strided_slice %get3A_23 {offsets = [0, 5120], sizes = [1, 128], strides = [1, 1]} : vector<1x8192xf32> to vector<1x128xf32>
    %add3A_4702 = vector.broadcast %slice3A_4701 : vector<1x128xf32> to vector<128x128xf32>
    %add3A_4703 = arith.addf %slice3A_4700, %add3A_4702 : vector<128x128xf32>
    %lt3A_4704 = arith.cmpf olt, %add3A_4703, %select_n3A_4699 : vector<128x128xf32>
    %jit3A_4705 = arith.constant 8 : i32
    %broadcast_in_dim3A_4706 = vector.broadcast %jit3A_4705 : i32 to vector<128x128xi32>
    %select_n3A_4707 = arith.select %lt3A_4704, %broadcast_in_dim3A_4706, %select_n3A_4698 : vector<128x128xi1>, vector<128x128xi32>
    %select_n3A_4708 = arith.select %lt3A_4704, %add3A_4703, %select_n3A_4699 : vector<128x128xi1>, vector<128x128xf32>
    %slice3A_4709 = vector.extract_strided_slice %dot_general3A_18 {offsets = [896, 1152], sizes = [128, 128], strides = [1, 1]} : vector<1024x4096xf32> to vector<128x128xf32>
    %slice3A_4710 = vector.extract_strided_slice %get3A_23 {offsets = [0, 5248], sizes = [1, 128], strides = [1, 1]} : vector<1x8192xf32> to vector<1x128xf32>
    %add3A_4711 = vector.broadcast %slice3A_4710 : vector<1x128xf32> to vector<128x128xf32>
    %add3A_4712 = arith.addf %slice3A_4709, %add3A_4711 : vector<128x128xf32>
    %lt3A_4713 = arith.cmpf olt, %add3A_4712, %select_n3A_4708 : vector<128x128xf32>
    %jit3A_4714 = arith.constant 9 : i32
    %broadcast_in_dim3A_4715 = vector.broadcast %jit3A_4714 : i32 to vector<128x128xi32>
    %select_n3A_4716 = arith.select %lt3A_4713, %broadcast_in_dim3A_4715, %select_n3A_4707 : vector<128x128xi1>, vector<128x128xi32>
    %select_n3A_4717 = arith.select %lt3A_4713, %add3A_4712, %select_n3A_4708 : vector<128x128xi1>, vector<128x128xf32>
    %slice3A_4718 = vector.extract_strided_slice %dot_general3A_18 {offsets = [896, 1280], sizes = [128, 128], strides = [1, 1]} : vector<1024x4096xf32> to vector<128x128xf32>
    %slice3A_4719 = vector.extract_strided_slice %get3A_23 {offsets = [0, 5376], sizes = [1, 128], strides = [1, 1]} : vector<1x8192xf32> to vector<1x128xf32>
    %add3A_4720 = vector.broadcast %slice3A_4719 : vector<1x128xf32> to vector<128x128xf32>
    %add3A_4721 = arith.addf %slice3A_4718, %add3A_4720 : vector<128x128xf32>
    %lt3A_4722 = arith.cmpf olt, %add3A_4721, %select_n3A_4717 : vector<128x128xf32>
    %jit3A_4723 = arith.constant 10 : i32
    %broadcast_in_dim3A_4724 = vector.broadcast %jit3A_4723 : i32 to vector<128x128xi32>
    %select_n3A_4725 = arith.select %lt3A_4722, %broadcast_in_dim3A_4724, %select_n3A_4716 : vector<128x128xi1>, vector<128x128xi32>
    %select_n3A_4726 = arith.select %lt3A_4722, %add3A_4721, %select_n3A_4717 : vector<128x128xi1>, vector<128x128xf32>
    %slice3A_4727 = vector.extract_strided_slice %dot_general3A_18 {offsets = [896, 1408], sizes = [128, 128], strides = [1, 1]} : vector<1024x4096xf32> to vector<128x128xf32>
    %slice3A_4728 = vector.extract_strided_slice %get3A_23 {offsets = [0, 5504], sizes = [1, 128], strides = [1, 1]} : vector<1x8192xf32> to vector<1x128xf32>
    %add3A_4729 = vector.broadcast %slice3A_4728 : vector<1x128xf32> to vector<128x128xf32>
    %add3A_4730 = arith.addf %slice3A_4727, %add3A_4729 : vector<128x128xf32>
    %lt3A_4731 = arith.cmpf olt, %add3A_4730, %select_n3A_4726 : vector<128x128xf32>
    %jit3A_4732 = arith.constant 11 : i32
    %broadcast_in_dim3A_4733 = vector.broadcast %jit3A_4732 : i32 to vector<128x128xi32>
    %select_n3A_4734 = arith.select %lt3A_4731, %broadcast_in_dim3A_4733, %select_n3A_4725 : vector<128x128xi1>, vector<128x128xi32>
    %select_n3A_4735 = arith.select %lt3A_4731, %add3A_4730, %select_n3A_4726 : vector<128x128xi1>, vector<128x128xf32>
    %slice3A_4736 = vector.extract_strided_slice %dot_general3A_18 {offsets = [896, 1536], sizes = [128, 128], strides = [1, 1]} : vector<1024x4096xf32> to vector<128x128xf32>
    %slice3A_4737 = vector.extract_strided_slice %get3A_23 {offsets = [0, 5632], sizes = [1, 128], strides = [1, 1]} : vector<1x8192xf32> to vector<1x128xf32>
    %add3A_4738 = vector.broadcast %slice3A_4737 : vector<1x128xf32> to vector<128x128xf32>
    %add3A_4739 = arith.addf %slice3A_4736, %add3A_4738 : vector<128x128xf32>
    %lt3A_4740 = arith.cmpf olt, %add3A_4739, %select_n3A_4735 : vector<128x128xf32>
    %jit3A_4741 = arith.constant 12 : i32
    %broadcast_in_dim3A_4742 = vector.broadcast %jit3A_4741 : i32 to vector<128x128xi32>
    %select_n3A_4743 = arith.select %lt3A_4740, %broadcast_in_dim3A_4742, %select_n3A_4734 : vector<128x128xi1>, vector<128x128xi32>
    %select_n3A_4744 = arith.select %lt3A_4740, %add3A_4739, %select_n3A_4735 : vector<128x128xi1>, vector<128x128xf32>
    %slice3A_4745 = vector.extract_strided_slice %dot_general3A_18 {offsets = [896, 1664], sizes = [128, 128], strides = [1, 1]} : vector<1024x4096xf32> to vector<128x128xf32>
    %slice3A_4746 = vector.extract_strided_slice %get3A_23 {offsets = [0, 5760], sizes = [1, 128], strides = [1, 1]} : vector<1x8192xf32> to vector<1x128xf32>
    %add3A_4747 = vector.broadcast %slice3A_4746 : vector<1x128xf32> to vector<128x128xf32>
    %add3A_4748 = arith.addf %slice3A_4745, %add3A_4747 : vector<128x128xf32>
    %lt3A_4749 = arith.cmpf olt, %add3A_4748, %select_n3A_4744 : vector<128x128xf32>
    %jit3A_4750 = arith.constant 13 : i32
    %broadcast_in_dim3A_4751 = vector.broadcast %jit3A_4750 : i32 to vector<128x128xi32>
    %select_n3A_4752 = arith.select %lt3A_4749, %broadcast_in_dim3A_4751, %select_n3A_4743 : vector<128x128xi1>, vector<128x128xi32>
    %select_n3A_4753 = arith.select %lt3A_4749, %add3A_4748, %select_n3A_4744 : vector<128x128xi1>, vector<128x128xf32>
    %slice3A_4754 = vector.extract_strided_slice %dot_general3A_18 {offsets = [896, 1792], sizes = [128, 128], strides = [1, 1]} : vector<1024x4096xf32> to vector<128x128xf32>
    %slice3A_4755 = vector.extract_strided_slice %get3A_23 {offsets = [0, 5888], sizes = [1, 128], strides = [1, 1]} : vector<1x8192xf32> to vector<1x128xf32>
    %add3A_4756 = vector.broadcast %slice3A_4755 : vector<1x128xf32> to vector<128x128xf32>
    %add3A_4757 = arith.addf %slice3A_4754, %add3A_4756 : vector<128x128xf32>
    %lt3A_4758 = arith.cmpf olt, %add3A_4757, %select_n3A_4753 : vector<128x128xf32>
    %jit3A_4759 = arith.constant 14 : i32
    %broadcast_in_dim3A_4760 = vector.broadcast %jit3A_4759 : i32 to vector<128x128xi32>
    %select_n3A_4761 = arith.select %lt3A_4758, %broadcast_in_dim3A_4760, %select_n3A_4752 : vector<128x128xi1>, vector<128x128xi32>
    %select_n3A_4762 = arith.select %lt3A_4758, %add3A_4757, %select_n3A_4753 : vector<128x128xi1>, vector<128x128xf32>
    %slice3A_4763 = vector.extract_strided_slice %dot_general3A_18 {offsets = [896, 1920], sizes = [128, 128], strides = [1, 1]} : vector<1024x4096xf32> to vector<128x128xf32>
    %slice3A_4764 = vector.extract_strided_slice %get3A_23 {offsets = [0, 6016], sizes = [1, 128], strides = [1, 1]} : vector<1x8192xf32> to vector<1x128xf32>
    %add3A_4765 = vector.broadcast %slice3A_4764 : vector<1x128xf32> to vector<128x128xf32>
    %add3A_4766 = arith.addf %slice3A_4763, %add3A_4765 : vector<128x128xf32>
    %lt3A_4767 = arith.cmpf olt, %add3A_4766, %select_n3A_4762 : vector<128x128xf32>
    %jit3A_4768 = arith.constant 15 : i32
    %broadcast_in_dim3A_4769 = vector.broadcast %jit3A_4768 : i32 to vector<128x128xi32>
    %select_n3A_4770 = arith.select %lt3A_4767, %broadcast_in_dim3A_4769, %select_n3A_4761 : vector<128x128xi1>, vector<128x128xi32>
    %select_n3A_4771 = arith.select %lt3A_4767, %add3A_4766, %select_n3A_4762 : vector<128x128xi1>, vector<128x128xf32>
    %slice3A_4772 = vector.extract_strided_slice %dot_general3A_18 {offsets = [896, 2048], sizes = [128, 128], strides = [1, 1]} : vector<1024x4096xf32> to vector<128x128xf32>
    %slice3A_4773 = vector.extract_strided_slice %get3A_23 {offsets = [0, 6144], sizes = [1, 128], strides = [1, 1]} : vector<1x8192xf32> to vector<1x128xf32>
    %add3A_4774 = vector.broadcast %slice3A_4773 : vector<1x128xf32> to vector<128x128xf32>
    %add3A_4775 = arith.addf %slice3A_4772, %add3A_4774 : vector<128x128xf32>
    %lt3A_4776 = arith.cmpf olt, %add3A_4775, %select_n3A_4771 : vector<128x128xf32>
    %jit3A_4777 = arith.constant 16 : i32
    %broadcast_in_dim3A_4778 = vector.broadcast %jit3A_4777 : i32 to vector<128x128xi32>
    %select_n3A_4779 = arith.select %lt3A_4776, %broadcast_in_dim3A_4778, %select_n3A_4770 : vector<128x128xi1>, vector<128x128xi32>
    %select_n3A_4780 = arith.select %lt3A_4776, %add3A_4775, %select_n3A_4771 : vector<128x128xi1>, vector<128x128xf32>
    %slice3A_4781 = vector.extract_strided_slice %dot_general3A_18 {offsets = [896, 2176], sizes = [128, 128], strides = [1, 1]} : vector<1024x4096xf32> to vector<128x128xf32>
    %slice3A_4782 = vector.extract_strided_slice %get3A_23 {offsets = [0, 6272], sizes = [1, 128], strides = [1, 1]} : vector<1x8192xf32> to vector<1x128xf32>
    %add3A_4783 = vector.broadcast %slice3A_4782 : vector<1x128xf32> to vector<128x128xf32>
    %add3A_4784 = arith.addf %slice3A_4781, %add3A_4783 : vector<128x128xf32>
    %lt3A_4785 = arith.cmpf olt, %add3A_4784, %select_n3A_4780 : vector<128x128xf32>
    %jit3A_4786 = arith.constant 17 : i32
    %broadcast_in_dim3A_4787 = vector.broadcast %jit3A_4786 : i32 to vector<128x128xi32>
    %select_n3A_4788 = arith.select %lt3A_4785, %broadcast_in_dim3A_4787, %select_n3A_4779 : vector<128x128xi1>, vector<128x128xi32>
    %select_n3A_4789 = arith.select %lt3A_4785, %add3A_4784, %select_n3A_4780 : vector<128x128xi1>, vector<128x128xf32>
    %slice3A_4790 = vector.extract_strided_slice %dot_general3A_18 {offsets = [896, 2304], sizes = [128, 128], strides = [1, 1]} : vector<1024x4096xf32> to vector<128x128xf32>
    %slice3A_4791 = vector.extract_strided_slice %get3A_23 {offsets = [0, 6400], sizes = [1, 128], strides = [1, 1]} : vector<1x8192xf32> to vector<1x128xf32>
    %add3A_4792 = vector.broadcast %slice3A_4791 : vector<1x128xf32> to vector<128x128xf32>
    %add3A_4793 = arith.addf %slice3A_4790, %add3A_4792 : vector<128x128xf32>
    %lt3A_4794 = arith.cmpf olt, %add3A_4793, %select_n3A_4789 : vector<128x128xf32>
    %jit3A_4795 = arith.constant 18 : i32
    %broadcast_in_dim3A_4796 = vector.broadcast %jit3A_4795 : i32 to vector<128x128xi32>
    %select_n3A_4797 = arith.select %lt3A_4794, %broadcast_in_dim3A_4796, %select_n3A_4788 : vector<128x128xi1>, vector<128x128xi32>
    %select_n3A_4798 = arith.select %lt3A_4794, %add3A_4793, %select_n3A_4789 : vector<128x128xi1>, vector<128x128xf32>
    %slice3A_4799 = vector.extract_strided_slice %dot_general3A_18 {offsets = [896, 2432], sizes = [128, 128], strides = [1, 1]} : vector<1024x4096xf32> to vector<128x128xf32>
    %slice3A_4800 = vector.extract_strided_slice %get3A_23 {offsets = [0, 6528], sizes = [1, 128], strides = [1, 1]} : vector<1x8192xf32> to vector<1x128xf32>
    %add3A_4801 = vector.broadcast %slice3A_4800 : vector<1x128xf32> to vector<128x128xf32>
    %add3A_4802 = arith.addf %slice3A_4799, %add3A_4801 : vector<128x128xf32>
    %lt3A_4803 = arith.cmpf olt, %add3A_4802, %select_n3A_4798 : vector<128x128xf32>
    %jit3A_4804 = arith.constant 19 : i32
    %broadcast_in_dim3A_4805 = vector.broadcast %jit3A_4804 : i32 to vector<128x128xi32>
    %select_n3A_4806 = arith.select %lt3A_4803, %broadcast_in_dim3A_4805, %select_n3A_4797 : vector<128x128xi1>, vector<128x128xi32>
    %select_n3A_4807 = arith.select %lt3A_4803, %add3A_4802, %select_n3A_4798 : vector<128x128xi1>, vector<128x128xf32>
    %slice3A_4808 = vector.extract_strided_slice %dot_general3A_18 {offsets = [896, 2560], sizes = [128, 128], strides = [1, 1]} : vector<1024x4096xf32> to vector<128x128xf32>
    %slice3A_4809 = vector.extract_strided_slice %get3A_23 {offsets = [0, 6656], sizes = [1, 128], strides = [1, 1]} : vector<1x8192xf32> to vector<1x128xf32>
    %add3A_4810 = vector.broadcast %slice3A_4809 : vector<1x128xf32> to vector<128x128xf32>
    %add3A_4811 = arith.addf %slice3A_4808, %add3A_4810 : vector<128x128xf32>
    %lt3A_4812 = arith.cmpf olt, %add3A_4811, %select_n3A_4807 : vector<128x128xf32>
    %jit3A_4813 = arith.constant 20 : i32
    %broadcast_in_dim3A_4814 = vector.broadcast %jit3A_4813 : i32 to vector<128x128xi32>
    %select_n3A_4815 = arith.select %lt3A_4812, %broadcast_in_dim3A_4814, %select_n3A_4806 : vector<128x128xi1>, vector<128x128xi32>
    %select_n3A_4816 = arith.select %lt3A_4812, %add3A_4811, %select_n3A_4807 : vector<128x128xi1>, vector<128x128xf32>
    %slice3A_4817 = vector.extract_strided_slice %dot_general3A_18 {offsets = [896, 2688], sizes = [128, 128], strides = [1, 1]} : vector<1024x4096xf32> to vector<128x128xf32>
    %slice3A_4818 = vector.extract_strided_slice %get3A_23 {offsets = [0, 6784], sizes = [1, 128], strides = [1, 1]} : vector<1x8192xf32> to vector<1x128xf32>
    %add3A_4819 = vector.broadcast %slice3A_4818 : vector<1x128xf32> to vector<128x128xf32>
    %add3A_4820 = arith.addf %slice3A_4817, %add3A_4819 : vector<128x128xf32>
    %lt3A_4821 = arith.cmpf olt, %add3A_4820, %select_n3A_4816 : vector<128x128xf32>
    %jit3A_4822 = arith.constant 21 : i32
    %broadcast_in_dim3A_4823 = vector.broadcast %jit3A_4822 : i32 to vector<128x128xi32>
    %select_n3A_4824 = arith.select %lt3A_4821, %broadcast_in_dim3A_4823, %select_n3A_4815 : vector<128x128xi1>, vector<128x128xi32>
    %select_n3A_4825 = arith.select %lt3A_4821, %add3A_4820, %select_n3A_4816 : vector<128x128xi1>, vector<128x128xf32>
    %slice3A_4826 = vector.extract_strided_slice %dot_general3A_18 {offsets = [896, 2816], sizes = [128, 128], strides = [1, 1]} : vector<1024x4096xf32> to vector<128x128xf32>
    %slice3A_4827 = vector.extract_strided_slice %get3A_23 {offsets = [0, 6912], sizes = [1, 128], strides = [1, 1]} : vector<1x8192xf32> to vector<1x128xf32>
    %add3A_4828 = vector.broadcast %slice3A_4827 : vector<1x128xf32> to vector<128x128xf32>
    %add3A_4829 = arith.addf %slice3A_4826, %add3A_4828 : vector<128x128xf32>
    %lt3A_4830 = arith.cmpf olt, %add3A_4829, %select_n3A_4825 : vector<128x128xf32>
    %jit3A_4831 = arith.constant 22 : i32
    %broadcast_in_dim3A_4832 = vector.broadcast %jit3A_4831 : i32 to vector<128x128xi32>
    %select_n3A_4833 = arith.select %lt3A_4830, %broadcast_in_dim3A_4832, %select_n3A_4824 : vector<128x128xi1>, vector<128x128xi32>
    %select_n3A_4834 = arith.select %lt3A_4830, %add3A_4829, %select_n3A_4825 : vector<128x128xi1>, vector<128x128xf32>
    %slice3A_4835 = vector.extract_strided_slice %dot_general3A_18 {offsets = [896, 2944], sizes = [128, 128], strides = [1, 1]} : vector<1024x4096xf32> to vector<128x128xf32>
    %slice3A_4836 = vector.extract_strided_slice %get3A_23 {offsets = [0, 7040], sizes = [1, 128], strides = [1, 1]} : vector<1x8192xf32> to vector<1x128xf32>
    %add3A_4837 = vector.broadcast %slice3A_4836 : vector<1x128xf32> to vector<128x128xf32>
    %add3A_4838 = arith.addf %slice3A_4835, %add3A_4837 : vector<128x128xf32>
    %lt3A_4839 = arith.cmpf olt, %add3A_4838, %select_n3A_4834 : vector<128x128xf32>
    %jit3A_4840 = arith.constant 23 : i32
    %broadcast_in_dim3A_4841 = vector.broadcast %jit3A_4840 : i32 to vector<128x128xi32>
    %select_n3A_4842 = arith.select %lt3A_4839, %broadcast_in_dim3A_4841, %select_n3A_4833 : vector<128x128xi1>, vector<128x128xi32>
    %select_n3A_4843 = arith.select %lt3A_4839, %add3A_4838, %select_n3A_4834 : vector<128x128xi1>, vector<128x128xf32>
    %slice3A_4844 = vector.extract_strided_slice %dot_general3A_18 {offsets = [896, 3072], sizes = [128, 128], strides = [1, 1]} : vector<1024x4096xf32> to vector<128x128xf32>
    %slice3A_4845 = vector.extract_strided_slice %get3A_23 {offsets = [0, 7168], sizes = [1, 128], strides = [1, 1]} : vector<1x8192xf32> to vector<1x128xf32>
    %add3A_4846 = vector.broadcast %slice3A_4845 : vector<1x128xf32> to vector<128x128xf32>
    %add3A_4847 = arith.addf %slice3A_4844, %add3A_4846 : vector<128x128xf32>
    %lt3A_4848 = arith.cmpf olt, %add3A_4847, %select_n3A_4843 : vector<128x128xf32>
    %jit3A_4849 = arith.constant 24 : i32
    %broadcast_in_dim3A_4850 = vector.broadcast %jit3A_4849 : i32 to vector<128x128xi32>
    %select_n3A_4851 = arith.select %lt3A_4848, %broadcast_in_dim3A_4850, %select_n3A_4842 : vector<128x128xi1>, vector<128x128xi32>
    %select_n3A_4852 = arith.select %lt3A_4848, %add3A_4847, %select_n3A_4843 : vector<128x128xi1>, vector<128x128xf32>
    %slice3A_4853 = vector.extract_strided_slice %dot_general3A_18 {offsets = [896, 3200], sizes = [128, 128], strides = [1, 1]} : vector<1024x4096xf32> to vector<128x128xf32>
    %slice3A_4854 = vector.extract_strided_slice %get3A_23 {offsets = [0, 7296], sizes = [1, 128], strides = [1, 1]} : vector<1x8192xf32> to vector<1x128xf32>
    %add3A_4855 = vector.broadcast %slice3A_4854 : vector<1x128xf32> to vector<128x128xf32>
    %add3A_4856 = arith.addf %slice3A_4853, %add3A_4855 : vector<128x128xf32>
    %lt3A_4857 = arith.cmpf olt, %add3A_4856, %select_n3A_4852 : vector<128x128xf32>
    %jit3A_4858 = arith.constant 25 : i32
    %broadcast_in_dim3A_4859 = vector.broadcast %jit3A_4858 : i32 to vector<128x128xi32>
    %select_n3A_4860 = arith.select %lt3A_4857, %broadcast_in_dim3A_4859, %select_n3A_4851 : vector<128x128xi1>, vector<128x128xi32>
    %select_n3A_4861 = arith.select %lt3A_4857, %add3A_4856, %select_n3A_4852 : vector<128x128xi1>, vector<128x128xf32>
    %slice3A_4862 = vector.extract_strided_slice %dot_general3A_18 {offsets = [896, 3328], sizes = [128, 128], strides = [1, 1]} : vector<1024x4096xf32> to vector<128x128xf32>
    %slice3A_4863 = vector.extract_strided_slice %get3A_23 {offsets = [0, 7424], sizes = [1, 128], strides = [1, 1]} : vector<1x8192xf32> to vector<1x128xf32>
    %add3A_4864 = vector.broadcast %slice3A_4863 : vector<1x128xf32> to vector<128x128xf32>
    %add3A_4865 = arith.addf %slice3A_4862, %add3A_4864 : vector<128x128xf32>
    %lt3A_4866 = arith.cmpf olt, %add3A_4865, %select_n3A_4861 : vector<128x128xf32>
    %jit3A_4867 = arith.constant 26 : i32
    %broadcast_in_dim3A_4868 = vector.broadcast %jit3A_4867 : i32 to vector<128x128xi32>
    %select_n3A_4869 = arith.select %lt3A_4866, %broadcast_in_dim3A_4868, %select_n3A_4860 : vector<128x128xi1>, vector<128x128xi32>
    %select_n3A_4870 = arith.select %lt3A_4866, %add3A_4865, %select_n3A_4861 : vector<128x128xi1>, vector<128x128xf32>
    %slice3A_4871 = vector.extract_strided_slice %dot_general3A_18 {offsets = [896, 3456], sizes = [128, 128], strides = [1, 1]} : vector<1024x4096xf32> to vector<128x128xf32>
    %slice3A_4872 = vector.extract_strided_slice %get3A_23 {offsets = [0, 7552], sizes = [1, 128], strides = [1, 1]} : vector<1x8192xf32> to vector<1x128xf32>
    %add3A_4873 = vector.broadcast %slice3A_4872 : vector<1x128xf32> to vector<128x128xf32>
    %add3A_4874 = arith.addf %slice3A_4871, %add3A_4873 : vector<128x128xf32>
    %lt3A_4875 = arith.cmpf olt, %add3A_4874, %select_n3A_4870 : vector<128x128xf32>
    %jit3A_4876 = arith.constant 27 : i32
    %broadcast_in_dim3A_4877 = vector.broadcast %jit3A_4876 : i32 to vector<128x128xi32>
    %select_n3A_4878 = arith.select %lt3A_4875, %broadcast_in_dim3A_4877, %select_n3A_4869 : vector<128x128xi1>, vector<128x128xi32>
    %select_n3A_4879 = arith.select %lt3A_4875, %add3A_4874, %select_n3A_4870 : vector<128x128xi1>, vector<128x128xf32>
    %slice3A_4880 = vector.extract_strided_slice %dot_general3A_18 {offsets = [896, 3584], sizes = [128, 128], strides = [1, 1]} : vector<1024x4096xf32> to vector<128x128xf32>
    %slice3A_4881 = vector.extract_strided_slice %get3A_23 {offsets = [0, 7680], sizes = [1, 128], strides = [1, 1]} : vector<1x8192xf32> to vector<1x128xf32>
    %add3A_4882 = vector.broadcast %slice3A_4881 : vector<1x128xf32> to vector<128x128xf32>
    %add3A_4883 = arith.addf %slice3A_4880, %add3A_4882 : vector<128x128xf32>
    %lt3A_4884 = arith.cmpf olt, %add3A_4883, %select_n3A_4879 : vector<128x128xf32>
    %jit3A_4885 = arith.constant 28 : i32
    %broadcast_in_dim3A_4886 = vector.broadcast %jit3A_4885 : i32 to vector<128x128xi32>
    %select_n3A_4887 = arith.select %lt3A_4884, %broadcast_in_dim3A_4886, %select_n3A_4878 : vector<128x128xi1>, vector<128x128xi32>
    %select_n3A_4888 = arith.select %lt3A_4884, %add3A_4883, %select_n3A_4879 : vector<128x128xi1>, vector<128x128xf32>
    %slice3A_4889 = vector.extract_strided_slice %dot_general3A_18 {offsets = [896, 3712], sizes = [128, 128], strides = [1, 1]} : vector<1024x4096xf32> to vector<128x128xf32>
    %slice3A_4890 = vector.extract_strided_slice %get3A_23 {offsets = [0, 7808], sizes = [1, 128], strides = [1, 1]} : vector<1x8192xf32> to vector<1x128xf32>
    %add3A_4891 = vector.broadcast %slice3A_4890 : vector<1x128xf32> to vector<128x128xf32>
    %add3A_4892 = arith.addf %slice3A_4889, %add3A_4891 : vector<128x128xf32>
    %lt3A_4893 = arith.cmpf olt, %add3A_4892, %select_n3A_4888 : vector<128x128xf32>
    %jit3A_4894 = arith.constant 29 : i32
    %broadcast_in_dim3A_4895 = vector.broadcast %jit3A_4894 : i32 to vector<128x128xi32>
    %select_n3A_4896 = arith.select %lt3A_4893, %broadcast_in_dim3A_4895, %select_n3A_4887 : vector<128x128xi1>, vector<128x128xi32>
    %select_n3A_4897 = arith.select %lt3A_4893, %add3A_4892, %select_n3A_4888 : vector<128x128xi1>, vector<128x128xf32>
    %slice3A_4898 = vector.extract_strided_slice %dot_general3A_18 {offsets = [896, 3840], sizes = [128, 128], strides = [1, 1]} : vector<1024x4096xf32> to vector<128x128xf32>
    %slice3A_4899 = vector.extract_strided_slice %get3A_23 {offsets = [0, 7936], sizes = [1, 128], strides = [1, 1]} : vector<1x8192xf32> to vector<1x128xf32>
    %add3A_4900 = vector.broadcast %slice3A_4899 : vector<1x128xf32> to vector<128x128xf32>
    %add3A_4901 = arith.addf %slice3A_4898, %add3A_4900 : vector<128x128xf32>
    %lt3A_4902 = arith.cmpf olt, %add3A_4901, %select_n3A_4897 : vector<128x128xf32>
    %jit3A_4903 = arith.constant 30 : i32
    %broadcast_in_dim3A_4904 = vector.broadcast %jit3A_4903 : i32 to vector<128x128xi32>
    %select_n3A_4905 = arith.select %lt3A_4902, %broadcast_in_dim3A_4904, %select_n3A_4896 : vector<128x128xi1>, vector<128x128xi32>
    %select_n3A_4906 = arith.select %lt3A_4902, %add3A_4901, %select_n3A_4897 : vector<128x128xi1>, vector<128x128xf32>
    %slice3A_4907 = vector.extract_strided_slice %dot_general3A_18 {offsets = [896, 3968], sizes = [128, 128], strides = [1, 1]} : vector<1024x4096xf32> to vector<128x128xf32>
    %slice3A_4908 = vector.extract_strided_slice %get3A_23 {offsets = [0, 8064], sizes = [1, 128], strides = [1, 1]} : vector<1x8192xf32> to vector<1x128xf32>
    %add3A_4909 = vector.broadcast %slice3A_4908 : vector<1x128xf32> to vector<128x128xf32>
    %add3A_4910 = arith.addf %slice3A_4907, %add3A_4909 : vector<128x128xf32>
    %lt3A_4911 = arith.cmpf olt, %add3A_4910, %select_n3A_4906 : vector<128x128xf32>
    %jit3A_4912 = arith.constant 31 : i32
    %broadcast_in_dim3A_4913 = vector.broadcast %jit3A_4912 : i32 to vector<128x128xi32>
    %select_n3A_4914 = arith.select %lt3A_4911, %broadcast_in_dim3A_4913, %select_n3A_4905 : vector<128x128xi1>, vector<128x128xi32>
    %select_n3A_4915 = arith.select %lt3A_4911, %add3A_4910, %select_n3A_4906 : vector<128x128xi1>, vector<128x128xf32>
    %reduce_min3A_4916 = arith.constant dense<0x7F800000> : vector<128xf32>
    %reduce_min3A_4917 = vector.multi_reduction <minimumf>, %select_n3A_4915, %reduce_min3A_4916 [1] : vector<128x128xf32> to vector<128xf32>
    %broadcast_in_dim3A_4918 = vector.shape_cast %reduce_min3A_4917 : vector<128xf32> to vector<128x1xf32>
    %mul3A_4919 = arith.constant 128 : i32
    %mul3A_4920 = vector.broadcast %mul3A_4919 : i32 to vector<128x128xi32>
    %mul3A_4921 = arith.muli %select_n3A_4914, %mul3A_4920 : vector<128x128xi32>
    %add3A_4922 = arith.addi %mul3A_4921, %iota3A : vector<128x128xi32>
    %eq3A_4923 = vector.broadcast %broadcast_in_dim3A_4918 : vector<128x1xf32> to vector<128x128xf32>
    %eq3A_4924 = arith.cmpf oeq, %select_n3A_4915, %eq3A_4923 : vector<128x128xf32>
    %jit3A_4925 = arith.constant 8192 : i32
    %broadcast_in_dim3A_4926 = vector.broadcast %jit3A_4925 : i32 to vector<128x128xi32>
    %select_n3A_4927 = arith.select %eq3A_4924, %add3A_4922, %broadcast_in_dim3A_4926 : vector<128x128xi1>, vector<128x128xi32>
    %reduce_min3A_4928 = arith.constant dense<2147483647> : vector<128xi32>
    %reduce_min3A_4929 = vector.multi_reduction <minsi>, %select_n3A_4927, %reduce_min3A_4928 [1] : vector<128x128xi32> to vector<128xi32>
    %squeeze3A_4930 = vector.shape_cast %broadcast_in_dim3A_4918 : vector<128x1xf32> to vector<128xf32>
    %slice3A_4931 = vector.extract_strided_slice %squeeze3A {offsets = [896], sizes = [128], strides = [1]} : vector<1024xf32> to vector<128xf32>
    %add3A_4932 = arith.addf %squeeze3A_4630, %slice3A_4931 : vector<128xf32>
    %convert_element_type3A_4933 = arith.truncf %add3A_4932 : vector<128xf32> to vector<128xbf16>
    %convert_element_type3A_4934 = arith.extf %convert_element_type3A_4933 : vector<128xbf16> to vector<128xf32>
    %add3A_4935 = arith.addf %squeeze3A_4930, %slice3A_4931 : vector<128xf32>
    %lt3A_4936 = arith.cmpf olt, %add3A_4935, %convert_element_type3A_4934 : vector<128xf32>
    %add3A_4937 = arith.constant 4096 : i32
    %add3A_4938 = vector.broadcast %add3A_4937 : i32 to vector<128xi32>
    %add3A_4939 = arith.addi %reduce_min3A_4929, %add3A_4938 : vector<128xi32>
    %select_n3A_4940 = arith.select %lt3A_4936, %add3A_4939, %reduce_min3A_4629 : vector<128xi1>, vector<128xi32>
    %swap3A_4941 = arith.constant 0 : index
    %swap3A_4942 = arith.constant 0 : index
    %swap3A_4943 = arith.constant 896 : index
    %swap3A_4944 = vector.load %arg4[%swap3A_4941, %swap3A_4942, %swap3A_4943] : memref<1x1x1024xi32, #tpu.memory_space<vmem>>, vector<1x1x128xi32>
    %swap3A_4945 = vector.shape_cast %swap3A_4944 : vector<1x1x128xi32> to vector<128xi32>
    %swap3A_4946 = vector.shape_cast %select_n3A_4940 : vector<128xi32> to vector<1x1x128xi32>
    tpu.vector_store %arg4[%swap3A_4941, %swap3A_4942, %swap3A_4943], %swap3A_4946 {strides = array<i32>} : memref<1x1x1024xi32, #tpu.memory_space<vmem>>, vector<1x1x128xi32>,
    return
  }
  func.func @transform_0(%arg0: i32) -> (i32, i32) {
    %c0_i32 = arith.constant 0 : i32
    %c0_i32_0 = arith.constant 0 : i32
    return %arg0, %c0_i32 : i32, i32
  }
  func.func @transform_1(%arg0: i32) -> (i32, i32) {
    %c0_i32 = arith.constant 0 : i32
    %c0_i32_0 = arith.constant 0 : i32
    %c0_i32_1 = arith.constant 0 : i32
    return %c0_i32, %c0_i32_0 : i32, i32
  }
  func.func @transform_2(%arg0: i32) -> (i32, i32) {
    %c0_i32 = arith.constant 0 : i32
    %c0_i32_0 = arith.constant 0 : i32
    %c0_i32_1 = arith.constant 0 : i32
    return %c0_i32, %c0_i32_0 : i32, i32
  }
  func.func @transform_3(%arg0: i32) -> (i32, i32, i32) {
    %c0_i32 = arith.constant 0 : i32
    %c0_i32_0 = arith.constant 0 : i32
    %c0_i32_1 = arith.constant 0 : i32
    return %arg0, %c0_i32, %c0_i32_0 : i32, i32, i32
  }
  func.func @transform_4(%arg0: i32) -> (i32, i32) {
    %c0_i32 = arith.constant 0 : i32
    %c0_i32_0 = arith.constant 0 : i32
    %c0_i32_1 = arith.constant 0 : i32
    return %c0_i32, %c0_i32_0 : i32, i32
  }
}

</mosaic_0001>

<sc_bundles>
// kernel: kernel.4.cloned.1.call-start
scs
__scs_entry_jumppad:
0x0: {  	(pc) =	sbr.rel $0x88, $3  }
0x1: {  	(tag) =	ssettag $0x0;
	lr =	simm.s32 $0x1  }
0x2: {  	[smem:$0x3F9E] =	sst lr;
	_ =	strace $0xD0000000  }
0x3: {  	_ = 	snop  }
0x4: {  	_ = 	snop  }
0x5: {  	_ = 	snop  }
0x6: {  	_ = 	snop  }
0x7: {  	_ = 	snop  }
__scs_overlays_trampoline_lowered:
0x8: {  	[smem:$0x3FAD] =	sst s0  }
0x9: {  	[smem:$0x3FAE] =	sst s1  }
0xa: {  	[smem:$0x3FAF] =	sst s2  }
0xb: {  	[smem:$0x3FB0] =	sst s3  }
0xc: {  	[smem:$0x3FB1] =	sst s4  }
0xd: {  	[smem:$0x3FB2] =	sst s5  }
0xe: {  	[smem:$0x3FB3] =	sst s6  }
0xf: {  	[smem:$0x3FB4] =	sst s7  }
0x10: {  	[smem:$0x3FB5] =	sst s8  }
0x11: {  	[smem:$0x3FB6] =	sst s9;
	s0 =	simm.s32 @!p0 $0x0  }
0x12: {  	s1 =	sld [smem:$0x3F9C];
	s0 =	simm.s32 @p0 $0x1  }
0x13: {  	[smem:$0x3FB7] =	sst s0;
	s0 =	simm.s32 @!p1 $0x0  }
0x14: {  	s2 =	sld [smem:$0x3F9B];
	s0 =	simm.s32 @p1 $0x1  }
0x15: {  	[smem:$0x3FB8] =	sst s0;
	s0 =	simm.s32 @!p2 $0x0  }
0x16: {  	s3 =	sld [smem:$0x3FDB];
	s0 =	simm.s32 @p2 $0x1  }
0x17: {  	s4 =	simm.s32 $0x1BF5;
	[smem:$0x3FBA] =	sst s0  }
0x18: {  	s0 =	sld [smem:$0x3F9D];
	_ =	swait.ge [sflag:s4], $0x0  }
0x19: {  	s7 =	sld [smem:$0x3F9E]  }
0x1a: {  	s8 =	sadd.s32 $0xFFFFE003, lr  }
0x1b: {  	s9 =	sadd.s32 $0xFFFFFEF7, lr;
	s5 =	simm.s32 $0xFFFFFFFF;
	p2 =	slt.u32 s8, $0xFFFFF086  }
0x1c: {  	p1 =	slt.u32 s9, $0xF7A;
	s5 =	simm.s32 @!p2 $0x0  }
0x1d: {  	s5 =	simm.s32 @p1 $0x1;
	p0 =	seq.s32 s7, s2  }
0x1e: {  	s7 =	smul.u32 @!p0 $0xF7A, s2;
	p2 =	seq.s32 @!p0 s5, $0x0  }
0x1f: {  	s9 =	smul.u32 $0xF7A, s1;
	s8 =	simm.s32 @!p0 $0x1BF5;
	p2 =	por !p2, p0  }
0x20: {  	[sflag:s8] =	ssyncset.s32 @!p0 $0xFFFFF086;
	s6 =	sadd.s32 @!p0 s3, s7;
	s7 =	simm.s32 @!p0 $0x108  }
0x21: {  	s3 =	sadd.s32 s3, s9;
	s6 =	sadd.s32 @!p0 $0x88, s6;
	s7 =	simm.s32 @p2 $0x1082  }
0x22: {  	[simem:s7], [sflag:s8] =	dma.local @!p0 [hbm:s6], $0xF7A  }
0x23: {  	s9 =	sor.u32 $0xD0000000, s2;
	s6 =	simm.s32 $0x108;
	_ =	swait.ge @!p0 [sflag:s8], $0x0  }
0x24: {  	s3 =	sadd.s32 $0x88, s3;
	s6 =	simm.s32 @!p1 $0x1082;
	[sflag:s4] =	ssyncset.s32 $0xFFFFF086  }
0x25: {  	[simem:s6], [sflag:s4] =	dma.local [hbm:s3], $0xF7A  }
0x26: {  	[smem:$0x3F9E] =	sst s1;
	(tag) =	ssettag s2;
	_ =	strace s9  }
0x27: {  	s1 =	sld [smem:$0x3FAE]  }
0x28: {  	s2 =	sld [smem:$0x3FAF]  }
0x29: {  	s4 =	sld [smem:$0x3FB1]  }
0x2a: {  	p0 =	seq.s32 s5, $0x0;
	s5 =	sld [smem:$0x3FB2]  }
0x2b: {  	s6 =	sld [smem:$0x3FB3]  }
0x2c: {  	s7 =	sld [smem:$0x3FB4]  }
0x2d: {  	s3 =	simm.s32 $0x108;
	s8 =	sld [smem:$0x3FB5]  }
0x2e: {  	s3 =	simm.s32 @!p0 $0x1082;
	s9 =	sld [smem:$0x3FB6]  }
0x2f: {  	lr =	sadd.s32 s0, s3;
	s0 =	sld [smem:$0x3FAD]  }
0x30: {  	s3 =	sld [smem:$0x3FB0]  }
0x31: {  	[smem:$0x3FB9] =	sst s10  }
0x32: {  	s10 =	sld [smem:$0x3FB7];
	_ =	sdelay $0x3  }
0x33: {  	p0 =	seq.s32 s10, $0x1;
	s10 =	sld [smem:$0x3FB9];
	_ =	sdelay $0x3  }
0x34: {  	[smem:$0x3FB9] =	sst s10  }
0x35: {  	s10 =	sld [smem:$0x3FB8];
	_ =	sdelay $0x3  }
0x36: {  	p1 =	seq.s32 s10, $0x1;
	s10 =	sld [smem:$0x3FB9];
	_ =	sdelay $0x3  }
0x37: {  	[smem:$0x3FB9] =	sst s10  }
0x38: {  	s10 =	sld [smem:$0x3FBA]  }
0x39: {  	_ = 	snop;
	(pc) =	sbr.ind lr, $3  }
0x3a: {  	_ = 	snop  }
0x3b: {  	_ = 	snop  }
0x3c: {  	p2 =	seq.s32 s10, $0x1;
	s10 =	sld [smem:$0x3FB9]  }
0x3d: {  	_ =	shalt  }
0x3e: {  	_ =	shalt  }
0x3f: {  	_ =	shalt  }
0x40: {  	_ =	shalt  }
0x41: {  	_ =	shalt  }
0x42: {  	_ =	shalt  }
0x43: {  	_ =	shalt  }
0x44: {  	_ =	shalt  }
0x45: {  	_ =	shalt  }
0x46: {  	_ =	shalt  }
0x47: {  	_ =	shalt  }
0x48: {  	_ =	shalt  }
0x49: {  	_ =	shalt  }
0x4a: {  	_ =	shalt  }
0x4b: {  	_ =	shalt  }
0x4c: {  	_ =	shalt  }
0x4d: {  	_ =	shalt  }
0x4e: {  	_ =	shalt  }
0x4f: {  	_ =	shalt  }
0x50: {  	_ =	shalt  }
0x51: {  	_ =	shalt  }
0x52: {  	_ =	shalt  }
0x53: {  	_ =	shalt  }
0x54: {  	_ =	shalt  }
0x55: {  	_ =	shalt  }
0x56: {  	_ =	shalt  }
0x57: {  	_ =	shalt  }
0x58: {  	_ =	shalt  }
0x59: {  	_ =	shalt  }
0x5a: {  	_ =	shalt  }
0x5b: {  	_ =	shalt  }
0x5c: {  	_ =	shalt  }
0x5d: {  	_ =	shalt  }
0x5e: {  	_ =	shalt  }
0x5f: {  	_ =	shalt  }
0x60: {  	_ =	shalt  }
0x61: {  	_ =	shalt  }
0x62: {  	_ =	shalt  }
0x63: {  	_ =	shalt  }
0x64: {  	_ =	shalt  }
0x65: {  	_ =	shalt  }
0x66: {  	_ =	shalt  }
0x67: {  	_ =	shalt  }
0x68: {  	_ =	shalt  }
0x69: {  	_ =	shalt  }
0x6a: {  	_ =	shalt  }
0x6b: {  	_ =	shalt  }
0x6c: {  	_ =	shalt  }
0x6d: {  	_ =	shalt  }
0x6e: {  	_ =	shalt  }
0x6f: {  	_ =	shalt  }
0x70: {  	_ =	shalt  }
0x71: {  	_ =	shalt  }
0x72: {  	_ =	shalt  }
0x73: {  	_ =	shalt  }
0x74: {  	_ =	shalt  }
0x75: {  	_ =	shalt  }
0x76: {  	_ =	shalt  }
0x77: {  	_ =	shalt  }
0x78: {  	_ =	shalt  }
0x79: {  	_ =	shalt  }
0x7a: {  	_ =	shalt  }
0x7b: {  	_ =	shalt  }
0x7c: {  	_ =	shalt  }
0x7d: {  	_ =	shalt  }
0x7e: {  	_ =	shalt  }
0x7f: {  	_ =	shalt  }
0x80: {  	_ =	shalt  }
0x81: {  	_ =	shalt  }
0x82: {  	_ =	shalt  }
0x83: {  	_ =	shalt  }
0x84: {  	_ =	shalt  }
0x85: {  	_ =	shalt  }
0x86: {  	_ =	shalt  }
0x87: {  	_ =	shalt  }
.Lfunc_end0:
.L_simem_size_0:
called_computation_lowered:
.L_overlay_start_0:
0x88: {  	s2 =	sld [smem:$0x3FD9]  }
0x89: {  	s3 =	sld [smem:$0x3FFE];
	_ =	sdelay $0x1  }
0x8a: {  	s1 =	srdreg.scid  }
0x8b: {  	s0 =	sand.u32 $0x1, s1  }
0x8c: {  	s14 =	sshll.u32 s0, $0xA;
	s2 =	sadd.s32 s3, s2  }
0x8d: {  	s2 =	sadd.s32 s2, s14  }
0x8e: {  	[smem:$0x3FC5] =	sst s2  }
0x8f: {  	_ = 	snop  }
0x90: {  	s2 =	sld [smem:$0x3FD0];
	_ =	sdelay $0x2  }
0x91: {  	s15 =	simm.s32 $0xA;
	s4 =	simm.s32 $0x10  }
0x92: {  	[smem:s4], [sflag:s15] =	dma.local [hbm:s2], $0x1  }
0x93: {  	_ =	swait.eq [sflag:s15], $0x1  }
0x94: {  	[sflag:s15] =	ssyncset.done $0x0  }
0x95: {  	[sflag:s15] =	ssyncadd.s32 $0xFFFFFFFF  }
0x96: {  	s16 =	sld [smem:$0x10];
	(tm) =	ssettm $0x1  }
0x97: {  	s17 =	sld [smem:$0x3FFB];
	_ =	sdelay $0x3  }
0x98: {  	_ =	strace s17  }
0x99: {  	s3 =	sld [smem:$0x3FFC];
	_ =	sdelay $0x3  }
0x9a: {  	_ =	strace s3  }
0x9b: {  	s3 =	sld [smem:$0x3FFD];
	_ =	sdelay $0x3  }
0x9c: {  	_ =	strace s3  }
0x9d: {  	_ =	strace $0x8FFFFFFF  }
0x9e: {  	s18 =	sld [smem:$0x3FDB];
	_ =	sdelay $0x1  }
0x9f: {  	s19 =	simm.s32 $_scs_section_size  }
0xa0: {  	s5 =	simm.s32 $_size__tile_overlayer_lowered;
	s6 =	simm.s32 $_tile_overlayer_lowered  }
0xa1: {  	s22 =	simm.s32 $0x1BFF;
	s21 =	sshll.u32 s6, $0x1;
	s3 =	sadd.s32 s19, s18  }
0xa2: {  	s7 =	simm.s32 $0x0;
	s20 =	sshll.u32 s5, $0x1;
	s5 =	sadd.s32 s21, s3  }
0xa3: {  	[timem:s7], [sflag:s22] =	dma.local [hbm:s5], s20  }
0xa4: {  	_ =	swait.ge [sflag:s22], s20  }
0xa5: {  	s4 =	ssub.s32 $0x0, s20;
	[sflag:s22] =	ssyncset.done $0x0  }
0xa6: {  	[sflag:s22] =	ssyncadd.s32 s4;
	_ =	sdelay $0x1  }
0xa7: {  	s23 =	simm.s32 $0x1B8B  }
0xa8: {  	_ =	swait.ge [sflag:s23], $0x1  }
0xa9: {  	[sflag:s23] =	ssyncset.done $0x0  }
0xaa: {  	s25 =	simm.s32 $0x1B8E;
	s24 =	sld [smem:$0x3FFE];
	[sflag:s23] =	ssyncadd.s32 $0xFFFFFFFF  }
0xab: {  	s26 =	simm.s32 $execute0_lowered;
	[smem:$0x3FD2] =	sst s25  }
0xac: {  	s5 =	sshll.u32 s26, $0x1;
	_ =	strace $0x80000046;
	[dreg:$0x1] =	wrdreg $0xFFFFFFFF  }
0xad: {  	s28 =	simm.s32 $_size_execute0_lowered;
	s3 =	sadd.s32 s3, s5;
	[dreg:$0x0] =	wrdreg $0x0  }
0xae: {  	s5 =	sshll.u32 s28, $0x1;
	[dreg:$0x2] =	wrdreg s3  }
0xaf: {  	[dreg:$0x3] =	wrdreg s5  }
0xb0: {  	[dreg:$0x4] =	wrdreg $0xC0  }
0xb1: {  	_ =	task [dreg:s7], $0x5FFFF  }
0xb2: {  	[dreg:$0x1] =	wrdreg $0xFFFFFFFF  }
0xb3: {  	[dreg:$0x0] =	wrdreg $0x60  }
0xb4: {  	[dreg:$0x2] =	wrdreg s24  }
0xb5: {  	[dreg:$0x3] =	wrdreg s16  }
0xb6: {  	[dreg:$0x4] =	wrdreg $0x9  }
0xb7: {  	_ =	task.clear_ibuf [dreg:s7], $0x5FFFF;
	_ =	strace $0x90000046  }
0xb8: {  	s29 =	simm.s32 $0x9;
	_ =	strace $0x80000048  }
0xb9: {  	_ =	swait.ge [sflag:s29], $0x1  }
0xba: {  	[sflag:s29] =	ssyncadd.s32 $0xFFFFFFFF  }
0xbb: {  	_ =	strace $0x90000048  }
0xbc: {  	_ =	sfence  }
0xbd: {  	s30 =	sld [smem:$0x0];
	_ =	sdelay $0x2  }
0xbe: {  	s31 =	sshll.u32 s1, $0xD;
	s1 =	sshrl.u32 s1, $0x2  }
0xbf: {  	s3 =	sand.u32 $0x4000, s31;
	s1 =	sadd.s32 s1, s30  }
0xc0: {  	s0 =	sor.u32 s3, s0;
	s1 =	sshll.u32 s1, $0x11  }
0xc1: {  	s0 =	sor.u32 s1, s0  }
0xc2: {  	s0 =	sadd.s32 $0x8F2B, s0  }
0xc3: {  	[sflag:s0] =	ssyncadd.remote.s32 $0x1  }
0xc4: {  	_ =	sfence.sel $0xFFFF  }
0xc5: {  	[dreg:$0x0] =	wrdreg $0xFFFFFFFF;
	(pc) =	sbr.abs _section_cstart, $3  }
0xc6: {  	[dreg:$0x1] =	wrdreg $0xFFFFFFFF  }
0xc7: {  	_ =	task.clear_ibuf [dreg:s7], $0x2FFFF;
	_ =	strace $0x9FFFFFFF  }
0xc8: {  	(tm) =	ssettm $0x7FFFFFFF  }
0xc9: {  	_ =	shalt  }
tec
execute0_lowered:
.L_overlay_start_1:
0x0: {  	(tag) =	ssettag $0x1  }
0x1: {  	s1 =	srdreg.scid  }
0x2: {  	s0 =	stileid.u32;
	s6 =	sand.u32 $0x1, s1  }
0x3: {  	s5 =	rddreg [dreg:$0x0];
	s30 =	sshll.u32 s0, $0xB;
	s2 =	sshll.u32 s6, $0xA  }
0x4: {  	s8 =	rddreg [dreg:$0x1];
	s9 =	sor.u32 s2, s30  }
0x5: {  	s1 =	rddreg [dreg:$0x2];
	s2 =	simm.s32 $0x0;
	s3 =	sshrl.u32 s9, $0x3  }
0x6: {  	s10 =	ssub.s32 $0x2, s6;
	[smem:$0x7FF] =	sst s2;
	s3 =	sadd.s32 s3, s5  }
0x7: {  	_ =	strace $0x80000047;
	s4 =	sadd.s32 $0x8E00, s3;
	s3 =	simm.s32 $0x2  }
0x8: {  	[tilespmem:s2], [sflag:$0x2] =	stream.linear.gather [hbm4b:s4+s2], $0x400, $0x38;
	[tilespmem:$0x8400] =	vst v63  }
0x9: {  	s7 =	simm.s32 $0x1;
	s11 =	sshrl.u32 s10, $0x1;
	_ =	swait.ge [sflag:s3], $0x400  }
0xa: {  	s6 =	simm.s32 $0x400;
	s10 =	ssub.s32 s10, s11;
	[sflag:s3] =	ssyncset.done $0x0  }
0xb: {  	s5 =	sadd.s32 $0xE00, s5;
	s31 =	smax.u32 s10, $0x1;
	[sflag:s3] =	ssyncadd.s32 $0xFFFFFC00  }
0xc: {  	[tilespmem:s6], [sflag:$0x1] =	stream.indirect.gather [hbm4b:s5+s6], $0x20, s2, s6, $0xb8;
	[tilespmem:$0x8400] =	vst v63  }
0xd: {  	p0 =	sne.s32 s31, $0x1;
	_ =	swait.ge [sflag:s7], $0x8000  }
.Ltmp0:
0xe: {  	s9 =	sshll.u32 s9, $0x2;
	[sflag:s7] =	ssyncset.done $0x0;
	(pc) =	sbr.rel @!p0 .LBB2_2-.Ltmp0, $4  }
0xf: {  	s8 =	sadd.s32 s8, s9;
	[sflag:s7] =	ssyncadd.s32 $0xFFFF8000  }
0x10: {  	[hbm4b:s8+s2] =	stream.linear.scatter [tilespmem:s6], [sflag:$0x2], $0x8000, $0x38;
	[tilespmem:$0x8400] =	vst v63  }
0x11: {  	_ =	swait.ge [sflag:s3], $0x8000  }
0x12: {  	s9 =	sadd.s32 $0xFFFFFFFF, s31;
	[sflag:s3] =	ssyncset.done $0x0  }
.LBB2_1:
0x13: {  	p0 =	sne.s32 s9, $0x1;
	s9 =	sadd.s32 $0xFFFFFFFF, s9;
	[sflag:s3] =	ssyncadd.s32 $0xFFFF8000  }
0x14: {  	[tilespmem:s2], [sflag:$0x2] =	stream.linear.gather [hbm4b:s4+s2], $0x400, $0x38;
	[tilespmem:$0x8400] =	vst v63  }
0x15: {  	_ =	swait.ge [sflag:s3], $0x400  }
0x16: {  	[sflag:s3] =	ssyncset.done $0x0  }
0x17: {  	[sflag:s3] =	ssyncadd.s32 $0xFFFFFC00  }
0x18: {  	[tilespmem:s6], [sflag:$0x1] =	stream.indirect.gather [hbm4b:s5+s6], $0x20, s2, s6, $0xb8;
	[tilespmem:$0x8400] =	vst v63  }
0x19: {  	_ =	swait.ge [sflag:s7], $0x8000  }
.Ltmp1:
0x1a: {  	[sflag:s7] =	ssyncset.done $0x0;
	(pc) =	sbr.rel @p0 .LBB2_1-.Ltmp1, $4  }
0x1b: {  	[sflag:s7] =	ssyncadd.s32 $0xFFFF8000  }
0x1c: {  	[hbm4b:s8+s2] =	stream.linear.scatter [tilespmem:s6], [sflag:$0x2], $0x8000, $0x38;
	[tilespmem:$0x8400] =	vst v63  }
0x1d: {  	_ =	swait.ge [sflag:s3], $0x8000  }
0x1e: {  	[sflag:s3] =	ssyncset.done $0x0  }
.LBB2_2:
0x1f: {  	[sflag:s3] =	ssyncadd.s32 $0xFFFF8000  }
0x20: {  	_ =	sfence.sel $0x180000  }
0x21: {  	[bflag:$0x0] =	sbarrier.arrive $0xFFFF  }
0x22: {  	p0 =	sne.s32 s0, $0x0;
	_ =	strace $0x90000047  }
0x23: {  	s0 =	sadd.s32 @!p0 $0x100000, s1;
	[bflag:$0x2] =	sbarrier.arrive $0xFFFF  }
0x24: {  	[sflag:s0] =	ssyncadd.tile.s32 @!p0 $0x1;
	_ =	shalt  }
.Lfunc_end2:
_tile_overlayer_lowered:
.L_overlay_start_2:
0x25: {  	(tag) =	ssettag $0x2  }
0x26: {  	s0 =	rddreg [dreg:$0x0];
	s2 =	stileid.u32  }
0x27: {  	s1 =	rddreg [dreg:$0x1];
	p0 =	sne.s32 s2, $0x0  }
0x28: {  	s3 =	rddreg [dreg:$0x2];
	[bflag:$0x3] =	sbarrier.arrive $0xFFFF;
	s2 =	simm.s32 @!p0 $0x1C02  }
0x29: {  	[timem:s3], [sflag:s2] =	dma.local @!p0 [hbm:s0], s1  }
0x2a: {  	s0 =	simm.s32 @!p0 $0x2  }
0x2b: {  	_ =	swait.ge @!p0 [sflag:s0], s1  }
0x2c: {  	s1 =	ssub.s32 @!p0 $0x0, s1;
	[sflag:s0] =	ssyncset.done @!p0 $0x0  }
0x2d: {  	[sflag:s0] =	ssyncadd.s32 @!p0 s1  }
0x2e: {  	[bflag:$0x3] =	sbarrier.arrive $0xFFFF  }
0x2f: {  	_ =	shalt  }

</sc_bundles>
